<compile_context>
chip_gen: v7x
topology: tpu7x:2x2x1
jax: 0.10.2.dev20260603
libtpu: 0.0.44.dev20260713+nightly
codegen_flags: <defaults>
</compile_context>

<pallas_src>
import functools

import jax
import jax.numpy as jnp
from jax import lax
from jax.experimental import pallas as pl
from jax.experimental.pallas import tpu as pltpu
from jax.experimental.pallas import tpu_sc as plsc

B = 128
D_IN = 4096
N_CORES = 128
AXONS = 64
NEURONS = 64
SIM_LEN = 8
MAX_LAT = 3
CYCLES = MAX_LAT + SIM_LEN
N_OUT = 1024
NBUF = N_CORES * NEURONS
AX_TOT = N_CORES * AXONS
BANK_ROWS = D_IN + 8
NWORD = NBUF // 8
CB = 64
GSTEPS = N_CORES // CB

_MESH = plsc.VectorSubcoreMesh(core_axis_name="c", subcore_axis_name="s",
                               num_cores=2, num_subcores=16)


@functools.partial(
    pl.kernel,
    out_type=jax.ShapeDtypeStruct((CYCLES, AX_TOT, B), jnp.float32),
    mesh=_MESH,
    scratch_types=[
        pltpu.VMEM((128,), jnp.int32),
        pltpu.VMEM((128,), jnp.int32),
        pltpu.VMEM((256, B), jnp.float32),
        pltpu.VMEM_SHARED((BANK_ROWS, B), jnp.float32),
    ],
    compiler_params=pltpu.CompilerParams(use_tc_tiling_on_sc=False),
)
def _sc_static(spk_hbm, const_hbm, idx_hbm, out_hbm,
               idx_v0, idx_v1, rows_v, bank):
    tid = lax.axis_index("s")
    wid = tid * 2 + lax.axis_index("c")
    base = wid * (AX_TOT // 32)
    pltpu.sync_copy(idx_hbm.at[pl.ds(base, 128)], idx_v0)
    pltpu.sync_copy(idx_hbm.at[pl.ds(base + 128, 128)], idx_v1)

    def cycle_body(t, carry):
        pltpu.sync_copy(spk_hbm.at[t, pl.ds(tid * 256, 256)],
                        bank.at[pl.ds(tid * 256, 256)])
        @pl.when(tid == 0)
        def _():
            pltpu.sync_copy(const_hbm, bank.at[pl.ds(D_IN, 8)])
        plsc.subcore_barrier()
        pltpu.sync_copy(bank.at[idx_v0], rows_v.at[pl.ds(0, 128)])
        pltpu.sync_copy(bank.at[idx_v1], rows_v.at[pl.ds(128, 128)])
        pltpu.sync_copy(rows_v, out_hbm.at[t, pl.ds(base, 256)])
        plsc.subcore_barrier()
        return carry

    lax.fori_loop(0, CYCLES, cycle_body, 0)


def _tc_body(ins_ref, w_ref, qb_ref, inv2r_ref, qout_ref, oinv_ref,
             pmat_ref, scal_ref, out_ref, bits_ref, memb_ref):
    t = pl.program_id(0)
    g = pl.program_id(1)

    @pl.when(jnp.logical_and(t == 0, g == 0))
    def _():
        out_ref[...] = jnp.zeros((N_OUT, B), jnp.float32)

    pr = (t % 2) * NWORD
    pn = ((t + 1) % 2) * NWORD
    bits_eff = jnp.where(t == 0, 0.0, bits_ref[pl.ds(pr, NWORD), :])
    qb = qb_ref[g]
    words = jax.lax.dot_general(
        qb, bits_eff.astype(jnp.bfloat16), (((1,), (0,)), ((), ())),
        preferred_element_type=jnp.float32)
    v = words * inv2r_ref[0]
    fv = jnp.floor(v)
    buf_bit = fv - 2.0 * jnp.floor(fv * 0.5)
    in3 = ins_ref[0].reshape(CB * AXONS, B) + buf_bit

    pm = pmat_ref[...]
    for ci in range(CB):
        a = scal_ref[0, ci, 0, 0]
        thr = scal_ref[0, ci, 0, 1]
        act = a > 0.5
        x = in3[ci * AXONS:(ci + 1) * AXONS, :]
        delta = jnp.dot(w_ref[0, ci], x, preferred_element_type=jnp.float32)
        mrow = pl.ds(ci * NEURONS + g * CB * NEURONS, NEURONS)
        mold = jnp.where(t == 0, 0.0, memb_ref[mrow, :])
        mn = mold + a * delta
        fb = mn > thr
        fired = jnp.where(fb, 1.0, 0.0)
        memb_ref[mrow, :] = jnp.where(jnp.logical_and(act, fb), 0.0, mn)
        packed = jnp.dot(pm, fired, preferred_element_type=jnp.float32)
        wrow = (g * CB + ci) * 8
        old_w = jnp.where(t == 0, 0.0, bits_ref[pl.ds(pr + wrow, 8), :])
        bits_ref[pl.ds(pn + wrow, 8), :] = jnp.where(act, packed, old_w)

    @pl.when(g == GSTEPS - 1)
    def _():
        ow = jax.lax.dot_general(
            qout_ref[...], bits_ref[pl.ds(pn, NWORD), :].astype(jnp.bfloat16),
            (((1,), (0,)), ((), ())),
            preferred_element_type=jnp.float32)
        ov = ow * oinv_ref[...]
        ofv = jnp.floor(ov)
        out_ref[...] = out_ref[...] + (ofv - 2.0 * jnp.floor(ofv * 0.5))


_tc_sim = pl.pallas_call(
    _tc_body,
    grid=(CYCLES, GSTEPS),
    in_specs=[
        pl.BlockSpec((1, CB, AXONS, B), lambda t, g: (t, g, 0, 0)),
        pl.BlockSpec((1, CB, NEURONS, AXONS), lambda t, g: (g, 0, 0, 0)),
        pl.BlockSpec((GSTEPS, CB * AXONS, NWORD), lambda t, g: (0, 0, 0)),
        pl.BlockSpec((1, CB * AXONS, 1), lambda t, g: (g, 0, 0)),
        pl.BlockSpec((N_OUT, NWORD), lambda t, g: (0, 0)),
        pl.BlockSpec((N_OUT, 1), lambda t, g: (0, 0)),
        pl.BlockSpec((8, NEURONS), lambda t, g: (0, 0)),
        pl.BlockSpec((1, CB, 1, 2), lambda t, g: (t * GSTEPS + g, 0, 0, 0),
                     memory_space=pltpu.SMEM),
    ],
    out_specs=pl.BlockSpec((N_OUT, B), lambda t, g: (0, 0)),
    out_shape=jax.ShapeDtypeStruct((N_OUT, B), jnp.float32),
    scratch_shapes=[
        pltpu.VMEM((2 * NWORD, B), jnp.float32),
        pltpu.VMEM((N_CORES * NEURONS, B), jnp.float32),
    ],
    compiler_params=pltpu.CompilerParams(
        dimension_semantics=("arbitrary", "arbitrary")),
)


def kernel(x, core_params, thresholds, axon_idx, out_idx, latencies):
    base = jax.random.key(42)

    sps = []
    for t in range(CYCLES):
        k1 = jax.random.fold_in(base, 2 * t)
        sps.append(((jax.random.uniform(k1, x.shape) < x)
                    .astype(jnp.float32)).T)
    spk = jnp.stack(sps)
    const = jnp.concatenate([jnp.zeros((1, B), jnp.float32),
                             jnp.ones((1, B), jnp.float32),
                             jnp.zeros((6, B), jnp.float32)], axis=0)

    idx = axon_idx.reshape(-1)
    is_buf = (idx >= D_IN) & (idx < D_IN + NBUF)
    idx_s = jnp.where(is_buf, D_IN,
                      jnp.where(idx >= D_IN + NBUF, idx - NBUF,
                                idx)).astype(jnp.int32)
    word = jnp.where(is_buf, (idx - D_IN) // 8, NWORD)
    qb = (word[:, None] == jnp.arange(NWORD)[None, :]).astype(jnp.bfloat16)
    qb = qb.reshape(GSTEPS, CB * AXONS, NWORD)
    shift = jnp.where(is_buf, (idx - D_IN) % 8, 0).astype(jnp.float32)
    inv2r = (2.0 ** (-shift)).reshape(GSTEPS, CB * AXONS, 1)

    oword = ((out_idx - D_IN) // 8).astype(jnp.int32)
    qout = (oword[:, None] == jnp.arange(NWORD)[None, :]).astype(jnp.bfloat16)
    oinv = (2.0 ** (-((out_idx - D_IN) % 8).astype(jnp.float32)))[:, None]

    n_ar = jnp.arange(NEURONS)
    pmat = jnp.where((n_ar[None, :] // 8) == jnp.arange(8)[:, None],
                     2.0 ** (n_ar[None, :] % 8).astype(jnp.float32), 0.0)

    active = (jnp.arange(CYCLES, dtype=jnp.int32)[:, None]
              >= latencies[None, :]).astype(jnp.float32)
    scal = jnp.stack(
        [active, jnp.broadcast_to(thresholds[None, :], (CYCLES, N_CORES))],
        axis=-1).reshape(CYCLES * GSTEPS, CB, 1, 2)

    in_static = _sc_static(spk, const, idx_s)

    out_T = _tc_sim(in_static.reshape(CYCLES, N_CORES, AXONS, B),
                    core_params.reshape(GSTEPS, CB, NEURONS, AXONS),
                    qb, inv2r, qout, oinv, pmat, scal)
    return out_T.T

# --- scband reference (transcript-rebuilt; emitter-appended) ---
"""Pipeline reference for scband-spiking-core-flow-62629213110827 (READ-ONLY COPY).

The authoritative reference and input builder live on the scoring server;
editing this copy changes nothing except your own understanding.
"""

import jax, jax.numpy as jnp
import numpy as np

B = 128
D_IN = 4096
N_CORES = 128
AXONS = 64
NEURONS = 64
SIM_LEN = 8
MAX_LAT = 3
CYCLES = MAX_LAT + SIM_LEN
N_OUT = 1024
TOTAL_SRC = D_IN + N_CORES * NEURONS + 2  # input neurons | core output buffers | off | always-on


def setup_inputs(seed: int = 0) -> dict:
    key = jax.random.key(seed)
    ks = jax.random.split(key, 6)
    # x holds firing rates in [0,1); to_spikes() Bernoulli-samples from them each cycle
    x = jax.random.uniform(ks[0], (B, D_IN), dtype=jnp.float32)
    # spike-source routing table per axon: index into [input | buffers | off | on] bank
    axon_idx = jax.random.randint(ks[1], (N_CORES, AXONS), 0, TOTAL_SRC, dtype=jnp.int32)
    # output sources read from core output buffers
    out_idx = jax.random.randint(ks[2], (N_OUT,), D_IN, D_IN + N_CORES * NEURONS, dtype=jnp.int32)
    # core_params[c] = core_matrix[c].T -> shape (output_count, input_count)
    core_params = jax.random.normal(ks[3], (N_CORES, NEURONS, AXONS), dtype=jnp.float32) * 0.1
    thresholds = jnp.ones((N_CORES,), dtype=jnp.float32)
    latencies = jnp.arange(N_CORES, dtype=jnp.int32) % (MAX_LAT + 1)
    return {"x": x, "core_params": core_params, "thresholds": thresholds,
            "axon_idx": axon_idx, "out_idx": out_idx, "latencies": latencies}


def _to_spikes(key, x):
    return (jax.random.uniform(key, x.shape) < x).astype(jnp.float32)


def reference(x, core_params, thresholds, axon_idx, out_idx, latencies):
    b = x.shape[0]
    buffers = jnp.zeros((N_CORES, b, NEURONS), dtype=jnp.float32)
    memb = jnp.zeros((N_CORES, b, NEURONS), dtype=jnp.float32)
    out_sig = jnp.zeros((b, N_OUT), dtype=jnp.float32)
    zo = jnp.concatenate([jnp.zeros((b, 1), jnp.float32), jnp.ones((b, 1), jnp.float32)], axis=1)
    base = jax.random.key(42)
    thr = thresholds[:, None, None]
    for cycle in range(CYCLES):
        k1 = jax.random.fold_in(base, 2 * cycle)
        k2 = jax.random.fold_in(base, 2 * cycle + 1)
        # phase 1: gather axon input signals for every core (uses OLD buffers, like torch)
        x_sp = _to_spikes(k1, x)
        buf_flat = jnp.transpose(buffers, (1, 0, 2)).reshape(b, N_CORES * NEURONS)
        bank = jnp.concatenate([x_sp, buf_flat, zo], axis=1)
        in_sig = jnp.take(bank, axon_idx.reshape(-1), axis=1).reshape(b, N_CORES, AXONS)
        # phase 2: integrate-and-fire for cores whose latency has elapsed
        delta = jnp.einsum('bca,coa->cbo', in_sig, core_params)
        active = (cycle >= latencies)[:, None, None]
        memb_new = memb + jnp.where(active, delta, 0.0)
        fired = (memb_new > thr).astype(jnp.float32)
        buffers = jnp.where(active, fired, buffers)
        memb = jnp.where(active, jnp.where(memb_new > thr, 0.0, memb_new), memb)
        # phase 3: accumulate output spikes (fresh input spike draw, matching torch's second to_spikes(x))
        x_sp2 = _to_spikes(k2, x)
        buf_flat2 = jnp.transpose(buffers, (1, 0, 2)).reshape(b, N_CORES * NEURONS)
        bank2 = jnp.concatenate([x_sp2, buf_flat2, zo], axis=1)
        out_sig = out_sig + jnp.take(bank2, out_idx, axis=1)
    return out_sig

if __name__ == "__main__":
    import jax
    _d = setup_inputs()
    print(jax.jit(kernel)(*tuple(_d.values())))

</pallas_src>

<mosaic_0001>
#map = affine_map<(d0, d1) -> (0, 0, 0)>
#map1 = affine_map<(d0, d1) -> (0, 0)>
#map2 = affine_map<(d0, d1) -> (0)>
module attributes {stable_mosaic.version = 14 : i64} {
  func.func @_sc_static(%arg0: i32, %arg1: i32, %arg2: memref<11x4096x128xf32, #tpu.memory_space<hbm>>, %arg3: memref<8x128xf32, #tpu.memory_space<hbm>>, %arg4: memref<8192xi32, #tpu.memory_space<hbm>>, %arg5: memref<11x8192x128xf32, #tpu.memory_space<hbm>>, %arg6: memref<128xi32, #tpu.memory_space<vmem>>, %arg7: memref<128xi32, #tpu.memory_space<vmem>>, %arg8: memref<256x128xf32, #tpu.memory_space<vmem>>, %arg9: memref<4104x128xf32, #tpu.memory_space<vmem_shared>>) attributes {dimension_semantics = [#tpu.dimension_semantics<core_parallel>, #tpu.dimension_semantics<subcore_parallel>], iteration_bounds = array<i64: 2, 16>, scalar_prefetch = 0 : i64, scratch_operands = 4 : i64, tpu.core_type = #tpu.core_type<sc_vector_subcore>, window_params = [{transform_indices = #map}, {transform_indices = #map1}, {transform_indices = #map2}, {transform_indices = #map}]} {
    %mul3A = arith.constant 2 : i32
    %mul3A_0 = arith.muli %arg1, %mul3A : i32
    %add3A = arith.addi %mul3A_0, %arg0 : i32
    %mul3A_1 = arith.constant 256 : i32
    %mul3A_2 = arith.muli %add3A, %mul3A_1 : i32
    "tpu.region"() ({
      %run_scoped3A = tpu.sem_alloc : memref<!tpu.dma_semaphore, #tpu.memory_space<semaphore_mem>>
      %dma_start3A = tpu.memref_slice %arg4[%mul3A_2] : memref<8192xi32, #tpu.memory_space<hbm>> -> memref<128xi32, #tpu.memory_space<hbm>>
      %dma_start3A_10 = tpu.memref_slice %arg4[%mul3A_2] : memref<8192xi32, #tpu.memory_space<hbm>> -> memref<128xi32, #tpu.memory_space<hbm>>
      tpu.enqueue_dma source(%dma_start3A_10 : memref<128xi32, #tpu.memory_space<hbm>>) target(%arg6 : memref<128xi32, #tpu.memory_space<vmem>>) target_semaphore(%run_scoped3A : memref<!tpu.dma_semaphore, #tpu.memory_space<semaphore_mem>>)
      %dma_wait3A = tpu.memref_slice %arg4[%mul3A_2] : memref<8192xi32, #tpu.memory_space<hbm>> -> memref<128xi32, #tpu.memory_space<hbm>>
      %dma_wait3A_11 = tpu.memref_slice %arg4[%mul3A_2] : memref<8192xi32, #tpu.memory_space<hbm>> -> memref<128xi32, #tpu.memory_space<hbm>>
      tpu.wait_dma2 semaphore(%run_scoped3A : memref<!tpu.dma_semaphore, #tpu.memory_space<semaphore_mem>>) src(%dma_wait3A_11 : memref<128xi32, #tpu.memory_space<hbm>>) dst(%arg6 : memref<128xi32, #tpu.memory_space<vmem>>)
      tpu.yield
    }) : () -> ()
    %add3A_3 = arith.constant 128 : i32
    %add3A_4 = arith.addi %mul3A_2, %add3A_3 : i32
    "tpu.region"() ({
      %run_scoped3A = tpu.sem_alloc : memref<!tpu.dma_semaphore, #tpu.memory_space<semaphore_mem>>
      %dma_start3A = tpu.memref_slice %arg4[%add3A_4] : memref<8192xi32, #tpu.memory_space<hbm>> -> memref<128xi32, #tpu.memory_space<hbm>>
      %dma_start3A_10 = tpu.memref_slice %arg4[%add3A_4] : memref<8192xi32, #tpu.memory_space<hbm>> -> memref<128xi32, #tpu.memory_space<hbm>>
      tpu.enqueue_dma source(%dma_start3A_10 : memref<128xi32, #tpu.memory_space<hbm>>) target(%arg7 : memref<128xi32, #tpu.memory_space<vmem>>) target_semaphore(%run_scoped3A : memref<!tpu.dma_semaphore, #tpu.memory_space<semaphore_mem>>)
      %dma_wait3A = tpu.memref_slice %arg4[%add3A_4] : memref<8192xi32, #tpu.memory_space<hbm>> -> memref<128xi32, #tpu.memory_space<hbm>>
      %dma_wait3A_11 = tpu.memref_slice %arg4[%add3A_4] : memref<8192xi32, #tpu.memory_space<hbm>> -> memref<128xi32, #tpu.memory_space<hbm>>
      tpu.wait_dma2 semaphore(%run_scoped3A : memref<!tpu.dma_semaphore, #tpu.memory_space<semaphore_mem>>) src(%dma_wait3A_11 : memref<128xi32, #tpu.memory_space<hbm>>) dst(%arg7 : memref<128xi32, #tpu.memory_space<vmem>>)
      tpu.yield
    }) : () -> ()
    %scan3A = arith.constant 0 : i32
    %scan3A_5 = arith.constant 0 : i32
    %scan3A_6 = arith.constant 11 : i32
    %scan3A_7 = arith.addi %scan3A_5, %scan3A_6 : i32
    %scan3A_8 = arith.constant 1 : i32
    scf.for %scan3A_10 = %scan3A_5 to %scan3A_7 step %scan3A_8  : i32 {
      %mul3A_11 = arith.constant 256 : i32
      %mul3A_12 = arith.muli %arg1, %mul3A_11 : i32
      %mul3A_13 = arith.constant 256 : i32
      %mul3A_14 = arith.muli %arg1, %mul3A_13 : i32
      "tpu.region"() ({
        %run_scoped3A = tpu.sem_alloc : memref<!tpu.dma_semaphore, #tpu.memory_space<semaphore_mem>>
        %dma_start3A = arith.constant 0 : i32
        %dma_start3A_18 = tpu.memref_slice %arg9[%mul3A_14, %dma_start3A] : memref<4104x128xf32, #tpu.memory_space<vmem_shared>> -> memref<256x128xf32, #tpu.memory_space<vmem_shared>>
        %dma_start3A_19 = arith.constant 0 : i32
        %dma_start3A_20 = tpu.memref_slice %arg2[%scan3A_10, %mul3A_12, %dma_start3A_19] : memref<11x4096x128xf32, #tpu.memory_space<hbm>> -> memref<1x256x128xf32, #tpu.memory_space<hbm>>
        %dma_start3A_21 = tpu.memref_squeeze %dma_start3A_20 : memref<1x256x128xf32, #tpu.memory_space<hbm>> -> memref<256x128xf32, #tpu.memory_space<hbm>>
        tpu.enqueue_dma source(%dma_start3A_21 : memref<256x128xf32, #tpu.memory_space<hbm>>) target(%dma_start3A_18 : memref<256x128xf32, #tpu.memory_space<vmem_shared>>) target_semaphore(%run_scoped3A : memref<!tpu.dma_semaphore, #tpu.memory_space<semaphore_mem>>)
        %dma_wait3A = arith.constant 0 : i32
        %dma_wait3A_22 = tpu.memref_slice %arg9[%mul3A_14, %dma_wait3A] : memref<4104x128xf32, #tpu.memory_space<vmem_shared>> -> memref<256x128xf32, #tpu.memory_space<vmem_shared>>
        %dma_wait3A_23 = arith.constant 0 : i32
        %dma_wait3A_24 = tpu.memref_slice %arg2[%scan3A_10, %mul3A_12, %dma_wait3A_23] : memref<11x4096x128xf32, #tpu.memory_space<hbm>> -> memref<1x256x128xf32, #tpu.memory_space<hbm>>
        %dma_wait3A_25 = tpu.memref_squeeze %dma_wait3A_24 : memref<1x256x128xf32, #tpu.memory_space<hbm>> -> memref<256x128xf32, #tpu.memory_space<hbm>>
        tpu.wait_dma2 semaphore(%run_scoped3A : memref<!tpu.dma_semaphore, #tpu.memory_space<semaphore_mem>>) src(%dma_wait3A_25 : memref<256x128xf32, #tpu.memory_space<hbm>>) dst(%dma_wait3A_22 : memref<256x128xf32, #tpu.memory_space<vmem_shared>>)
        tpu.yield
      }) : () -> ()
      %eq3A = arith.constant 0 : i32
      %eq3A_15 = arith.cmpi eq, %arg1, %eq3A : i32
      %convert_element_type3A = arith.extui %eq3A_15 : i1 to i32
      %cond3A = arith.constant 0 : i32
      %cond3A_16 = arith.cmpi ne, %convert_element_type3A, %cond3A : i32
      scf.if %cond3A_16 {
        "tpu.region"() ({
          %run_scoped3A = tpu.sem_alloc : memref<!tpu.dma_semaphore, #tpu.memory_space<semaphore_mem>>
          %dma_start3A = arith.constant 4096 : i32
          %dma_start3A_18 = arith.constant 0 : i32
          %dma_start3A_19 = tpu.memref_slice %arg9[%dma_start3A, %dma_start3A_18] : memref<4104x128xf32, #tpu.memory_space<vmem_shared>> -> memref<8x128xf32, #tpu.memory_space<vmem_shared>>
          tpu.enqueue_dma source(%arg3 : memref<8x128xf32, #tpu.memory_space<hbm>>) target(%dma_start3A_19 : memref<8x128xf32, #tpu.memory_space<vmem_shared>>) target_semaphore(%run_scoped3A : memref<!tpu.dma_semaphore, #tpu.memory_space<semaphore_mem>>)
          %dma_wait3A = arith.constant 4096 : i32
          %dma_wait3A_20 = arith.constant 0 : i32
          %dma_wait3A_21 = tpu.memref_slice %arg9[%dma_wait3A, %dma_wait3A_20] : memref<4104x128xf32, #tpu.memory_space<vmem_shared>> -> memref<8x128xf32, #tpu.memory_space<vmem_shared>>
          tpu.wait_dma2 semaphore(%run_scoped3A : memref<!tpu.dma_semaphore, #tpu.memory_space<semaphore_mem>>) src(%arg3 : memref<8x128xf32, #tpu.memory_space<hbm>>) dst(%dma_wait3A_21 : memref<8x128xf32, #tpu.memory_space<vmem_shared>>)
          tpu.yield
        }) : () -> ()
      } else {
      }
      %barrier3A = arith.constant 0 : index
      tpu.barrier barrier_id(%barrier3A)
      "tpu.region"() ({
        %run_scoped3A = tpu.sem_alloc : memref<!tpu.dma_semaphore, #tpu.memory_space<semaphore_mem>>
        %dma_start3A = arith.constant 0 : i32
        %dma_start3A_18 = arith.constant 0 : i32
        %dma_start3A_19 = tpu.memref_slice %arg8[%dma_start3A, %dma_start3A_18] : memref<256x128xf32, #tpu.memory_space<vmem>> -> memref<128x128xf32, #tpu.memory_space<vmem>>
        %dma_start3A_20 = arith.constant 0 : i32
        %dma_start3A_21 = arith.constant 0 : i32
        %dma_start3A_22 = tpu.memref_slice %arg9[%dma_start3A_20, %dma_start3A_21] : memref<4104x128xf32, #tpu.memory_space<vmem_shared>> -> memref<4104x128xf32, #tpu.memory_space<vmem_shared>>
        tpu.enqueue_indirect_dma source(%dma_start3A_22 : memref<4104x128xf32, #tpu.memory_space<vmem_shared>>) target(%dma_start3A_19 : memref<128x128xf32, #tpu.memory_space<vmem>>) offsets(%arg6 : memref<128xi32, #tpu.memory_space<vmem>>) semaphore(%run_scoped3A : memref<!tpu.dma_semaphore, #tpu.memory_space<semaphore_mem>>)
        %dma_wait3A = arith.constant 0 : i32
        %dma_wait3A_23 = arith.constant 0 : i32
        %dma_wait3A_24 = tpu.memref_slice %arg8[%dma_wait3A, %dma_wait3A_23] : memref<256x128xf32, #tpu.memory_space<vmem>> -> memref<128x128xf32, #tpu.memory_space<vmem>>
        %dma_wait3A_25 = arith.constant 0 : i32
        %dma_wait3A_26 = arith.constant 0 : i32
        %dma_wait3A_27 = tpu.memref_slice %arg9[%dma_wait3A_25, %dma_wait3A_26] : memref<4104x128xf32, #tpu.memory_space<vmem_shared>> -> memref<4104x128xf32, #tpu.memory_space<vmem_shared>>
        tpu.wait_indirect_dma semaphore(%run_scoped3A : memref<!tpu.dma_semaphore, #tpu.memory_space<semaphore_mem>>) src(%dma_wait3A_27 : memref<4104x128xf32, #tpu.memory_space<vmem_shared>>) dst(%dma_wait3A_24 : memref<128x128xf32, #tpu.memory_space<vmem>>)
        tpu.yield
      }) : () -> ()
      "tpu.region"() ({
        %run_scoped3A = tpu.sem_alloc : memref<!tpu.dma_semaphore, #tpu.memory_space<semaphore_mem>>
        %dma_start3A = arith.constant 128 : i32
        %dma_start3A_18 = arith.constant 0 : i32
        %dma_start3A_19 = tpu.memref_slice %arg8[%dma_start3A, %dma_start3A_18] : memref<256x128xf32, #tpu.memory_space<vmem>> -> memref<128x128xf32, #tpu.memory_space<vmem>>
        %dma_start3A_20 = arith.constant 0 : i32
        %dma_start3A_21 = arith.constant 0 : i32
        %dma_start3A_22 = tpu.memref_slice %arg9[%dma_start3A_20, %dma_start3A_21] : memref<4104x128xf32, #tpu.memory_space<vmem_shared>> -> memref<4104x128xf32, #tpu.memory_space<vmem_shared>>
        tpu.enqueue_indirect_dma source(%dma_start3A_22 : memref<4104x128xf32, #tpu.memory_space<vmem_shared>>) target(%dma_start3A_19 : memref<128x128xf32, #tpu.memory_space<vmem>>) offsets(%arg7 : memref<128xi32, #tpu.memory_space<vmem>>) semaphore(%run_scoped3A : memref<!tpu.dma_semaphore, #tpu.memory_space<semaphore_mem>>)
        %dma_wait3A = arith.constant 128 : i32
        %dma_wait3A_23 = arith.constant 0 : i32
        %dma_wait3A_24 = tpu.memref_slice %arg8[%dma_wait3A, %dma_wait3A_23] : memref<256x128xf32, #tpu.memory_space<vmem>> -> memref<128x128xf32, #tpu.memory_space<vmem>>
        %dma_wait3A_25 = arith.constant 0 : i32
        %dma_wait3A_26 = arith.constant 0 : i32
        %dma_wait3A_27 = tpu.memref_slice %arg9[%dma_wait3A_25, %dma_wait3A_26] : memref<4104x128xf32, #tpu.memory_space<vmem_shared>> -> memref<4104x128xf32, #tpu.memory_space<vmem_shared>>
        tpu.wait_indirect_dma semaphore(%run_scoped3A : memref<!tpu.dma_semaphore, #tpu.memory_space<semaphore_mem>>) src(%dma_wait3A_27 : memref<4104x128xf32, #tpu.memory_space<vmem_shared>>) dst(%dma_wait3A_24 : memref<128x128xf32, #tpu.memory_space<vmem>>)
        tpu.yield
      }) : () -> ()
      "tpu.region"() ({
        %run_scoped3A = tpu.sem_alloc : memref<!tpu.dma_semaphore, #tpu.memory_space<semaphore_mem>>
        %dma_start3A = arith.constant 0 : i32
        %dma_start3A_18 = tpu.memref_slice %arg5[%scan3A_10, %mul3A_2, %dma_start3A] : memref<11x8192x128xf32, #tpu.memory_space<hbm>> -> memref<1x256x128xf32, #tpu.memory_space<hbm>>
        %dma_start3A_19 = tpu.memref_squeeze %dma_start3A_18 : memref<1x256x128xf32, #tpu.memory_space<hbm>> -> memref<256x128xf32, #tpu.memory_space<hbm>>
        %dma_start3A_20 = arith.constant 0 : i32
        %dma_start3A_21 = tpu.memref_slice %arg5[%scan3A_10, %mul3A_2, %dma_start3A_20] : memref<11x8192x128xf32, #tpu.memory_space<hbm>> -> memref<1x256x128xf32, #tpu.memory_space<hbm>>
        %dma_start3A_22 = tpu.memref_squeeze %dma_start3A_21 : memref<1x256x128xf32, #tpu.memory_space<hbm>> -> memref<256x128xf32, #tpu.memory_space<hbm>>
        tpu.enqueue_dma source(%arg8 : memref<256x128xf32, #tpu.memory_space<vmem>>) target(%dma_start3A_22 : memref<256x128xf32, #tpu.memory_space<hbm>>) target_semaphore(%run_scoped3A : memref<!tpu.dma_semaphore, #tpu.memory_space<semaphore_mem>>)
        %dma_wait3A = arith.constant 0 : i32
        %dma_wait3A_23 = tpu.memref_slice %arg5[%scan3A_10, %mul3A_2, %dma_wait3A] : memref<11x8192x128xf32, #tpu.memory_space<hbm>> -> memref<1x256x128xf32, #tpu.memory_space<hbm>>
        %dma_wait3A_24 = tpu.memref_squeeze %dma_wait3A_23 : memref<1x256x128xf32, #tpu.memory_space<hbm>> -> memref<256x128xf32, #tpu.memory_space<hbm>>
        %dma_wait3A_25 = arith.constant 0 : i32
        %dma_wait3A_26 = tpu.memref_slice %arg5[%scan3A_10, %mul3A_2, %dma_wait3A_25] : memref<11x8192x128xf32, #tpu.memory_space<hbm>> -> memref<1x256x128xf32, #tpu.memory_space<hbm>>
        %dma_wait3A_27 = tpu.memref_squeeze %dma_wait3A_26 : memref<1x256x128xf32, #tpu.memory_space<hbm>> -> memref<256x128xf32, #tpu.memory_space<hbm>>
        tpu.wait_dma2 semaphore(%run_scoped3A : memref<!tpu.dma_semaphore, #tpu.memory_space<semaphore_mem>>) src(%arg8 : memref<256x128xf32, #tpu.memory_space<vmem>>) dst(%dma_wait3A_27 : memref<256x128xf32, #tpu.memory_space<hbm>>)
        tpu.yield
      }) : () -> ()
      %barrier3A_17 = arith.constant 0 : index
      tpu.barrier barrier_id(%barrier3A_17)
    }
    %scan3A_9 = arith.constant 11 : i32
    return
  }
}

module attributes {stable_mosaic.version = 14 : i64} {
  func.func @_tc_body(%arg0: i32, %arg1: i32, %arg2: memref<1x64x64x128xf32, #tpu.memory_space<vmem>>, %arg3: memref<1x64x64x64xf32, #tpu.memory_space<vmem>>, %arg4: memref<2x4096x1024xbf16, #tpu.memory_space<vmem>>, %arg5: memref<1x4096x1xf32, #tpu.memory_space<vmem>>, %arg6: memref<1024x1024xbf16, #tpu.memory_space<vmem>>, %arg7: memref<1024x1xf32, #tpu.memory_space<vmem>>, %arg8: memref<8x64xf32, #tpu.memory_space<vmem>>, %arg9: memref<1x64x1x2xf32, #tpu.memory_space<smem>>, %arg10: memref<1024x128xf32, #tpu.memory_space<vmem>>, %arg11: memref<2048x128xf32, #tpu.memory_space<vmem>>, %arg12: memref<8192x128xf32, #tpu.memory_space<vmem>>) attributes {dimension_semantics = [#tpu.dimension_semantics<arbitrary>, #tpu.dimension_semantics<arbitrary>], iteration_bounds = array<i64: 11, 2>, scalar_prefetch = 0 : i64, scratch_operands = 2 : i64, tpu.core_type = #tpu.core_type<tc>, window_params = [{transform_indices = @transform_0, window_bounds = array<i64: 1, 64, 64, 128>}, {transform_indices = @transform_1, window_bounds = array<i64: 1, 64, 64, 64>}, {pipeline_mode = #tpu.pipeline_mode<synchronous>, transform_indices = @transform_2, window_bounds = array<i64: 2, 4096, 1024>}, {transform_indices = @transform_3, window_bounds = array<i64: 1, 4096, 1>}, {pipeline_mode = #tpu.pipeline_mode<synchronous>, transform_indices = @transform_4, window_bounds = array<i64: 1024, 1024>}, {pipeline_mode = #tpu.pipeline_mode<synchronous>, transform_indices = @transform_5, window_bounds = array<i64: 1024, 1>}, {pipeline_mode = #tpu.pipeline_mode<synchronous>, transform_indices = @transform_6, window_bounds = array<i64: 8, 64>}, {transform_indices = @transform_7, window_bounds = array<i64: 1, 64, 1, 2>}, {pipeline_mode = #tpu.pipeline_mode<synchronous>, transform_indices = @transform_8, window_bounds = array<i64: 1024, 128>}]} {
    %eq3A = arith.constant 0 : i32
    %eq3A_0 = arith.cmpi eq, %arg0, %eq3A : i32
    %eq3A_1 = arith.constant 0 : i32
    %eq3A_2 = arith.cmpi eq, %arg1, %eq3A_1 : i32
    %and3A = arith.andi %eq3A_0, %eq3A_2 : i1
    %convert_element_type3A = arith.extui %and3A : i1 to i32
    %cond3A = arith.constant 0 : i32
    %cond3A_3 = arith.cmpi ne, %convert_element_type3A, %cond3A : i32
    scf.if %cond3A_3 {
      %broadcast_in_dim3A_4874 = arith.constant 0.000000e+00 : f32
      %broadcast_in_dim3A_4875 = vector.broadcast %broadcast_in_dim3A_4874 : f32 to vector<1024x128xf32>
      %swap3A_4876 = arith.constant 0 : index
      %swap3A_4877 = arith.constant 0 : index
      %swap3A_4878 = vector.load %arg10[%swap3A_4876, %swap3A_4877] : memref<1024x128xf32, #tpu.memory_space<vmem>>, vector<1024x128xf32>
      tpu.vector_store %arg10[%swap3A_4876, %swap3A_4877], %broadcast_in_dim3A_4875 {strides = array<i32>} : memref<1024x128xf32, #tpu.memory_space<vmem>>, vector<1024x128xf32>,
    } else {
    }
    %jit3A = arith.constant 2 : i32
    %eq3A_4 = arith.constant 0 : i32
    %eq3A_5 = arith.cmpi eq, %jit3A, %eq3A_4 : i32
    %jit3A_6 = arith.constant 1 : i32
    %select_n3A = arith.select %eq3A_5, %jit3A_6, %jit3A : i32
    %rem3A = arith.remsi %arg0, %select_n3A : i32
    %ne3A = arith.constant 0 : i32
    %ne3A_7 = arith.cmpi ne, %rem3A, %ne3A : i32
    %lt3A = arith.constant 0 : i32
    %lt3A_8 = arith.cmpi slt, %rem3A, %lt3A : i32
    %lt3A_9 = arith.constant 0 : i32
    %lt3A_10 = arith.cmpi slt, %select_n3A, %lt3A_9 : i32
    %ne3A_11 = arith.xori %lt3A_8, %lt3A_10 : i1
    %and3A_12 = arith.andi %ne3A_11, %ne3A_7 : i1
    %add3A = arith.addi %rem3A, %select_n3A : i32
    %select_n3A_13 = arith.select %and3A_12, %add3A, %rem3A : i32
    %mul3A = arith.constant 1024 : i32
    %mul3A_14 = arith.muli %select_n3A_13, %mul3A : i32
    %add3A_15 = arith.constant 1 : i32
    %add3A_16 = arith.addi %arg0, %add3A_15 : i32
    %jit3A_17 = arith.constant 2 : i32
    %eq3A_18 = arith.constant 0 : i32
    %eq3A_19 = arith.cmpi eq, %jit3A_17, %eq3A_18 : i32
    %jit3A_20 = arith.constant 1 : i32
    %select_n3A_21 = arith.select %eq3A_19, %jit3A_20, %jit3A_17 : i32
    %rem3A_22 = arith.remsi %add3A_16, %select_n3A_21 : i32
    %ne3A_23 = arith.constant 0 : i32
    %ne3A_24 = arith.cmpi ne, %rem3A_22, %ne3A_23 : i32
    %lt3A_25 = arith.constant 0 : i32
    %lt3A_26 = arith.cmpi slt, %rem3A_22, %lt3A_25 : i32
    %lt3A_27 = arith.constant 0 : i32
    %lt3A_28 = arith.cmpi slt, %select_n3A_21, %lt3A_27 : i32
    %ne3A_29 = arith.xori %lt3A_26, %lt3A_28 : i1
    %and3A_30 = arith.andi %ne3A_29, %ne3A_24 : i1
    %add3A_31 = arith.addi %rem3A_22, %select_n3A_21 : i32
    %select_n3A_32 = arith.select %and3A_30, %add3A_31, %rem3A_22 : i32
    %mul3A_33 = arith.constant 1024 : i32
    %mul3A_34 = arith.muli %select_n3A_32, %mul3A_33 : i32
    %eq3A_35 = arith.constant 0 : i32
    %eq3A_36 = arith.cmpi eq, %arg0, %eq3A_35 : i32
    %get3A = arith.index_cast %mul3A_14 : i32 to index
    %get3A_37 = arith.constant 0 : index
    %get3A_38 = vector.load %arg11[%get3A, %get3A_37] : memref<2048x128xf32, #tpu.memory_space<vmem>>, vector<1024x128xf32>
    %jit3A_39 = arith.constant 0.000000e+00 : f32
    %broadcast_in_dim3A = vector.broadcast %jit3A_39 : f32 to vector<1024x128xf32>
    %select_n3A_40 = arith.select %eq3A_36, %broadcast_in_dim3A, %get3A_38 : vector<1024x128xf32>
    %get3A_41 = arith.index_cast %arg1 : i32 to index
    %get3A_42 = arith.constant 0 : index
    %get3A_43 = arith.constant 0 : index
    %get3A_44 = vector.load %arg4[%get3A_41, %get3A_42, %get3A_43] : memref<2x4096x1024xbf16, #tpu.memory_space<vmem>>, vector<1x4096x1024xbf16>
    %get3A_45 = vector.shape_cast %get3A_44 : vector<1x4096x1024xbf16> to vector<4096x1024xbf16>
    %convert_element_type3A_46 = arith.truncf %select_n3A_40 : vector<1024x128xf32> to vector<1024x128xbf16>
    %dot_general3A = arith.constant dense<0.000000e+00> : vector<4096x128xf32>
    %dot_general3A_47 = tpu.matmul %get3A_45, %convert_element_type3A_46, %dot_general3A {dimension_numbers = #tpu.dot_dimension_numbers<[1], [0], [0], [1], [0, 0, 1, 1], [], []>, transpose_lhs_hint = false} : vector<4096x1024xbf16>, vector<1024x128xbf16>, vector<4096x128xf32> -> vector<4096x128xf32>
    %get3A_48 = arith.constant 0 : index
    %get3A_49 = arith.constant 0 : index
    %get3A_50 = arith.constant 0 : index
    %get3A_51 = vector.load %arg5[%get3A_48, %get3A_49, %get3A_50] : memref<1x4096x1xf32, #tpu.memory_space<vmem>>, vector<1x4096x1xf32>
    %get3A_52 = vector.shape_cast %get3A_51 : vector<1x4096x1xf32> to vector<4096x1xf32>
    %mul3A_53 = vector.broadcast %get3A_52 : vector<4096x1xf32> to vector<4096x128xf32>
    %mul3A_54 = arith.mulf %dot_general3A_47, %mul3A_53 : vector<4096x128xf32>
    %floor3A = math.floor %mul3A_54 : vector<4096x128xf32>
    %mul3A_55 = arith.constant 5.000000e-01 : f32
    %mul3A_56 = vector.broadcast %mul3A_55 : f32 to vector<4096x128xf32>
    %mul3A_57 = arith.mulf %floor3A, %mul3A_56 : vector<4096x128xf32>
    %floor3A_58 = math.floor %mul3A_57 : vector<4096x128xf32>
    %mul3A_59 = arith.constant 2.000000e+00 : f32
    %mul3A_60 = vector.broadcast %mul3A_59 : f32 to vector<4096x128xf32>
    %mul3A_61 = arith.mulf %mul3A_60, %floor3A_58 : vector<4096x128xf32>
    %sub3A = arith.subf %floor3A, %mul3A_61 : vector<4096x128xf32>
    %get3A_62 = arith.constant 0 : index
    %get3A_63 = arith.constant 0 : index
    %get3A_64 = arith.constant 0 : index
    %get3A_65 = arith.constant 0 : index
    %get3A_66 = vector.load %arg2[%get3A_62, %get3A_63, %get3A_64, %get3A_65] : memref<1x64x64x128xf32, #tpu.memory_space<vmem>>, vector<1x64x64x128xf32>
    %get3A_67 = vector.shape_cast %get3A_66 : vector<1x64x64x128xf32> to vector<64x64x128xf32>
    %reshape3A = vector.shape_cast %get3A_67 : vector<64x64x128xf32> to vector<4096x128xf32>
    %add3A_68 = arith.addf %reshape3A, %sub3A : vector<4096x128xf32>
    %get3A_69 = arith.constant 0 : index
    %get3A_70 = arith.constant 0 : index
    %get3A_71 = vector.load %arg8[%get3A_69, %get3A_70] : memref<8x64xf32, #tpu.memory_space<vmem>>, vector<8x64xf32>
    %get3A_72 = arith.constant 0 : index
    %get3A_73 = arith.constant 0 : index
    %get3A_74 = arith.constant 0 : index
    %get3A_75 = arith.constant 0 : index
    %get3A_76 = memref.load %arg9[%get3A_72, %get3A_73, %get3A_74, %get3A_75] : memref<1x64x1x2xf32, #tpu.memory_space<smem>>
    %get3A_77 = arith.constant 0 : index
    %get3A_78 = arith.constant 0 : index
    %get3A_79 = arith.constant 0 : index
    %get3A_80 = arith.constant 1 : index
    %get3A_81 = memref.load %arg9[%get3A_77, %get3A_78, %get3A_79, %get3A_80] : memref<1x64x1x2xf32, #tpu.memory_space<smem>>
    %gt3A = arith.constant 5.000000e-01 : f32
    %gt3A_82 = arith.cmpf ogt, %get3A_76, %gt3A : f32
    %slice3A = vector.extract_strided_slice %add3A_68 {offsets = [0, 0], sizes = [64, 128], strides = [1, 1]} : vector<4096x128xf32> to vector<64x128xf32>
    %get3A_83 = arith.constant 0 : index
    %get3A_84 = arith.constant 0 : index
    %get3A_85 = arith.constant 0 : index
    %get3A_86 = arith.constant 0 : index
    %get3A_87 = vector.load %arg3[%get3A_83, %get3A_84, %get3A_85, %get3A_86] : memref<1x64x64x64xf32, #tpu.memory_space<vmem>>, vector<1x1x64x64xf32>
    %get3A_88 = vector.shape_cast %get3A_87 : vector<1x1x64x64xf32> to vector<64x64xf32>
    %dot_general3A_89 = arith.constant dense<0.000000e+00> : vector<64x128xf32>
    %dot_general3A_90 = tpu.matmul %get3A_88, %slice3A, %dot_general3A_89 {dimension_numbers = #tpu.dot_dimension_numbers<[1], [0], [0], [1], [0, 0, 1, 1], [], []>, transpose_lhs_hint = false} : vector<64x64xf32>, vector<64x128xf32>, vector<64x128xf32> -> vector<64x128xf32>
    %mul3A_91 = arith.constant 64 : i32
    %mul3A_92 = arith.muli %arg1, %mul3A_91 : i32
    %mul3A_93 = arith.constant 64 : i32
    %mul3A_94 = arith.muli %mul3A_92, %mul3A_93 : i32
    %add3A_95 = arith.constant 0 : i32
    %add3A_96 = arith.addi %add3A_95, %mul3A_94 : i32
    %eq3A_97 = arith.constant 0 : i32
    %eq3A_98 = arith.cmpi eq, %arg0, %eq3A_97 : i32
    %get3A_99 = arith.index_cast %add3A_96 : i32 to index
    %get3A_100 = arith.constant 0 : index
    %get3A_101 = vector.load %arg12[%get3A_99, %get3A_100] : memref<8192x128xf32, #tpu.memory_space<vmem>>, vector<64x128xf32>
    %jit3A_102 = arith.constant 0.000000e+00 : f32
    %broadcast_in_dim3A_103 = vector.broadcast %jit3A_102 : f32 to vector<64x128xf32>
    %select_n3A_104 = arith.select %eq3A_98, %broadcast_in_dim3A_103, %get3A_101 : vector<64x128xf32>
    %mul3A_105 = vector.broadcast %get3A_76 : f32 to vector<64x128xf32>
    %mul3A_106 = arith.mulf %mul3A_105, %dot_general3A_90 : vector<64x128xf32>
    %add3A_107 = arith.addf %select_n3A_104, %mul3A_106 : vector<64x128xf32>
    %gt3A_108 = vector.broadcast %get3A_81 : f32 to vector<64x128xf32>
    %gt3A_109 = arith.cmpf ogt, %add3A_107, %gt3A_108 : vector<64x128xf32>
    %jit3A_110 = arith.constant 1.000000e+00 : f32
    %jit3A_111 = arith.constant 0.000000e+00 : f32
    %broadcast_in_dim3A_112 = vector.broadcast %jit3A_110 : f32 to vector<64x128xf32>
    %broadcast_in_dim3A_113 = vector.broadcast %jit3A_111 : f32 to vector<64x128xf32>
    %select_n3A_114 = arith.select %gt3A_109, %broadcast_in_dim3A_112, %broadcast_in_dim3A_113 : vector<64x128xi1>, vector<64x128xf32>
    %and3A_115 = vector.broadcast %gt3A_82 : i1 to vector<64x128xi1>
    %and3A_116 = arith.andi %and3A_115, %gt3A_109 : vector<64x128xi1>
    %jit3A_117 = arith.constant 0.000000e+00 : f32
    %broadcast_in_dim3A_118 = vector.broadcast %jit3A_117 : f32 to vector<64x128xf32>
    %select_n3A_119 = arith.select %and3A_116, %broadcast_in_dim3A_118, %add3A_107 : vector<64x128xi1>, vector<64x128xf32>
    %swap3A = arith.index_cast %add3A_96 : i32 to index
    %swap3A_120 = arith.constant 0 : index
    %swap3A_121 = vector.load %arg12[%swap3A, %swap3A_120] : memref<8192x128xf32, #tpu.memory_space<vmem>>, vector<64x128xf32>
    tpu.vector_store %arg12[%swap3A, %swap3A_120], %select_n3A_119 {strides = array<i32>} : memref<8192x128xf32, #tpu.memory_space<vmem>>, vector<64x128xf32>,
    %dot_general3A_122 = arith.constant dense<0.000000e+00> : vector<8x128xf32>
    %dot_general3A_123 = tpu.matmul %get3A_71, %select_n3A_114, %dot_general3A_122 {dimension_numbers = #tpu.dot_dimension_numbers<[1], [0], [0], [1], [0, 0, 1, 1], [], []>, transpose_lhs_hint = false} : vector<8x64xf32>, vector<64x128xf32>, vector<8x128xf32> -> vector<8x128xf32>
    %mul3A_124 = arith.constant 64 : i32
    %mul3A_125 = arith.muli %arg1, %mul3A_124 : i32
    %add3A_126 = arith.constant 0 : i32
    %add3A_127 = arith.addi %mul3A_125, %add3A_126 : i32
    %mul3A_128 = arith.constant 8 : i32
    %mul3A_129 = arith.muli %add3A_127, %mul3A_128 : i32
    %eq3A_130 = arith.constant 0 : i32
    %eq3A_131 = arith.cmpi eq, %arg0, %eq3A_130 : i32
    %add3A_132 = arith.addi %mul3A_14, %mul3A_129 : i32
    %get3A_133 = arith.index_cast %add3A_132 : i32 to index
    %get3A_134 = arith.constant 0 : index
    %get3A_135 = vector.load %arg11[%get3A_133, %get3A_134] : memref<2048x128xf32, #tpu.memory_space<vmem>>, vector<8x128xf32>
    %jit3A_136 = arith.constant 0.000000e+00 : f32
    %broadcast_in_dim3A_137 = vector.broadcast %jit3A_136 : f32 to vector<8x128xf32>
    %select_n3A_138 = arith.select %eq3A_131, %broadcast_in_dim3A_137, %get3A_135 : vector<8x128xf32>
    %select_n3A_139 = arith.select %gt3A_82, %dot_general3A_123, %select_n3A_138 : vector<8x128xf32>
    %add3A_140 = arith.addi %mul3A_34, %mul3A_129 : i32
    %swap3A_141 = arith.index_cast %add3A_140 : i32 to index
    %swap3A_142 = arith.constant 0 : index
    %swap3A_143 = vector.load %arg11[%swap3A_141, %swap3A_142] : memref<2048x128xf32, #tpu.memory_space<vmem>>, vector<8x128xf32>
    tpu.vector_store %arg11[%swap3A_141, %swap3A_142], %select_n3A_139 {strides = array<i32>} : memref<2048x128xf32, #tpu.memory_space<vmem>>, vector<8x128xf32>,
    %get3A_144 = arith.constant 0 : index
    %get3A_145 = arith.constant 1 : index
    %get3A_146 = arith.constant 0 : index
    %get3A_147 = arith.constant 0 : index
    %get3A_148 = memref.load %arg9[%get3A_144, %get3A_145, %get3A_146, %get3A_147] : memref<1x64x1x2xf32, #tpu.memory_space<smem>>
    %get3A_149 = arith.constant 0 : index
    %get3A_150 = arith.constant 1 : index
    %get3A_151 = arith.constant 0 : index
    %get3A_152 = arith.constant 1 : index
    %get3A_153 = memref.load %arg9[%get3A_149, %get3A_150, %get3A_151, %get3A_152] : memref<1x64x1x2xf32, #tpu.memory_space<smem>>
    %gt3A_154 = arith.constant 5.000000e-01 : f32
    %gt3A_155 = arith.cmpf ogt, %get3A_148, %gt3A_154 : f32
    %slice3A_156 = vector.extract_strided_slice %add3A_68 {offsets = [64, 0], sizes = [64, 128], strides = [1, 1]} : vector<4096x128xf32> to vector<64x128xf32>
    %get3A_157 = arith.constant 0 : index
    %get3A_158 = arith.constant 1 : index
    %get3A_159 = arith.constant 0 : index
    %get3A_160 = arith.constant 0 : index
    %get3A_161 = vector.load %arg3[%get3A_157, %get3A_158, %get3A_159, %get3A_160] : memref<1x64x64x64xf32, #tpu.memory_space<vmem>>, vector<1x1x64x64xf32>
    %get3A_162 = vector.shape_cast %get3A_161 : vector<1x1x64x64xf32> to vector<64x64xf32>
    %dot_general3A_163 = arith.constant dense<0.000000e+00> : vector<64x128xf32>
    %dot_general3A_164 = tpu.matmul %get3A_162, %slice3A_156, %dot_general3A_163 {dimension_numbers = #tpu.dot_dimension_numbers<[1], [0], [0], [1], [0, 0, 1, 1], [], []>, transpose_lhs_hint = false} : vector<64x64xf32>, vector<64x128xf32>, vector<64x128xf32> -> vector<64x128xf32>
    %mul3A_165 = arith.constant 64 : i32
    %mul3A_166 = arith.muli %arg1, %mul3A_165 : i32
    %mul3A_167 = arith.constant 64 : i32
    %mul3A_168 = arith.muli %mul3A_166, %mul3A_167 : i32
    %add3A_169 = arith.constant 64 : i32
    %add3A_170 = arith.addi %add3A_169, %mul3A_168 : i32
    %eq3A_171 = arith.constant 0 : i32
    %eq3A_172 = arith.cmpi eq, %arg0, %eq3A_171 : i32
    %get3A_173 = arith.index_cast %add3A_170 : i32 to index
    %get3A_174 = arith.constant 0 : index
    %get3A_175 = vector.load %arg12[%get3A_173, %get3A_174] : memref<8192x128xf32, #tpu.memory_space<vmem>>, vector<64x128xf32>
    %jit3A_176 = arith.constant 0.000000e+00 : f32
    %broadcast_in_dim3A_177 = vector.broadcast %jit3A_176 : f32 to vector<64x128xf32>
    %select_n3A_178 = arith.select %eq3A_172, %broadcast_in_dim3A_177, %get3A_175 : vector<64x128xf32>
    %mul3A_179 = vector.broadcast %get3A_148 : f32 to vector<64x128xf32>
    %mul3A_180 = arith.mulf %mul3A_179, %dot_general3A_164 : vector<64x128xf32>
    %add3A_181 = arith.addf %select_n3A_178, %mul3A_180 : vector<64x128xf32>
    %gt3A_182 = vector.broadcast %get3A_153 : f32 to vector<64x128xf32>
    %gt3A_183 = arith.cmpf ogt, %add3A_181, %gt3A_182 : vector<64x128xf32>
    %jit3A_184 = arith.constant 1.000000e+00 : f32
    %jit3A_185 = arith.constant 0.000000e+00 : f32
    %broadcast_in_dim3A_186 = vector.broadcast %jit3A_184 : f32 to vector<64x128xf32>
    %broadcast_in_dim3A_187 = vector.broadcast %jit3A_185 : f32 to vector<64x128xf32>
    %select_n3A_188 = arith.select %gt3A_183, %broadcast_in_dim3A_186, %broadcast_in_dim3A_187 : vector<64x128xi1>, vector<64x128xf32>
    %and3A_189 = vector.broadcast %gt3A_155 : i1 to vector<64x128xi1>
    %and3A_190 = arith.andi %and3A_189, %gt3A_183 : vector<64x128xi1>
    %jit3A_191 = arith.constant 0.000000e+00 : f32
    %broadcast_in_dim3A_192 = vector.broadcast %jit3A_191 : f32 to vector<64x128xf32>
    %select_n3A_193 = arith.select %and3A_190, %broadcast_in_dim3A_192, %add3A_181 : vector<64x128xi1>, vector<64x128xf32>
    %swap3A_194 = arith.index_cast %add3A_170 : i32 to index
    %swap3A_195 = arith.constant 0 : index
    %swap3A_196 = vector.load %arg12[%swap3A_194, %swap3A_195] : memref<8192x128xf32, #tpu.memory_space<vmem>>, vector<64x128xf32>
    tpu.vector_store %arg12[%swap3A_194, %swap3A_195], %select_n3A_193 {strides = array<i32>} : memref<8192x128xf32, #tpu.memory_space<vmem>>, vector<64x128xf32>,
    %dot_general3A_197 = arith.constant dense<0.000000e+00> : vector<8x128xf32>
    %dot_general3A_198 = tpu.matmul %get3A_71, %select_n3A_188, %dot_general3A_197 {dimension_numbers = #tpu.dot_dimension_numbers<[1], [0], [0], [1], [0, 0, 1, 1], [], []>, transpose_lhs_hint = false} : vector<8x64xf32>, vector<64x128xf32>, vector<8x128xf32> -> vector<8x128xf32>
    %mul3A_199 = arith.constant 64 : i32
    %mul3A_200 = arith.muli %arg1, %mul3A_199 : i32
    %add3A_201 = arith.constant 1 : i32
    %add3A_202 = arith.addi %mul3A_200, %add3A_201 : i32
    %mul3A_203 = arith.constant 8 : i32
    %mul3A_204 = arith.muli %add3A_202, %mul3A_203 : i32
    %eq3A_205 = arith.constant 0 : i32
    %eq3A_206 = arith.cmpi eq, %arg0, %eq3A_205 : i32
    %add3A_207 = arith.addi %mul3A_14, %mul3A_204 : i32
    %get3A_208 = arith.index_cast %add3A_207 : i32 to index
    %get3A_209 = arith.constant 0 : index
    %get3A_210 = vector.load %arg11[%get3A_208, %get3A_209] : memref<2048x128xf32, #tpu.memory_space<vmem>>, vector<8x128xf32>
    %jit3A_211 = arith.constant 0.000000e+00 : f32
    %broadcast_in_dim3A_212 = vector.broadcast %jit3A_211 : f32 to vector<8x128xf32>
    %select_n3A_213 = arith.select %eq3A_206, %broadcast_in_dim3A_212, %get3A_210 : vector<8x128xf32>
    %select_n3A_214 = arith.select %gt3A_155, %dot_general3A_198, %select_n3A_213 : vector<8x128xf32>
    %add3A_215 = arith.addi %mul3A_34, %mul3A_204 : i32
    %swap3A_216 = arith.index_cast %add3A_215 : i32 to index
    %swap3A_217 = arith.constant 0 : index
    %swap3A_218 = vector.load %arg11[%swap3A_216, %swap3A_217] : memref<2048x128xf32, #tpu.memory_space<vmem>>, vector<8x128xf32>
    tpu.vector_store %arg11[%swap3A_216, %swap3A_217], %select_n3A_214 {strides = array<i32>} : memref<2048x128xf32, #tpu.memory_space<vmem>>, vector<8x128xf32>,
    %get3A_219 = arith.constant 0 : index
    %get3A_220 = arith.constant 2 : index
    %get3A_221 = arith.constant 0 : index
    %get3A_222 = arith.constant 0 : index
    %get3A_223 = memref.load %arg9[%get3A_219, %get3A_220, %get3A_221, %get3A_222] : memref<1x64x1x2xf32, #tpu.memory_space<smem>>
    %get3A_224 = arith.constant 0 : index
    %get3A_225 = arith.constant 2 : index
    %get3A_226 = arith.constant 0 : index
    %get3A_227 = arith.constant 1 : index
    %get3A_228 = memref.load %arg9[%get3A_224, %get3A_225, %get3A_226, %get3A_227] : memref<1x64x1x2xf32, #tpu.memory_space<smem>>
    %gt3A_229 = arith.constant 5.000000e-01 : f32
    %gt3A_230 = arith.cmpf ogt, %get3A_223, %gt3A_229 : f32
    %slice3A_231 = vector.extract_strided_slice %add3A_68 {offsets = [128, 0], sizes = [64, 128], strides = [1, 1]} : vector<4096x128xf32> to vector<64x128xf32>
    %get3A_232 = arith.constant 0 : index
    %get3A_233 = arith.constant 2 : index
    %get3A_234 = arith.constant 0 : index
    %get3A_235 = arith.constant 0 : index
    %get3A_236 = vector.load %arg3[%get3A_232, %get3A_233, %get3A_234, %get3A_235] : memref<1x64x64x64xf32, #tpu.memory_space<vmem>>, vector<1x1x64x64xf32>
    %get3A_237 = vector.shape_cast %get3A_236 : vector<1x1x64x64xf32> to vector<64x64xf32>
    %dot_general3A_238 = arith.constant dense<0.000000e+00> : vector<64x128xf32>
    %dot_general3A_239 = tpu.matmul %get3A_237, %slice3A_231, %dot_general3A_238 {dimension_numbers = #tpu.dot_dimension_numbers<[1], [0], [0], [1], [0, 0, 1, 1], [], []>, transpose_lhs_hint = false} : vector<64x64xf32>, vector<64x128xf32>, vector<64x128xf32> -> vector<64x128xf32>
    %mul3A_240 = arith.constant 64 : i32
    %mul3A_241 = arith.muli %arg1, %mul3A_240 : i32
    %mul3A_242 = arith.constant 64 : i32
    %mul3A_243 = arith.muli %mul3A_241, %mul3A_242 : i32
    %add3A_244 = arith.constant 128 : i32
    %add3A_245 = arith.addi %add3A_244, %mul3A_243 : i32
    %eq3A_246 = arith.constant 0 : i32
    %eq3A_247 = arith.cmpi eq, %arg0, %eq3A_246 : i32
    %get3A_248 = arith.index_cast %add3A_245 : i32 to index
    %get3A_249 = arith.constant 0 : index
    %get3A_250 = vector.load %arg12[%get3A_248, %get3A_249] : memref<8192x128xf32, #tpu.memory_space<vmem>>, vector<64x128xf32>
    %jit3A_251 = arith.constant 0.000000e+00 : f32
    %broadcast_in_dim3A_252 = vector.broadcast %jit3A_251 : f32 to vector<64x128xf32>
    %select_n3A_253 = arith.select %eq3A_247, %broadcast_in_dim3A_252, %get3A_250 : vector<64x128xf32>
    %mul3A_254 = vector.broadcast %get3A_223 : f32 to vector<64x128xf32>
    %mul3A_255 = arith.mulf %mul3A_254, %dot_general3A_239 : vector<64x128xf32>
    %add3A_256 = arith.addf %select_n3A_253, %mul3A_255 : vector<64x128xf32>
    %gt3A_257 = vector.broadcast %get3A_228 : f32 to vector<64x128xf32>
    %gt3A_258 = arith.cmpf ogt, %add3A_256, %gt3A_257 : vector<64x128xf32>
    %jit3A_259 = arith.constant 1.000000e+00 : f32
    %jit3A_260 = arith.constant 0.000000e+00 : f32
    %broadcast_in_dim3A_261 = vector.broadcast %jit3A_259 : f32 to vector<64x128xf32>
    %broadcast_in_dim3A_262 = vector.broadcast %jit3A_260 : f32 to vector<64x128xf32>
    %select_n3A_263 = arith.select %gt3A_258, %broadcast_in_dim3A_261, %broadcast_in_dim3A_262 : vector<64x128xi1>, vector<64x128xf32>
    %and3A_264 = vector.broadcast %gt3A_230 : i1 to vector<64x128xi1>
    %and3A_265 = arith.andi %and3A_264, %gt3A_258 : vector<64x128xi1>
    %jit3A_266 = arith.constant 0.000000e+00 : f32
    %broadcast_in_dim3A_267 = vector.broadcast %jit3A_266 : f32 to vector<64x128xf32>
    %select_n3A_268 = arith.select %and3A_265, %broadcast_in_dim3A_267, %add3A_256 : vector<64x128xi1>, vector<64x128xf32>
    %swap3A_269 = arith.index_cast %add3A_245 : i32 to index
    %swap3A_270 = arith.constant 0 : index
    %swap3A_271 = vector.load %arg12[%swap3A_269, %swap3A_270] : memref<8192x128xf32, #tpu.memory_space<vmem>>, vector<64x128xf32>
    tpu.vector_store %arg12[%swap3A_269, %swap3A_270], %select_n3A_268 {strides = array<i32>} : memref<8192x128xf32, #tpu.memory_space<vmem>>, vector<64x128xf32>,
    %dot_general3A_272 = arith.constant dense<0.000000e+00> : vector<8x128xf32>
    %dot_general3A_273 = tpu.matmul %get3A_71, %select_n3A_263, %dot_general3A_272 {dimension_numbers = #tpu.dot_dimension_numbers<[1], [0], [0], [1], [0, 0, 1, 1], [], []>, transpose_lhs_hint = false} : vector<8x64xf32>, vector<64x128xf32>, vector<8x128xf32> -> vector<8x128xf32>
    %mul3A_274 = arith.constant 64 : i32
    %mul3A_275 = arith.muli %arg1, %mul3A_274 : i32
    %add3A_276 = arith.constant 2 : i32
    %add3A_277 = arith.addi %mul3A_275, %add3A_276 : i32
    %mul3A_278 = arith.constant 8 : i32
    %mul3A_279 = arith.muli %add3A_277, %mul3A_278 : i32
    %eq3A_280 = arith.constant 0 : i32
    %eq3A_281 = arith.cmpi eq, %arg0, %eq3A_280 : i32
    %add3A_282 = arith.addi %mul3A_14, %mul3A_279 : i32
    %get3A_283 = arith.index_cast %add3A_282 : i32 to index
    %get3A_284 = arith.constant 0 : index
    %get3A_285 = vector.load %arg11[%get3A_283, %get3A_284] : memref<2048x128xf32, #tpu.memory_space<vmem>>, vector<8x128xf32>
    %jit3A_286 = arith.constant 0.000000e+00 : f32
    %broadcast_in_dim3A_287 = vector.broadcast %jit3A_286 : f32 to vector<8x128xf32>
    %select_n3A_288 = arith.select %eq3A_281, %broadcast_in_dim3A_287, %get3A_285 : vector<8x128xf32>
    %select_n3A_289 = arith.select %gt3A_230, %dot_general3A_273, %select_n3A_288 : vector<8x128xf32>
    %add3A_290 = arith.addi %mul3A_34, %mul3A_279 : i32
    %swap3A_291 = arith.index_cast %add3A_290 : i32 to index
    %swap3A_292 = arith.constant 0 : index
    %swap3A_293 = vector.load %arg11[%swap3A_291, %swap3A_292] : memref<2048x128xf32, #tpu.memory_space<vmem>>, vector<8x128xf32>
    tpu.vector_store %arg11[%swap3A_291, %swap3A_292], %select_n3A_289 {strides = array<i32>} : memref<2048x128xf32, #tpu.memory_space<vmem>>, vector<8x128xf32>,
    %get3A_294 = arith.constant 0 : index
    %get3A_295 = arith.constant 3 : index
    %get3A_296 = arith.constant 0 : index
    %get3A_297 = arith.constant 0 : index
    %get3A_298 = memref.load %arg9[%get3A_294, %get3A_295, %get3A_296, %get3A_297] : memref<1x64x1x2xf32, #tpu.memory_space<smem>>
    %get3A_299 = arith.constant 0 : index
    %get3A_300 = arith.constant 3 : index
    %get3A_301 = arith.constant 0 : index
    %get3A_302 = arith.constant 1 : index
    %get3A_303 = memref.load %arg9[%get3A_299, %get3A_300, %get3A_301, %get3A_302] : memref<1x64x1x2xf32, #tpu.memory_space<smem>>
    %gt3A_304 = arith.constant 5.000000e-01 : f32
    %gt3A_305 = arith.cmpf ogt, %get3A_298, %gt3A_304 : f32
    %slice3A_306 = vector.extract_strided_slice %add3A_68 {offsets = [192, 0], sizes = [64, 128], strides = [1, 1]} : vector<4096x128xf32> to vector<64x128xf32>
    %get3A_307 = arith.constant 0 : index
    %get3A_308 = arith.constant 3 : index
    %get3A_309 = arith.constant 0 : index
    %get3A_310 = arith.constant 0 : index
    %get3A_311 = vector.load %arg3[%get3A_307, %get3A_308, %get3A_309, %get3A_310] : memref<1x64x64x64xf32, #tpu.memory_space<vmem>>, vector<1x1x64x64xf32>
    %get3A_312 = vector.shape_cast %get3A_311 : vector<1x1x64x64xf32> to vector<64x64xf32>
    %dot_general3A_313 = arith.constant dense<0.000000e+00> : vector<64x128xf32>
    %dot_general3A_314 = tpu.matmul %get3A_312, %slice3A_306, %dot_general3A_313 {dimension_numbers = #tpu.dot_dimension_numbers<[1], [0], [0], [1], [0, 0, 1, 1], [], []>, transpose_lhs_hint = false} : vector<64x64xf32>, vector<64x128xf32>, vector<64x128xf32> -> vector<64x128xf32>
    %mul3A_315 = arith.constant 64 : i32
    %mul3A_316 = arith.muli %arg1, %mul3A_315 : i32
    %mul3A_317 = arith.constant 64 : i32
    %mul3A_318 = arith.muli %mul3A_316, %mul3A_317 : i32
    %add3A_319 = arith.constant 192 : i32
    %add3A_320 = arith.addi %add3A_319, %mul3A_318 : i32
    %eq3A_321 = arith.constant 0 : i32
    %eq3A_322 = arith.cmpi eq, %arg0, %eq3A_321 : i32
    %get3A_323 = arith.index_cast %add3A_320 : i32 to index
    %get3A_324 = arith.constant 0 : index
    %get3A_325 = vector.load %arg12[%get3A_323, %get3A_324] : memref<8192x128xf32, #tpu.memory_space<vmem>>, vector<64x128xf32>
    %jit3A_326 = arith.constant 0.000000e+00 : f32
    %broadcast_in_dim3A_327 = vector.broadcast %jit3A_326 : f32 to vector<64x128xf32>
    %select_n3A_328 = arith.select %eq3A_322, %broadcast_in_dim3A_327, %get3A_325 : vector<64x128xf32>
    %mul3A_329 = vector.broadcast %get3A_298 : f32 to vector<64x128xf32>
    %mul3A_330 = arith.mulf %mul3A_329, %dot_general3A_314 : vector<64x128xf32>
    %add3A_331 = arith.addf %select_n3A_328, %mul3A_330 : vector<64x128xf32>
    %gt3A_332 = vector.broadcast %get3A_303 : f32 to vector<64x128xf32>
    %gt3A_333 = arith.cmpf ogt, %add3A_331, %gt3A_332 : vector<64x128xf32>
    %jit3A_334 = arith.constant 1.000000e+00 : f32
    %jit3A_335 = arith.constant 0.000000e+00 : f32
    %broadcast_in_dim3A_336 = vector.broadcast %jit3A_334 : f32 to vector<64x128xf32>
    %broadcast_in_dim3A_337 = vector.broadcast %jit3A_335 : f32 to vector<64x128xf32>
    %select_n3A_338 = arith.select %gt3A_333, %broadcast_in_dim3A_336, %broadcast_in_dim3A_337 : vector<64x128xi1>, vector<64x128xf32>
    %and3A_339 = vector.broadcast %gt3A_305 : i1 to vector<64x128xi1>
    %and3A_340 = arith.andi %and3A_339, %gt3A_333 : vector<64x128xi1>
    %jit3A_341 = arith.constant 0.000000e+00 : f32
    %broadcast_in_dim3A_342 = vector.broadcast %jit3A_341 : f32 to vector<64x128xf32>
    %select_n3A_343 = arith.select %and3A_340, %broadcast_in_dim3A_342, %add3A_331 : vector<64x128xi1>, vector<64x128xf32>
    %swap3A_344 = arith.index_cast %add3A_320 : i32 to index
    %swap3A_345 = arith.constant 0 : index
    %swap3A_346 = vector.load %arg12[%swap3A_344, %swap3A_345] : memref<8192x128xf32, #tpu.memory_space<vmem>>, vector<64x128xf32>
    tpu.vector_store %arg12[%swap3A_344, %swap3A_345], %select_n3A_343 {strides = array<i32>} : memref<8192x128xf32, #tpu.memory_space<vmem>>, vector<64x128xf32>,
    %dot_general3A_347 = arith.constant dense<0.000000e+00> : vector<8x128xf32>
    %dot_general3A_348 = tpu.matmul %get3A_71, %select_n3A_338, %dot_general3A_347 {dimension_numbers = #tpu.dot_dimension_numbers<[1], [0], [0], [1], [0, 0, 1, 1], [], []>, transpose_lhs_hint = false} : vector<8x64xf32>, vector<64x128xf32>, vector<8x128xf32> -> vector<8x128xf32>
    %mul3A_349 = arith.constant 64 : i32
    %mul3A_350 = arith.muli %arg1, %mul3A_349 : i32
    %add3A_351 = arith.constant 3 : i32
    %add3A_352 = arith.addi %mul3A_350, %add3A_351 : i32
    %mul3A_353 = arith.constant 8 : i32
    %mul3A_354 = arith.muli %add3A_352, %mul3A_353 : i32
    %eq3A_355 = arith.constant 0 : i32
    %eq3A_356 = arith.cmpi eq, %arg0, %eq3A_355 : i32
    %add3A_357 = arith.addi %mul3A_14, %mul3A_354 : i32
    %get3A_358 = arith.index_cast %add3A_357 : i32 to index
    %get3A_359 = arith.constant 0 : index
    %get3A_360 = vector.load %arg11[%get3A_358, %get3A_359] : memref<2048x128xf32, #tpu.memory_space<vmem>>, vector<8x128xf32>
    %jit3A_361 = arith.constant 0.000000e+00 : f32
    %broadcast_in_dim3A_362 = vector.broadcast %jit3A_361 : f32 to vector<8x128xf32>
    %select_n3A_363 = arith.select %eq3A_356, %broadcast_in_dim3A_362, %get3A_360 : vector<8x128xf32>
    %select_n3A_364 = arith.select %gt3A_305, %dot_general3A_348, %select_n3A_363 : vector<8x128xf32>
    %add3A_365 = arith.addi %mul3A_34, %mul3A_354 : i32
    %swap3A_366 = arith.index_cast %add3A_365 : i32 to index
    %swap3A_367 = arith.constant 0 : index
    %swap3A_368 = vector.load %arg11[%swap3A_366, %swap3A_367] : memref<2048x128xf32, #tpu.memory_space<vmem>>, vector<8x128xf32>
    tpu.vector_store %arg11[%swap3A_366, %swap3A_367], %select_n3A_364 {strides = array<i32>} : memref<2048x128xf32, #tpu.memory_space<vmem>>, vector<8x128xf32>,
    %get3A_369 = arith.constant 0 : index
    %get3A_370 = arith.constant 4 : index
    %get3A_371 = arith.constant 0 : index
    %get3A_372 = arith.constant 0 : index
    %get3A_373 = memref.load %arg9[%get3A_369, %get3A_370, %get3A_371, %get3A_372] : memref<1x64x1x2xf32, #tpu.memory_space<smem>>
    %get3A_374 = arith.constant 0 : index
    %get3A_375 = arith.constant 4 : index
    %get3A_376 = arith.constant 0 : index
    %get3A_377 = arith.constant 1 : index
    %get3A_378 = memref.load %arg9[%get3A_374, %get3A_375, %get3A_376, %get3A_377] : memref<1x64x1x2xf32, #tpu.memory_space<smem>>
    %gt3A_379 = arith.constant 5.000000e-01 : f32
    %gt3A_380 = arith.cmpf ogt, %get3A_373, %gt3A_379 : f32
    %slice3A_381 = vector.extract_strided_slice %add3A_68 {offsets = [256, 0], sizes = [64, 128], strides = [1, 1]} : vector<4096x128xf32> to vector<64x128xf32>
    %get3A_382 = arith.constant 0 : index
    %get3A_383 = arith.constant 4 : index
    %get3A_384 = arith.constant 0 : index
    %get3A_385 = arith.constant 0 : index
    %get3A_386 = vector.load %arg3[%get3A_382, %get3A_383, %get3A_384, %get3A_385] : memref<1x64x64x64xf32, #tpu.memory_space<vmem>>, vector<1x1x64x64xf32>
    %get3A_387 = vector.shape_cast %get3A_386 : vector<1x1x64x64xf32> to vector<64x64xf32>
    %dot_general3A_388 = arith.constant dense<0.000000e+00> : vector<64x128xf32>
    %dot_general3A_389 = tpu.matmul %get3A_387, %slice3A_381, %dot_general3A_388 {dimension_numbers = #tpu.dot_dimension_numbers<[1], [0], [0], [1], [0, 0, 1, 1], [], []>, transpose_lhs_hint = false} : vector<64x64xf32>, vector<64x128xf32>, vector<64x128xf32> -> vector<64x128xf32>
    %mul3A_390 = arith.constant 64 : i32
    %mul3A_391 = arith.muli %arg1, %mul3A_390 : i32
    %mul3A_392 = arith.constant 64 : i32
    %mul3A_393 = arith.muli %mul3A_391, %mul3A_392 : i32
    %add3A_394 = arith.constant 256 : i32
    %add3A_395 = arith.addi %add3A_394, %mul3A_393 : i32
    %eq3A_396 = arith.constant 0 : i32
    %eq3A_397 = arith.cmpi eq, %arg0, %eq3A_396 : i32
    %get3A_398 = arith.index_cast %add3A_395 : i32 to index
    %get3A_399 = arith.constant 0 : index
    %get3A_400 = vector.load %arg12[%get3A_398, %get3A_399] : memref<8192x128xf32, #tpu.memory_space<vmem>>, vector<64x128xf32>
    %jit3A_401 = arith.constant 0.000000e+00 : f32
    %broadcast_in_dim3A_402 = vector.broadcast %jit3A_401 : f32 to vector<64x128xf32>
    %select_n3A_403 = arith.select %eq3A_397, %broadcast_in_dim3A_402, %get3A_400 : vector<64x128xf32>
    %mul3A_404 = vector.broadcast %get3A_373 : f32 to vector<64x128xf32>
    %mul3A_405 = arith.mulf %mul3A_404, %dot_general3A_389 : vector<64x128xf32>
    %add3A_406 = arith.addf %select_n3A_403, %mul3A_405 : vector<64x128xf32>
    %gt3A_407 = vector.broadcast %get3A_378 : f32 to vector<64x128xf32>
    %gt3A_408 = arith.cmpf ogt, %add3A_406, %gt3A_407 : vector<64x128xf32>
    %jit3A_409 = arith.constant 1.000000e+00 : f32
    %jit3A_410 = arith.constant 0.000000e+00 : f32
    %broadcast_in_dim3A_411 = vector.broadcast %jit3A_409 : f32 to vector<64x128xf32>
    %broadcast_in_dim3A_412 = vector.broadcast %jit3A_410 : f32 to vector<64x128xf32>
    %select_n3A_413 = arith.select %gt3A_408, %broadcast_in_dim3A_411, %broadcast_in_dim3A_412 : vector<64x128xi1>, vector<64x128xf32>
    %and3A_414 = vector.broadcast %gt3A_380 : i1 to vector<64x128xi1>
    %and3A_415 = arith.andi %and3A_414, %gt3A_408 : vector<64x128xi1>
    %jit3A_416 = arith.constant 0.000000e+00 : f32
    %broadcast_in_dim3A_417 = vector.broadcast %jit3A_416 : f32 to vector<64x128xf32>
    %select_n3A_418 = arith.select %and3A_415, %broadcast_in_dim3A_417, %add3A_406 : vector<64x128xi1>, vector<64x128xf32>
    %swap3A_419 = arith.index_cast %add3A_395 : i32 to index
    %swap3A_420 = arith.constant 0 : index
    %swap3A_421 = vector.load %arg12[%swap3A_419, %swap3A_420] : memref<8192x128xf32, #tpu.memory_space<vmem>>, vector<64x128xf32>
    tpu.vector_store %arg12[%swap3A_419, %swap3A_420], %select_n3A_418 {strides = array<i32>} : memref<8192x128xf32, #tpu.memory_space<vmem>>, vector<64x128xf32>,
    %dot_general3A_422 = arith.constant dense<0.000000e+00> : vector<8x128xf32>
    %dot_general3A_423 = tpu.matmul %get3A_71, %select_n3A_413, %dot_general3A_422 {dimension_numbers = #tpu.dot_dimension_numbers<[1], [0], [0], [1], [0, 0, 1, 1], [], []>, transpose_lhs_hint = false} : vector<8x64xf32>, vector<64x128xf32>, vector<8x128xf32> -> vector<8x128xf32>
    %mul3A_424 = arith.constant 64 : i32
    %mul3A_425 = arith.muli %arg1, %mul3A_424 : i32
    %add3A_426 = arith.constant 4 : i32
    %add3A_427 = arith.addi %mul3A_425, %add3A_426 : i32
    %mul3A_428 = arith.constant 8 : i32
    %mul3A_429 = arith.muli %add3A_427, %mul3A_428 : i32
    %eq3A_430 = arith.constant 0 : i32
    %eq3A_431 = arith.cmpi eq, %arg0, %eq3A_430 : i32
    %add3A_432 = arith.addi %mul3A_14, %mul3A_429 : i32
    %get3A_433 = arith.index_cast %add3A_432 : i32 to index
    %get3A_434 = arith.constant 0 : index
    %get3A_435 = vector.load %arg11[%get3A_433, %get3A_434] : memref<2048x128xf32, #tpu.memory_space<vmem>>, vector<8x128xf32>
    %jit3A_436 = arith.constant 0.000000e+00 : f32
    %broadcast_in_dim3A_437 = vector.broadcast %jit3A_436 : f32 to vector<8x128xf32>
    %select_n3A_438 = arith.select %eq3A_431, %broadcast_in_dim3A_437, %get3A_435 : vector<8x128xf32>
    %select_n3A_439 = arith.select %gt3A_380, %dot_general3A_423, %select_n3A_438 : vector<8x128xf32>
    %add3A_440 = arith.addi %mul3A_34, %mul3A_429 : i32
    %swap3A_441 = arith.index_cast %add3A_440 : i32 to index
    %swap3A_442 = arith.constant 0 : index
    %swap3A_443 = vector.load %arg11[%swap3A_441, %swap3A_442] : memref<2048x128xf32, #tpu.memory_space<vmem>>, vector<8x128xf32>
    tpu.vector_store %arg11[%swap3A_441, %swap3A_442], %select_n3A_439 {strides = array<i32>} : memref<2048x128xf32, #tpu.memory_space<vmem>>, vector<8x128xf32>,
    %get3A_444 = arith.constant 0 : index
    %get3A_445 = arith.constant 5 : index
    %get3A_446 = arith.constant 0 : index
    %get3A_447 = arith.constant 0 : index
    %get3A_448 = memref.load %arg9[%get3A_444, %get3A_445, %get3A_446, %get3A_447] : memref<1x64x1x2xf32, #tpu.memory_space<smem>>
    %get3A_449 = arith.constant 0 : index
    %get3A_450 = arith.constant 5 : index
    %get3A_451 = arith.constant 0 : index
    %get3A_452 = arith.constant 1 : index
    %get3A_453 = memref.load %arg9[%get3A_449, %get3A_450, %get3A_451, %get3A_452] : memref<1x64x1x2xf32, #tpu.memory_space<smem>>
    %gt3A_454 = arith.constant 5.000000e-01 : f32
    %gt3A_455 = arith.cmpf ogt, %get3A_448, %gt3A_454 : f32
    %slice3A_456 = vector.extract_strided_slice %add3A_68 {offsets = [320, 0], sizes = [64, 128], strides = [1, 1]} : vector<4096x128xf32> to vector<64x128xf32>
    %get3A_457 = arith.constant 0 : index
    %get3A_458 = arith.constant 5 : index
    %get3A_459 = arith.constant 0 : index
    %get3A_460 = arith.constant 0 : index
    %get3A_461 = vector.load %arg3[%get3A_457, %get3A_458, %get3A_459, %get3A_460] : memref<1x64x64x64xf32, #tpu.memory_space<vmem>>, vector<1x1x64x64xf32>
    %get3A_462 = vector.shape_cast %get3A_461 : vector<1x1x64x64xf32> to vector<64x64xf32>
    %dot_general3A_463 = arith.constant dense<0.000000e+00> : vector<64x128xf32>
    %dot_general3A_464 = tpu.matmul %get3A_462, %slice3A_456, %dot_general3A_463 {dimension_numbers = #tpu.dot_dimension_numbers<[1], [0], [0], [1], [0, 0, 1, 1], [], []>, transpose_lhs_hint = false} : vector<64x64xf32>, vector<64x128xf32>, vector<64x128xf32> -> vector<64x128xf32>
    %mul3A_465 = arith.constant 64 : i32
    %mul3A_466 = arith.muli %arg1, %mul3A_465 : i32
    %mul3A_467 = arith.constant 64 : i32
    %mul3A_468 = arith.muli %mul3A_466, %mul3A_467 : i32
    %add3A_469 = arith.constant 320 : i32
    %add3A_470 = arith.addi %add3A_469, %mul3A_468 : i32
    %eq3A_471 = arith.constant 0 : i32
    %eq3A_472 = arith.cmpi eq, %arg0, %eq3A_471 : i32
    %get3A_473 = arith.index_cast %add3A_470 : i32 to index
    %get3A_474 = arith.constant 0 : index
    %get3A_475 = vector.load %arg12[%get3A_473, %get3A_474] : memref<8192x128xf32, #tpu.memory_space<vmem>>, vector<64x128xf32>
    %jit3A_476 = arith.constant 0.000000e+00 : f32
    %broadcast_in_dim3A_477 = vector.broadcast %jit3A_476 : f32 to vector<64x128xf32>
    %select_n3A_478 = arith.select %eq3A_472, %broadcast_in_dim3A_477, %get3A_475 : vector<64x128xf32>
    %mul3A_479 = vector.broadcast %get3A_448 : f32 to vector<64x128xf32>
    %mul3A_480 = arith.mulf %mul3A_479, %dot_general3A_464 : vector<64x128xf32>
    %add3A_481 = arith.addf %select_n3A_478, %mul3A_480 : vector<64x128xf32>
    %gt3A_482 = vector.broadcast %get3A_453 : f32 to vector<64x128xf32>
    %gt3A_483 = arith.cmpf ogt, %add3A_481, %gt3A_482 : vector<64x128xf32>
    %jit3A_484 = arith.constant 1.000000e+00 : f32
    %jit3A_485 = arith.constant 0.000000e+00 : f32
    %broadcast_in_dim3A_486 = vector.broadcast %jit3A_484 : f32 to vector<64x128xf32>
    %broadcast_in_dim3A_487 = vector.broadcast %jit3A_485 : f32 to vector<64x128xf32>
    %select_n3A_488 = arith.select %gt3A_483, %broadcast_in_dim3A_486, %broadcast_in_dim3A_487 : vector<64x128xi1>, vector<64x128xf32>
    %and3A_489 = vector.broadcast %gt3A_455 : i1 to vector<64x128xi1>
    %and3A_490 = arith.andi %and3A_489, %gt3A_483 : vector<64x128xi1>
    %jit3A_491 = arith.constant 0.000000e+00 : f32
    %broadcast_in_dim3A_492 = vector.broadcast %jit3A_491 : f32 to vector<64x128xf32>
    %select_n3A_493 = arith.select %and3A_490, %broadcast_in_dim3A_492, %add3A_481 : vector<64x128xi1>, vector<64x128xf32>
    %swap3A_494 = arith.index_cast %add3A_470 : i32 to index
    %swap3A_495 = arith.constant 0 : index
    %swap3A_496 = vector.load %arg12[%swap3A_494, %swap3A_495] : memref<8192x128xf32, #tpu.memory_space<vmem>>, vector<64x128xf32>
    tpu.vector_store %arg12[%swap3A_494, %swap3A_495], %select_n3A_493 {strides = array<i32>} : memref<8192x128xf32, #tpu.memory_space<vmem>>, vector<64x128xf32>,
    %dot_general3A_497 = arith.constant dense<0.000000e+00> : vector<8x128xf32>
    %dot_general3A_498 = tpu.matmul %get3A_71, %select_n3A_488, %dot_general3A_497 {dimension_numbers = #tpu.dot_dimension_numbers<[1], [0], [0], [1], [0, 0, 1, 1], [], []>, transpose_lhs_hint = false} : vector<8x64xf32>, vector<64x128xf32>, vector<8x128xf32> -> vector<8x128xf32>
    %mul3A_499 = arith.constant 64 : i32
    %mul3A_500 = arith.muli %arg1, %mul3A_499 : i32
    %add3A_501 = arith.constant 5 : i32
    %add3A_502 = arith.addi %mul3A_500, %add3A_501 : i32
    %mul3A_503 = arith.constant 8 : i32
    %mul3A_504 = arith.muli %add3A_502, %mul3A_503 : i32
    %eq3A_505 = arith.constant 0 : i32
    %eq3A_506 = arith.cmpi eq, %arg0, %eq3A_505 : i32
    %add3A_507 = arith.addi %mul3A_14, %mul3A_504 : i32
    %get3A_508 = arith.index_cast %add3A_507 : i32 to index
    %get3A_509 = arith.constant 0 : index
    %get3A_510 = vector.load %arg11[%get3A_508, %get3A_509] : memref<2048x128xf32, #tpu.memory_space<vmem>>, vector<8x128xf32>
    %jit3A_511 = arith.constant 0.000000e+00 : f32
    %broadcast_in_dim3A_512 = vector.broadcast %jit3A_511 : f32 to vector<8x128xf32>
    %select_n3A_513 = arith.select %eq3A_506, %broadcast_in_dim3A_512, %get3A_510 : vector<8x128xf32>
    %select_n3A_514 = arith.select %gt3A_455, %dot_general3A_498, %select_n3A_513 : vector<8x128xf32>
    %add3A_515 = arith.addi %mul3A_34, %mul3A_504 : i32
    %swap3A_516 = arith.index_cast %add3A_515 : i32 to index
    %swap3A_517 = arith.constant 0 : index
    %swap3A_518 = vector.load %arg11[%swap3A_516, %swap3A_517] : memref<2048x128xf32, #tpu.memory_space<vmem>>, vector<8x128xf32>
    tpu.vector_store %arg11[%swap3A_516, %swap3A_517], %select_n3A_514 {strides = array<i32>} : memref<2048x128xf32, #tpu.memory_space<vmem>>, vector<8x128xf32>,
    %get3A_519 = arith.constant 0 : index
    %get3A_520 = arith.constant 6 : index
    %get3A_521 = arith.constant 0 : index
    %get3A_522 = arith.constant 0 : index
    %get3A_523 = memref.load %arg9[%get3A_519, %get3A_520, %get3A_521, %get3A_522] : memref<1x64x1x2xf32, #tpu.memory_space<smem>>
    %get3A_524 = arith.constant 0 : index
    %get3A_525 = arith.constant 6 : index
    %get3A_526 = arith.constant 0 : index
    %get3A_527 = arith.constant 1 : index
    %get3A_528 = memref.load %arg9[%get3A_524, %get3A_525, %get3A_526, %get3A_527] : memref<1x64x1x2xf32, #tpu.memory_space<smem>>
    %gt3A_529 = arith.constant 5.000000e-01 : f32
    %gt3A_530 = arith.cmpf ogt, %get3A_523, %gt3A_529 : f32
    %slice3A_531 = vector.extract_strided_slice %add3A_68 {offsets = [384, 0], sizes = [64, 128], strides = [1, 1]} : vector<4096x128xf32> to vector<64x128xf32>
    %get3A_532 = arith.constant 0 : index
    %get3A_533 = arith.constant 6 : index
    %get3A_534 = arith.constant 0 : index
    %get3A_535 = arith.constant 0 : index
    %get3A_536 = vector.load %arg3[%get3A_532, %get3A_533, %get3A_534, %get3A_535] : memref<1x64x64x64xf32, #tpu.memory_space<vmem>>, vector<1x1x64x64xf32>
    %get3A_537 = vector.shape_cast %get3A_536 : vector<1x1x64x64xf32> to vector<64x64xf32>
    %dot_general3A_538 = arith.constant dense<0.000000e+00> : vector<64x128xf32>
    %dot_general3A_539 = tpu.matmul %get3A_537, %slice3A_531, %dot_general3A_538 {dimension_numbers = #tpu.dot_dimension_numbers<[1], [0], [0], [1], [0, 0, 1, 1], [], []>, transpose_lhs_hint = false} : vector<64x64xf32>, vector<64x128xf32>, vector<64x128xf32> -> vector<64x128xf32>
    %mul3A_540 = arith.constant 64 : i32
    %mul3A_541 = arith.muli %arg1, %mul3A_540 : i32
    %mul3A_542 = arith.constant 64 : i32
    %mul3A_543 = arith.muli %mul3A_541, %mul3A_542 : i32
    %add3A_544 = arith.constant 384 : i32
    %add3A_545 = arith.addi %add3A_544, %mul3A_543 : i32
    %eq3A_546 = arith.constant 0 : i32
    %eq3A_547 = arith.cmpi eq, %arg0, %eq3A_546 : i32
    %get3A_548 = arith.index_cast %add3A_545 : i32 to index
    %get3A_549 = arith.constant 0 : index
    %get3A_550 = vector.load %arg12[%get3A_548, %get3A_549] : memref<8192x128xf32, #tpu.memory_space<vmem>>, vector<64x128xf32>
    %jit3A_551 = arith.constant 0.000000e+00 : f32
    %broadcast_in_dim3A_552 = vector.broadcast %jit3A_551 : f32 to vector<64x128xf32>
    %select_n3A_553 = arith.select %eq3A_547, %broadcast_in_dim3A_552, %get3A_550 : vector<64x128xf32>
    %mul3A_554 = vector.broadcast %get3A_523 : f32 to vector<64x128xf32>
    %mul3A_555 = arith.mulf %mul3A_554, %dot_general3A_539 : vector<64x128xf32>
    %add3A_556 = arith.addf %select_n3A_553, %mul3A_555 : vector<64x128xf32>
    %gt3A_557 = vector.broadcast %get3A_528 : f32 to vector<64x128xf32>
    %gt3A_558 = arith.cmpf ogt, %add3A_556, %gt3A_557 : vector<64x128xf32>
    %jit3A_559 = arith.constant 1.000000e+00 : f32
    %jit3A_560 = arith.constant 0.000000e+00 : f32
    %broadcast_in_dim3A_561 = vector.broadcast %jit3A_559 : f32 to vector<64x128xf32>
    %broadcast_in_dim3A_562 = vector.broadcast %jit3A_560 : f32 to vector<64x128xf32>
    %select_n3A_563 = arith.select %gt3A_558, %broadcast_in_dim3A_561, %broadcast_in_dim3A_562 : vector<64x128xi1>, vector<64x128xf32>
    %and3A_564 = vector.broadcast %gt3A_530 : i1 to vector<64x128xi1>
    %and3A_565 = arith.andi %and3A_564, %gt3A_558 : vector<64x128xi1>
    %jit3A_566 = arith.constant 0.000000e+00 : f32
    %broadcast_in_dim3A_567 = vector.broadcast %jit3A_566 : f32 to vector<64x128xf32>
    %select_n3A_568 = arith.select %and3A_565, %broadcast_in_dim3A_567, %add3A_556 : vector<64x128xi1>, vector<64x128xf32>
    %swap3A_569 = arith.index_cast %add3A_545 : i32 to index
    %swap3A_570 = arith.constant 0 : index
    %swap3A_571 = vector.load %arg12[%swap3A_569, %swap3A_570] : memref<8192x128xf32, #tpu.memory_space<vmem>>, vector<64x128xf32>
    tpu.vector_store %arg12[%swap3A_569, %swap3A_570], %select_n3A_568 {strides = array<i32>} : memref<8192x128xf32, #tpu.memory_space<vmem>>, vector<64x128xf32>,
    %dot_general3A_572 = arith.constant dense<0.000000e+00> : vector<8x128xf32>
    %dot_general3A_573 = tpu.matmul %get3A_71, %select_n3A_563, %dot_general3A_572 {dimension_numbers = #tpu.dot_dimension_numbers<[1], [0], [0], [1], [0, 0, 1, 1], [], []>, transpose_lhs_hint = false} : vector<8x64xf32>, vector<64x128xf32>, vector<8x128xf32> -> vector<8x128xf32>
    %mul3A_574 = arith.constant 64 : i32
    %mul3A_575 = arith.muli %arg1, %mul3A_574 : i32
    %add3A_576 = arith.constant 6 : i32
    %add3A_577 = arith.addi %mul3A_575, %add3A_576 : i32
    %mul3A_578 = arith.constant 8 : i32
    %mul3A_579 = arith.muli %add3A_577, %mul3A_578 : i32
    %eq3A_580 = arith.constant 0 : i32
    %eq3A_581 = arith.cmpi eq, %arg0, %eq3A_580 : i32
    %add3A_582 = arith.addi %mul3A_14, %mul3A_579 : i32
    %get3A_583 = arith.index_cast %add3A_582 : i32 to index
    %get3A_584 = arith.constant 0 : index
    %get3A_585 = vector.load %arg11[%get3A_583, %get3A_584] : memref<2048x128xf32, #tpu.memory_space<vmem>>, vector<8x128xf32>
    %jit3A_586 = arith.constant 0.000000e+00 : f32
    %broadcast_in_dim3A_587 = vector.broadcast %jit3A_586 : f32 to vector<8x128xf32>
    %select_n3A_588 = arith.select %eq3A_581, %broadcast_in_dim3A_587, %get3A_585 : vector<8x128xf32>
    %select_n3A_589 = arith.select %gt3A_530, %dot_general3A_573, %select_n3A_588 : vector<8x128xf32>
    %add3A_590 = arith.addi %mul3A_34, %mul3A_579 : i32
    %swap3A_591 = arith.index_cast %add3A_590 : i32 to index
    %swap3A_592 = arith.constant 0 : index
    %swap3A_593 = vector.load %arg11[%swap3A_591, %swap3A_592] : memref<2048x128xf32, #tpu.memory_space<vmem>>, vector<8x128xf32>
    tpu.vector_store %arg11[%swap3A_591, %swap3A_592], %select_n3A_589 {strides = array<i32>} : memref<2048x128xf32, #tpu.memory_space<vmem>>, vector<8x128xf32>,
    %get3A_594 = arith.constant 0 : index
    %get3A_595 = arith.constant 7 : index
    %get3A_596 = arith.constant 0 : index
    %get3A_597 = arith.constant 0 : index
    %get3A_598 = memref.load %arg9[%get3A_594, %get3A_595, %get3A_596, %get3A_597] : memref<1x64x1x2xf32, #tpu.memory_space<smem>>
    %get3A_599 = arith.constant 0 : index
    %get3A_600 = arith.constant 7 : index
    %get3A_601 = arith.constant 0 : index
    %get3A_602 = arith.constant 1 : index
    %get3A_603 = memref.load %arg9[%get3A_599, %get3A_600, %get3A_601, %get3A_602] : memref<1x64x1x2xf32, #tpu.memory_space<smem>>
    %gt3A_604 = arith.constant 5.000000e-01 : f32
    %gt3A_605 = arith.cmpf ogt, %get3A_598, %gt3A_604 : f32
    %slice3A_606 = vector.extract_strided_slice %add3A_68 {offsets = [448, 0], sizes = [64, 128], strides = [1, 1]} : vector<4096x128xf32> to vector<64x128xf32>
    %get3A_607 = arith.constant 0 : index
    %get3A_608 = arith.constant 7 : index
    %get3A_609 = arith.constant 0 : index
    %get3A_610 = arith.constant 0 : index
    %get3A_611 = vector.load %arg3[%get3A_607, %get3A_608, %get3A_609, %get3A_610] : memref<1x64x64x64xf32, #tpu.memory_space<vmem>>, vector<1x1x64x64xf32>
    %get3A_612 = vector.shape_cast %get3A_611 : vector<1x1x64x64xf32> to vector<64x64xf32>
    %dot_general3A_613 = arith.constant dense<0.000000e+00> : vector<64x128xf32>
    %dot_general3A_614 = tpu.matmul %get3A_612, %slice3A_606, %dot_general3A_613 {dimension_numbers = #tpu.dot_dimension_numbers<[1], [0], [0], [1], [0, 0, 1, 1], [], []>, transpose_lhs_hint = false} : vector<64x64xf32>, vector<64x128xf32>, vector<64x128xf32> -> vector<64x128xf32>
    %mul3A_615 = arith.constant 64 : i32
    %mul3A_616 = arith.muli %arg1, %mul3A_615 : i32
    %mul3A_617 = arith.constant 64 : i32
    %mul3A_618 = arith.muli %mul3A_616, %mul3A_617 : i32
    %add3A_619 = arith.constant 448 : i32
    %add3A_620 = arith.addi %add3A_619, %mul3A_618 : i32
    %eq3A_621 = arith.constant 0 : i32
    %eq3A_622 = arith.cmpi eq, %arg0, %eq3A_621 : i32
    %get3A_623 = arith.index_cast %add3A_620 : i32 to index
    %get3A_624 = arith.constant 0 : index
    %get3A_625 = vector.load %arg12[%get3A_623, %get3A_624] : memref<8192x128xf32, #tpu.memory_space<vmem>>, vector<64x128xf32>
    %jit3A_626 = arith.constant 0.000000e+00 : f32
    %broadcast_in_dim3A_627 = vector.broadcast %jit3A_626 : f32 to vector<64x128xf32>
    %select_n3A_628 = arith.select %eq3A_622, %broadcast_in_dim3A_627, %get3A_625 : vector<64x128xf32>
    %mul3A_629 = vector.broadcast %get3A_598 : f32 to vector<64x128xf32>
    %mul3A_630 = arith.mulf %mul3A_629, %dot_general3A_614 : vector<64x128xf32>
    %add3A_631 = arith.addf %select_n3A_628, %mul3A_630 : vector<64x128xf32>
    %gt3A_632 = vector.broadcast %get3A_603 : f32 to vector<64x128xf32>
    %gt3A_633 = arith.cmpf ogt, %add3A_631, %gt3A_632 : vector<64x128xf32>
    %jit3A_634 = arith.constant 1.000000e+00 : f32
    %jit3A_635 = arith.constant 0.000000e+00 : f32
    %broadcast_in_dim3A_636 = vector.broadcast %jit3A_634 : f32 to vector<64x128xf32>
    %broadcast_in_dim3A_637 = vector.broadcast %jit3A_635 : f32 to vector<64x128xf32>
    %select_n3A_638 = arith.select %gt3A_633, %broadcast_in_dim3A_636, %broadcast_in_dim3A_637 : vector<64x128xi1>, vector<64x128xf32>
    %and3A_639 = vector.broadcast %gt3A_605 : i1 to vector<64x128xi1>
    %and3A_640 = arith.andi %and3A_639, %gt3A_633 : vector<64x128xi1>
    %jit3A_641 = arith.constant 0.000000e+00 : f32
    %broadcast_in_dim3A_642 = vector.broadcast %jit3A_641 : f32 to vector<64x128xf32>
    %select_n3A_643 = arith.select %and3A_640, %broadcast_in_dim3A_642, %add3A_631 : vector<64x128xi1>, vector<64x128xf32>
    %swap3A_644 = arith.index_cast %add3A_620 : i32 to index
    %swap3A_645 = arith.constant 0 : index
    %swap3A_646 = vector.load %arg12[%swap3A_644, %swap3A_645] : memref<8192x128xf32, #tpu.memory_space<vmem>>, vector<64x128xf32>
    tpu.vector_store %arg12[%swap3A_644, %swap3A_645], %select_n3A_643 {strides = array<i32>} : memref<8192x128xf32, #tpu.memory_space<vmem>>, vector<64x128xf32>,
    %dot_general3A_647 = arith.constant dense<0.000000e+00> : vector<8x128xf32>
    %dot_general3A_648 = tpu.matmul %get3A_71, %select_n3A_638, %dot_general3A_647 {dimension_numbers = #tpu.dot_dimension_numbers<[1], [0], [0], [1], [0, 0, 1, 1], [], []>, transpose_lhs_hint = false} : vector<8x64xf32>, vector<64x128xf32>, vector<8x128xf32> -> vector<8x128xf32>
    %mul3A_649 = arith.constant 64 : i32
    %mul3A_650 = arith.muli %arg1, %mul3A_649 : i32
    %add3A_651 = arith.constant 7 : i32
    %add3A_652 = arith.addi %mul3A_650, %add3A_651 : i32
    %mul3A_653 = arith.constant 8 : i32
    %mul3A_654 = arith.muli %add3A_652, %mul3A_653 : i32
    %eq3A_655 = arith.constant 0 : i32
    %eq3A_656 = arith.cmpi eq, %arg0, %eq3A_655 : i32
    %add3A_657 = arith.addi %mul3A_14, %mul3A_654 : i32
    %get3A_658 = arith.index_cast %add3A_657 : i32 to index
    %get3A_659 = arith.constant 0 : index
    %get3A_660 = vector.load %arg11[%get3A_658, %get3A_659] : memref<2048x128xf32, #tpu.memory_space<vmem>>, vector<8x128xf32>
    %jit3A_661 = arith.constant 0.000000e+00 : f32
    %broadcast_in_dim3A_662 = vector.broadcast %jit3A_661 : f32 to vector<8x128xf32>
    %select_n3A_663 = arith.select %eq3A_656, %broadcast_in_dim3A_662, %get3A_660 : vector<8x128xf32>
    %select_n3A_664 = arith.select %gt3A_605, %dot_general3A_648, %select_n3A_663 : vector<8x128xf32>
    %add3A_665 = arith.addi %mul3A_34, %mul3A_654 : i32
    %swap3A_666 = arith.index_cast %add3A_665 : i32 to index
    %swap3A_667 = arith.constant 0 : index
    %swap3A_668 = vector.load %arg11[%swap3A_666, %swap3A_667] : memref<2048x128xf32, #tpu.memory_space<vmem>>, vector<8x128xf32>
    tpu.vector_store %arg11[%swap3A_666, %swap3A_667], %select_n3A_664 {strides = array<i32>} : memref<2048x128xf32, #tpu.memory_space<vmem>>, vector<8x128xf32>,
    %get3A_669 = arith.constant 0 : index
    %get3A_670 = arith.constant 8 : index
    %get3A_671 = arith.constant 0 : index
    %get3A_672 = arith.constant 0 : index
    %get3A_673 = memref.load %arg9[%get3A_669, %get3A_670, %get3A_671, %get3A_672] : memref<1x64x1x2xf32, #tpu.memory_space<smem>>
    %get3A_674 = arith.constant 0 : index
    %get3A_675 = arith.constant 8 : index
    %get3A_676 = arith.constant 0 : index
    %get3A_677 = arith.constant 1 : index
    %get3A_678 = memref.load %arg9[%get3A_674, %get3A_675, %get3A_676, %get3A_677] : memref<1x64x1x2xf32, #tpu.memory_space<smem>>
    %gt3A_679 = arith.constant 5.000000e-01 : f32
    %gt3A_680 = arith.cmpf ogt, %get3A_673, %gt3A_679 : f32
    %slice3A_681 = vector.extract_strided_slice %add3A_68 {offsets = [512, 0], sizes = [64, 128], strides = [1, 1]} : vector<4096x128xf32> to vector<64x128xf32>
    %get3A_682 = arith.constant 0 : index
    %get3A_683 = arith.constant 8 : index
    %get3A_684 = arith.constant 0 : index
    %get3A_685 = arith.constant 0 : index
    %get3A_686 = vector.load %arg3[%get3A_682, %get3A_683, %get3A_684, %get3A_685] : memref<1x64x64x64xf32, #tpu.memory_space<vmem>>, vector<1x1x64x64xf32>
    %get3A_687 = vector.shape_cast %get3A_686 : vector<1x1x64x64xf32> to vector<64x64xf32>
    %dot_general3A_688 = arith.constant dense<0.000000e+00> : vector<64x128xf32>
    %dot_general3A_689 = tpu.matmul %get3A_687, %slice3A_681, %dot_general3A_688 {dimension_numbers = #tpu.dot_dimension_numbers<[1], [0], [0], [1], [0, 0, 1, 1], [], []>, transpose_lhs_hint = false} : vector<64x64xf32>, vector<64x128xf32>, vector<64x128xf32> -> vector<64x128xf32>
    %mul3A_690 = arith.constant 64 : i32
    %mul3A_691 = arith.muli %arg1, %mul3A_690 : i32
    %mul3A_692 = arith.constant 64 : i32
    %mul3A_693 = arith.muli %mul3A_691, %mul3A_692 : i32
    %add3A_694 = arith.constant 512 : i32
    %add3A_695 = arith.addi %add3A_694, %mul3A_693 : i32
    %eq3A_696 = arith.constant 0 : i32
    %eq3A_697 = arith.cmpi eq, %arg0, %eq3A_696 : i32
    %get3A_698 = arith.index_cast %add3A_695 : i32 to index
    %get3A_699 = arith.constant 0 : index
    %get3A_700 = vector.load %arg12[%get3A_698, %get3A_699] : memref<8192x128xf32, #tpu.memory_space<vmem>>, vector<64x128xf32>
    %jit3A_701 = arith.constant 0.000000e+00 : f32
    %broadcast_in_dim3A_702 = vector.broadcast %jit3A_701 : f32 to vector<64x128xf32>
    %select_n3A_703 = arith.select %eq3A_697, %broadcast_in_dim3A_702, %get3A_700 : vector<64x128xf32>
    %mul3A_704 = vector.broadcast %get3A_673 : f32 to vector<64x128xf32>
    %mul3A_705 = arith.mulf %mul3A_704, %dot_general3A_689 : vector<64x128xf32>
    %add3A_706 = arith.addf %select_n3A_703, %mul3A_705 : vector<64x128xf32>
    %gt3A_707 = vector.broadcast %get3A_678 : f32 to vector<64x128xf32>
    %gt3A_708 = arith.cmpf ogt, %add3A_706, %gt3A_707 : vector<64x128xf32>
    %jit3A_709 = arith.constant 1.000000e+00 : f32
    %jit3A_710 = arith.constant 0.000000e+00 : f32
    %broadcast_in_dim3A_711 = vector.broadcast %jit3A_709 : f32 to vector<64x128xf32>
    %broadcast_in_dim3A_712 = vector.broadcast %jit3A_710 : f32 to vector<64x128xf32>
    %select_n3A_713 = arith.select %gt3A_708, %broadcast_in_dim3A_711, %broadcast_in_dim3A_712 : vector<64x128xi1>, vector<64x128xf32>
    %and3A_714 = vector.broadcast %gt3A_680 : i1 to vector<64x128xi1>
    %and3A_715 = arith.andi %and3A_714, %gt3A_708 : vector<64x128xi1>
    %jit3A_716 = arith.constant 0.000000e+00 : f32
    %broadcast_in_dim3A_717 = vector.broadcast %jit3A_716 : f32 to vector<64x128xf32>
    %select_n3A_718 = arith.select %and3A_715, %broadcast_in_dim3A_717, %add3A_706 : vector<64x128xi1>, vector<64x128xf32>
    %swap3A_719 = arith.index_cast %add3A_695 : i32 to index
    %swap3A_720 = arith.constant 0 : index
    %swap3A_721 = vector.load %arg12[%swap3A_719, %swap3A_720] : memref<8192x128xf32, #tpu.memory_space<vmem>>, vector<64x128xf32>
    tpu.vector_store %arg12[%swap3A_719, %swap3A_720], %select_n3A_718 {strides = array<i32>} : memref<8192x128xf32, #tpu.memory_space<vmem>>, vector<64x128xf32>,
    %dot_general3A_722 = arith.constant dense<0.000000e+00> : vector<8x128xf32>
    %dot_general3A_723 = tpu.matmul %get3A_71, %select_n3A_713, %dot_general3A_722 {dimension_numbers = #tpu.dot_dimension_numbers<[1], [0], [0], [1], [0, 0, 1, 1], [], []>, transpose_lhs_hint = false} : vector<8x64xf32>, vector<64x128xf32>, vector<8x128xf32> -> vector<8x128xf32>
    %mul3A_724 = arith.constant 64 : i32
    %mul3A_725 = arith.muli %arg1, %mul3A_724 : i32
    %add3A_726 = arith.constant 8 : i32
    %add3A_727 = arith.addi %mul3A_725, %add3A_726 : i32
    %mul3A_728 = arith.constant 8 : i32
    %mul3A_729 = arith.muli %add3A_727, %mul3A_728 : i32
    %eq3A_730 = arith.constant 0 : i32
    %eq3A_731 = arith.cmpi eq, %arg0, %eq3A_730 : i32
    %add3A_732 = arith.addi %mul3A_14, %mul3A_729 : i32
    %get3A_733 = arith.index_cast %add3A_732 : i32 to index
    %get3A_734 = arith.constant 0 : index
    %get3A_735 = vector.load %arg11[%get3A_733, %get3A_734] : memref<2048x128xf32, #tpu.memory_space<vmem>>, vector<8x128xf32>
    %jit3A_736 = arith.constant 0.000000e+00 : f32
    %broadcast_in_dim3A_737 = vector.broadcast %jit3A_736 : f32 to vector<8x128xf32>
    %select_n3A_738 = arith.select %eq3A_731, %broadcast_in_dim3A_737, %get3A_735 : vector<8x128xf32>
    %select_n3A_739 = arith.select %gt3A_680, %dot_general3A_723, %select_n3A_738 : vector<8x128xf32>
    %add3A_740 = arith.addi %mul3A_34, %mul3A_729 : i32
    %swap3A_741 = arith.index_cast %add3A_740 : i32 to index
    %swap3A_742 = arith.constant 0 : index
    %swap3A_743 = vector.load %arg11[%swap3A_741, %swap3A_742] : memref<2048x128xf32, #tpu.memory_space<vmem>>, vector<8x128xf32>
    tpu.vector_store %arg11[%swap3A_741, %swap3A_742], %select_n3A_739 {strides = array<i32>} : memref<2048x128xf32, #tpu.memory_space<vmem>>, vector<8x128xf32>,
    %get3A_744 = arith.constant 0 : index
    %get3A_745 = arith.constant 9 : index
    %get3A_746 = arith.constant 0 : index
    %get3A_747 = arith.constant 0 : index
    %get3A_748 = memref.load %arg9[%get3A_744, %get3A_745, %get3A_746, %get3A_747] : memref<1x64x1x2xf32, #tpu.memory_space<smem>>
    %get3A_749 = arith.constant 0 : index
    %get3A_750 = arith.constant 9 : index
    %get3A_751 = arith.constant 0 : index
    %get3A_752 = arith.constant 1 : index
    %get3A_753 = memref.load %arg9[%get3A_749, %get3A_750, %get3A_751, %get3A_752] : memref<1x64x1x2xf32, #tpu.memory_space<smem>>
    %gt3A_754 = arith.constant 5.000000e-01 : f32
    %gt3A_755 = arith.cmpf ogt, %get3A_748, %gt3A_754 : f32
    %slice3A_756 = vector.extract_strided_slice %add3A_68 {offsets = [576, 0], sizes = [64, 128], strides = [1, 1]} : vector<4096x128xf32> to vector<64x128xf32>
    %get3A_757 = arith.constant 0 : index
    %get3A_758 = arith.constant 9 : index
    %get3A_759 = arith.constant 0 : index
    %get3A_760 = arith.constant 0 : index
    %get3A_761 = vector.load %arg3[%get3A_757, %get3A_758, %get3A_759, %get3A_760] : memref<1x64x64x64xf32, #tpu.memory_space<vmem>>, vector<1x1x64x64xf32>
    %get3A_762 = vector.shape_cast %get3A_761 : vector<1x1x64x64xf32> to vector<64x64xf32>
    %dot_general3A_763 = arith.constant dense<0.000000e+00> : vector<64x128xf32>
    %dot_general3A_764 = tpu.matmul %get3A_762, %slice3A_756, %dot_general3A_763 {dimension_numbers = #tpu.dot_dimension_numbers<[1], [0], [0], [1], [0, 0, 1, 1], [], []>, transpose_lhs_hint = false} : vector<64x64xf32>, vector<64x128xf32>, vector<64x128xf32> -> vector<64x128xf32>
    %mul3A_765 = arith.constant 64 : i32
    %mul3A_766 = arith.muli %arg1, %mul3A_765 : i32
    %mul3A_767 = arith.constant 64 : i32
    %mul3A_768 = arith.muli %mul3A_766, %mul3A_767 : i32
    %add3A_769 = arith.constant 576 : i32
    %add3A_770 = arith.addi %add3A_769, %mul3A_768 : i32
    %eq3A_771 = arith.constant 0 : i32
    %eq3A_772 = arith.cmpi eq, %arg0, %eq3A_771 : i32
    %get3A_773 = arith.index_cast %add3A_770 : i32 to index
    %get3A_774 = arith.constant 0 : index
    %get3A_775 = vector.load %arg12[%get3A_773, %get3A_774] : memref<8192x128xf32, #tpu.memory_space<vmem>>, vector<64x128xf32>
    %jit3A_776 = arith.constant 0.000000e+00 : f32
    %broadcast_in_dim3A_777 = vector.broadcast %jit3A_776 : f32 to vector<64x128xf32>
    %select_n3A_778 = arith.select %eq3A_772, %broadcast_in_dim3A_777, %get3A_775 : vector<64x128xf32>
    %mul3A_779 = vector.broadcast %get3A_748 : f32 to vector<64x128xf32>
    %mul3A_780 = arith.mulf %mul3A_779, %dot_general3A_764 : vector<64x128xf32>
    %add3A_781 = arith.addf %select_n3A_778, %mul3A_780 : vector<64x128xf32>
    %gt3A_782 = vector.broadcast %get3A_753 : f32 to vector<64x128xf32>
    %gt3A_783 = arith.cmpf ogt, %add3A_781, %gt3A_782 : vector<64x128xf32>
    %jit3A_784 = arith.constant 1.000000e+00 : f32
    %jit3A_785 = arith.constant 0.000000e+00 : f32
    %broadcast_in_dim3A_786 = vector.broadcast %jit3A_784 : f32 to vector<64x128xf32>
    %broadcast_in_dim3A_787 = vector.broadcast %jit3A_785 : f32 to vector<64x128xf32>
    %select_n3A_788 = arith.select %gt3A_783, %broadcast_in_dim3A_786, %broadcast_in_dim3A_787 : vector<64x128xi1>, vector<64x128xf32>
    %and3A_789 = vector.broadcast %gt3A_755 : i1 to vector<64x128xi1>
    %and3A_790 = arith.andi %and3A_789, %gt3A_783 : vector<64x128xi1>
    %jit3A_791 = arith.constant 0.000000e+00 : f32
    %broadcast_in_dim3A_792 = vector.broadcast %jit3A_791 : f32 to vector<64x128xf32>
    %select_n3A_793 = arith.select %and3A_790, %broadcast_in_dim3A_792, %add3A_781 : vector<64x128xi1>, vector<64x128xf32>
    %swap3A_794 = arith.index_cast %add3A_770 : i32 to index
    %swap3A_795 = arith.constant 0 : index
    %swap3A_796 = vector.load %arg12[%swap3A_794, %swap3A_795] : memref<8192x128xf32, #tpu.memory_space<vmem>>, vector<64x128xf32>
    tpu.vector_store %arg12[%swap3A_794, %swap3A_795], %select_n3A_793 {strides = array<i32>} : memref<8192x128xf32, #tpu.memory_space<vmem>>, vector<64x128xf32>,
    %dot_general3A_797 = arith.constant dense<0.000000e+00> : vector<8x128xf32>
    %dot_general3A_798 = tpu.matmul %get3A_71, %select_n3A_788, %dot_general3A_797 {dimension_numbers = #tpu.dot_dimension_numbers<[1], [0], [0], [1], [0, 0, 1, 1], [], []>, transpose_lhs_hint = false} : vector<8x64xf32>, vector<64x128xf32>, vector<8x128xf32> -> vector<8x128xf32>
    %mul3A_799 = arith.constant 64 : i32
    %mul3A_800 = arith.muli %arg1, %mul3A_799 : i32
    %add3A_801 = arith.constant 9 : i32
    %add3A_802 = arith.addi %mul3A_800, %add3A_801 : i32
    %mul3A_803 = arith.constant 8 : i32
    %mul3A_804 = arith.muli %add3A_802, %mul3A_803 : i32
    %eq3A_805 = arith.constant 0 : i32
    %eq3A_806 = arith.cmpi eq, %arg0, %eq3A_805 : i32
    %add3A_807 = arith.addi %mul3A_14, %mul3A_804 : i32
    %get3A_808 = arith.index_cast %add3A_807 : i32 to index
    %get3A_809 = arith.constant 0 : index
    %get3A_810 = vector.load %arg11[%get3A_808, %get3A_809] : memref<2048x128xf32, #tpu.memory_space<vmem>>, vector<8x128xf32>
    %jit3A_811 = arith.constant 0.000000e+00 : f32
    %broadcast_in_dim3A_812 = vector.broadcast %jit3A_811 : f32 to vector<8x128xf32>
    %select_n3A_813 = arith.select %eq3A_806, %broadcast_in_dim3A_812, %get3A_810 : vector<8x128xf32>
    %select_n3A_814 = arith.select %gt3A_755, %dot_general3A_798, %select_n3A_813 : vector<8x128xf32>
    %add3A_815 = arith.addi %mul3A_34, %mul3A_804 : i32
    %swap3A_816 = arith.index_cast %add3A_815 : i32 to index
    %swap3A_817 = arith.constant 0 : index
    %swap3A_818 = vector.load %arg11[%swap3A_816, %swap3A_817] : memref<2048x128xf32, #tpu.memory_space<vmem>>, vector<8x128xf32>
    tpu.vector_store %arg11[%swap3A_816, %swap3A_817], %select_n3A_814 {strides = array<i32>} : memref<2048x128xf32, #tpu.memory_space<vmem>>, vector<8x128xf32>,
    %get3A_819 = arith.constant 0 : index
    %get3A_820 = arith.constant 10 : index
    %get3A_821 = arith.constant 0 : index
    %get3A_822 = arith.constant 0 : index
    %get3A_823 = memref.load %arg9[%get3A_819, %get3A_820, %get3A_821, %get3A_822] : memref<1x64x1x2xf32, #tpu.memory_space<smem>>
    %get3A_824 = arith.constant 0 : index
    %get3A_825 = arith.constant 10 : index
    %get3A_826 = arith.constant 0 : index
    %get3A_827 = arith.constant 1 : index
    %get3A_828 = memref.load %arg9[%get3A_824, %get3A_825, %get3A_826, %get3A_827] : memref<1x64x1x2xf32, #tpu.memory_space<smem>>
    %gt3A_829 = arith.constant 5.000000e-01 : f32
    %gt3A_830 = arith.cmpf ogt, %get3A_823, %gt3A_829 : f32
    %slice3A_831 = vector.extract_strided_slice %add3A_68 {offsets = [640, 0], sizes = [64, 128], strides = [1, 1]} : vector<4096x128xf32> to vector<64x128xf32>
    %get3A_832 = arith.constant 0 : index
    %get3A_833 = arith.constant 10 : index
    %get3A_834 = arith.constant 0 : index
    %get3A_835 = arith.constant 0 : index
    %get3A_836 = vector.load %arg3[%get3A_832, %get3A_833, %get3A_834, %get3A_835] : memref<1x64x64x64xf32, #tpu.memory_space<vmem>>, vector<1x1x64x64xf32>
    %get3A_837 = vector.shape_cast %get3A_836 : vector<1x1x64x64xf32> to vector<64x64xf32>
    %dot_general3A_838 = arith.constant dense<0.000000e+00> : vector<64x128xf32>
    %dot_general3A_839 = tpu.matmul %get3A_837, %slice3A_831, %dot_general3A_838 {dimension_numbers = #tpu.dot_dimension_numbers<[1], [0], [0], [1], [0, 0, 1, 1], [], []>, transpose_lhs_hint = false} : vector<64x64xf32>, vector<64x128xf32>, vector<64x128xf32> -> vector<64x128xf32>
    %mul3A_840 = arith.constant 64 : i32
    %mul3A_841 = arith.muli %arg1, %mul3A_840 : i32
    %mul3A_842 = arith.constant 64 : i32
    %mul3A_843 = arith.muli %mul3A_841, %mul3A_842 : i32
    %add3A_844 = arith.constant 640 : i32
    %add3A_845 = arith.addi %add3A_844, %mul3A_843 : i32
    %eq3A_846 = arith.constant 0 : i32
    %eq3A_847 = arith.cmpi eq, %arg0, %eq3A_846 : i32
    %get3A_848 = arith.index_cast %add3A_845 : i32 to index
    %get3A_849 = arith.constant 0 : index
    %get3A_850 = vector.load %arg12[%get3A_848, %get3A_849] : memref<8192x128xf32, #tpu.memory_space<vmem>>, vector<64x128xf32>
    %jit3A_851 = arith.constant 0.000000e+00 : f32
    %broadcast_in_dim3A_852 = vector.broadcast %jit3A_851 : f32 to vector<64x128xf32>
    %select_n3A_853 = arith.select %eq3A_847, %broadcast_in_dim3A_852, %get3A_850 : vector<64x128xf32>
    %mul3A_854 = vector.broadcast %get3A_823 : f32 to vector<64x128xf32>
    %mul3A_855 = arith.mulf %mul3A_854, %dot_general3A_839 : vector<64x128xf32>
    %add3A_856 = arith.addf %select_n3A_853, %mul3A_855 : vector<64x128xf32>
    %gt3A_857 = vector.broadcast %get3A_828 : f32 to vector<64x128xf32>
    %gt3A_858 = arith.cmpf ogt, %add3A_856, %gt3A_857 : vector<64x128xf32>
    %jit3A_859 = arith.constant 1.000000e+00 : f32
    %jit3A_860 = arith.constant 0.000000e+00 : f32
    %broadcast_in_dim3A_861 = vector.broadcast %jit3A_859 : f32 to vector<64x128xf32>
    %broadcast_in_dim3A_862 = vector.broadcast %jit3A_860 : f32 to vector<64x128xf32>
    %select_n3A_863 = arith.select %gt3A_858, %broadcast_in_dim3A_861, %broadcast_in_dim3A_862 : vector<64x128xi1>, vector<64x128xf32>
    %and3A_864 = vector.broadcast %gt3A_830 : i1 to vector<64x128xi1>
    %and3A_865 = arith.andi %and3A_864, %gt3A_858 : vector<64x128xi1>
    %jit3A_866 = arith.constant 0.000000e+00 : f32
    %broadcast_in_dim3A_867 = vector.broadcast %jit3A_866 : f32 to vector<64x128xf32>
    %select_n3A_868 = arith.select %and3A_865, %broadcast_in_dim3A_867, %add3A_856 : vector<64x128xi1>, vector<64x128xf32>
    %swap3A_869 = arith.index_cast %add3A_845 : i32 to index
    %swap3A_870 = arith.constant 0 : index
    %swap3A_871 = vector.load %arg12[%swap3A_869, %swap3A_870] : memref<8192x128xf32, #tpu.memory_space<vmem>>, vector<64x128xf32>
    tpu.vector_store %arg12[%swap3A_869, %swap3A_870], %select_n3A_868 {strides = array<i32>} : memref<8192x128xf32, #tpu.memory_space<vmem>>, vector<64x128xf32>,
    %dot_general3A_872 = arith.constant dense<0.000000e+00> : vector<8x128xf32>
    %dot_general3A_873 = tpu.matmul %get3A_71, %select_n3A_863, %dot_general3A_872 {dimension_numbers = #tpu.dot_dimension_numbers<[1], [0], [0], [1], [0, 0, 1, 1], [], []>, transpose_lhs_hint = false} : vector<8x64xf32>, vector<64x128xf32>, vector<8x128xf32> -> vector<8x128xf32>
    %mul3A_874 = arith.constant 64 : i32
    %mul3A_875 = arith.muli %arg1, %mul3A_874 : i32
    %add3A_876 = arith.constant 10 : i32
    %add3A_877 = arith.addi %mul3A_875, %add3A_876 : i32
    %mul3A_878 = arith.constant 8 : i32
    %mul3A_879 = arith.muli %add3A_877, %mul3A_878 : i32
    %eq3A_880 = arith.constant 0 : i32
    %eq3A_881 = arith.cmpi eq, %arg0, %eq3A_880 : i32
    %add3A_882 = arith.addi %mul3A_14, %mul3A_879 : i32
    %get3A_883 = arith.index_cast %add3A_882 : i32 to index
    %get3A_884 = arith.constant 0 : index
    %get3A_885 = vector.load %arg11[%get3A_883, %get3A_884] : memref<2048x128xf32, #tpu.memory_space<vmem>>, vector<8x128xf32>
    %jit3A_886 = arith.constant 0.000000e+00 : f32
    %broadcast_in_dim3A_887 = vector.broadcast %jit3A_886 : f32 to vector<8x128xf32>
    %select_n3A_888 = arith.select %eq3A_881, %broadcast_in_dim3A_887, %get3A_885 : vector<8x128xf32>
    %select_n3A_889 = arith.select %gt3A_830, %dot_general3A_873, %select_n3A_888 : vector<8x128xf32>
    %add3A_890 = arith.addi %mul3A_34, %mul3A_879 : i32
    %swap3A_891 = arith.index_cast %add3A_890 : i32 to index
    %swap3A_892 = arith.constant 0 : index
    %swap3A_893 = vector.load %arg11[%swap3A_891, %swap3A_892] : memref<2048x128xf32, #tpu.memory_space<vmem>>, vector<8x128xf32>
    tpu.vector_store %arg11[%swap3A_891, %swap3A_892], %select_n3A_889 {strides = array<i32>} : memref<2048x128xf32, #tpu.memory_space<vmem>>, vector<8x128xf32>,
    %get3A_894 = arith.constant 0 : index
    %get3A_895 = arith.constant 11 : index
    %get3A_896 = arith.constant 0 : index
    %get3A_897 = arith.constant 0 : index
    %get3A_898 = memref.load %arg9[%get3A_894, %get3A_895, %get3A_896, %get3A_897] : memref<1x64x1x2xf32, #tpu.memory_space<smem>>
    %get3A_899 = arith.constant 0 : index
    %get3A_900 = arith.constant 11 : index
    %get3A_901 = arith.constant 0 : index
    %get3A_902 = arith.constant 1 : index
    %get3A_903 = memref.load %arg9[%get3A_899, %get3A_900, %get3A_901, %get3A_902] : memref<1x64x1x2xf32, #tpu.memory_space<smem>>
    %gt3A_904 = arith.constant 5.000000e-01 : f32
    %gt3A_905 = arith.cmpf ogt, %get3A_898, %gt3A_904 : f32
    %slice3A_906 = vector.extract_strided_slice %add3A_68 {offsets = [704, 0], sizes = [64, 128], strides = [1, 1]} : vector<4096x128xf32> to vector<64x128xf32>
    %get3A_907 = arith.constant 0 : index
    %get3A_908 = arith.constant 11 : index
    %get3A_909 = arith.constant 0 : index
    %get3A_910 = arith.constant 0 : index
    %get3A_911 = vector.load %arg3[%get3A_907, %get3A_908, %get3A_909, %get3A_910] : memref<1x64x64x64xf32, #tpu.memory_space<vmem>>, vector<1x1x64x64xf32>
    %get3A_912 = vector.shape_cast %get3A_911 : vector<1x1x64x64xf32> to vector<64x64xf32>
    %dot_general3A_913 = arith.constant dense<0.000000e+00> : vector<64x128xf32>
    %dot_general3A_914 = tpu.matmul %get3A_912, %slice3A_906, %dot_general3A_913 {dimension_numbers = #tpu.dot_dimension_numbers<[1], [0], [0], [1], [0, 0, 1, 1], [], []>, transpose_lhs_hint = false} : vector<64x64xf32>, vector<64x128xf32>, vector<64x128xf32> -> vector<64x128xf32>
    %mul3A_915 = arith.constant 64 : i32
    %mul3A_916 = arith.muli %arg1, %mul3A_915 : i32
    %mul3A_917 = arith.constant 64 : i32
    %mul3A_918 = arith.muli %mul3A_916, %mul3A_917 : i32
    %add3A_919 = arith.constant 704 : i32
    %add3A_920 = arith.addi %add3A_919, %mul3A_918 : i32
    %eq3A_921 = arith.constant 0 : i32
    %eq3A_922 = arith.cmpi eq, %arg0, %eq3A_921 : i32
    %get3A_923 = arith.index_cast %add3A_920 : i32 to index
    %get3A_924 = arith.constant 0 : index
    %get3A_925 = vector.load %arg12[%get3A_923, %get3A_924] : memref<8192x128xf32, #tpu.memory_space<vmem>>, vector<64x128xf32>
    %jit3A_926 = arith.constant 0.000000e+00 : f32
    %broadcast_in_dim3A_927 = vector.broadcast %jit3A_926 : f32 to vector<64x128xf32>
    %select_n3A_928 = arith.select %eq3A_922, %broadcast_in_dim3A_927, %get3A_925 : vector<64x128xf32>
    %mul3A_929 = vector.broadcast %get3A_898 : f32 to vector<64x128xf32>
    %mul3A_930 = arith.mulf %mul3A_929, %dot_general3A_914 : vector<64x128xf32>
    %add3A_931 = arith.addf %select_n3A_928, %mul3A_930 : vector<64x128xf32>
    %gt3A_932 = vector.broadcast %get3A_903 : f32 to vector<64x128xf32>
    %gt3A_933 = arith.cmpf ogt, %add3A_931, %gt3A_932 : vector<64x128xf32>
    %jit3A_934 = arith.constant 1.000000e+00 : f32
    %jit3A_935 = arith.constant 0.000000e+00 : f32
    %broadcast_in_dim3A_936 = vector.broadcast %jit3A_934 : f32 to vector<64x128xf32>
    %broadcast_in_dim3A_937 = vector.broadcast %jit3A_935 : f32 to vector<64x128xf32>
    %select_n3A_938 = arith.select %gt3A_933, %broadcast_in_dim3A_936, %broadcast_in_dim3A_937 : vector<64x128xi1>, vector<64x128xf32>
    %and3A_939 = vector.broadcast %gt3A_905 : i1 to vector<64x128xi1>
    %and3A_940 = arith.andi %and3A_939, %gt3A_933 : vector<64x128xi1>
    %jit3A_941 = arith.constant 0.000000e+00 : f32
    %broadcast_in_dim3A_942 = vector.broadcast %jit3A_941 : f32 to vector<64x128xf32>
    %select_n3A_943 = arith.select %and3A_940, %broadcast_in_dim3A_942, %add3A_931 : vector<64x128xi1>, vector<64x128xf32>
    %swap3A_944 = arith.index_cast %add3A_920 : i32 to index
    %swap3A_945 = arith.constant 0 : index
    %swap3A_946 = vector.load %arg12[%swap3A_944, %swap3A_945] : memref<8192x128xf32, #tpu.memory_space<vmem>>, vector<64x128xf32>
    tpu.vector_store %arg12[%swap3A_944, %swap3A_945], %select_n3A_943 {strides = array<i32>} : memref<8192x128xf32, #tpu.memory_space<vmem>>, vector<64x128xf32>,
    %dot_general3A_947 = arith.constant dense<0.000000e+00> : vector<8x128xf32>
    %dot_general3A_948 = tpu.matmul %get3A_71, %select_n3A_938, %dot_general3A_947 {dimension_numbers = #tpu.dot_dimension_numbers<[1], [0], [0], [1], [0, 0, 1, 1], [], []>, transpose_lhs_hint = false} : vector<8x64xf32>, vector<64x128xf32>, vector<8x128xf32> -> vector<8x128xf32>
    %mul3A_949 = arith.constant 64 : i32
    %mul3A_950 = arith.muli %arg1, %mul3A_949 : i32
    %add3A_951 = arith.constant 11 : i32
    %add3A_952 = arith.addi %mul3A_950, %add3A_951 : i32
    %mul3A_953 = arith.constant 8 : i32
    %mul3A_954 = arith.muli %add3A_952, %mul3A_953 : i32
    %eq3A_955 = arith.constant 0 : i32
    %eq3A_956 = arith.cmpi eq, %arg0, %eq3A_955 : i32
    %add3A_957 = arith.addi %mul3A_14, %mul3A_954 : i32
    %get3A_958 = arith.index_cast %add3A_957 : i32 to index
    %get3A_959 = arith.constant 0 : index
    %get3A_960 = vector.load %arg11[%get3A_958, %get3A_959] : memref<2048x128xf32, #tpu.memory_space<vmem>>, vector<8x128xf32>
    %jit3A_961 = arith.constant 0.000000e+00 : f32
    %broadcast_in_dim3A_962 = vector.broadcast %jit3A_961 : f32 to vector<8x128xf32>
    %select_n3A_963 = arith.select %eq3A_956, %broadcast_in_dim3A_962, %get3A_960 : vector<8x128xf32>
    %select_n3A_964 = arith.select %gt3A_905, %dot_general3A_948, %select_n3A_963 : vector<8x128xf32>
    %add3A_965 = arith.addi %mul3A_34, %mul3A_954 : i32
    %swap3A_966 = arith.index_cast %add3A_965 : i32 to index
    %swap3A_967 = arith.constant 0 : index
    %swap3A_968 = vector.load %arg11[%swap3A_966, %swap3A_967] : memref<2048x128xf32, #tpu.memory_space<vmem>>, vector<8x128xf32>
    tpu.vector_store %arg11[%swap3A_966, %swap3A_967], %select_n3A_964 {strides = array<i32>} : memref<2048x128xf32, #tpu.memory_space<vmem>>, vector<8x128xf32>,
    %get3A_969 = arith.constant 0 : index
    %get3A_970 = arith.constant 12 : index
    %get3A_971 = arith.constant 0 : index
    %get3A_972 = arith.constant 0 : index
    %get3A_973 = memref.load %arg9[%get3A_969, %get3A_970, %get3A_971, %get3A_972] : memref<1x64x1x2xf32, #tpu.memory_space<smem>>
    %get3A_974 = arith.constant 0 : index
    %get3A_975 = arith.constant 12 : index
    %get3A_976 = arith.constant 0 : index
    %get3A_977 = arith.constant 1 : index
    %get3A_978 = memref.load %arg9[%get3A_974, %get3A_975, %get3A_976, %get3A_977] : memref<1x64x1x2xf32, #tpu.memory_space<smem>>
    %gt3A_979 = arith.constant 5.000000e-01 : f32
    %gt3A_980 = arith.cmpf ogt, %get3A_973, %gt3A_979 : f32
    %slice3A_981 = vector.extract_strided_slice %add3A_68 {offsets = [768, 0], sizes = [64, 128], strides = [1, 1]} : vector<4096x128xf32> to vector<64x128xf32>
    %get3A_982 = arith.constant 0 : index
    %get3A_983 = arith.constant 12 : index
    %get3A_984 = arith.constant 0 : index
    %get3A_985 = arith.constant 0 : index
    %get3A_986 = vector.load %arg3[%get3A_982, %get3A_983, %get3A_984, %get3A_985] : memref<1x64x64x64xf32, #tpu.memory_space<vmem>>, vector<1x1x64x64xf32>
    %get3A_987 = vector.shape_cast %get3A_986 : vector<1x1x64x64xf32> to vector<64x64xf32>
    %dot_general3A_988 = arith.constant dense<0.000000e+00> : vector<64x128xf32>
    %dot_general3A_989 = tpu.matmul %get3A_987, %slice3A_981, %dot_general3A_988 {dimension_numbers = #tpu.dot_dimension_numbers<[1], [0], [0], [1], [0, 0, 1, 1], [], []>, transpose_lhs_hint = false} : vector<64x64xf32>, vector<64x128xf32>, vector<64x128xf32> -> vector<64x128xf32>
    %mul3A_990 = arith.constant 64 : i32
    %mul3A_991 = arith.muli %arg1, %mul3A_990 : i32
    %mul3A_992 = arith.constant 64 : i32
    %mul3A_993 = arith.muli %mul3A_991, %mul3A_992 : i32
    %add3A_994 = arith.constant 768 : i32
    %add3A_995 = arith.addi %add3A_994, %mul3A_993 : i32
    %eq3A_996 = arith.constant 0 : i32
    %eq3A_997 = arith.cmpi eq, %arg0, %eq3A_996 : i32
    %get3A_998 = arith.index_cast %add3A_995 : i32 to index
    %get3A_999 = arith.constant 0 : index
    %get3A_1000 = vector.load %arg12[%get3A_998, %get3A_999] : memref<8192x128xf32, #tpu.memory_space<vmem>>, vector<64x128xf32>
    %jit3A_1001 = arith.constant 0.000000e+00 : f32
    %broadcast_in_dim3A_1002 = vector.broadcast %jit3A_1001 : f32 to vector<64x128xf32>
    %select_n3A_1003 = arith.select %eq3A_997, %broadcast_in_dim3A_1002, %get3A_1000 : vector<64x128xf32>
    %mul3A_1004 = vector.broadcast %get3A_973 : f32 to vector<64x128xf32>
    %mul3A_1005 = arith.mulf %mul3A_1004, %dot_general3A_989 : vector<64x128xf32>
    %add3A_1006 = arith.addf %select_n3A_1003, %mul3A_1005 : vector<64x128xf32>
    %gt3A_1007 = vector.broadcast %get3A_978 : f32 to vector<64x128xf32>
    %gt3A_1008 = arith.cmpf ogt, %add3A_1006, %gt3A_1007 : vector<64x128xf32>
    %jit3A_1009 = arith.constant 1.000000e+00 : f32
    %jit3A_1010 = arith.constant 0.000000e+00 : f32
    %broadcast_in_dim3A_1011 = vector.broadcast %jit3A_1009 : f32 to vector<64x128xf32>
    %broadcast_in_dim3A_1012 = vector.broadcast %jit3A_1010 : f32 to vector<64x128xf32>
    %select_n3A_1013 = arith.select %gt3A_1008, %broadcast_in_dim3A_1011, %broadcast_in_dim3A_1012 : vector<64x128xi1>, vector<64x128xf32>
    %and3A_1014 = vector.broadcast %gt3A_980 : i1 to vector<64x128xi1>
    %and3A_1015 = arith.andi %and3A_1014, %gt3A_1008 : vector<64x128xi1>
    %jit3A_1016 = arith.constant 0.000000e+00 : f32
    %broadcast_in_dim3A_1017 = vector.broadcast %jit3A_1016 : f32 to vector<64x128xf32>
    %select_n3A_1018 = arith.select %and3A_1015, %broadcast_in_dim3A_1017, %add3A_1006 : vector<64x128xi1>, vector<64x128xf32>
    %swap3A_1019 = arith.index_cast %add3A_995 : i32 to index
    %swap3A_1020 = arith.constant 0 : index
    %swap3A_1021 = vector.load %arg12[%swap3A_1019, %swap3A_1020] : memref<8192x128xf32, #tpu.memory_space<vmem>>, vector<64x128xf32>
    tpu.vector_store %arg12[%swap3A_1019, %swap3A_1020], %select_n3A_1018 {strides = array<i32>} : memref<8192x128xf32, #tpu.memory_space<vmem>>, vector<64x128xf32>,
    %dot_general3A_1022 = arith.constant dense<0.000000e+00> : vector<8x128xf32>
    %dot_general3A_1023 = tpu.matmul %get3A_71, %select_n3A_1013, %dot_general3A_1022 {dimension_numbers = #tpu.dot_dimension_numbers<[1], [0], [0], [1], [0, 0, 1, 1], [], []>, transpose_lhs_hint = false} : vector<8x64xf32>, vector<64x128xf32>, vector<8x128xf32> -> vector<8x128xf32>
    %mul3A_1024 = arith.constant 64 : i32
    %mul3A_1025 = arith.muli %arg1, %mul3A_1024 : i32
    %add3A_1026 = arith.constant 12 : i32
    %add3A_1027 = arith.addi %mul3A_1025, %add3A_1026 : i32
    %mul3A_1028 = arith.constant 8 : i32
    %mul3A_1029 = arith.muli %add3A_1027, %mul3A_1028 : i32
    %eq3A_1030 = arith.constant 0 : i32
    %eq3A_1031 = arith.cmpi eq, %arg0, %eq3A_1030 : i32
    %add3A_1032 = arith.addi %mul3A_14, %mul3A_1029 : i32
    %get3A_1033 = arith.index_cast %add3A_1032 : i32 to index
    %get3A_1034 = arith.constant 0 : index
    %get3A_1035 = vector.load %arg11[%get3A_1033, %get3A_1034] : memref<2048x128xf32, #tpu.memory_space<vmem>>, vector<8x128xf32>
    %jit3A_1036 = arith.constant 0.000000e+00 : f32
    %broadcast_in_dim3A_1037 = vector.broadcast %jit3A_1036 : f32 to vector<8x128xf32>
    %select_n3A_1038 = arith.select %eq3A_1031, %broadcast_in_dim3A_1037, %get3A_1035 : vector<8x128xf32>
    %select_n3A_1039 = arith.select %gt3A_980, %dot_general3A_1023, %select_n3A_1038 : vector<8x128xf32>
    %add3A_1040 = arith.addi %mul3A_34, %mul3A_1029 : i32
    %swap3A_1041 = arith.index_cast %add3A_1040 : i32 to index
    %swap3A_1042 = arith.constant 0 : index
    %swap3A_1043 = vector.load %arg11[%swap3A_1041, %swap3A_1042] : memref<2048x128xf32, #tpu.memory_space<vmem>>, vector<8x128xf32>
    tpu.vector_store %arg11[%swap3A_1041, %swap3A_1042], %select_n3A_1039 {strides = array<i32>} : memref<2048x128xf32, #tpu.memory_space<vmem>>, vector<8x128xf32>,
    %get3A_1044 = arith.constant 0 : index
    %get3A_1045 = arith.constant 13 : index
    %get3A_1046 = arith.constant 0 : index
    %get3A_1047 = arith.constant 0 : index
    %get3A_1048 = memref.load %arg9[%get3A_1044, %get3A_1045, %get3A_1046, %get3A_1047] : memref<1x64x1x2xf32, #tpu.memory_space<smem>>
    %get3A_1049 = arith.constant 0 : index
    %get3A_1050 = arith.constant 13 : index
    %get3A_1051 = arith.constant 0 : index
    %get3A_1052 = arith.constant 1 : index
    %get3A_1053 = memref.load %arg9[%get3A_1049, %get3A_1050, %get3A_1051, %get3A_1052] : memref<1x64x1x2xf32, #tpu.memory_space<smem>>
    %gt3A_1054 = arith.constant 5.000000e-01 : f32
    %gt3A_1055 = arith.cmpf ogt, %get3A_1048, %gt3A_1054 : f32
    %slice3A_1056 = vector.extract_strided_slice %add3A_68 {offsets = [832, 0], sizes = [64, 128], strides = [1, 1]} : vector<4096x128xf32> to vector<64x128xf32>
    %get3A_1057 = arith.constant 0 : index
    %get3A_1058 = arith.constant 13 : index
    %get3A_1059 = arith.constant 0 : index
    %get3A_1060 = arith.constant 0 : index
    %get3A_1061 = vector.load %arg3[%get3A_1057, %get3A_1058, %get3A_1059, %get3A_1060] : memref<1x64x64x64xf32, #tpu.memory_space<vmem>>, vector<1x1x64x64xf32>
    %get3A_1062 = vector.shape_cast %get3A_1061 : vector<1x1x64x64xf32> to vector<64x64xf32>
    %dot_general3A_1063 = arith.constant dense<0.000000e+00> : vector<64x128xf32>
    %dot_general3A_1064 = tpu.matmul %get3A_1062, %slice3A_1056, %dot_general3A_1063 {dimension_numbers = #tpu.dot_dimension_numbers<[1], [0], [0], [1], [0, 0, 1, 1], [], []>, transpose_lhs_hint = false} : vector<64x64xf32>, vector<64x128xf32>, vector<64x128xf32> -> vector<64x128xf32>
    %mul3A_1065 = arith.constant 64 : i32
    %mul3A_1066 = arith.muli %arg1, %mul3A_1065 : i32
    %mul3A_1067 = arith.constant 64 : i32
    %mul3A_1068 = arith.muli %mul3A_1066, %mul3A_1067 : i32
    %add3A_1069 = arith.constant 832 : i32
    %add3A_1070 = arith.addi %add3A_1069, %mul3A_1068 : i32
    %eq3A_1071 = arith.constant 0 : i32
    %eq3A_1072 = arith.cmpi eq, %arg0, %eq3A_1071 : i32
    %get3A_1073 = arith.index_cast %add3A_1070 : i32 to index
    %get3A_1074 = arith.constant 0 : index
    %get3A_1075 = vector.load %arg12[%get3A_1073, %get3A_1074] : memref<8192x128xf32, #tpu.memory_space<vmem>>, vector<64x128xf32>
    %jit3A_1076 = arith.constant 0.000000e+00 : f32
    %broadcast_in_dim3A_1077 = vector.broadcast %jit3A_1076 : f32 to vector<64x128xf32>
    %select_n3A_1078 = arith.select %eq3A_1072, %broadcast_in_dim3A_1077, %get3A_1075 : vector<64x128xf32>
    %mul3A_1079 = vector.broadcast %get3A_1048 : f32 to vector<64x128xf32>
    %mul3A_1080 = arith.mulf %mul3A_1079, %dot_general3A_1064 : vector<64x128xf32>
    %add3A_1081 = arith.addf %select_n3A_1078, %mul3A_1080 : vector<64x128xf32>
    %gt3A_1082 = vector.broadcast %get3A_1053 : f32 to vector<64x128xf32>
    %gt3A_1083 = arith.cmpf ogt, %add3A_1081, %gt3A_1082 : vector<64x128xf32>
    %jit3A_1084 = arith.constant 1.000000e+00 : f32
    %jit3A_1085 = arith.constant 0.000000e+00 : f32
    %broadcast_in_dim3A_1086 = vector.broadcast %jit3A_1084 : f32 to vector<64x128xf32>
    %broadcast_in_dim3A_1087 = vector.broadcast %jit3A_1085 : f32 to vector<64x128xf32>
    %select_n3A_1088 = arith.select %gt3A_1083, %broadcast_in_dim3A_1086, %broadcast_in_dim3A_1087 : vector<64x128xi1>, vector<64x128xf32>
    %and3A_1089 = vector.broadcast %gt3A_1055 : i1 to vector<64x128xi1>
    %and3A_1090 = arith.andi %and3A_1089, %gt3A_1083 : vector<64x128xi1>
    %jit3A_1091 = arith.constant 0.000000e+00 : f32
    %broadcast_in_dim3A_1092 = vector.broadcast %jit3A_1091 : f32 to vector<64x128xf32>
    %select_n3A_1093 = arith.select %and3A_1090, %broadcast_in_dim3A_1092, %add3A_1081 : vector<64x128xi1>, vector<64x128xf32>
    %swap3A_1094 = arith.index_cast %add3A_1070 : i32 to index
    %swap3A_1095 = arith.constant 0 : index
    %swap3A_1096 = vector.load %arg12[%swap3A_1094, %swap3A_1095] : memref<8192x128xf32, #tpu.memory_space<vmem>>, vector<64x128xf32>
    tpu.vector_store %arg12[%swap3A_1094, %swap3A_1095], %select_n3A_1093 {strides = array<i32>} : memref<8192x128xf32, #tpu.memory_space<vmem>>, vector<64x128xf32>,
    %dot_general3A_1097 = arith.constant dense<0.000000e+00> : vector<8x128xf32>
    %dot_general3A_1098 = tpu.matmul %get3A_71, %select_n3A_1088, %dot_general3A_1097 {dimension_numbers = #tpu.dot_dimension_numbers<[1], [0], [0], [1], [0, 0, 1, 1], [], []>, transpose_lhs_hint = false} : vector<8x64xf32>, vector<64x128xf32>, vector<8x128xf32> -> vector<8x128xf32>
    %mul3A_1099 = arith.constant 64 : i32
    %mul3A_1100 = arith.muli %arg1, %mul3A_1099 : i32
    %add3A_1101 = arith.constant 13 : i32
    %add3A_1102 = arith.addi %mul3A_1100, %add3A_1101 : i32
    %mul3A_1103 = arith.constant 8 : i32
    %mul3A_1104 = arith.muli %add3A_1102, %mul3A_1103 : i32
    %eq3A_1105 = arith.constant 0 : i32
    %eq3A_1106 = arith.cmpi eq, %arg0, %eq3A_1105 : i32
    %add3A_1107 = arith.addi %mul3A_14, %mul3A_1104 : i32
    %get3A_1108 = arith.index_cast %add3A_1107 : i32 to index
    %get3A_1109 = arith.constant 0 : index
    %get3A_1110 = vector.load %arg11[%get3A_1108, %get3A_1109] : memref<2048x128xf32, #tpu.memory_space<vmem>>, vector<8x128xf32>
    %jit3A_1111 = arith.constant 0.000000e+00 : f32
    %broadcast_in_dim3A_1112 = vector.broadcast %jit3A_1111 : f32 to vector<8x128xf32>
    %select_n3A_1113 = arith.select %eq3A_1106, %broadcast_in_dim3A_1112, %get3A_1110 : vector<8x128xf32>
    %select_n3A_1114 = arith.select %gt3A_1055, %dot_general3A_1098, %select_n3A_1113 : vector<8x128xf32>
    %add3A_1115 = arith.addi %mul3A_34, %mul3A_1104 : i32
    %swap3A_1116 = arith.index_cast %add3A_1115 : i32 to index
    %swap3A_1117 = arith.constant 0 : index
    %swap3A_1118 = vector.load %arg11[%swap3A_1116, %swap3A_1117] : memref<2048x128xf32, #tpu.memory_space<vmem>>, vector<8x128xf32>
    tpu.vector_store %arg11[%swap3A_1116, %swap3A_1117], %select_n3A_1114 {strides = array<i32>} : memref<2048x128xf32, #tpu.memory_space<vmem>>, vector<8x128xf32>,
    %get3A_1119 = arith.constant 0 : index
    %get3A_1120 = arith.constant 14 : index
    %get3A_1121 = arith.constant 0 : index
    %get3A_1122 = arith.constant 0 : index
    %get3A_1123 = memref.load %arg9[%get3A_1119, %get3A_1120, %get3A_1121, %get3A_1122] : memref<1x64x1x2xf32, #tpu.memory_space<smem>>
    %get3A_1124 = arith.constant 0 : index
    %get3A_1125 = arith.constant 14 : index
    %get3A_1126 = arith.constant 0 : index
    %get3A_1127 = arith.constant 1 : index
    %get3A_1128 = memref.load %arg9[%get3A_1124, %get3A_1125, %get3A_1126, %get3A_1127] : memref<1x64x1x2xf32, #tpu.memory_space<smem>>
    %gt3A_1129 = arith.constant 5.000000e-01 : f32
    %gt3A_1130 = arith.cmpf ogt, %get3A_1123, %gt3A_1129 : f32
    %slice3A_1131 = vector.extract_strided_slice %add3A_68 {offsets = [896, 0], sizes = [64, 128], strides = [1, 1]} : vector<4096x128xf32> to vector<64x128xf32>
    %get3A_1132 = arith.constant 0 : index
    %get3A_1133 = arith.constant 14 : index
    %get3A_1134 = arith.constant 0 : index
    %get3A_1135 = arith.constant 0 : index
    %get3A_1136 = vector.load %arg3[%get3A_1132, %get3A_1133, %get3A_1134, %get3A_1135] : memref<1x64x64x64xf32, #tpu.memory_space<vmem>>, vector<1x1x64x64xf32>
    %get3A_1137 = vector.shape_cast %get3A_1136 : vector<1x1x64x64xf32> to vector<64x64xf32>
    %dot_general3A_1138 = arith.constant dense<0.000000e+00> : vector<64x128xf32>
    %dot_general3A_1139 = tpu.matmul %get3A_1137, %slice3A_1131, %dot_general3A_1138 {dimension_numbers = #tpu.dot_dimension_numbers<[1], [0], [0], [1], [0, 0, 1, 1], [], []>, transpose_lhs_hint = false} : vector<64x64xf32>, vector<64x128xf32>, vector<64x128xf32> -> vector<64x128xf32>
    %mul3A_1140 = arith.constant 64 : i32
    %mul3A_1141 = arith.muli %arg1, %mul3A_1140 : i32
    %mul3A_1142 = arith.constant 64 : i32
    %mul3A_1143 = arith.muli %mul3A_1141, %mul3A_1142 : i32
    %add3A_1144 = arith.constant 896 : i32
    %add3A_1145 = arith.addi %add3A_1144, %mul3A_1143 : i32
    %eq3A_1146 = arith.constant 0 : i32
    %eq3A_1147 = arith.cmpi eq, %arg0, %eq3A_1146 : i32
    %get3A_1148 = arith.index_cast %add3A_1145 : i32 to index
    %get3A_1149 = arith.constant 0 : index
    %get3A_1150 = vector.load %arg12[%get3A_1148, %get3A_1149] : memref<8192x128xf32, #tpu.memory_space<vmem>>, vector<64x128xf32>
    %jit3A_1151 = arith.constant 0.000000e+00 : f32
    %broadcast_in_dim3A_1152 = vector.broadcast %jit3A_1151 : f32 to vector<64x128xf32>
    %select_n3A_1153 = arith.select %eq3A_1147, %broadcast_in_dim3A_1152, %get3A_1150 : vector<64x128xf32>
    %mul3A_1154 = vector.broadcast %get3A_1123 : f32 to vector<64x128xf32>
    %mul3A_1155 = arith.mulf %mul3A_1154, %dot_general3A_1139 : vector<64x128xf32>
    %add3A_1156 = arith.addf %select_n3A_1153, %mul3A_1155 : vector<64x128xf32>
    %gt3A_1157 = vector.broadcast %get3A_1128 : f32 to vector<64x128xf32>
    %gt3A_1158 = arith.cmpf ogt, %add3A_1156, %gt3A_1157 : vector<64x128xf32>
    %jit3A_1159 = arith.constant 1.000000e+00 : f32
    %jit3A_1160 = arith.constant 0.000000e+00 : f32
    %broadcast_in_dim3A_1161 = vector.broadcast %jit3A_1159 : f32 to vector<64x128xf32>
    %broadcast_in_dim3A_1162 = vector.broadcast %jit3A_1160 : f32 to vector<64x128xf32>
    %select_n3A_1163 = arith.select %gt3A_1158, %broadcast_in_dim3A_1161, %broadcast_in_dim3A_1162 : vector<64x128xi1>, vector<64x128xf32>
    %and3A_1164 = vector.broadcast %gt3A_1130 : i1 to vector<64x128xi1>
    %and3A_1165 = arith.andi %and3A_1164, %gt3A_1158 : vector<64x128xi1>
    %jit3A_1166 = arith.constant 0.000000e+00 : f32
    %broadcast_in_dim3A_1167 = vector.broadcast %jit3A_1166 : f32 to vector<64x128xf32>
    %select_n3A_1168 = arith.select %and3A_1165, %broadcast_in_dim3A_1167, %add3A_1156 : vector<64x128xi1>, vector<64x128xf32>
    %swap3A_1169 = arith.index_cast %add3A_1145 : i32 to index
    %swap3A_1170 = arith.constant 0 : index
    %swap3A_1171 = vector.load %arg12[%swap3A_1169, %swap3A_1170] : memref<8192x128xf32, #tpu.memory_space<vmem>>, vector<64x128xf32>
    tpu.vector_store %arg12[%swap3A_1169, %swap3A_1170], %select_n3A_1168 {strides = array<i32>} : memref<8192x128xf32, #tpu.memory_space<vmem>>, vector<64x128xf32>,
    %dot_general3A_1172 = arith.constant dense<0.000000e+00> : vector<8x128xf32>
    %dot_general3A_1173 = tpu.matmul %get3A_71, %select_n3A_1163, %dot_general3A_1172 {dimension_numbers = #tpu.dot_dimension_numbers<[1], [0], [0], [1], [0, 0, 1, 1], [], []>, transpose_lhs_hint = false} : vector<8x64xf32>, vector<64x128xf32>, vector<8x128xf32> -> vector<8x128xf32>
    %mul3A_1174 = arith.constant 64 : i32
    %mul3A_1175 = arith.muli %arg1, %mul3A_1174 : i32
    %add3A_1176 = arith.constant 14 : i32
    %add3A_1177 = arith.addi %mul3A_1175, %add3A_1176 : i32
    %mul3A_1178 = arith.constant 8 : i32
    %mul3A_1179 = arith.muli %add3A_1177, %mul3A_1178 : i32
    %eq3A_1180 = arith.constant 0 : i32
    %eq3A_1181 = arith.cmpi eq, %arg0, %eq3A_1180 : i32
    %add3A_1182 = arith.addi %mul3A_14, %mul3A_1179 : i32
    %get3A_1183 = arith.index_cast %add3A_1182 : i32 to index
    %get3A_1184 = arith.constant 0 : index
    %get3A_1185 = vector.load %arg11[%get3A_1183, %get3A_1184] : memref<2048x128xf32, #tpu.memory_space<vmem>>, vector<8x128xf32>
    %jit3A_1186 = arith.constant 0.000000e+00 : f32
    %broadcast_in_dim3A_1187 = vector.broadcast %jit3A_1186 : f32 to vector<8x128xf32>
    %select_n3A_1188 = arith.select %eq3A_1181, %broadcast_in_dim3A_1187, %get3A_1185 : vector<8x128xf32>
    %select_n3A_1189 = arith.select %gt3A_1130, %dot_general3A_1173, %select_n3A_1188 : vector<8x128xf32>
    %add3A_1190 = arith.addi %mul3A_34, %mul3A_1179 : i32
    %swap3A_1191 = arith.index_cast %add3A_1190 : i32 to index
    %swap3A_1192 = arith.constant 0 : index
    %swap3A_1193 = vector.load %arg11[%swap3A_1191, %swap3A_1192] : memref<2048x128xf32, #tpu.memory_space<vmem>>, vector<8x128xf32>
    tpu.vector_store %arg11[%swap3A_1191, %swap3A_1192], %select_n3A_1189 {strides = array<i32>} : memref<2048x128xf32, #tpu.memory_space<vmem>>, vector<8x128xf32>,
    %get3A_1194 = arith.constant 0 : index
    %get3A_1195 = arith.constant 15 : index
    %get3A_1196 = arith.constant 0 : index
    %get3A_1197 = arith.constant 0 : index
    %get3A_1198 = memref.load %arg9[%get3A_1194, %get3A_1195, %get3A_1196, %get3A_1197] : memref<1x64x1x2xf32, #tpu.memory_space<smem>>
    %get3A_1199 = arith.constant 0 : index
    %get3A_1200 = arith.constant 15 : index
    %get3A_1201 = arith.constant 0 : index
    %get3A_1202 = arith.constant 1 : index
    %get3A_1203 = memref.load %arg9[%get3A_1199, %get3A_1200, %get3A_1201, %get3A_1202] : memref<1x64x1x2xf32, #tpu.memory_space<smem>>
    %gt3A_1204 = arith.constant 5.000000e-01 : f32
    %gt3A_1205 = arith.cmpf ogt, %get3A_1198, %gt3A_1204 : f32
    %slice3A_1206 = vector.extract_strided_slice %add3A_68 {offsets = [960, 0], sizes = [64, 128], strides = [1, 1]} : vector<4096x128xf32> to vector<64x128xf32>
    %get3A_1207 = arith.constant 0 : index
    %get3A_1208 = arith.constant 15 : index
    %get3A_1209 = arith.constant 0 : index
    %get3A_1210 = arith.constant 0 : index
    %get3A_1211 = vector.load %arg3[%get3A_1207, %get3A_1208, %get3A_1209, %get3A_1210] : memref<1x64x64x64xf32, #tpu.memory_space<vmem>>, vector<1x1x64x64xf32>
    %get3A_1212 = vector.shape_cast %get3A_1211 : vector<1x1x64x64xf32> to vector<64x64xf32>
    %dot_general3A_1213 = arith.constant dense<0.000000e+00> : vector<64x128xf32>
    %dot_general3A_1214 = tpu.matmul %get3A_1212, %slice3A_1206, %dot_general3A_1213 {dimension_numbers = #tpu.dot_dimension_numbers<[1], [0], [0], [1], [0, 0, 1, 1], [], []>, transpose_lhs_hint = false} : vector<64x64xf32>, vector<64x128xf32>, vector<64x128xf32> -> vector<64x128xf32>
    %mul3A_1215 = arith.constant 64 : i32
    %mul3A_1216 = arith.muli %arg1, %mul3A_1215 : i32
    %mul3A_1217 = arith.constant 64 : i32
    %mul3A_1218 = arith.muli %mul3A_1216, %mul3A_1217 : i32
    %add3A_1219 = arith.constant 960 : i32
    %add3A_1220 = arith.addi %add3A_1219, %mul3A_1218 : i32
    %eq3A_1221 = arith.constant 0 : i32
    %eq3A_1222 = arith.cmpi eq, %arg0, %eq3A_1221 : i32
    %get3A_1223 = arith.index_cast %add3A_1220 : i32 to index
    %get3A_1224 = arith.constant 0 : index
    %get3A_1225 = vector.load %arg12[%get3A_1223, %get3A_1224] : memref<8192x128xf32, #tpu.memory_space<vmem>>, vector<64x128xf32>
    %jit3A_1226 = arith.constant 0.000000e+00 : f32
    %broadcast_in_dim3A_1227 = vector.broadcast %jit3A_1226 : f32 to vector<64x128xf32>
    %select_n3A_1228 = arith.select %eq3A_1222, %broadcast_in_dim3A_1227, %get3A_1225 : vector<64x128xf32>
    %mul3A_1229 = vector.broadcast %get3A_1198 : f32 to vector<64x128xf32>
    %mul3A_1230 = arith.mulf %mul3A_1229, %dot_general3A_1214 : vector<64x128xf32>
    %add3A_1231 = arith.addf %select_n3A_1228, %mul3A_1230 : vector<64x128xf32>
    %gt3A_1232 = vector.broadcast %get3A_1203 : f32 to vector<64x128xf32>
    %gt3A_1233 = arith.cmpf ogt, %add3A_1231, %gt3A_1232 : vector<64x128xf32>
    %jit3A_1234 = arith.constant 1.000000e+00 : f32
    %jit3A_1235 = arith.constant 0.000000e+00 : f32
    %broadcast_in_dim3A_1236 = vector.broadcast %jit3A_1234 : f32 to vector<64x128xf32>
    %broadcast_in_dim3A_1237 = vector.broadcast %jit3A_1235 : f32 to vector<64x128xf32>
    %select_n3A_1238 = arith.select %gt3A_1233, %broadcast_in_dim3A_1236, %broadcast_in_dim3A_1237 : vector<64x128xi1>, vector<64x128xf32>
    %and3A_1239 = vector.broadcast %gt3A_1205 : i1 to vector<64x128xi1>
    %and3A_1240 = arith.andi %and3A_1239, %gt3A_1233 : vector<64x128xi1>
    %jit3A_1241 = arith.constant 0.000000e+00 : f32
    %broadcast_in_dim3A_1242 = vector.broadcast %jit3A_1241 : f32 to vector<64x128xf32>
    %select_n3A_1243 = arith.select %and3A_1240, %broadcast_in_dim3A_1242, %add3A_1231 : vector<64x128xi1>, vector<64x128xf32>
    %swap3A_1244 = arith.index_cast %add3A_1220 : i32 to index
    %swap3A_1245 = arith.constant 0 : index
    %swap3A_1246 = vector.load %arg12[%swap3A_1244, %swap3A_1245] : memref<8192x128xf32, #tpu.memory_space<vmem>>, vector<64x128xf32>
    tpu.vector_store %arg12[%swap3A_1244, %swap3A_1245], %select_n3A_1243 {strides = array<i32>} : memref<8192x128xf32, #tpu.memory_space<vmem>>, vector<64x128xf32>,
    %dot_general3A_1247 = arith.constant dense<0.000000e+00> : vector<8x128xf32>
    %dot_general3A_1248 = tpu.matmul %get3A_71, %select_n3A_1238, %dot_general3A_1247 {dimension_numbers = #tpu.dot_dimension_numbers<[1], [0], [0], [1], [0, 0, 1, 1], [], []>, transpose_lhs_hint = false} : vector<8x64xf32>, vector<64x128xf32>, vector<8x128xf32> -> vector<8x128xf32>
    %mul3A_1249 = arith.constant 64 : i32
    %mul3A_1250 = arith.muli %arg1, %mul3A_1249 : i32
    %add3A_1251 = arith.constant 15 : i32
    %add3A_1252 = arith.addi %mul3A_1250, %add3A_1251 : i32
    %mul3A_1253 = arith.constant 8 : i32
    %mul3A_1254 = arith.muli %add3A_1252, %mul3A_1253 : i32
    %eq3A_1255 = arith.constant 0 : i32
    %eq3A_1256 = arith.cmpi eq, %arg0, %eq3A_1255 : i32
    %add3A_1257 = arith.addi %mul3A_14, %mul3A_1254 : i32
    %get3A_1258 = arith.index_cast %add3A_1257 : i32 to index
    %get3A_1259 = arith.constant 0 : index
    %get3A_1260 = vector.load %arg11[%get3A_1258, %get3A_1259] : memref<2048x128xf32, #tpu.memory_space<vmem>>, vector<8x128xf32>
    %jit3A_1261 = arith.constant 0.000000e+00 : f32
    %broadcast_in_dim3A_1262 = vector.broadcast %jit3A_1261 : f32 to vector<8x128xf32>
    %select_n3A_1263 = arith.select %eq3A_1256, %broadcast_in_dim3A_1262, %get3A_1260 : vector<8x128xf32>
    %select_n3A_1264 = arith.select %gt3A_1205, %dot_general3A_1248, %select_n3A_1263 : vector<8x128xf32>
    %add3A_1265 = arith.addi %mul3A_34, %mul3A_1254 : i32
    %swap3A_1266 = arith.index_cast %add3A_1265 : i32 to index
    %swap3A_1267 = arith.constant 0 : index
    %swap3A_1268 = vector.load %arg11[%swap3A_1266, %swap3A_1267] : memref<2048x128xf32, #tpu.memory_space<vmem>>, vector<8x128xf32>
    tpu.vector_store %arg11[%swap3A_1266, %swap3A_1267], %select_n3A_1264 {strides = array<i32>} : memref<2048x128xf32, #tpu.memory_space<vmem>>, vector<8x128xf32>,
    %get3A_1269 = arith.constant 0 : index
    %get3A_1270 = arith.constant 16 : index
    %get3A_1271 = arith.constant 0 : index
    %get3A_1272 = arith.constant 0 : index
    %get3A_1273 = memref.load %arg9[%get3A_1269, %get3A_1270, %get3A_1271, %get3A_1272] : memref<1x64x1x2xf32, #tpu.memory_space<smem>>
    %get3A_1274 = arith.constant 0 : index
    %get3A_1275 = arith.constant 16 : index
    %get3A_1276 = arith.constant 0 : index
    %get3A_1277 = arith.constant 1 : index
    %get3A_1278 = memref.load %arg9[%get3A_1274, %get3A_1275, %get3A_1276, %get3A_1277] : memref<1x64x1x2xf32, #tpu.memory_space<smem>>
    %gt3A_1279 = arith.constant 5.000000e-01 : f32
    %gt3A_1280 = arith.cmpf ogt, %get3A_1273, %gt3A_1279 : f32
    %slice3A_1281 = vector.extract_strided_slice %add3A_68 {offsets = [1024, 0], sizes = [64, 128], strides = [1, 1]} : vector<4096x128xf32> to vector<64x128xf32>
    %get3A_1282 = arith.constant 0 : index
    %get3A_1283 = arith.constant 16 : index
    %get3A_1284 = arith.constant 0 : index
    %get3A_1285 = arith.constant 0 : index
    %get3A_1286 = vector.load %arg3[%get3A_1282, %get3A_1283, %get3A_1284, %get3A_1285] : memref<1x64x64x64xf32, #tpu.memory_space<vmem>>, vector<1x1x64x64xf32>
    %get3A_1287 = vector.shape_cast %get3A_1286 : vector<1x1x64x64xf32> to vector<64x64xf32>
    %dot_general3A_1288 = arith.constant dense<0.000000e+00> : vector<64x128xf32>
    %dot_general3A_1289 = tpu.matmul %get3A_1287, %slice3A_1281, %dot_general3A_1288 {dimension_numbers = #tpu.dot_dimension_numbers<[1], [0], [0], [1], [0, 0, 1, 1], [], []>, transpose_lhs_hint = false} : vector<64x64xf32>, vector<64x128xf32>, vector<64x128xf32> -> vector<64x128xf32>
    %mul3A_1290 = arith.constant 64 : i32
    %mul3A_1291 = arith.muli %arg1, %mul3A_1290 : i32
    %mul3A_1292 = arith.constant 64 : i32
    %mul3A_1293 = arith.muli %mul3A_1291, %mul3A_1292 : i32
    %add3A_1294 = arith.constant 1024 : i32
    %add3A_1295 = arith.addi %add3A_1294, %mul3A_1293 : i32
    %eq3A_1296 = arith.constant 0 : i32
    %eq3A_1297 = arith.cmpi eq, %arg0, %eq3A_1296 : i32
    %get3A_1298 = arith.index_cast %add3A_1295 : i32 to index
    %get3A_1299 = arith.constant 0 : index
    %get3A_1300 = vector.load %arg12[%get3A_1298, %get3A_1299] : memref<8192x128xf32, #tpu.memory_space<vmem>>, vector<64x128xf32>
    %jit3A_1301 = arith.constant 0.000000e+00 : f32
    %broadcast_in_dim3A_1302 = vector.broadcast %jit3A_1301 : f32 to vector<64x128xf32>
    %select_n3A_1303 = arith.select %eq3A_1297, %broadcast_in_dim3A_1302, %get3A_1300 : vector<64x128xf32>
    %mul3A_1304 = vector.broadcast %get3A_1273 : f32 to vector<64x128xf32>
    %mul3A_1305 = arith.mulf %mul3A_1304, %dot_general3A_1289 : vector<64x128xf32>
    %add3A_1306 = arith.addf %select_n3A_1303, %mul3A_1305 : vector<64x128xf32>
    %gt3A_1307 = vector.broadcast %get3A_1278 : f32 to vector<64x128xf32>
    %gt3A_1308 = arith.cmpf ogt, %add3A_1306, %gt3A_1307 : vector<64x128xf32>
    %jit3A_1309 = arith.constant 1.000000e+00 : f32
    %jit3A_1310 = arith.constant 0.000000e+00 : f32
    %broadcast_in_dim3A_1311 = vector.broadcast %jit3A_1309 : f32 to vector<64x128xf32>
    %broadcast_in_dim3A_1312 = vector.broadcast %jit3A_1310 : f32 to vector<64x128xf32>
    %select_n3A_1313 = arith.select %gt3A_1308, %broadcast_in_dim3A_1311, %broadcast_in_dim3A_1312 : vector<64x128xi1>, vector<64x128xf32>
    %and3A_1314 = vector.broadcast %gt3A_1280 : i1 to vector<64x128xi1>
    %and3A_1315 = arith.andi %and3A_1314, %gt3A_1308 : vector<64x128xi1>
    %jit3A_1316 = arith.constant 0.000000e+00 : f32
    %broadcast_in_dim3A_1317 = vector.broadcast %jit3A_1316 : f32 to vector<64x128xf32>
    %select_n3A_1318 = arith.select %and3A_1315, %broadcast_in_dim3A_1317, %add3A_1306 : vector<64x128xi1>, vector<64x128xf32>
    %swap3A_1319 = arith.index_cast %add3A_1295 : i32 to index
    %swap3A_1320 = arith.constant 0 : index
    %swap3A_1321 = vector.load %arg12[%swap3A_1319, %swap3A_1320] : memref<8192x128xf32, #tpu.memory_space<vmem>>, vector<64x128xf32>
    tpu.vector_store %arg12[%swap3A_1319, %swap3A_1320], %select_n3A_1318 {strides = array<i32>} : memref<8192x128xf32, #tpu.memory_space<vmem>>, vector<64x128xf32>,
    %dot_general3A_1322 = arith.constant dense<0.000000e+00> : vector<8x128xf32>
    %dot_general3A_1323 = tpu.matmul %get3A_71, %select_n3A_1313, %dot_general3A_1322 {dimension_numbers = #tpu.dot_dimension_numbers<[1], [0], [0], [1], [0, 0, 1, 1], [], []>, transpose_lhs_hint = false} : vector<8x64xf32>, vector<64x128xf32>, vector<8x128xf32> -> vector<8x128xf32>
    %mul3A_1324 = arith.constant 64 : i32
    %mul3A_1325 = arith.muli %arg1, %mul3A_1324 : i32
    %add3A_1326 = arith.constant 16 : i32
    %add3A_1327 = arith.addi %mul3A_1325, %add3A_1326 : i32
    %mul3A_1328 = arith.constant 8 : i32
    %mul3A_1329 = arith.muli %add3A_1327, %mul3A_1328 : i32
    %eq3A_1330 = arith.constant 0 : i32
    %eq3A_1331 = arith.cmpi eq, %arg0, %eq3A_1330 : i32
    %add3A_1332 = arith.addi %mul3A_14, %mul3A_1329 : i32
    %get3A_1333 = arith.index_cast %add3A_1332 : i32 to index
    %get3A_1334 = arith.constant 0 : index
    %get3A_1335 = vector.load %arg11[%get3A_1333, %get3A_1334] : memref<2048x128xf32, #tpu.memory_space<vmem>>, vector<8x128xf32>
    %jit3A_1336 = arith.constant 0.000000e+00 : f32
    %broadcast_in_dim3A_1337 = vector.broadcast %jit3A_1336 : f32 to vector<8x128xf32>
    %select_n3A_1338 = arith.select %eq3A_1331, %broadcast_in_dim3A_1337, %get3A_1335 : vector<8x128xf32>
    %select_n3A_1339 = arith.select %gt3A_1280, %dot_general3A_1323, %select_n3A_1338 : vector<8x128xf32>
    %add3A_1340 = arith.addi %mul3A_34, %mul3A_1329 : i32
    %swap3A_1341 = arith.index_cast %add3A_1340 : i32 to index
    %swap3A_1342 = arith.constant 0 : index
    %swap3A_1343 = vector.load %arg11[%swap3A_1341, %swap3A_1342] : memref<2048x128xf32, #tpu.memory_space<vmem>>, vector<8x128xf32>
    tpu.vector_store %arg11[%swap3A_1341, %swap3A_1342], %select_n3A_1339 {strides = array<i32>} : memref<2048x128xf32, #tpu.memory_space<vmem>>, vector<8x128xf32>,
    %get3A_1344 = arith.constant 0 : index
    %get3A_1345 = arith.constant 17 : index
    %get3A_1346 = arith.constant 0 : index
    %get3A_1347 = arith.constant 0 : index
    %get3A_1348 = memref.load %arg9[%get3A_1344, %get3A_1345, %get3A_1346, %get3A_1347] : memref<1x64x1x2xf32, #tpu.memory_space<smem>>
    %get3A_1349 = arith.constant 0 : index
    %get3A_1350 = arith.constant 17 : index
    %get3A_1351 = arith.constant 0 : index
    %get3A_1352 = arith.constant 1 : index
    %get3A_1353 = memref.load %arg9[%get3A_1349, %get3A_1350, %get3A_1351, %get3A_1352] : memref<1x64x1x2xf32, #tpu.memory_space<smem>>
    %gt3A_1354 = arith.constant 5.000000e-01 : f32
    %gt3A_1355 = arith.cmpf ogt, %get3A_1348, %gt3A_1354 : f32
    %slice3A_1356 = vector.extract_strided_slice %add3A_68 {offsets = [1088, 0], sizes = [64, 128], strides = [1, 1]} : vector<4096x128xf32> to vector<64x128xf32>
    %get3A_1357 = arith.constant 0 : index
    %get3A_1358 = arith.constant 17 : index
    %get3A_1359 = arith.constant 0 : index
    %get3A_1360 = arith.constant 0 : index
    %get3A_1361 = vector.load %arg3[%get3A_1357, %get3A_1358, %get3A_1359, %get3A_1360] : memref<1x64x64x64xf32, #tpu.memory_space<vmem>>, vector<1x1x64x64xf32>
    %get3A_1362 = vector.shape_cast %get3A_1361 : vector<1x1x64x64xf32> to vector<64x64xf32>
    %dot_general3A_1363 = arith.constant dense<0.000000e+00> : vector<64x128xf32>
    %dot_general3A_1364 = tpu.matmul %get3A_1362, %slice3A_1356, %dot_general3A_1363 {dimension_numbers = #tpu.dot_dimension_numbers<[1], [0], [0], [1], [0, 0, 1, 1], [], []>, transpose_lhs_hint = false} : vector<64x64xf32>, vector<64x128xf32>, vector<64x128xf32> -> vector<64x128xf32>
    %mul3A_1365 = arith.constant 64 : i32
    %mul3A_1366 = arith.muli %arg1, %mul3A_1365 : i32
    %mul3A_1367 = arith.constant 64 : i32
    %mul3A_1368 = arith.muli %mul3A_1366, %mul3A_1367 : i32
    %add3A_1369 = arith.constant 1088 : i32
    %add3A_1370 = arith.addi %add3A_1369, %mul3A_1368 : i32
    %eq3A_1371 = arith.constant 0 : i32
    %eq3A_1372 = arith.cmpi eq, %arg0, %eq3A_1371 : i32
    %get3A_1373 = arith.index_cast %add3A_1370 : i32 to index
    %get3A_1374 = arith.constant 0 : index
    %get3A_1375 = vector.load %arg12[%get3A_1373, %get3A_1374] : memref<8192x128xf32, #tpu.memory_space<vmem>>, vector<64x128xf32>
    %jit3A_1376 = arith.constant 0.000000e+00 : f32
    %broadcast_in_dim3A_1377 = vector.broadcast %jit3A_1376 : f32 to vector<64x128xf32>
    %select_n3A_1378 = arith.select %eq3A_1372, %broadcast_in_dim3A_1377, %get3A_1375 : vector<64x128xf32>
    %mul3A_1379 = vector.broadcast %get3A_1348 : f32 to vector<64x128xf32>
    %mul3A_1380 = arith.mulf %mul3A_1379, %dot_general3A_1364 : vector<64x128xf32>
    %add3A_1381 = arith.addf %select_n3A_1378, %mul3A_1380 : vector<64x128xf32>
    %gt3A_1382 = vector.broadcast %get3A_1353 : f32 to vector<64x128xf32>
    %gt3A_1383 = arith.cmpf ogt, %add3A_1381, %gt3A_1382 : vector<64x128xf32>
    %jit3A_1384 = arith.constant 1.000000e+00 : f32
    %jit3A_1385 = arith.constant 0.000000e+00 : f32
    %broadcast_in_dim3A_1386 = vector.broadcast %jit3A_1384 : f32 to vector<64x128xf32>
    %broadcast_in_dim3A_1387 = vector.broadcast %jit3A_1385 : f32 to vector<64x128xf32>
    %select_n3A_1388 = arith.select %gt3A_1383, %broadcast_in_dim3A_1386, %broadcast_in_dim3A_1387 : vector<64x128xi1>, vector<64x128xf32>
    %and3A_1389 = vector.broadcast %gt3A_1355 : i1 to vector<64x128xi1>
    %and3A_1390 = arith.andi %and3A_1389, %gt3A_1383 : vector<64x128xi1>
    %jit3A_1391 = arith.constant 0.000000e+00 : f32
    %broadcast_in_dim3A_1392 = vector.broadcast %jit3A_1391 : f32 to vector<64x128xf32>
    %select_n3A_1393 = arith.select %and3A_1390, %broadcast_in_dim3A_1392, %add3A_1381 : vector<64x128xi1>, vector<64x128xf32>
    %swap3A_1394 = arith.index_cast %add3A_1370 : i32 to index
    %swap3A_1395 = arith.constant 0 : index
    %swap3A_1396 = vector.load %arg12[%swap3A_1394, %swap3A_1395] : memref<8192x128xf32, #tpu.memory_space<vmem>>, vector<64x128xf32>
    tpu.vector_store %arg12[%swap3A_1394, %swap3A_1395], %select_n3A_1393 {strides = array<i32>} : memref<8192x128xf32, #tpu.memory_space<vmem>>, vector<64x128xf32>,
    %dot_general3A_1397 = arith.constant dense<0.000000e+00> : vector<8x128xf32>
    %dot_general3A_1398 = tpu.matmul %get3A_71, %select_n3A_1388, %dot_general3A_1397 {dimension_numbers = #tpu.dot_dimension_numbers<[1], [0], [0], [1], [0, 0, 1, 1], [], []>, transpose_lhs_hint = false} : vector<8x64xf32>, vector<64x128xf32>, vector<8x128xf32> -> vector<8x128xf32>
    %mul3A_1399 = arith.constant 64 : i32
    %mul3A_1400 = arith.muli %arg1, %mul3A_1399 : i32
    %add3A_1401 = arith.constant 17 : i32
    %add3A_1402 = arith.addi %mul3A_1400, %add3A_1401 : i32
    %mul3A_1403 = arith.constant 8 : i32
    %mul3A_1404 = arith.muli %add3A_1402, %mul3A_1403 : i32
    %eq3A_1405 = arith.constant 0 : i32
    %eq3A_1406 = arith.cmpi eq, %arg0, %eq3A_1405 : i32
    %add3A_1407 = arith.addi %mul3A_14, %mul3A_1404 : i32
    %get3A_1408 = arith.index_cast %add3A_1407 : i32 to index
    %get3A_1409 = arith.constant 0 : index
    %get3A_1410 = vector.load %arg11[%get3A_1408, %get3A_1409] : memref<2048x128xf32, #tpu.memory_space<vmem>>, vector<8x128xf32>
    %jit3A_1411 = arith.constant 0.000000e+00 : f32
    %broadcast_in_dim3A_1412 = vector.broadcast %jit3A_1411 : f32 to vector<8x128xf32>
    %select_n3A_1413 = arith.select %eq3A_1406, %broadcast_in_dim3A_1412, %get3A_1410 : vector<8x128xf32>
    %select_n3A_1414 = arith.select %gt3A_1355, %dot_general3A_1398, %select_n3A_1413 : vector<8x128xf32>
    %add3A_1415 = arith.addi %mul3A_34, %mul3A_1404 : i32
    %swap3A_1416 = arith.index_cast %add3A_1415 : i32 to index
    %swap3A_1417 = arith.constant 0 : index
    %swap3A_1418 = vector.load %arg11[%swap3A_1416, %swap3A_1417] : memref<2048x128xf32, #tpu.memory_space<vmem>>, vector<8x128xf32>
    tpu.vector_store %arg11[%swap3A_1416, %swap3A_1417], %select_n3A_1414 {strides = array<i32>} : memref<2048x128xf32, #tpu.memory_space<vmem>>, vector<8x128xf32>,
    %get3A_1419 = arith.constant 0 : index
    %get3A_1420 = arith.constant 18 : index
    %get3A_1421 = arith.constant 0 : index
    %get3A_1422 = arith.constant 0 : index
    %get3A_1423 = memref.load %arg9[%get3A_1419, %get3A_1420, %get3A_1421, %get3A_1422] : memref<1x64x1x2xf32, #tpu.memory_space<smem>>
    %get3A_1424 = arith.constant 0 : index
    %get3A_1425 = arith.constant 18 : index
    %get3A_1426 = arith.constant 0 : index
    %get3A_1427 = arith.constant 1 : index
    %get3A_1428 = memref.load %arg9[%get3A_1424, %get3A_1425, %get3A_1426, %get3A_1427] : memref<1x64x1x2xf32, #tpu.memory_space<smem>>
    %gt3A_1429 = arith.constant 5.000000e-01 : f32
    %gt3A_1430 = arith.cmpf ogt, %get3A_1423, %gt3A_1429 : f32
    %slice3A_1431 = vector.extract_strided_slice %add3A_68 {offsets = [1152, 0], sizes = [64, 128], strides = [1, 1]} : vector<4096x128xf32> to vector<64x128xf32>
    %get3A_1432 = arith.constant 0 : index
    %get3A_1433 = arith.constant 18 : index
    %get3A_1434 = arith.constant 0 : index
    %get3A_1435 = arith.constant 0 : index
    %get3A_1436 = vector.load %arg3[%get3A_1432, %get3A_1433, %get3A_1434, %get3A_1435] : memref<1x64x64x64xf32, #tpu.memory_space<vmem>>, vector<1x1x64x64xf32>
    %get3A_1437 = vector.shape_cast %get3A_1436 : vector<1x1x64x64xf32> to vector<64x64xf32>
    %dot_general3A_1438 = arith.constant dense<0.000000e+00> : vector<64x128xf32>
    %dot_general3A_1439 = tpu.matmul %get3A_1437, %slice3A_1431, %dot_general3A_1438 {dimension_numbers = #tpu.dot_dimension_numbers<[1], [0], [0], [1], [0, 0, 1, 1], [], []>, transpose_lhs_hint = false} : vector<64x64xf32>, vector<64x128xf32>, vector<64x128xf32> -> vector<64x128xf32>
    %mul3A_1440 = arith.constant 64 : i32
    %mul3A_1441 = arith.muli %arg1, %mul3A_1440 : i32
    %mul3A_1442 = arith.constant 64 : i32
    %mul3A_1443 = arith.muli %mul3A_1441, %mul3A_1442 : i32
    %add3A_1444 = arith.constant 1152 : i32
    %add3A_1445 = arith.addi %add3A_1444, %mul3A_1443 : i32
    %eq3A_1446 = arith.constant 0 : i32
    %eq3A_1447 = arith.cmpi eq, %arg0, %eq3A_1446 : i32
    %get3A_1448 = arith.index_cast %add3A_1445 : i32 to index
    %get3A_1449 = arith.constant 0 : index
    %get3A_1450 = vector.load %arg12[%get3A_1448, %get3A_1449] : memref<8192x128xf32, #tpu.memory_space<vmem>>, vector<64x128xf32>
    %jit3A_1451 = arith.constant 0.000000e+00 : f32
    %broadcast_in_dim3A_1452 = vector.broadcast %jit3A_1451 : f32 to vector<64x128xf32>
    %select_n3A_1453 = arith.select %eq3A_1447, %broadcast_in_dim3A_1452, %get3A_1450 : vector<64x128xf32>
    %mul3A_1454 = vector.broadcast %get3A_1423 : f32 to vector<64x128xf32>
    %mul3A_1455 = arith.mulf %mul3A_1454, %dot_general3A_1439 : vector<64x128xf32>
    %add3A_1456 = arith.addf %select_n3A_1453, %mul3A_1455 : vector<64x128xf32>
    %gt3A_1457 = vector.broadcast %get3A_1428 : f32 to vector<64x128xf32>
    %gt3A_1458 = arith.cmpf ogt, %add3A_1456, %gt3A_1457 : vector<64x128xf32>
    %jit3A_1459 = arith.constant 1.000000e+00 : f32
    %jit3A_1460 = arith.constant 0.000000e+00 : f32
    %broadcast_in_dim3A_1461 = vector.broadcast %jit3A_1459 : f32 to vector<64x128xf32>
    %broadcast_in_dim3A_1462 = vector.broadcast %jit3A_1460 : f32 to vector<64x128xf32>
    %select_n3A_1463 = arith.select %gt3A_1458, %broadcast_in_dim3A_1461, %broadcast_in_dim3A_1462 : vector<64x128xi1>, vector<64x128xf32>
    %and3A_1464 = vector.broadcast %gt3A_1430 : i1 to vector<64x128xi1>
    %and3A_1465 = arith.andi %and3A_1464, %gt3A_1458 : vector<64x128xi1>
    %jit3A_1466 = arith.constant 0.000000e+00 : f32
    %broadcast_in_dim3A_1467 = vector.broadcast %jit3A_1466 : f32 to vector<64x128xf32>
    %select_n3A_1468 = arith.select %and3A_1465, %broadcast_in_dim3A_1467, %add3A_1456 : vector<64x128xi1>, vector<64x128xf32>
    %swap3A_1469 = arith.index_cast %add3A_1445 : i32 to index
    %swap3A_1470 = arith.constant 0 : index
    %swap3A_1471 = vector.load %arg12[%swap3A_1469, %swap3A_1470] : memref<8192x128xf32, #tpu.memory_space<vmem>>, vector<64x128xf32>
    tpu.vector_store %arg12[%swap3A_1469, %swap3A_1470], %select_n3A_1468 {strides = array<i32>} : memref<8192x128xf32, #tpu.memory_space<vmem>>, vector<64x128xf32>,
    %dot_general3A_1472 = arith.constant dense<0.000000e+00> : vector<8x128xf32>
    %dot_general3A_1473 = tpu.matmul %get3A_71, %select_n3A_1463, %dot_general3A_1472 {dimension_numbers = #tpu.dot_dimension_numbers<[1], [0], [0], [1], [0, 0, 1, 1], [], []>, transpose_lhs_hint = false} : vector<8x64xf32>, vector<64x128xf32>, vector<8x128xf32> -> vector<8x128xf32>
    %mul3A_1474 = arith.constant 64 : i32
    %mul3A_1475 = arith.muli %arg1, %mul3A_1474 : i32
    %add3A_1476 = arith.constant 18 : i32
    %add3A_1477 = arith.addi %mul3A_1475, %add3A_1476 : i32
    %mul3A_1478 = arith.constant 8 : i32
    %mul3A_1479 = arith.muli %add3A_1477, %mul3A_1478 : i32
    %eq3A_1480 = arith.constant 0 : i32
    %eq3A_1481 = arith.cmpi eq, %arg0, %eq3A_1480 : i32
    %add3A_1482 = arith.addi %mul3A_14, %mul3A_1479 : i32
    %get3A_1483 = arith.index_cast %add3A_1482 : i32 to index
    %get3A_1484 = arith.constant 0 : index
    %get3A_1485 = vector.load %arg11[%get3A_1483, %get3A_1484] : memref<2048x128xf32, #tpu.memory_space<vmem>>, vector<8x128xf32>
    %jit3A_1486 = arith.constant 0.000000e+00 : f32
    %broadcast_in_dim3A_1487 = vector.broadcast %jit3A_1486 : f32 to vector<8x128xf32>
    %select_n3A_1488 = arith.select %eq3A_1481, %broadcast_in_dim3A_1487, %get3A_1485 : vector<8x128xf32>
    %select_n3A_1489 = arith.select %gt3A_1430, %dot_general3A_1473, %select_n3A_1488 : vector<8x128xf32>
    %add3A_1490 = arith.addi %mul3A_34, %mul3A_1479 : i32
    %swap3A_1491 = arith.index_cast %add3A_1490 : i32 to index
    %swap3A_1492 = arith.constant 0 : index
    %swap3A_1493 = vector.load %arg11[%swap3A_1491, %swap3A_1492] : memref<2048x128xf32, #tpu.memory_space<vmem>>, vector<8x128xf32>
    tpu.vector_store %arg11[%swap3A_1491, %swap3A_1492], %select_n3A_1489 {strides = array<i32>} : memref<2048x128xf32, #tpu.memory_space<vmem>>, vector<8x128xf32>,
    %get3A_1494 = arith.constant 0 : index
    %get3A_1495 = arith.constant 19 : index
    %get3A_1496 = arith.constant 0 : index
    %get3A_1497 = arith.constant 0 : index
    %get3A_1498 = memref.load %arg9[%get3A_1494, %get3A_1495, %get3A_1496, %get3A_1497] : memref<1x64x1x2xf32, #tpu.memory_space<smem>>
    %get3A_1499 = arith.constant 0 : index
    %get3A_1500 = arith.constant 19 : index
    %get3A_1501 = arith.constant 0 : index
    %get3A_1502 = arith.constant 1 : index
    %get3A_1503 = memref.load %arg9[%get3A_1499, %get3A_1500, %get3A_1501, %get3A_1502] : memref<1x64x1x2xf32, #tpu.memory_space<smem>>
    %gt3A_1504 = arith.constant 5.000000e-01 : f32
    %gt3A_1505 = arith.cmpf ogt, %get3A_1498, %gt3A_1504 : f32
    %slice3A_1506 = vector.extract_strided_slice %add3A_68 {offsets = [1216, 0], sizes = [64, 128], strides = [1, 1]} : vector<4096x128xf32> to vector<64x128xf32>
    %get3A_1507 = arith.constant 0 : index
    %get3A_1508 = arith.constant 19 : index
    %get3A_1509 = arith.constant 0 : index
    %get3A_1510 = arith.constant 0 : index
    %get3A_1511 = vector.load %arg3[%get3A_1507, %get3A_1508, %get3A_1509, %get3A_1510] : memref<1x64x64x64xf32, #tpu.memory_space<vmem>>, vector<1x1x64x64xf32>
    %get3A_1512 = vector.shape_cast %get3A_1511 : vector<1x1x64x64xf32> to vector<64x64xf32>
    %dot_general3A_1513 = arith.constant dense<0.000000e+00> : vector<64x128xf32>
    %dot_general3A_1514 = tpu.matmul %get3A_1512, %slice3A_1506, %dot_general3A_1513 {dimension_numbers = #tpu.dot_dimension_numbers<[1], [0], [0], [1], [0, 0, 1, 1], [], []>, transpose_lhs_hint = false} : vector<64x64xf32>, vector<64x128xf32>, vector<64x128xf32> -> vector<64x128xf32>
    %mul3A_1515 = arith.constant 64 : i32
    %mul3A_1516 = arith.muli %arg1, %mul3A_1515 : i32
    %mul3A_1517 = arith.constant 64 : i32
    %mul3A_1518 = arith.muli %mul3A_1516, %mul3A_1517 : i32
    %add3A_1519 = arith.constant 1216 : i32
    %add3A_1520 = arith.addi %add3A_1519, %mul3A_1518 : i32
    %eq3A_1521 = arith.constant 0 : i32
    %eq3A_1522 = arith.cmpi eq, %arg0, %eq3A_1521 : i32
    %get3A_1523 = arith.index_cast %add3A_1520 : i32 to index
    %get3A_1524 = arith.constant 0 : index
    %get3A_1525 = vector.load %arg12[%get3A_1523, %get3A_1524] : memref<8192x128xf32, #tpu.memory_space<vmem>>, vector<64x128xf32>
    %jit3A_1526 = arith.constant 0.000000e+00 : f32
    %broadcast_in_dim3A_1527 = vector.broadcast %jit3A_1526 : f32 to vector<64x128xf32>
    %select_n3A_1528 = arith.select %eq3A_1522, %broadcast_in_dim3A_1527, %get3A_1525 : vector<64x128xf32>
    %mul3A_1529 = vector.broadcast %get3A_1498 : f32 to vector<64x128xf32>
    %mul3A_1530 = arith.mulf %mul3A_1529, %dot_general3A_1514 : vector<64x128xf32>
    %add3A_1531 = arith.addf %select_n3A_1528, %mul3A_1530 : vector<64x128xf32>
    %gt3A_1532 = vector.broadcast %get3A_1503 : f32 to vector<64x128xf32>
    %gt3A_1533 = arith.cmpf ogt, %add3A_1531, %gt3A_1532 : vector<64x128xf32>
    %jit3A_1534 = arith.constant 1.000000e+00 : f32
    %jit3A_1535 = arith.constant 0.000000e+00 : f32
    %broadcast_in_dim3A_1536 = vector.broadcast %jit3A_1534 : f32 to vector<64x128xf32>
    %broadcast_in_dim3A_1537 = vector.broadcast %jit3A_1535 : f32 to vector<64x128xf32>
    %select_n3A_1538 = arith.select %gt3A_1533, %broadcast_in_dim3A_1536, %broadcast_in_dim3A_1537 : vector<64x128xi1>, vector<64x128xf32>
    %and3A_1539 = vector.broadcast %gt3A_1505 : i1 to vector<64x128xi1>
    %and3A_1540 = arith.andi %and3A_1539, %gt3A_1533 : vector<64x128xi1>
    %jit3A_1541 = arith.constant 0.000000e+00 : f32
    %broadcast_in_dim3A_1542 = vector.broadcast %jit3A_1541 : f32 to vector<64x128xf32>
    %select_n3A_1543 = arith.select %and3A_1540, %broadcast_in_dim3A_1542, %add3A_1531 : vector<64x128xi1>, vector<64x128xf32>
    %swap3A_1544 = arith.index_cast %add3A_1520 : i32 to index
    %swap3A_1545 = arith.constant 0 : index
    %swap3A_1546 = vector.load %arg12[%swap3A_1544, %swap3A_1545] : memref<8192x128xf32, #tpu.memory_space<vmem>>, vector<64x128xf32>
    tpu.vector_store %arg12[%swap3A_1544, %swap3A_1545], %select_n3A_1543 {strides = array<i32>} : memref<8192x128xf32, #tpu.memory_space<vmem>>, vector<64x128xf32>,
    %dot_general3A_1547 = arith.constant dense<0.000000e+00> : vector<8x128xf32>
    %dot_general3A_1548 = tpu.matmul %get3A_71, %select_n3A_1538, %dot_general3A_1547 {dimension_numbers = #tpu.dot_dimension_numbers<[1], [0], [0], [1], [0, 0, 1, 1], [], []>, transpose_lhs_hint = false} : vector<8x64xf32>, vector<64x128xf32>, vector<8x128xf32> -> vector<8x128xf32>
    %mul3A_1549 = arith.constant 64 : i32
    %mul3A_1550 = arith.muli %arg1, %mul3A_1549 : i32
    %add3A_1551 = arith.constant 19 : i32
    %add3A_1552 = arith.addi %mul3A_1550, %add3A_1551 : i32
    %mul3A_1553 = arith.constant 8 : i32
    %mul3A_1554 = arith.muli %add3A_1552, %mul3A_1553 : i32
    %eq3A_1555 = arith.constant 0 : i32
    %eq3A_1556 = arith.cmpi eq, %arg0, %eq3A_1555 : i32
    %add3A_1557 = arith.addi %mul3A_14, %mul3A_1554 : i32
    %get3A_1558 = arith.index_cast %add3A_1557 : i32 to index
    %get3A_1559 = arith.constant 0 : index
    %get3A_1560 = vector.load %arg11[%get3A_1558, %get3A_1559] : memref<2048x128xf32, #tpu.memory_space<vmem>>, vector<8x128xf32>
    %jit3A_1561 = arith.constant 0.000000e+00 : f32
    %broadcast_in_dim3A_1562 = vector.broadcast %jit3A_1561 : f32 to vector<8x128xf32>
    %select_n3A_1563 = arith.select %eq3A_1556, %broadcast_in_dim3A_1562, %get3A_1560 : vector<8x128xf32>
    %select_n3A_1564 = arith.select %gt3A_1505, %dot_general3A_1548, %select_n3A_1563 : vector<8x128xf32>
    %add3A_1565 = arith.addi %mul3A_34, %mul3A_1554 : i32
    %swap3A_1566 = arith.index_cast %add3A_1565 : i32 to index
    %swap3A_1567 = arith.constant 0 : index
    %swap3A_1568 = vector.load %arg11[%swap3A_1566, %swap3A_1567] : memref<2048x128xf32, #tpu.memory_space<vmem>>, vector<8x128xf32>
    tpu.vector_store %arg11[%swap3A_1566, %swap3A_1567], %select_n3A_1564 {strides = array<i32>} : memref<2048x128xf32, #tpu.memory_space<vmem>>, vector<8x128xf32>,
    %get3A_1569 = arith.constant 0 : index
    %get3A_1570 = arith.constant 20 : index
    %get3A_1571 = arith.constant 0 : index
    %get3A_1572 = arith.constant 0 : index
    %get3A_1573 = memref.load %arg9[%get3A_1569, %get3A_1570, %get3A_1571, %get3A_1572] : memref<1x64x1x2xf32, #tpu.memory_space<smem>>
    %get3A_1574 = arith.constant 0 : index
    %get3A_1575 = arith.constant 20 : index
    %get3A_1576 = arith.constant 0 : index
    %get3A_1577 = arith.constant 1 : index
    %get3A_1578 = memref.load %arg9[%get3A_1574, %get3A_1575, %get3A_1576, %get3A_1577] : memref<1x64x1x2xf32, #tpu.memory_space<smem>>
    %gt3A_1579 = arith.constant 5.000000e-01 : f32
    %gt3A_1580 = arith.cmpf ogt, %get3A_1573, %gt3A_1579 : f32
    %slice3A_1581 = vector.extract_strided_slice %add3A_68 {offsets = [1280, 0], sizes = [64, 128], strides = [1, 1]} : vector<4096x128xf32> to vector<64x128xf32>
    %get3A_1582 = arith.constant 0 : index
    %get3A_1583 = arith.constant 20 : index
    %get3A_1584 = arith.constant 0 : index
    %get3A_1585 = arith.constant 0 : index
    %get3A_1586 = vector.load %arg3[%get3A_1582, %get3A_1583, %get3A_1584, %get3A_1585] : memref<1x64x64x64xf32, #tpu.memory_space<vmem>>, vector<1x1x64x64xf32>
    %get3A_1587 = vector.shape_cast %get3A_1586 : vector<1x1x64x64xf32> to vector<64x64xf32>
    %dot_general3A_1588 = arith.constant dense<0.000000e+00> : vector<64x128xf32>
    %dot_general3A_1589 = tpu.matmul %get3A_1587, %slice3A_1581, %dot_general3A_1588 {dimension_numbers = #tpu.dot_dimension_numbers<[1], [0], [0], [1], [0, 0, 1, 1], [], []>, transpose_lhs_hint = false} : vector<64x64xf32>, vector<64x128xf32>, vector<64x128xf32> -> vector<64x128xf32>
    %mul3A_1590 = arith.constant 64 : i32
    %mul3A_1591 = arith.muli %arg1, %mul3A_1590 : i32
    %mul3A_1592 = arith.constant 64 : i32
    %mul3A_1593 = arith.muli %mul3A_1591, %mul3A_1592 : i32
    %add3A_1594 = arith.constant 1280 : i32
    %add3A_1595 = arith.addi %add3A_1594, %mul3A_1593 : i32
    %eq3A_1596 = arith.constant 0 : i32
    %eq3A_1597 = arith.cmpi eq, %arg0, %eq3A_1596 : i32
    %get3A_1598 = arith.index_cast %add3A_1595 : i32 to index
    %get3A_1599 = arith.constant 0 : index
    %get3A_1600 = vector.load %arg12[%get3A_1598, %get3A_1599] : memref<8192x128xf32, #tpu.memory_space<vmem>>, vector<64x128xf32>
    %jit3A_1601 = arith.constant 0.000000e+00 : f32
    %broadcast_in_dim3A_1602 = vector.broadcast %jit3A_1601 : f32 to vector<64x128xf32>
    %select_n3A_1603 = arith.select %eq3A_1597, %broadcast_in_dim3A_1602, %get3A_1600 : vector<64x128xf32>
    %mul3A_1604 = vector.broadcast %get3A_1573 : f32 to vector<64x128xf32>
    %mul3A_1605 = arith.mulf %mul3A_1604, %dot_general3A_1589 : vector<64x128xf32>
    %add3A_1606 = arith.addf %select_n3A_1603, %mul3A_1605 : vector<64x128xf32>
    %gt3A_1607 = vector.broadcast %get3A_1578 : f32 to vector<64x128xf32>
    %gt3A_1608 = arith.cmpf ogt, %add3A_1606, %gt3A_1607 : vector<64x128xf32>
    %jit3A_1609 = arith.constant 1.000000e+00 : f32
    %jit3A_1610 = arith.constant 0.000000e+00 : f32
    %broadcast_in_dim3A_1611 = vector.broadcast %jit3A_1609 : f32 to vector<64x128xf32>
    %broadcast_in_dim3A_1612 = vector.broadcast %jit3A_1610 : f32 to vector<64x128xf32>
    %select_n3A_1613 = arith.select %gt3A_1608, %broadcast_in_dim3A_1611, %broadcast_in_dim3A_1612 : vector<64x128xi1>, vector<64x128xf32>
    %and3A_1614 = vector.broadcast %gt3A_1580 : i1 to vector<64x128xi1>
    %and3A_1615 = arith.andi %and3A_1614, %gt3A_1608 : vector<64x128xi1>
    %jit3A_1616 = arith.constant 0.000000e+00 : f32
    %broadcast_in_dim3A_1617 = vector.broadcast %jit3A_1616 : f32 to vector<64x128xf32>
    %select_n3A_1618 = arith.select %and3A_1615, %broadcast_in_dim3A_1617, %add3A_1606 : vector<64x128xi1>, vector<64x128xf32>
    %swap3A_1619 = arith.index_cast %add3A_1595 : i32 to index
    %swap3A_1620 = arith.constant 0 : index
    %swap3A_1621 = vector.load %arg12[%swap3A_1619, %swap3A_1620] : memref<8192x128xf32, #tpu.memory_space<vmem>>, vector<64x128xf32>
    tpu.vector_store %arg12[%swap3A_1619, %swap3A_1620], %select_n3A_1618 {strides = array<i32>} : memref<8192x128xf32, #tpu.memory_space<vmem>>, vector<64x128xf32>,
    %dot_general3A_1622 = arith.constant dense<0.000000e+00> : vector<8x128xf32>
    %dot_general3A_1623 = tpu.matmul %get3A_71, %select_n3A_1613, %dot_general3A_1622 {dimension_numbers = #tpu.dot_dimension_numbers<[1], [0], [0], [1], [0, 0, 1, 1], [], []>, transpose_lhs_hint = false} : vector<8x64xf32>, vector<64x128xf32>, vector<8x128xf32> -> vector<8x128xf32>
    %mul3A_1624 = arith.constant 64 : i32
    %mul3A_1625 = arith.muli %arg1, %mul3A_1624 : i32
    %add3A_1626 = arith.constant 20 : i32
    %add3A_1627 = arith.addi %mul3A_1625, %add3A_1626 : i32
    %mul3A_1628 = arith.constant 8 : i32
    %mul3A_1629 = arith.muli %add3A_1627, %mul3A_1628 : i32
    %eq3A_1630 = arith.constant 0 : i32
    %eq3A_1631 = arith.cmpi eq, %arg0, %eq3A_1630 : i32
    %add3A_1632 = arith.addi %mul3A_14, %mul3A_1629 : i32
    %get3A_1633 = arith.index_cast %add3A_1632 : i32 to index
    %get3A_1634 = arith.constant 0 : index
    %get3A_1635 = vector.load %arg11[%get3A_1633, %get3A_1634] : memref<2048x128xf32, #tpu.memory_space<vmem>>, vector<8x128xf32>
    %jit3A_1636 = arith.constant 0.000000e+00 : f32
    %broadcast_in_dim3A_1637 = vector.broadcast %jit3A_1636 : f32 to vector<8x128xf32>
    %select_n3A_1638 = arith.select %eq3A_1631, %broadcast_in_dim3A_1637, %get3A_1635 : vector<8x128xf32>
    %select_n3A_1639 = arith.select %gt3A_1580, %dot_general3A_1623, %select_n3A_1638 : vector<8x128xf32>
    %add3A_1640 = arith.addi %mul3A_34, %mul3A_1629 : i32
    %swap3A_1641 = arith.index_cast %add3A_1640 : i32 to index
    %swap3A_1642 = arith.constant 0 : index
    %swap3A_1643 = vector.load %arg11[%swap3A_1641, %swap3A_1642] : memref<2048x128xf32, #tpu.memory_space<vmem>>, vector<8x128xf32>
    tpu.vector_store %arg11[%swap3A_1641, %swap3A_1642], %select_n3A_1639 {strides = array<i32>} : memref<2048x128xf32, #tpu.memory_space<vmem>>, vector<8x128xf32>,
    %get3A_1644 = arith.constant 0 : index
    %get3A_1645 = arith.constant 21 : index
    %get3A_1646 = arith.constant 0 : index
    %get3A_1647 = arith.constant 0 : index
    %get3A_1648 = memref.load %arg9[%get3A_1644, %get3A_1645, %get3A_1646, %get3A_1647] : memref<1x64x1x2xf32, #tpu.memory_space<smem>>
    %get3A_1649 = arith.constant 0 : index
    %get3A_1650 = arith.constant 21 : index
    %get3A_1651 = arith.constant 0 : index
    %get3A_1652 = arith.constant 1 : index
    %get3A_1653 = memref.load %arg9[%get3A_1649, %get3A_1650, %get3A_1651, %get3A_1652] : memref<1x64x1x2xf32, #tpu.memory_space<smem>>
    %gt3A_1654 = arith.constant 5.000000e-01 : f32
    %gt3A_1655 = arith.cmpf ogt, %get3A_1648, %gt3A_1654 : f32
    %slice3A_1656 = vector.extract_strided_slice %add3A_68 {offsets = [1344, 0], sizes = [64, 128], strides = [1, 1]} : vector<4096x128xf32> to vector<64x128xf32>
    %get3A_1657 = arith.constant 0 : index
    %get3A_1658 = arith.constant 21 : index
    %get3A_1659 = arith.constant 0 : index
    %get3A_1660 = arith.constant 0 : index
    %get3A_1661 = vector.load %arg3[%get3A_1657, %get3A_1658, %get3A_1659, %get3A_1660] : memref<1x64x64x64xf32, #tpu.memory_space<vmem>>, vector<1x1x64x64xf32>
    %get3A_1662 = vector.shape_cast %get3A_1661 : vector<1x1x64x64xf32> to vector<64x64xf32>
    %dot_general3A_1663 = arith.constant dense<0.000000e+00> : vector<64x128xf32>
    %dot_general3A_1664 = tpu.matmul %get3A_1662, %slice3A_1656, %dot_general3A_1663 {dimension_numbers = #tpu.dot_dimension_numbers<[1], [0], [0], [1], [0, 0, 1, 1], [], []>, transpose_lhs_hint = false} : vector<64x64xf32>, vector<64x128xf32>, vector<64x128xf32> -> vector<64x128xf32>
    %mul3A_1665 = arith.constant 64 : i32
    %mul3A_1666 = arith.muli %arg1, %mul3A_1665 : i32
    %mul3A_1667 = arith.constant 64 : i32
    %mul3A_1668 = arith.muli %mul3A_1666, %mul3A_1667 : i32
    %add3A_1669 = arith.constant 1344 : i32
    %add3A_1670 = arith.addi %add3A_1669, %mul3A_1668 : i32
    %eq3A_1671 = arith.constant 0 : i32
    %eq3A_1672 = arith.cmpi eq, %arg0, %eq3A_1671 : i32
    %get3A_1673 = arith.index_cast %add3A_1670 : i32 to index
    %get3A_1674 = arith.constant 0 : index
    %get3A_1675 = vector.load %arg12[%get3A_1673, %get3A_1674] : memref<8192x128xf32, #tpu.memory_space<vmem>>, vector<64x128xf32>
    %jit3A_1676 = arith.constant 0.000000e+00 : f32
    %broadcast_in_dim3A_1677 = vector.broadcast %jit3A_1676 : f32 to vector<64x128xf32>
    %select_n3A_1678 = arith.select %eq3A_1672, %broadcast_in_dim3A_1677, %get3A_1675 : vector<64x128xf32>
    %mul3A_1679 = vector.broadcast %get3A_1648 : f32 to vector<64x128xf32>
    %mul3A_1680 = arith.mulf %mul3A_1679, %dot_general3A_1664 : vector<64x128xf32>
    %add3A_1681 = arith.addf %select_n3A_1678, %mul3A_1680 : vector<64x128xf32>
    %gt3A_1682 = vector.broadcast %get3A_1653 : f32 to vector<64x128xf32>
    %gt3A_1683 = arith.cmpf ogt, %add3A_1681, %gt3A_1682 : vector<64x128xf32>
    %jit3A_1684 = arith.constant 1.000000e+00 : f32
    %jit3A_1685 = arith.constant 0.000000e+00 : f32
    %broadcast_in_dim3A_1686 = vector.broadcast %jit3A_1684 : f32 to vector<64x128xf32>
    %broadcast_in_dim3A_1687 = vector.broadcast %jit3A_1685 : f32 to vector<64x128xf32>
    %select_n3A_1688 = arith.select %gt3A_1683, %broadcast_in_dim3A_1686, %broadcast_in_dim3A_1687 : vector<64x128xi1>, vector<64x128xf32>
    %and3A_1689 = vector.broadcast %gt3A_1655 : i1 to vector<64x128xi1>
    %and3A_1690 = arith.andi %and3A_1689, %gt3A_1683 : vector<64x128xi1>
    %jit3A_1691 = arith.constant 0.000000e+00 : f32
    %broadcast_in_dim3A_1692 = vector.broadcast %jit3A_1691 : f32 to vector<64x128xf32>
    %select_n3A_1693 = arith.select %and3A_1690, %broadcast_in_dim3A_1692, %add3A_1681 : vector<64x128xi1>, vector<64x128xf32>
    %swap3A_1694 = arith.index_cast %add3A_1670 : i32 to index
    %swap3A_1695 = arith.constant 0 : index
    %swap3A_1696 = vector.load %arg12[%swap3A_1694, %swap3A_1695] : memref<8192x128xf32, #tpu.memory_space<vmem>>, vector<64x128xf32>
    tpu.vector_store %arg12[%swap3A_1694, %swap3A_1695], %select_n3A_1693 {strides = array<i32>} : memref<8192x128xf32, #tpu.memory_space<vmem>>, vector<64x128xf32>,
    %dot_general3A_1697 = arith.constant dense<0.000000e+00> : vector<8x128xf32>
    %dot_general3A_1698 = tpu.matmul %get3A_71, %select_n3A_1688, %dot_general3A_1697 {dimension_numbers = #tpu.dot_dimension_numbers<[1], [0], [0], [1], [0, 0, 1, 1], [], []>, transpose_lhs_hint = false} : vector<8x64xf32>, vector<64x128xf32>, vector<8x128xf32> -> vector<8x128xf32>
    %mul3A_1699 = arith.constant 64 : i32
    %mul3A_1700 = arith.muli %arg1, %mul3A_1699 : i32
    %add3A_1701 = arith.constant 21 : i32
    %add3A_1702 = arith.addi %mul3A_1700, %add3A_1701 : i32
    %mul3A_1703 = arith.constant 8 : i32
    %mul3A_1704 = arith.muli %add3A_1702, %mul3A_1703 : i32
    %eq3A_1705 = arith.constant 0 : i32
    %eq3A_1706 = arith.cmpi eq, %arg0, %eq3A_1705 : i32
    %add3A_1707 = arith.addi %mul3A_14, %mul3A_1704 : i32
    %get3A_1708 = arith.index_cast %add3A_1707 : i32 to index
    %get3A_1709 = arith.constant 0 : index
    %get3A_1710 = vector.load %arg11[%get3A_1708, %get3A_1709] : memref<2048x128xf32, #tpu.memory_space<vmem>>, vector<8x128xf32>
    %jit3A_1711 = arith.constant 0.000000e+00 : f32
    %broadcast_in_dim3A_1712 = vector.broadcast %jit3A_1711 : f32 to vector<8x128xf32>
    %select_n3A_1713 = arith.select %eq3A_1706, %broadcast_in_dim3A_1712, %get3A_1710 : vector<8x128xf32>
    %select_n3A_1714 = arith.select %gt3A_1655, %dot_general3A_1698, %select_n3A_1713 : vector<8x128xf32>
    %add3A_1715 = arith.addi %mul3A_34, %mul3A_1704 : i32
    %swap3A_1716 = arith.index_cast %add3A_1715 : i32 to index
    %swap3A_1717 = arith.constant 0 : index
    %swap3A_1718 = vector.load %arg11[%swap3A_1716, %swap3A_1717] : memref<2048x128xf32, #tpu.memory_space<vmem>>, vector<8x128xf32>
    tpu.vector_store %arg11[%swap3A_1716, %swap3A_1717], %select_n3A_1714 {strides = array<i32>} : memref<2048x128xf32, #tpu.memory_space<vmem>>, vector<8x128xf32>,
    %get3A_1719 = arith.constant 0 : index
    %get3A_1720 = arith.constant 22 : index
    %get3A_1721 = arith.constant 0 : index
    %get3A_1722 = arith.constant 0 : index
    %get3A_1723 = memref.load %arg9[%get3A_1719, %get3A_1720, %get3A_1721, %get3A_1722] : memref<1x64x1x2xf32, #tpu.memory_space<smem>>
    %get3A_1724 = arith.constant 0 : index
    %get3A_1725 = arith.constant 22 : index
    %get3A_1726 = arith.constant 0 : index
    %get3A_1727 = arith.constant 1 : index
    %get3A_1728 = memref.load %arg9[%get3A_1724, %get3A_1725, %get3A_1726, %get3A_1727] : memref<1x64x1x2xf32, #tpu.memory_space<smem>>
    %gt3A_1729 = arith.constant 5.000000e-01 : f32
    %gt3A_1730 = arith.cmpf ogt, %get3A_1723, %gt3A_1729 : f32
    %slice3A_1731 = vector.extract_strided_slice %add3A_68 {offsets = [1408, 0], sizes = [64, 128], strides = [1, 1]} : vector<4096x128xf32> to vector<64x128xf32>
    %get3A_1732 = arith.constant 0 : index
    %get3A_1733 = arith.constant 22 : index
    %get3A_1734 = arith.constant 0 : index
    %get3A_1735 = arith.constant 0 : index
    %get3A_1736 = vector.load %arg3[%get3A_1732, %get3A_1733, %get3A_1734, %get3A_1735] : memref<1x64x64x64xf32, #tpu.memory_space<vmem>>, vector<1x1x64x64xf32>
    %get3A_1737 = vector.shape_cast %get3A_1736 : vector<1x1x64x64xf32> to vector<64x64xf32>
    %dot_general3A_1738 = arith.constant dense<0.000000e+00> : vector<64x128xf32>
    %dot_general3A_1739 = tpu.matmul %get3A_1737, %slice3A_1731, %dot_general3A_1738 {dimension_numbers = #tpu.dot_dimension_numbers<[1], [0], [0], [1], [0, 0, 1, 1], [], []>, transpose_lhs_hint = false} : vector<64x64xf32>, vector<64x128xf32>, vector<64x128xf32> -> vector<64x128xf32>
    %mul3A_1740 = arith.constant 64 : i32
    %mul3A_1741 = arith.muli %arg1, %mul3A_1740 : i32
    %mul3A_1742 = arith.constant 64 : i32
    %mul3A_1743 = arith.muli %mul3A_1741, %mul3A_1742 : i32
    %add3A_1744 = arith.constant 1408 : i32
    %add3A_1745 = arith.addi %add3A_1744, %mul3A_1743 : i32
    %eq3A_1746 = arith.constant 0 : i32
    %eq3A_1747 = arith.cmpi eq, %arg0, %eq3A_1746 : i32
    %get3A_1748 = arith.index_cast %add3A_1745 : i32 to index
    %get3A_1749 = arith.constant 0 : index
    %get3A_1750 = vector.load %arg12[%get3A_1748, %get3A_1749] : memref<8192x128xf32, #tpu.memory_space<vmem>>, vector<64x128xf32>
    %jit3A_1751 = arith.constant 0.000000e+00 : f32
    %broadcast_in_dim3A_1752 = vector.broadcast %jit3A_1751 : f32 to vector<64x128xf32>
    %select_n3A_1753 = arith.select %eq3A_1747, %broadcast_in_dim3A_1752, %get3A_1750 : vector<64x128xf32>
    %mul3A_1754 = vector.broadcast %get3A_1723 : f32 to vector<64x128xf32>
    %mul3A_1755 = arith.mulf %mul3A_1754, %dot_general3A_1739 : vector<64x128xf32>
    %add3A_1756 = arith.addf %select_n3A_1753, %mul3A_1755 : vector<64x128xf32>
    %gt3A_1757 = vector.broadcast %get3A_1728 : f32 to vector<64x128xf32>
    %gt3A_1758 = arith.cmpf ogt, %add3A_1756, %gt3A_1757 : vector<64x128xf32>
    %jit3A_1759 = arith.constant 1.000000e+00 : f32
    %jit3A_1760 = arith.constant 0.000000e+00 : f32
    %broadcast_in_dim3A_1761 = vector.broadcast %jit3A_1759 : f32 to vector<64x128xf32>
    %broadcast_in_dim3A_1762 = vector.broadcast %jit3A_1760 : f32 to vector<64x128xf32>
    %select_n3A_1763 = arith.select %gt3A_1758, %broadcast_in_dim3A_1761, %broadcast_in_dim3A_1762 : vector<64x128xi1>, vector<64x128xf32>
    %and3A_1764 = vector.broadcast %gt3A_1730 : i1 to vector<64x128xi1>
    %and3A_1765 = arith.andi %and3A_1764, %gt3A_1758 : vector<64x128xi1>
    %jit3A_1766 = arith.constant 0.000000e+00 : f32
    %broadcast_in_dim3A_1767 = vector.broadcast %jit3A_1766 : f32 to vector<64x128xf32>
    %select_n3A_1768 = arith.select %and3A_1765, %broadcast_in_dim3A_1767, %add3A_1756 : vector<64x128xi1>, vector<64x128xf32>
    %swap3A_1769 = arith.index_cast %add3A_1745 : i32 to index
    %swap3A_1770 = arith.constant 0 : index
    %swap3A_1771 = vector.load %arg12[%swap3A_1769, %swap3A_1770] : memref<8192x128xf32, #tpu.memory_space<vmem>>, vector<64x128xf32>
    tpu.vector_store %arg12[%swap3A_1769, %swap3A_1770], %select_n3A_1768 {strides = array<i32>} : memref<8192x128xf32, #tpu.memory_space<vmem>>, vector<64x128xf32>,
    %dot_general3A_1772 = arith.constant dense<0.000000e+00> : vector<8x128xf32>
    %dot_general3A_1773 = tpu.matmul %get3A_71, %select_n3A_1763, %dot_general3A_1772 {dimension_numbers = #tpu.dot_dimension_numbers<[1], [0], [0], [1], [0, 0, 1, 1], [], []>, transpose_lhs_hint = false} : vector<8x64xf32>, vector<64x128xf32>, vector<8x128xf32> -> vector<8x128xf32>
    %mul3A_1774 = arith.constant 64 : i32
    %mul3A_1775 = arith.muli %arg1, %mul3A_1774 : i32
    %add3A_1776 = arith.constant 22 : i32
    %add3A_1777 = arith.addi %mul3A_1775, %add3A_1776 : i32
    %mul3A_1778 = arith.constant 8 : i32
    %mul3A_1779 = arith.muli %add3A_1777, %mul3A_1778 : i32
    %eq3A_1780 = arith.constant 0 : i32
    %eq3A_1781 = arith.cmpi eq, %arg0, %eq3A_1780 : i32
    %add3A_1782 = arith.addi %mul3A_14, %mul3A_1779 : i32
    %get3A_1783 = arith.index_cast %add3A_1782 : i32 to index
    %get3A_1784 = arith.constant 0 : index
    %get3A_1785 = vector.load %arg11[%get3A_1783, %get3A_1784] : memref<2048x128xf32, #tpu.memory_space<vmem>>, vector<8x128xf32>
    %jit3A_1786 = arith.constant 0.000000e+00 : f32
    %broadcast_in_dim3A_1787 = vector.broadcast %jit3A_1786 : f32 to vector<8x128xf32>
    %select_n3A_1788 = arith.select %eq3A_1781, %broadcast_in_dim3A_1787, %get3A_1785 : vector<8x128xf32>
    %select_n3A_1789 = arith.select %gt3A_1730, %dot_general3A_1773, %select_n3A_1788 : vector<8x128xf32>
    %add3A_1790 = arith.addi %mul3A_34, %mul3A_1779 : i32
    %swap3A_1791 = arith.index_cast %add3A_1790 : i32 to index
    %swap3A_1792 = arith.constant 0 : index
    %swap3A_1793 = vector.load %arg11[%swap3A_1791, %swap3A_1792] : memref<2048x128xf32, #tpu.memory_space<vmem>>, vector<8x128xf32>
    tpu.vector_store %arg11[%swap3A_1791, %swap3A_1792], %select_n3A_1789 {strides = array<i32>} : memref<2048x128xf32, #tpu.memory_space<vmem>>, vector<8x128xf32>,
    %get3A_1794 = arith.constant 0 : index
    %get3A_1795 = arith.constant 23 : index
    %get3A_1796 = arith.constant 0 : index
    %get3A_1797 = arith.constant 0 : index
    %get3A_1798 = memref.load %arg9[%get3A_1794, %get3A_1795, %get3A_1796, %get3A_1797] : memref<1x64x1x2xf32, #tpu.memory_space<smem>>
    %get3A_1799 = arith.constant 0 : index
    %get3A_1800 = arith.constant 23 : index
    %get3A_1801 = arith.constant 0 : index
    %get3A_1802 = arith.constant 1 : index
    %get3A_1803 = memref.load %arg9[%get3A_1799, %get3A_1800, %get3A_1801, %get3A_1802] : memref<1x64x1x2xf32, #tpu.memory_space<smem>>
    %gt3A_1804 = arith.constant 5.000000e-01 : f32
    %gt3A_1805 = arith.cmpf ogt, %get3A_1798, %gt3A_1804 : f32
    %slice3A_1806 = vector.extract_strided_slice %add3A_68 {offsets = [1472, 0], sizes = [64, 128], strides = [1, 1]} : vector<4096x128xf32> to vector<64x128xf32>
    %get3A_1807 = arith.constant 0 : index
    %get3A_1808 = arith.constant 23 : index
    %get3A_1809 = arith.constant 0 : index
    %get3A_1810 = arith.constant 0 : index
    %get3A_1811 = vector.load %arg3[%get3A_1807, %get3A_1808, %get3A_1809, %get3A_1810] : memref<1x64x64x64xf32, #tpu.memory_space<vmem>>, vector<1x1x64x64xf32>
    %get3A_1812 = vector.shape_cast %get3A_1811 : vector<1x1x64x64xf32> to vector<64x64xf32>
    %dot_general3A_1813 = arith.constant dense<0.000000e+00> : vector<64x128xf32>
    %dot_general3A_1814 = tpu.matmul %get3A_1812, %slice3A_1806, %dot_general3A_1813 {dimension_numbers = #tpu.dot_dimension_numbers<[1], [0], [0], [1], [0, 0, 1, 1], [], []>, transpose_lhs_hint = false} : vector<64x64xf32>, vector<64x128xf32>, vector<64x128xf32> -> vector<64x128xf32>
    %mul3A_1815 = arith.constant 64 : i32
    %mul3A_1816 = arith.muli %arg1, %mul3A_1815 : i32
    %mul3A_1817 = arith.constant 64 : i32
    %mul3A_1818 = arith.muli %mul3A_1816, %mul3A_1817 : i32
    %add3A_1819 = arith.constant 1472 : i32
    %add3A_1820 = arith.addi %add3A_1819, %mul3A_1818 : i32
    %eq3A_1821 = arith.constant 0 : i32
    %eq3A_1822 = arith.cmpi eq, %arg0, %eq3A_1821 : i32
    %get3A_1823 = arith.index_cast %add3A_1820 : i32 to index
    %get3A_1824 = arith.constant 0 : index
    %get3A_1825 = vector.load %arg12[%get3A_1823, %get3A_1824] : memref<8192x128xf32, #tpu.memory_space<vmem>>, vector<64x128xf32>
    %jit3A_1826 = arith.constant 0.000000e+00 : f32
    %broadcast_in_dim3A_1827 = vector.broadcast %jit3A_1826 : f32 to vector<64x128xf32>
    %select_n3A_1828 = arith.select %eq3A_1822, %broadcast_in_dim3A_1827, %get3A_1825 : vector<64x128xf32>
    %mul3A_1829 = vector.broadcast %get3A_1798 : f32 to vector<64x128xf32>
    %mul3A_1830 = arith.mulf %mul3A_1829, %dot_general3A_1814 : vector<64x128xf32>
    %add3A_1831 = arith.addf %select_n3A_1828, %mul3A_1830 : vector<64x128xf32>
    %gt3A_1832 = vector.broadcast %get3A_1803 : f32 to vector<64x128xf32>
    %gt3A_1833 = arith.cmpf ogt, %add3A_1831, %gt3A_1832 : vector<64x128xf32>
    %jit3A_1834 = arith.constant 1.000000e+00 : f32
    %jit3A_1835 = arith.constant 0.000000e+00 : f32
    %broadcast_in_dim3A_1836 = vector.broadcast %jit3A_1834 : f32 to vector<64x128xf32>
    %broadcast_in_dim3A_1837 = vector.broadcast %jit3A_1835 : f32 to vector<64x128xf32>
    %select_n3A_1838 = arith.select %gt3A_1833, %broadcast_in_dim3A_1836, %broadcast_in_dim3A_1837 : vector<64x128xi1>, vector<64x128xf32>
    %and3A_1839 = vector.broadcast %gt3A_1805 : i1 to vector<64x128xi1>
    %and3A_1840 = arith.andi %and3A_1839, %gt3A_1833 : vector<64x128xi1>
    %jit3A_1841 = arith.constant 0.000000e+00 : f32
    %broadcast_in_dim3A_1842 = vector.broadcast %jit3A_1841 : f32 to vector<64x128xf32>
    %select_n3A_1843 = arith.select %and3A_1840, %broadcast_in_dim3A_1842, %add3A_1831 : vector<64x128xi1>, vector<64x128xf32>
    %swap3A_1844 = arith.index_cast %add3A_1820 : i32 to index
    %swap3A_1845 = arith.constant 0 : index
    %swap3A_1846 = vector.load %arg12[%swap3A_1844, %swap3A_1845] : memref<8192x128xf32, #tpu.memory_space<vmem>>, vector<64x128xf32>
    tpu.vector_store %arg12[%swap3A_1844, %swap3A_1845], %select_n3A_1843 {strides = array<i32>} : memref<8192x128xf32, #tpu.memory_space<vmem>>, vector<64x128xf32>,
    %dot_general3A_1847 = arith.constant dense<0.000000e+00> : vector<8x128xf32>
    %dot_general3A_1848 = tpu.matmul %get3A_71, %select_n3A_1838, %dot_general3A_1847 {dimension_numbers = #tpu.dot_dimension_numbers<[1], [0], [0], [1], [0, 0, 1, 1], [], []>, transpose_lhs_hint = false} : vector<8x64xf32>, vector<64x128xf32>, vector<8x128xf32> -> vector<8x128xf32>
    %mul3A_1849 = arith.constant 64 : i32
    %mul3A_1850 = arith.muli %arg1, %mul3A_1849 : i32
    %add3A_1851 = arith.constant 23 : i32
    %add3A_1852 = arith.addi %mul3A_1850, %add3A_1851 : i32
    %mul3A_1853 = arith.constant 8 : i32
    %mul3A_1854 = arith.muli %add3A_1852, %mul3A_1853 : i32
    %eq3A_1855 = arith.constant 0 : i32
    %eq3A_1856 = arith.cmpi eq, %arg0, %eq3A_1855 : i32
    %add3A_1857 = arith.addi %mul3A_14, %mul3A_1854 : i32
    %get3A_1858 = arith.index_cast %add3A_1857 : i32 to index
    %get3A_1859 = arith.constant 0 : index
    %get3A_1860 = vector.load %arg11[%get3A_1858, %get3A_1859] : memref<2048x128xf32, #tpu.memory_space<vmem>>, vector<8x128xf32>
    %jit3A_1861 = arith.constant 0.000000e+00 : f32
    %broadcast_in_dim3A_1862 = vector.broadcast %jit3A_1861 : f32 to vector<8x128xf32>
    %select_n3A_1863 = arith.select %eq3A_1856, %broadcast_in_dim3A_1862, %get3A_1860 : vector<8x128xf32>
    %select_n3A_1864 = arith.select %gt3A_1805, %dot_general3A_1848, %select_n3A_1863 : vector<8x128xf32>
    %add3A_1865 = arith.addi %mul3A_34, %mul3A_1854 : i32
    %swap3A_1866 = arith.index_cast %add3A_1865 : i32 to index
    %swap3A_1867 = arith.constant 0 : index
    %swap3A_1868 = vector.load %arg11[%swap3A_1866, %swap3A_1867] : memref<2048x128xf32, #tpu.memory_space<vmem>>, vector<8x128xf32>
    tpu.vector_store %arg11[%swap3A_1866, %swap3A_1867], %select_n3A_1864 {strides = array<i32>} : memref<2048x128xf32, #tpu.memory_space<vmem>>, vector<8x128xf32>,
    %get3A_1869 = arith.constant 0 : index
    %get3A_1870 = arith.constant 24 : index
    %get3A_1871 = arith.constant 0 : index
    %get3A_1872 = arith.constant 0 : index
    %get3A_1873 = memref.load %arg9[%get3A_1869, %get3A_1870, %get3A_1871, %get3A_1872] : memref<1x64x1x2xf32, #tpu.memory_space<smem>>
    %get3A_1874 = arith.constant 0 : index
    %get3A_1875 = arith.constant 24 : index
    %get3A_1876 = arith.constant 0 : index
    %get3A_1877 = arith.constant 1 : index
    %get3A_1878 = memref.load %arg9[%get3A_1874, %get3A_1875, %get3A_1876, %get3A_1877] : memref<1x64x1x2xf32, #tpu.memory_space<smem>>
    %gt3A_1879 = arith.constant 5.000000e-01 : f32
    %gt3A_1880 = arith.cmpf ogt, %get3A_1873, %gt3A_1879 : f32
    %slice3A_1881 = vector.extract_strided_slice %add3A_68 {offsets = [1536, 0], sizes = [64, 128], strides = [1, 1]} : vector<4096x128xf32> to vector<64x128xf32>
    %get3A_1882 = arith.constant 0 : index
    %get3A_1883 = arith.constant 24 : index
    %get3A_1884 = arith.constant 0 : index
    %get3A_1885 = arith.constant 0 : index
    %get3A_1886 = vector.load %arg3[%get3A_1882, %get3A_1883, %get3A_1884, %get3A_1885] : memref<1x64x64x64xf32, #tpu.memory_space<vmem>>, vector<1x1x64x64xf32>
    %get3A_1887 = vector.shape_cast %get3A_1886 : vector<1x1x64x64xf32> to vector<64x64xf32>
    %dot_general3A_1888 = arith.constant dense<0.000000e+00> : vector<64x128xf32>
    %dot_general3A_1889 = tpu.matmul %get3A_1887, %slice3A_1881, %dot_general3A_1888 {dimension_numbers = #tpu.dot_dimension_numbers<[1], [0], [0], [1], [0, 0, 1, 1], [], []>, transpose_lhs_hint = false} : vector<64x64xf32>, vector<64x128xf32>, vector<64x128xf32> -> vector<64x128xf32>
    %mul3A_1890 = arith.constant 64 : i32
    %mul3A_1891 = arith.muli %arg1, %mul3A_1890 : i32
    %mul3A_1892 = arith.constant 64 : i32
    %mul3A_1893 = arith.muli %mul3A_1891, %mul3A_1892 : i32
    %add3A_1894 = arith.constant 1536 : i32
    %add3A_1895 = arith.addi %add3A_1894, %mul3A_1893 : i32
    %eq3A_1896 = arith.constant 0 : i32
    %eq3A_1897 = arith.cmpi eq, %arg0, %eq3A_1896 : i32
    %get3A_1898 = arith.index_cast %add3A_1895 : i32 to index
    %get3A_1899 = arith.constant 0 : index
    %get3A_1900 = vector.load %arg12[%get3A_1898, %get3A_1899] : memref<8192x128xf32, #tpu.memory_space<vmem>>, vector<64x128xf32>
    %jit3A_1901 = arith.constant 0.000000e+00 : f32
    %broadcast_in_dim3A_1902 = vector.broadcast %jit3A_1901 : f32 to vector<64x128xf32>
    %select_n3A_1903 = arith.select %eq3A_1897, %broadcast_in_dim3A_1902, %get3A_1900 : vector<64x128xf32>
    %mul3A_1904 = vector.broadcast %get3A_1873 : f32 to vector<64x128xf32>
    %mul3A_1905 = arith.mulf %mul3A_1904, %dot_general3A_1889 : vector<64x128xf32>
    %add3A_1906 = arith.addf %select_n3A_1903, %mul3A_1905 : vector<64x128xf32>
    %gt3A_1907 = vector.broadcast %get3A_1878 : f32 to vector<64x128xf32>
    %gt3A_1908 = arith.cmpf ogt, %add3A_1906, %gt3A_1907 : vector<64x128xf32>
    %jit3A_1909 = arith.constant 1.000000e+00 : f32
    %jit3A_1910 = arith.constant 0.000000e+00 : f32
    %broadcast_in_dim3A_1911 = vector.broadcast %jit3A_1909 : f32 to vector<64x128xf32>
    %broadcast_in_dim3A_1912 = vector.broadcast %jit3A_1910 : f32 to vector<64x128xf32>
    %select_n3A_1913 = arith.select %gt3A_1908, %broadcast_in_dim3A_1911, %broadcast_in_dim3A_1912 : vector<64x128xi1>, vector<64x128xf32>
    %and3A_1914 = vector.broadcast %gt3A_1880 : i1 to vector<64x128xi1>
    %and3A_1915 = arith.andi %and3A_1914, %gt3A_1908 : vector<64x128xi1>
    %jit3A_1916 = arith.constant 0.000000e+00 : f32
    %broadcast_in_dim3A_1917 = vector.broadcast %jit3A_1916 : f32 to vector<64x128xf32>
    %select_n3A_1918 = arith.select %and3A_1915, %broadcast_in_dim3A_1917, %add3A_1906 : vector<64x128xi1>, vector<64x128xf32>
    %swap3A_1919 = arith.index_cast %add3A_1895 : i32 to index
    %swap3A_1920 = arith.constant 0 : index
    %swap3A_1921 = vector.load %arg12[%swap3A_1919, %swap3A_1920] : memref<8192x128xf32, #tpu.memory_space<vmem>>, vector<64x128xf32>
    tpu.vector_store %arg12[%swap3A_1919, %swap3A_1920], %select_n3A_1918 {strides = array<i32>} : memref<8192x128xf32, #tpu.memory_space<vmem>>, vector<64x128xf32>,
    %dot_general3A_1922 = arith.constant dense<0.000000e+00> : vector<8x128xf32>
    %dot_general3A_1923 = tpu.matmul %get3A_71, %select_n3A_1913, %dot_general3A_1922 {dimension_numbers = #tpu.dot_dimension_numbers<[1], [0], [0], [1], [0, 0, 1, 1], [], []>, transpose_lhs_hint = false} : vector<8x64xf32>, vector<64x128xf32>, vector<8x128xf32> -> vector<8x128xf32>
    %mul3A_1924 = arith.constant 64 : i32
    %mul3A_1925 = arith.muli %arg1, %mul3A_1924 : i32
    %add3A_1926 = arith.constant 24 : i32
    %add3A_1927 = arith.addi %mul3A_1925, %add3A_1926 : i32
    %mul3A_1928 = arith.constant 8 : i32
    %mul3A_1929 = arith.muli %add3A_1927, %mul3A_1928 : i32
    %eq3A_1930 = arith.constant 0 : i32
    %eq3A_1931 = arith.cmpi eq, %arg0, %eq3A_1930 : i32
    %add3A_1932 = arith.addi %mul3A_14, %mul3A_1929 : i32
    %get3A_1933 = arith.index_cast %add3A_1932 : i32 to index
    %get3A_1934 = arith.constant 0 : index
    %get3A_1935 = vector.load %arg11[%get3A_1933, %get3A_1934] : memref<2048x128xf32, #tpu.memory_space<vmem>>, vector<8x128xf32>
    %jit3A_1936 = arith.constant 0.000000e+00 : f32
    %broadcast_in_dim3A_1937 = vector.broadcast %jit3A_1936 : f32 to vector<8x128xf32>
    %select_n3A_1938 = arith.select %eq3A_1931, %broadcast_in_dim3A_1937, %get3A_1935 : vector<8x128xf32>
    %select_n3A_1939 = arith.select %gt3A_1880, %dot_general3A_1923, %select_n3A_1938 : vector<8x128xf32>
    %add3A_1940 = arith.addi %mul3A_34, %mul3A_1929 : i32
    %swap3A_1941 = arith.index_cast %add3A_1940 : i32 to index
    %swap3A_1942 = arith.constant 0 : index
    %swap3A_1943 = vector.load %arg11[%swap3A_1941, %swap3A_1942] : memref<2048x128xf32, #tpu.memory_space<vmem>>, vector<8x128xf32>
    tpu.vector_store %arg11[%swap3A_1941, %swap3A_1942], %select_n3A_1939 {strides = array<i32>} : memref<2048x128xf32, #tpu.memory_space<vmem>>, vector<8x128xf32>,
    %get3A_1944 = arith.constant 0 : index
    %get3A_1945 = arith.constant 25 : index
    %get3A_1946 = arith.constant 0 : index
    %get3A_1947 = arith.constant 0 : index
    %get3A_1948 = memref.load %arg9[%get3A_1944, %get3A_1945, %get3A_1946, %get3A_1947] : memref<1x64x1x2xf32, #tpu.memory_space<smem>>
    %get3A_1949 = arith.constant 0 : index
    %get3A_1950 = arith.constant 25 : index
    %get3A_1951 = arith.constant 0 : index
    %get3A_1952 = arith.constant 1 : index
    %get3A_1953 = memref.load %arg9[%get3A_1949, %get3A_1950, %get3A_1951, %get3A_1952] : memref<1x64x1x2xf32, #tpu.memory_space<smem>>
    %gt3A_1954 = arith.constant 5.000000e-01 : f32
    %gt3A_1955 = arith.cmpf ogt, %get3A_1948, %gt3A_1954 : f32
    %slice3A_1956 = vector.extract_strided_slice %add3A_68 {offsets = [1600, 0], sizes = [64, 128], strides = [1, 1]} : vector<4096x128xf32> to vector<64x128xf32>
    %get3A_1957 = arith.constant 0 : index
    %get3A_1958 = arith.constant 25 : index
    %get3A_1959 = arith.constant 0 : index
    %get3A_1960 = arith.constant 0 : index
    %get3A_1961 = vector.load %arg3[%get3A_1957, %get3A_1958, %get3A_1959, %get3A_1960] : memref<1x64x64x64xf32, #tpu.memory_space<vmem>>, vector<1x1x64x64xf32>
    %get3A_1962 = vector.shape_cast %get3A_1961 : vector<1x1x64x64xf32> to vector<64x64xf32>
    %dot_general3A_1963 = arith.constant dense<0.000000e+00> : vector<64x128xf32>
    %dot_general3A_1964 = tpu.matmul %get3A_1962, %slice3A_1956, %dot_general3A_1963 {dimension_numbers = #tpu.dot_dimension_numbers<[1], [0], [0], [1], [0, 0, 1, 1], [], []>, transpose_lhs_hint = false} : vector<64x64xf32>, vector<64x128xf32>, vector<64x128xf32> -> vector<64x128xf32>
    %mul3A_1965 = arith.constant 64 : i32
    %mul3A_1966 = arith.muli %arg1, %mul3A_1965 : i32
    %mul3A_1967 = arith.constant 64 : i32
    %mul3A_1968 = arith.muli %mul3A_1966, %mul3A_1967 : i32
    %add3A_1969 = arith.constant 1600 : i32
    %add3A_1970 = arith.addi %add3A_1969, %mul3A_1968 : i32
    %eq3A_1971 = arith.constant 0 : i32
    %eq3A_1972 = arith.cmpi eq, %arg0, %eq3A_1971 : i32
    %get3A_1973 = arith.index_cast %add3A_1970 : i32 to index
    %get3A_1974 = arith.constant 0 : index
    %get3A_1975 = vector.load %arg12[%get3A_1973, %get3A_1974] : memref<8192x128xf32, #tpu.memory_space<vmem>>, vector<64x128xf32>
    %jit3A_1976 = arith.constant 0.000000e+00 : f32
    %broadcast_in_dim3A_1977 = vector.broadcast %jit3A_1976 : f32 to vector<64x128xf32>
    %select_n3A_1978 = arith.select %eq3A_1972, %broadcast_in_dim3A_1977, %get3A_1975 : vector<64x128xf32>
    %mul3A_1979 = vector.broadcast %get3A_1948 : f32 to vector<64x128xf32>
    %mul3A_1980 = arith.mulf %mul3A_1979, %dot_general3A_1964 : vector<64x128xf32>
    %add3A_1981 = arith.addf %select_n3A_1978, %mul3A_1980 : vector<64x128xf32>
    %gt3A_1982 = vector.broadcast %get3A_1953 : f32 to vector<64x128xf32>
    %gt3A_1983 = arith.cmpf ogt, %add3A_1981, %gt3A_1982 : vector<64x128xf32>
    %jit3A_1984 = arith.constant 1.000000e+00 : f32
    %jit3A_1985 = arith.constant 0.000000e+00 : f32
    %broadcast_in_dim3A_1986 = vector.broadcast %jit3A_1984 : f32 to vector<64x128xf32>
    %broadcast_in_dim3A_1987 = vector.broadcast %jit3A_1985 : f32 to vector<64x128xf32>
    %select_n3A_1988 = arith.select %gt3A_1983, %broadcast_in_dim3A_1986, %broadcast_in_dim3A_1987 : vector<64x128xi1>, vector<64x128xf32>
    %and3A_1989 = vector.broadcast %gt3A_1955 : i1 to vector<64x128xi1>
    %and3A_1990 = arith.andi %and3A_1989, %gt3A_1983 : vector<64x128xi1>
    %jit3A_1991 = arith.constant 0.000000e+00 : f32
    %broadcast_in_dim3A_1992 = vector.broadcast %jit3A_1991 : f32 to vector<64x128xf32>
    %select_n3A_1993 = arith.select %and3A_1990, %broadcast_in_dim3A_1992, %add3A_1981 : vector<64x128xi1>, vector<64x128xf32>
    %swap3A_1994 = arith.index_cast %add3A_1970 : i32 to index
    %swap3A_1995 = arith.constant 0 : index
    %swap3A_1996 = vector.load %arg12[%swap3A_1994, %swap3A_1995] : memref<8192x128xf32, #tpu.memory_space<vmem>>, vector<64x128xf32>
    tpu.vector_store %arg12[%swap3A_1994, %swap3A_1995], %select_n3A_1993 {strides = array<i32>} : memref<8192x128xf32, #tpu.memory_space<vmem>>, vector<64x128xf32>,
    %dot_general3A_1997 = arith.constant dense<0.000000e+00> : vector<8x128xf32>
    %dot_general3A_1998 = tpu.matmul %get3A_71, %select_n3A_1988, %dot_general3A_1997 {dimension_numbers = #tpu.dot_dimension_numbers<[1], [0], [0], [1], [0, 0, 1, 1], [], []>, transpose_lhs_hint = false} : vector<8x64xf32>, vector<64x128xf32>, vector<8x128xf32> -> vector<8x128xf32>
    %mul3A_1999 = arith.constant 64 : i32
    %mul3A_2000 = arith.muli %arg1, %mul3A_1999 : i32
    %add3A_2001 = arith.constant 25 : i32
    %add3A_2002 = arith.addi %mul3A_2000, %add3A_2001 : i32
    %mul3A_2003 = arith.constant 8 : i32
    %mul3A_2004 = arith.muli %add3A_2002, %mul3A_2003 : i32
    %eq3A_2005 = arith.constant 0 : i32
    %eq3A_2006 = arith.cmpi eq, %arg0, %eq3A_2005 : i32
    %add3A_2007 = arith.addi %mul3A_14, %mul3A_2004 : i32
    %get3A_2008 = arith.index_cast %add3A_2007 : i32 to index
    %get3A_2009 = arith.constant 0 : index
    %get3A_2010 = vector.load %arg11[%get3A_2008, %get3A_2009] : memref<2048x128xf32, #tpu.memory_space<vmem>>, vector<8x128xf32>
    %jit3A_2011 = arith.constant 0.000000e+00 : f32
    %broadcast_in_dim3A_2012 = vector.broadcast %jit3A_2011 : f32 to vector<8x128xf32>
    %select_n3A_2013 = arith.select %eq3A_2006, %broadcast_in_dim3A_2012, %get3A_2010 : vector<8x128xf32>
    %select_n3A_2014 = arith.select %gt3A_1955, %dot_general3A_1998, %select_n3A_2013 : vector<8x128xf32>
    %add3A_2015 = arith.addi %mul3A_34, %mul3A_2004 : i32
    %swap3A_2016 = arith.index_cast %add3A_2015 : i32 to index
    %swap3A_2017 = arith.constant 0 : index
    %swap3A_2018 = vector.load %arg11[%swap3A_2016, %swap3A_2017] : memref<2048x128xf32, #tpu.memory_space<vmem>>, vector<8x128xf32>
    tpu.vector_store %arg11[%swap3A_2016, %swap3A_2017], %select_n3A_2014 {strides = array<i32>} : memref<2048x128xf32, #tpu.memory_space<vmem>>, vector<8x128xf32>,
    %get3A_2019 = arith.constant 0 : index
    %get3A_2020 = arith.constant 26 : index
    %get3A_2021 = arith.constant 0 : index
    %get3A_2022 = arith.constant 0 : index
    %get3A_2023 = memref.load %arg9[%get3A_2019, %get3A_2020, %get3A_2021, %get3A_2022] : memref<1x64x1x2xf32, #tpu.memory_space<smem>>
    %get3A_2024 = arith.constant 0 : index
    %get3A_2025 = arith.constant 26 : index
    %get3A_2026 = arith.constant 0 : index
    %get3A_2027 = arith.constant 1 : index
    %get3A_2028 = memref.load %arg9[%get3A_2024, %get3A_2025, %get3A_2026, %get3A_2027] : memref<1x64x1x2xf32, #tpu.memory_space<smem>>
    %gt3A_2029 = arith.constant 5.000000e-01 : f32
    %gt3A_2030 = arith.cmpf ogt, %get3A_2023, %gt3A_2029 : f32
    %slice3A_2031 = vector.extract_strided_slice %add3A_68 {offsets = [1664, 0], sizes = [64, 128], strides = [1, 1]} : vector<4096x128xf32> to vector<64x128xf32>
    %get3A_2032 = arith.constant 0 : index
    %get3A_2033 = arith.constant 26 : index
    %get3A_2034 = arith.constant 0 : index
    %get3A_2035 = arith.constant 0 : index
    %get3A_2036 = vector.load %arg3[%get3A_2032, %get3A_2033, %get3A_2034, %get3A_2035] : memref<1x64x64x64xf32, #tpu.memory_space<vmem>>, vector<1x1x64x64xf32>
    %get3A_2037 = vector.shape_cast %get3A_2036 : vector<1x1x64x64xf32> to vector<64x64xf32>
    %dot_general3A_2038 = arith.constant dense<0.000000e+00> : vector<64x128xf32>
    %dot_general3A_2039 = tpu.matmul %get3A_2037, %slice3A_2031, %dot_general3A_2038 {dimension_numbers = #tpu.dot_dimension_numbers<[1], [0], [0], [1], [0, 0, 1, 1], [], []>, transpose_lhs_hint = false} : vector<64x64xf32>, vector<64x128xf32>, vector<64x128xf32> -> vector<64x128xf32>
    %mul3A_2040 = arith.constant 64 : i32
    %mul3A_2041 = arith.muli %arg1, %mul3A_2040 : i32
    %mul3A_2042 = arith.constant 64 : i32
    %mul3A_2043 = arith.muli %mul3A_2041, %mul3A_2042 : i32
    %add3A_2044 = arith.constant 1664 : i32
    %add3A_2045 = arith.addi %add3A_2044, %mul3A_2043 : i32
    %eq3A_2046 = arith.constant 0 : i32
    %eq3A_2047 = arith.cmpi eq, %arg0, %eq3A_2046 : i32
    %get3A_2048 = arith.index_cast %add3A_2045 : i32 to index
    %get3A_2049 = arith.constant 0 : index
    %get3A_2050 = vector.load %arg12[%get3A_2048, %get3A_2049] : memref<8192x128xf32, #tpu.memory_space<vmem>>, vector<64x128xf32>
    %jit3A_2051 = arith.constant 0.000000e+00 : f32
    %broadcast_in_dim3A_2052 = vector.broadcast %jit3A_2051 : f32 to vector<64x128xf32>
    %select_n3A_2053 = arith.select %eq3A_2047, %broadcast_in_dim3A_2052, %get3A_2050 : vector<64x128xf32>
    %mul3A_2054 = vector.broadcast %get3A_2023 : f32 to vector<64x128xf32>
    %mul3A_2055 = arith.mulf %mul3A_2054, %dot_general3A_2039 : vector<64x128xf32>
    %add3A_2056 = arith.addf %select_n3A_2053, %mul3A_2055 : vector<64x128xf32>
    %gt3A_2057 = vector.broadcast %get3A_2028 : f32 to vector<64x128xf32>
    %gt3A_2058 = arith.cmpf ogt, %add3A_2056, %gt3A_2057 : vector<64x128xf32>
    %jit3A_2059 = arith.constant 1.000000e+00 : f32
    %jit3A_2060 = arith.constant 0.000000e+00 : f32
    %broadcast_in_dim3A_2061 = vector.broadcast %jit3A_2059 : f32 to vector<64x128xf32>
    %broadcast_in_dim3A_2062 = vector.broadcast %jit3A_2060 : f32 to vector<64x128xf32>
    %select_n3A_2063 = arith.select %gt3A_2058, %broadcast_in_dim3A_2061, %broadcast_in_dim3A_2062 : vector<64x128xi1>, vector<64x128xf32>
    %and3A_2064 = vector.broadcast %gt3A_2030 : i1 to vector<64x128xi1>
    %and3A_2065 = arith.andi %and3A_2064, %gt3A_2058 : vector<64x128xi1>
    %jit3A_2066 = arith.constant 0.000000e+00 : f32
    %broadcast_in_dim3A_2067 = vector.broadcast %jit3A_2066 : f32 to vector<64x128xf32>
    %select_n3A_2068 = arith.select %and3A_2065, %broadcast_in_dim3A_2067, %add3A_2056 : vector<64x128xi1>, vector<64x128xf32>
    %swap3A_2069 = arith.index_cast %add3A_2045 : i32 to index
    %swap3A_2070 = arith.constant 0 : index
    %swap3A_2071 = vector.load %arg12[%swap3A_2069, %swap3A_2070] : memref<8192x128xf32, #tpu.memory_space<vmem>>, vector<64x128xf32>
    tpu.vector_store %arg12[%swap3A_2069, %swap3A_2070], %select_n3A_2068 {strides = array<i32>} : memref<8192x128xf32, #tpu.memory_space<vmem>>, vector<64x128xf32>,
    %dot_general3A_2072 = arith.constant dense<0.000000e+00> : vector<8x128xf32>
    %dot_general3A_2073 = tpu.matmul %get3A_71, %select_n3A_2063, %dot_general3A_2072 {dimension_numbers = #tpu.dot_dimension_numbers<[1], [0], [0], [1], [0, 0, 1, 1], [], []>, transpose_lhs_hint = false} : vector<8x64xf32>, vector<64x128xf32>, vector<8x128xf32> -> vector<8x128xf32>
    %mul3A_2074 = arith.constant 64 : i32
    %mul3A_2075 = arith.muli %arg1, %mul3A_2074 : i32
    %add3A_2076 = arith.constant 26 : i32
    %add3A_2077 = arith.addi %mul3A_2075, %add3A_2076 : i32
    %mul3A_2078 = arith.constant 8 : i32
    %mul3A_2079 = arith.muli %add3A_2077, %mul3A_2078 : i32
    %eq3A_2080 = arith.constant 0 : i32
    %eq3A_2081 = arith.cmpi eq, %arg0, %eq3A_2080 : i32
    %add3A_2082 = arith.addi %mul3A_14, %mul3A_2079 : i32
    %get3A_2083 = arith.index_cast %add3A_2082 : i32 to index
    %get3A_2084 = arith.constant 0 : index
    %get3A_2085 = vector.load %arg11[%get3A_2083, %get3A_2084] : memref<2048x128xf32, #tpu.memory_space<vmem>>, vector<8x128xf32>
    %jit3A_2086 = arith.constant 0.000000e+00 : f32
    %broadcast_in_dim3A_2087 = vector.broadcast %jit3A_2086 : f32 to vector<8x128xf32>
    %select_n3A_2088 = arith.select %eq3A_2081, %broadcast_in_dim3A_2087, %get3A_2085 : vector<8x128xf32>
    %select_n3A_2089 = arith.select %gt3A_2030, %dot_general3A_2073, %select_n3A_2088 : vector<8x128xf32>
    %add3A_2090 = arith.addi %mul3A_34, %mul3A_2079 : i32
    %swap3A_2091 = arith.index_cast %add3A_2090 : i32 to index
    %swap3A_2092 = arith.constant 0 : index
    %swap3A_2093 = vector.load %arg11[%swap3A_2091, %swap3A_2092] : memref<2048x128xf32, #tpu.memory_space<vmem>>, vector<8x128xf32>
    tpu.vector_store %arg11[%swap3A_2091, %swap3A_2092], %select_n3A_2089 {strides = array<i32>} : memref<2048x128xf32, #tpu.memory_space<vmem>>, vector<8x128xf32>,
    %get3A_2094 = arith.constant 0 : index
    %get3A_2095 = arith.constant 27 : index
    %get3A_2096 = arith.constant 0 : index
    %get3A_2097 = arith.constant 0 : index
    %get3A_2098 = memref.load %arg9[%get3A_2094, %get3A_2095, %get3A_2096, %get3A_2097] : memref<1x64x1x2xf32, #tpu.memory_space<smem>>
    %get3A_2099 = arith.constant 0 : index
    %get3A_2100 = arith.constant 27 : index
    %get3A_2101 = arith.constant 0 : index
    %get3A_2102 = arith.constant 1 : index
    %get3A_2103 = memref.load %arg9[%get3A_2099, %get3A_2100, %get3A_2101, %get3A_2102] : memref<1x64x1x2xf32, #tpu.memory_space<smem>>
    %gt3A_2104 = arith.constant 5.000000e-01 : f32
    %gt3A_2105 = arith.cmpf ogt, %get3A_2098, %gt3A_2104 : f32
    %slice3A_2106 = vector.extract_strided_slice %add3A_68 {offsets = [1728, 0], sizes = [64, 128], strides = [1, 1]} : vector<4096x128xf32> to vector<64x128xf32>
    %get3A_2107 = arith.constant 0 : index
    %get3A_2108 = arith.constant 27 : index
    %get3A_2109 = arith.constant 0 : index
    %get3A_2110 = arith.constant 0 : index
    %get3A_2111 = vector.load %arg3[%get3A_2107, %get3A_2108, %get3A_2109, %get3A_2110] : memref<1x64x64x64xf32, #tpu.memory_space<vmem>>, vector<1x1x64x64xf32>
    %get3A_2112 = vector.shape_cast %get3A_2111 : vector<1x1x64x64xf32> to vector<64x64xf32>
    %dot_general3A_2113 = arith.constant dense<0.000000e+00> : vector<64x128xf32>
    %dot_general3A_2114 = tpu.matmul %get3A_2112, %slice3A_2106, %dot_general3A_2113 {dimension_numbers = #tpu.dot_dimension_numbers<[1], [0], [0], [1], [0, 0, 1, 1], [], []>, transpose_lhs_hint = false} : vector<64x64xf32>, vector<64x128xf32>, vector<64x128xf32> -> vector<64x128xf32>
    %mul3A_2115 = arith.constant 64 : i32
    %mul3A_2116 = arith.muli %arg1, %mul3A_2115 : i32
    %mul3A_2117 = arith.constant 64 : i32
    %mul3A_2118 = arith.muli %mul3A_2116, %mul3A_2117 : i32
    %add3A_2119 = arith.constant 1728 : i32
    %add3A_2120 = arith.addi %add3A_2119, %mul3A_2118 : i32
    %eq3A_2121 = arith.constant 0 : i32
    %eq3A_2122 = arith.cmpi eq, %arg0, %eq3A_2121 : i32
    %get3A_2123 = arith.index_cast %add3A_2120 : i32 to index
    %get3A_2124 = arith.constant 0 : index
    %get3A_2125 = vector.load %arg12[%get3A_2123, %get3A_2124] : memref<8192x128xf32, #tpu.memory_space<vmem>>, vector<64x128xf32>
    %jit3A_2126 = arith.constant 0.000000e+00 : f32
    %broadcast_in_dim3A_2127 = vector.broadcast %jit3A_2126 : f32 to vector<64x128xf32>
    %select_n3A_2128 = arith.select %eq3A_2122, %broadcast_in_dim3A_2127, %get3A_2125 : vector<64x128xf32>
    %mul3A_2129 = vector.broadcast %get3A_2098 : f32 to vector<64x128xf32>
    %mul3A_2130 = arith.mulf %mul3A_2129, %dot_general3A_2114 : vector<64x128xf32>
    %add3A_2131 = arith.addf %select_n3A_2128, %mul3A_2130 : vector<64x128xf32>
    %gt3A_2132 = vector.broadcast %get3A_2103 : f32 to vector<64x128xf32>
    %gt3A_2133 = arith.cmpf ogt, %add3A_2131, %gt3A_2132 : vector<64x128xf32>
    %jit3A_2134 = arith.constant 1.000000e+00 : f32
    %jit3A_2135 = arith.constant 0.000000e+00 : f32
    %broadcast_in_dim3A_2136 = vector.broadcast %jit3A_2134 : f32 to vector<64x128xf32>
    %broadcast_in_dim3A_2137 = vector.broadcast %jit3A_2135 : f32 to vector<64x128xf32>
    %select_n3A_2138 = arith.select %gt3A_2133, %broadcast_in_dim3A_2136, %broadcast_in_dim3A_2137 : vector<64x128xi1>, vector<64x128xf32>
    %and3A_2139 = vector.broadcast %gt3A_2105 : i1 to vector<64x128xi1>
    %and3A_2140 = arith.andi %and3A_2139, %gt3A_2133 : vector<64x128xi1>
    %jit3A_2141 = arith.constant 0.000000e+00 : f32
    %broadcast_in_dim3A_2142 = vector.broadcast %jit3A_2141 : f32 to vector<64x128xf32>
    %select_n3A_2143 = arith.select %and3A_2140, %broadcast_in_dim3A_2142, %add3A_2131 : vector<64x128xi1>, vector<64x128xf32>
    %swap3A_2144 = arith.index_cast %add3A_2120 : i32 to index
    %swap3A_2145 = arith.constant 0 : index
    %swap3A_2146 = vector.load %arg12[%swap3A_2144, %swap3A_2145] : memref<8192x128xf32, #tpu.memory_space<vmem>>, vector<64x128xf32>
    tpu.vector_store %arg12[%swap3A_2144, %swap3A_2145], %select_n3A_2143 {strides = array<i32>} : memref<8192x128xf32, #tpu.memory_space<vmem>>, vector<64x128xf32>,
    %dot_general3A_2147 = arith.constant dense<0.000000e+00> : vector<8x128xf32>
    %dot_general3A_2148 = tpu.matmul %get3A_71, %select_n3A_2138, %dot_general3A_2147 {dimension_numbers = #tpu.dot_dimension_numbers<[1], [0], [0], [1], [0, 0, 1, 1], [], []>, transpose_lhs_hint = false} : vector<8x64xf32>, vector<64x128xf32>, vector<8x128xf32> -> vector<8x128xf32>
    %mul3A_2149 = arith.constant 64 : i32
    %mul3A_2150 = arith.muli %arg1, %mul3A_2149 : i32
    %add3A_2151 = arith.constant 27 : i32
    %add3A_2152 = arith.addi %mul3A_2150, %add3A_2151 : i32
    %mul3A_2153 = arith.constant 8 : i32
    %mul3A_2154 = arith.muli %add3A_2152, %mul3A_2153 : i32
    %eq3A_2155 = arith.constant 0 : i32
    %eq3A_2156 = arith.cmpi eq, %arg0, %eq3A_2155 : i32
    %add3A_2157 = arith.addi %mul3A_14, %mul3A_2154 : i32
    %get3A_2158 = arith.index_cast %add3A_2157 : i32 to index
    %get3A_2159 = arith.constant 0 : index
    %get3A_2160 = vector.load %arg11[%get3A_2158, %get3A_2159] : memref<2048x128xf32, #tpu.memory_space<vmem>>, vector<8x128xf32>
    %jit3A_2161 = arith.constant 0.000000e+00 : f32
    %broadcast_in_dim3A_2162 = vector.broadcast %jit3A_2161 : f32 to vector<8x128xf32>
    %select_n3A_2163 = arith.select %eq3A_2156, %broadcast_in_dim3A_2162, %get3A_2160 : vector<8x128xf32>
    %select_n3A_2164 = arith.select %gt3A_2105, %dot_general3A_2148, %select_n3A_2163 : vector<8x128xf32>
    %add3A_2165 = arith.addi %mul3A_34, %mul3A_2154 : i32
    %swap3A_2166 = arith.index_cast %add3A_2165 : i32 to index
    %swap3A_2167 = arith.constant 0 : index
    %swap3A_2168 = vector.load %arg11[%swap3A_2166, %swap3A_2167] : memref<2048x128xf32, #tpu.memory_space<vmem>>, vector<8x128xf32>
    tpu.vector_store %arg11[%swap3A_2166, %swap3A_2167], %select_n3A_2164 {strides = array<i32>} : memref<2048x128xf32, #tpu.memory_space<vmem>>, vector<8x128xf32>,
    %get3A_2169 = arith.constant 0 : index
    %get3A_2170 = arith.constant 28 : index
    %get3A_2171 = arith.constant 0 : index
    %get3A_2172 = arith.constant 0 : index
    %get3A_2173 = memref.load %arg9[%get3A_2169, %get3A_2170, %get3A_2171, %get3A_2172] : memref<1x64x1x2xf32, #tpu.memory_space<smem>>
    %get3A_2174 = arith.constant 0 : index
    %get3A_2175 = arith.constant 28 : index
    %get3A_2176 = arith.constant 0 : index
    %get3A_2177 = arith.constant 1 : index
    %get3A_2178 = memref.load %arg9[%get3A_2174, %get3A_2175, %get3A_2176, %get3A_2177] : memref<1x64x1x2xf32, #tpu.memory_space<smem>>
    %gt3A_2179 = arith.constant 5.000000e-01 : f32
    %gt3A_2180 = arith.cmpf ogt, %get3A_2173, %gt3A_2179 : f32
    %slice3A_2181 = vector.extract_strided_slice %add3A_68 {offsets = [1792, 0], sizes = [64, 128], strides = [1, 1]} : vector<4096x128xf32> to vector<64x128xf32>
    %get3A_2182 = arith.constant 0 : index
    %get3A_2183 = arith.constant 28 : index
    %get3A_2184 = arith.constant 0 : index
    %get3A_2185 = arith.constant 0 : index
    %get3A_2186 = vector.load %arg3[%get3A_2182, %get3A_2183, %get3A_2184, %get3A_2185] : memref<1x64x64x64xf32, #tpu.memory_space<vmem>>, vector<1x1x64x64xf32>
    %get3A_2187 = vector.shape_cast %get3A_2186 : vector<1x1x64x64xf32> to vector<64x64xf32>
    %dot_general3A_2188 = arith.constant dense<0.000000e+00> : vector<64x128xf32>
    %dot_general3A_2189 = tpu.matmul %get3A_2187, %slice3A_2181, %dot_general3A_2188 {dimension_numbers = #tpu.dot_dimension_numbers<[1], [0], [0], [1], [0, 0, 1, 1], [], []>, transpose_lhs_hint = false} : vector<64x64xf32>, vector<64x128xf32>, vector<64x128xf32> -> vector<64x128xf32>
    %mul3A_2190 = arith.constant 64 : i32
    %mul3A_2191 = arith.muli %arg1, %mul3A_2190 : i32
    %mul3A_2192 = arith.constant 64 : i32
    %mul3A_2193 = arith.muli %mul3A_2191, %mul3A_2192 : i32
    %add3A_2194 = arith.constant 1792 : i32
    %add3A_2195 = arith.addi %add3A_2194, %mul3A_2193 : i32
    %eq3A_2196 = arith.constant 0 : i32
    %eq3A_2197 = arith.cmpi eq, %arg0, %eq3A_2196 : i32
    %get3A_2198 = arith.index_cast %add3A_2195 : i32 to index
    %get3A_2199 = arith.constant 0 : index
    %get3A_2200 = vector.load %arg12[%get3A_2198, %get3A_2199] : memref<8192x128xf32, #tpu.memory_space<vmem>>, vector<64x128xf32>
    %jit3A_2201 = arith.constant 0.000000e+00 : f32
    %broadcast_in_dim3A_2202 = vector.broadcast %jit3A_2201 : f32 to vector<64x128xf32>
    %select_n3A_2203 = arith.select %eq3A_2197, %broadcast_in_dim3A_2202, %get3A_2200 : vector<64x128xf32>
    %mul3A_2204 = vector.broadcast %get3A_2173 : f32 to vector<64x128xf32>
    %mul3A_2205 = arith.mulf %mul3A_2204, %dot_general3A_2189 : vector<64x128xf32>
    %add3A_2206 = arith.addf %select_n3A_2203, %mul3A_2205 : vector<64x128xf32>
    %gt3A_2207 = vector.broadcast %get3A_2178 : f32 to vector<64x128xf32>
    %gt3A_2208 = arith.cmpf ogt, %add3A_2206, %gt3A_2207 : vector<64x128xf32>
    %jit3A_2209 = arith.constant 1.000000e+00 : f32
    %jit3A_2210 = arith.constant 0.000000e+00 : f32
    %broadcast_in_dim3A_2211 = vector.broadcast %jit3A_2209 : f32 to vector<64x128xf32>
    %broadcast_in_dim3A_2212 = vector.broadcast %jit3A_2210 : f32 to vector<64x128xf32>
    %select_n3A_2213 = arith.select %gt3A_2208, %broadcast_in_dim3A_2211, %broadcast_in_dim3A_2212 : vector<64x128xi1>, vector<64x128xf32>
    %and3A_2214 = vector.broadcast %gt3A_2180 : i1 to vector<64x128xi1>
    %and3A_2215 = arith.andi %and3A_2214, %gt3A_2208 : vector<64x128xi1>
    %jit3A_2216 = arith.constant 0.000000e+00 : f32
    %broadcast_in_dim3A_2217 = vector.broadcast %jit3A_2216 : f32 to vector<64x128xf32>
    %select_n3A_2218 = arith.select %and3A_2215, %broadcast_in_dim3A_2217, %add3A_2206 : vector<64x128xi1>, vector<64x128xf32>
    %swap3A_2219 = arith.index_cast %add3A_2195 : i32 to index
    %swap3A_2220 = arith.constant 0 : index
    %swap3A_2221 = vector.load %arg12[%swap3A_2219, %swap3A_2220] : memref<8192x128xf32, #tpu.memory_space<vmem>>, vector<64x128xf32>
    tpu.vector_store %arg12[%swap3A_2219, %swap3A_2220], %select_n3A_2218 {strides = array<i32>} : memref<8192x128xf32, #tpu.memory_space<vmem>>, vector<64x128xf32>,
    %dot_general3A_2222 = arith.constant dense<0.000000e+00> : vector<8x128xf32>
    %dot_general3A_2223 = tpu.matmul %get3A_71, %select_n3A_2213, %dot_general3A_2222 {dimension_numbers = #tpu.dot_dimension_numbers<[1], [0], [0], [1], [0, 0, 1, 1], [], []>, transpose_lhs_hint = false} : vector<8x64xf32>, vector<64x128xf32>, vector<8x128xf32> -> vector<8x128xf32>
    %mul3A_2224 = arith.constant 64 : i32
    %mul3A_2225 = arith.muli %arg1, %mul3A_2224 : i32
    %add3A_2226 = arith.constant 28 : i32
    %add3A_2227 = arith.addi %mul3A_2225, %add3A_2226 : i32
    %mul3A_2228 = arith.constant 8 : i32
    %mul3A_2229 = arith.muli %add3A_2227, %mul3A_2228 : i32
    %eq3A_2230 = arith.constant 0 : i32
    %eq3A_2231 = arith.cmpi eq, %arg0, %eq3A_2230 : i32
    %add3A_2232 = arith.addi %mul3A_14, %mul3A_2229 : i32
    %get3A_2233 = arith.index_cast %add3A_2232 : i32 to index
    %get3A_2234 = arith.constant 0 : index
    %get3A_2235 = vector.load %arg11[%get3A_2233, %get3A_2234] : memref<2048x128xf32, #tpu.memory_space<vmem>>, vector<8x128xf32>
    %jit3A_2236 = arith.constant 0.000000e+00 : f32
    %broadcast_in_dim3A_2237 = vector.broadcast %jit3A_2236 : f32 to vector<8x128xf32>
    %select_n3A_2238 = arith.select %eq3A_2231, %broadcast_in_dim3A_2237, %get3A_2235 : vector<8x128xf32>
    %select_n3A_2239 = arith.select %gt3A_2180, %dot_general3A_2223, %select_n3A_2238 : vector<8x128xf32>
    %add3A_2240 = arith.addi %mul3A_34, %mul3A_2229 : i32
    %swap3A_2241 = arith.index_cast %add3A_2240 : i32 to index
    %swap3A_2242 = arith.constant 0 : index
    %swap3A_2243 = vector.load %arg11[%swap3A_2241, %swap3A_2242] : memref<2048x128xf32, #tpu.memory_space<vmem>>, vector<8x128xf32>
    tpu.vector_store %arg11[%swap3A_2241, %swap3A_2242], %select_n3A_2239 {strides = array<i32>} : memref<2048x128xf32, #tpu.memory_space<vmem>>, vector<8x128xf32>,
    %get3A_2244 = arith.constant 0 : index
    %get3A_2245 = arith.constant 29 : index
    %get3A_2246 = arith.constant 0 : index
    %get3A_2247 = arith.constant 0 : index
    %get3A_2248 = memref.load %arg9[%get3A_2244, %get3A_2245, %get3A_2246, %get3A_2247] : memref<1x64x1x2xf32, #tpu.memory_space<smem>>
    %get3A_2249 = arith.constant 0 : index
    %get3A_2250 = arith.constant 29 : index
    %get3A_2251 = arith.constant 0 : index
    %get3A_2252 = arith.constant 1 : index
    %get3A_2253 = memref.load %arg9[%get3A_2249, %get3A_2250, %get3A_2251, %get3A_2252] : memref<1x64x1x2xf32, #tpu.memory_space<smem>>
    %gt3A_2254 = arith.constant 5.000000e-01 : f32
    %gt3A_2255 = arith.cmpf ogt, %get3A_2248, %gt3A_2254 : f32
    %slice3A_2256 = vector.extract_strided_slice %add3A_68 {offsets = [1856, 0], sizes = [64, 128], strides = [1, 1]} : vector<4096x128xf32> to vector<64x128xf32>
    %get3A_2257 = arith.constant 0 : index
    %get3A_2258 = arith.constant 29 : index
    %get3A_2259 = arith.constant 0 : index
    %get3A_2260 = arith.constant 0 : index
    %get3A_2261 = vector.load %arg3[%get3A_2257, %get3A_2258, %get3A_2259, %get3A_2260] : memref<1x64x64x64xf32, #tpu.memory_space<vmem>>, vector<1x1x64x64xf32>
    %get3A_2262 = vector.shape_cast %get3A_2261 : vector<1x1x64x64xf32> to vector<64x64xf32>
    %dot_general3A_2263 = arith.constant dense<0.000000e+00> : vector<64x128xf32>
    %dot_general3A_2264 = tpu.matmul %get3A_2262, %slice3A_2256, %dot_general3A_2263 {dimension_numbers = #tpu.dot_dimension_numbers<[1], [0], [0], [1], [0, 0, 1, 1], [], []>, transpose_lhs_hint = false} : vector<64x64xf32>, vector<64x128xf32>, vector<64x128xf32> -> vector<64x128xf32>
    %mul3A_2265 = arith.constant 64 : i32
    %mul3A_2266 = arith.muli %arg1, %mul3A_2265 : i32
    %mul3A_2267 = arith.constant 64 : i32
    %mul3A_2268 = arith.muli %mul3A_2266, %mul3A_2267 : i32
    %add3A_2269 = arith.constant 1856 : i32
    %add3A_2270 = arith.addi %add3A_2269, %mul3A_2268 : i32
    %eq3A_2271 = arith.constant 0 : i32
    %eq3A_2272 = arith.cmpi eq, %arg0, %eq3A_2271 : i32
    %get3A_2273 = arith.index_cast %add3A_2270 : i32 to index
    %get3A_2274 = arith.constant 0 : index
    %get3A_2275 = vector.load %arg12[%get3A_2273, %get3A_2274] : memref<8192x128xf32, #tpu.memory_space<vmem>>, vector<64x128xf32>
    %jit3A_2276 = arith.constant 0.000000e+00 : f32
    %broadcast_in_dim3A_2277 = vector.broadcast %jit3A_2276 : f32 to vector<64x128xf32>
    %select_n3A_2278 = arith.select %eq3A_2272, %broadcast_in_dim3A_2277, %get3A_2275 : vector<64x128xf32>
    %mul3A_2279 = vector.broadcast %get3A_2248 : f32 to vector<64x128xf32>
    %mul3A_2280 = arith.mulf %mul3A_2279, %dot_general3A_2264 : vector<64x128xf32>
    %add3A_2281 = arith.addf %select_n3A_2278, %mul3A_2280 : vector<64x128xf32>
    %gt3A_2282 = vector.broadcast %get3A_2253 : f32 to vector<64x128xf32>
    %gt3A_2283 = arith.cmpf ogt, %add3A_2281, %gt3A_2282 : vector<64x128xf32>
    %jit3A_2284 = arith.constant 1.000000e+00 : f32
    %jit3A_2285 = arith.constant 0.000000e+00 : f32
    %broadcast_in_dim3A_2286 = vector.broadcast %jit3A_2284 : f32 to vector<64x128xf32>
    %broadcast_in_dim3A_2287 = vector.broadcast %jit3A_2285 : f32 to vector<64x128xf32>
    %select_n3A_2288 = arith.select %gt3A_2283, %broadcast_in_dim3A_2286, %broadcast_in_dim3A_2287 : vector<64x128xi1>, vector<64x128xf32>
    %and3A_2289 = vector.broadcast %gt3A_2255 : i1 to vector<64x128xi1>
    %and3A_2290 = arith.andi %and3A_2289, %gt3A_2283 : vector<64x128xi1>
    %jit3A_2291 = arith.constant 0.000000e+00 : f32
    %broadcast_in_dim3A_2292 = vector.broadcast %jit3A_2291 : f32 to vector<64x128xf32>
    %select_n3A_2293 = arith.select %and3A_2290, %broadcast_in_dim3A_2292, %add3A_2281 : vector<64x128xi1>, vector<64x128xf32>
    %swap3A_2294 = arith.index_cast %add3A_2270 : i32 to index
    %swap3A_2295 = arith.constant 0 : index
    %swap3A_2296 = vector.load %arg12[%swap3A_2294, %swap3A_2295] : memref<8192x128xf32, #tpu.memory_space<vmem>>, vector<64x128xf32>
    tpu.vector_store %arg12[%swap3A_2294, %swap3A_2295], %select_n3A_2293 {strides = array<i32>} : memref<8192x128xf32, #tpu.memory_space<vmem>>, vector<64x128xf32>,
    %dot_general3A_2297 = arith.constant dense<0.000000e+00> : vector<8x128xf32>
    %dot_general3A_2298 = tpu.matmul %get3A_71, %select_n3A_2288, %dot_general3A_2297 {dimension_numbers = #tpu.dot_dimension_numbers<[1], [0], [0], [1], [0, 0, 1, 1], [], []>, transpose_lhs_hint = false} : vector<8x64xf32>, vector<64x128xf32>, vector<8x128xf32> -> vector<8x128xf32>
    %mul3A_2299 = arith.constant 64 : i32
    %mul3A_2300 = arith.muli %arg1, %mul3A_2299 : i32
    %add3A_2301 = arith.constant 29 : i32
    %add3A_2302 = arith.addi %mul3A_2300, %add3A_2301 : i32
    %mul3A_2303 = arith.constant 8 : i32
    %mul3A_2304 = arith.muli %add3A_2302, %mul3A_2303 : i32
    %eq3A_2305 = arith.constant 0 : i32
    %eq3A_2306 = arith.cmpi eq, %arg0, %eq3A_2305 : i32
    %add3A_2307 = arith.addi %mul3A_14, %mul3A_2304 : i32
    %get3A_2308 = arith.index_cast %add3A_2307 : i32 to index
    %get3A_2309 = arith.constant 0 : index
    %get3A_2310 = vector.load %arg11[%get3A_2308, %get3A_2309] : memref<2048x128xf32, #tpu.memory_space<vmem>>, vector<8x128xf32>
    %jit3A_2311 = arith.constant 0.000000e+00 : f32
    %broadcast_in_dim3A_2312 = vector.broadcast %jit3A_2311 : f32 to vector<8x128xf32>
    %select_n3A_2313 = arith.select %eq3A_2306, %broadcast_in_dim3A_2312, %get3A_2310 : vector<8x128xf32>
    %select_n3A_2314 = arith.select %gt3A_2255, %dot_general3A_2298, %select_n3A_2313 : vector<8x128xf32>
    %add3A_2315 = arith.addi %mul3A_34, %mul3A_2304 : i32
    %swap3A_2316 = arith.index_cast %add3A_2315 : i32 to index
    %swap3A_2317 = arith.constant 0 : index
    %swap3A_2318 = vector.load %arg11[%swap3A_2316, %swap3A_2317] : memref<2048x128xf32, #tpu.memory_space<vmem>>, vector<8x128xf32>
    tpu.vector_store %arg11[%swap3A_2316, %swap3A_2317], %select_n3A_2314 {strides = array<i32>} : memref<2048x128xf32, #tpu.memory_space<vmem>>, vector<8x128xf32>,
    %get3A_2319 = arith.constant 0 : index
    %get3A_2320 = arith.constant 30 : index
    %get3A_2321 = arith.constant 0 : index
    %get3A_2322 = arith.constant 0 : index
    %get3A_2323 = memref.load %arg9[%get3A_2319, %get3A_2320, %get3A_2321, %get3A_2322] : memref<1x64x1x2xf32, #tpu.memory_space<smem>>
    %get3A_2324 = arith.constant 0 : index
    %get3A_2325 = arith.constant 30 : index
    %get3A_2326 = arith.constant 0 : index
    %get3A_2327 = arith.constant 1 : index
    %get3A_2328 = memref.load %arg9[%get3A_2324, %get3A_2325, %get3A_2326, %get3A_2327] : memref<1x64x1x2xf32, #tpu.memory_space<smem>>
    %gt3A_2329 = arith.constant 5.000000e-01 : f32
    %gt3A_2330 = arith.cmpf ogt, %get3A_2323, %gt3A_2329 : f32
    %slice3A_2331 = vector.extract_strided_slice %add3A_68 {offsets = [1920, 0], sizes = [64, 128], strides = [1, 1]} : vector<4096x128xf32> to vector<64x128xf32>
    %get3A_2332 = arith.constant 0 : index
    %get3A_2333 = arith.constant 30 : index
    %get3A_2334 = arith.constant 0 : index
    %get3A_2335 = arith.constant 0 : index
    %get3A_2336 = vector.load %arg3[%get3A_2332, %get3A_2333, %get3A_2334, %get3A_2335] : memref<1x64x64x64xf32, #tpu.memory_space<vmem>>, vector<1x1x64x64xf32>
    %get3A_2337 = vector.shape_cast %get3A_2336 : vector<1x1x64x64xf32> to vector<64x64xf32>
    %dot_general3A_2338 = arith.constant dense<0.000000e+00> : vector<64x128xf32>
    %dot_general3A_2339 = tpu.matmul %get3A_2337, %slice3A_2331, %dot_general3A_2338 {dimension_numbers = #tpu.dot_dimension_numbers<[1], [0], [0], [1], [0, 0, 1, 1], [], []>, transpose_lhs_hint = false} : vector<64x64xf32>, vector<64x128xf32>, vector<64x128xf32> -> vector<64x128xf32>
    %mul3A_2340 = arith.constant 64 : i32
    %mul3A_2341 = arith.muli %arg1, %mul3A_2340 : i32
    %mul3A_2342 = arith.constant 64 : i32
    %mul3A_2343 = arith.muli %mul3A_2341, %mul3A_2342 : i32
    %add3A_2344 = arith.constant 1920 : i32
    %add3A_2345 = arith.addi %add3A_2344, %mul3A_2343 : i32
    %eq3A_2346 = arith.constant 0 : i32
    %eq3A_2347 = arith.cmpi eq, %arg0, %eq3A_2346 : i32
    %get3A_2348 = arith.index_cast %add3A_2345 : i32 to index
    %get3A_2349 = arith.constant 0 : index
    %get3A_2350 = vector.load %arg12[%get3A_2348, %get3A_2349] : memref<8192x128xf32, #tpu.memory_space<vmem>>, vector<64x128xf32>
    %jit3A_2351 = arith.constant 0.000000e+00 : f32
    %broadcast_in_dim3A_2352 = vector.broadcast %jit3A_2351 : f32 to vector<64x128xf32>
    %select_n3A_2353 = arith.select %eq3A_2347, %broadcast_in_dim3A_2352, %get3A_2350 : vector<64x128xf32>
    %mul3A_2354 = vector.broadcast %get3A_2323 : f32 to vector<64x128xf32>
    %mul3A_2355 = arith.mulf %mul3A_2354, %dot_general3A_2339 : vector<64x128xf32>
    %add3A_2356 = arith.addf %select_n3A_2353, %mul3A_2355 : vector<64x128xf32>
    %gt3A_2357 = vector.broadcast %get3A_2328 : f32 to vector<64x128xf32>
    %gt3A_2358 = arith.cmpf ogt, %add3A_2356, %gt3A_2357 : vector<64x128xf32>
    %jit3A_2359 = arith.constant 1.000000e+00 : f32
    %jit3A_2360 = arith.constant 0.000000e+00 : f32
    %broadcast_in_dim3A_2361 = vector.broadcast %jit3A_2359 : f32 to vector<64x128xf32>
    %broadcast_in_dim3A_2362 = vector.broadcast %jit3A_2360 : f32 to vector<64x128xf32>
    %select_n3A_2363 = arith.select %gt3A_2358, %broadcast_in_dim3A_2361, %broadcast_in_dim3A_2362 : vector<64x128xi1>, vector<64x128xf32>
    %and3A_2364 = vector.broadcast %gt3A_2330 : i1 to vector<64x128xi1>
    %and3A_2365 = arith.andi %and3A_2364, %gt3A_2358 : vector<64x128xi1>
    %jit3A_2366 = arith.constant 0.000000e+00 : f32
    %broadcast_in_dim3A_2367 = vector.broadcast %jit3A_2366 : f32 to vector<64x128xf32>
    %select_n3A_2368 = arith.select %and3A_2365, %broadcast_in_dim3A_2367, %add3A_2356 : vector<64x128xi1>, vector<64x128xf32>
    %swap3A_2369 = arith.index_cast %add3A_2345 : i32 to index
    %swap3A_2370 = arith.constant 0 : index
    %swap3A_2371 = vector.load %arg12[%swap3A_2369, %swap3A_2370] : memref<8192x128xf32, #tpu.memory_space<vmem>>, vector<64x128xf32>
    tpu.vector_store %arg12[%swap3A_2369, %swap3A_2370], %select_n3A_2368 {strides = array<i32>} : memref<8192x128xf32, #tpu.memory_space<vmem>>, vector<64x128xf32>,
    %dot_general3A_2372 = arith.constant dense<0.000000e+00> : vector<8x128xf32>
    %dot_general3A_2373 = tpu.matmul %get3A_71, %select_n3A_2363, %dot_general3A_2372 {dimension_numbers = #tpu.dot_dimension_numbers<[1], [0], [0], [1], [0, 0, 1, 1], [], []>, transpose_lhs_hint = false} : vector<8x64xf32>, vector<64x128xf32>, vector<8x128xf32> -> vector<8x128xf32>
    %mul3A_2374 = arith.constant 64 : i32
    %mul3A_2375 = arith.muli %arg1, %mul3A_2374 : i32
    %add3A_2376 = arith.constant 30 : i32
    %add3A_2377 = arith.addi %mul3A_2375, %add3A_2376 : i32
    %mul3A_2378 = arith.constant 8 : i32
    %mul3A_2379 = arith.muli %add3A_2377, %mul3A_2378 : i32
    %eq3A_2380 = arith.constant 0 : i32
    %eq3A_2381 = arith.cmpi eq, %arg0, %eq3A_2380 : i32
    %add3A_2382 = arith.addi %mul3A_14, %mul3A_2379 : i32
    %get3A_2383 = arith.index_cast %add3A_2382 : i32 to index
    %get3A_2384 = arith.constant 0 : index
    %get3A_2385 = vector.load %arg11[%get3A_2383, %get3A_2384] : memref<2048x128xf32, #tpu.memory_space<vmem>>, vector<8x128xf32>
    %jit3A_2386 = arith.constant 0.000000e+00 : f32
    %broadcast_in_dim3A_2387 = vector.broadcast %jit3A_2386 : f32 to vector<8x128xf32>
    %select_n3A_2388 = arith.select %eq3A_2381, %broadcast_in_dim3A_2387, %get3A_2385 : vector<8x128xf32>
    %select_n3A_2389 = arith.select %gt3A_2330, %dot_general3A_2373, %select_n3A_2388 : vector<8x128xf32>
    %add3A_2390 = arith.addi %mul3A_34, %mul3A_2379 : i32
    %swap3A_2391 = arith.index_cast %add3A_2390 : i32 to index
    %swap3A_2392 = arith.constant 0 : index
    %swap3A_2393 = vector.load %arg11[%swap3A_2391, %swap3A_2392] : memref<2048x128xf32, #tpu.memory_space<vmem>>, vector<8x128xf32>
    tpu.vector_store %arg11[%swap3A_2391, %swap3A_2392], %select_n3A_2389 {strides = array<i32>} : memref<2048x128xf32, #tpu.memory_space<vmem>>, vector<8x128xf32>,
    %get3A_2394 = arith.constant 0 : index
    %get3A_2395 = arith.constant 31 : index
    %get3A_2396 = arith.constant 0 : index
    %get3A_2397 = arith.constant 0 : index
    %get3A_2398 = memref.load %arg9[%get3A_2394, %get3A_2395, %get3A_2396, %get3A_2397] : memref<1x64x1x2xf32, #tpu.memory_space<smem>>
    %get3A_2399 = arith.constant 0 : index
    %get3A_2400 = arith.constant 31 : index
    %get3A_2401 = arith.constant 0 : index
    %get3A_2402 = arith.constant 1 : index
    %get3A_2403 = memref.load %arg9[%get3A_2399, %get3A_2400, %get3A_2401, %get3A_2402] : memref<1x64x1x2xf32, #tpu.memory_space<smem>>
    %gt3A_2404 = arith.constant 5.000000e-01 : f32
    %gt3A_2405 = arith.cmpf ogt, %get3A_2398, %gt3A_2404 : f32
    %slice3A_2406 = vector.extract_strided_slice %add3A_68 {offsets = [1984, 0], sizes = [64, 128], strides = [1, 1]} : vector<4096x128xf32> to vector<64x128xf32>
    %get3A_2407 = arith.constant 0 : index
    %get3A_2408 = arith.constant 31 : index
    %get3A_2409 = arith.constant 0 : index
    %get3A_2410 = arith.constant 0 : index
    %get3A_2411 = vector.load %arg3[%get3A_2407, %get3A_2408, %get3A_2409, %get3A_2410] : memref<1x64x64x64xf32, #tpu.memory_space<vmem>>, vector<1x1x64x64xf32>
    %get3A_2412 = vector.shape_cast %get3A_2411 : vector<1x1x64x64xf32> to vector<64x64xf32>
    %dot_general3A_2413 = arith.constant dense<0.000000e+00> : vector<64x128xf32>
    %dot_general3A_2414 = tpu.matmul %get3A_2412, %slice3A_2406, %dot_general3A_2413 {dimension_numbers = #tpu.dot_dimension_numbers<[1], [0], [0], [1], [0, 0, 1, 1], [], []>, transpose_lhs_hint = false} : vector<64x64xf32>, vector<64x128xf32>, vector<64x128xf32> -> vector<64x128xf32>
    %mul3A_2415 = arith.constant 64 : i32
    %mul3A_2416 = arith.muli %arg1, %mul3A_2415 : i32
    %mul3A_2417 = arith.constant 64 : i32
    %mul3A_2418 = arith.muli %mul3A_2416, %mul3A_2417 : i32
    %add3A_2419 = arith.constant 1984 : i32
    %add3A_2420 = arith.addi %add3A_2419, %mul3A_2418 : i32
    %eq3A_2421 = arith.constant 0 : i32
    %eq3A_2422 = arith.cmpi eq, %arg0, %eq3A_2421 : i32
    %get3A_2423 = arith.index_cast %add3A_2420 : i32 to index
    %get3A_2424 = arith.constant 0 : index
    %get3A_2425 = vector.load %arg12[%get3A_2423, %get3A_2424] : memref<8192x128xf32, #tpu.memory_space<vmem>>, vector<64x128xf32>
    %jit3A_2426 = arith.constant 0.000000e+00 : f32
    %broadcast_in_dim3A_2427 = vector.broadcast %jit3A_2426 : f32 to vector<64x128xf32>
    %select_n3A_2428 = arith.select %eq3A_2422, %broadcast_in_dim3A_2427, %get3A_2425 : vector<64x128xf32>
    %mul3A_2429 = vector.broadcast %get3A_2398 : f32 to vector<64x128xf32>
    %mul3A_2430 = arith.mulf %mul3A_2429, %dot_general3A_2414 : vector<64x128xf32>
    %add3A_2431 = arith.addf %select_n3A_2428, %mul3A_2430 : vector<64x128xf32>
    %gt3A_2432 = vector.broadcast %get3A_2403 : f32 to vector<64x128xf32>
    %gt3A_2433 = arith.cmpf ogt, %add3A_2431, %gt3A_2432 : vector<64x128xf32>
    %jit3A_2434 = arith.constant 1.000000e+00 : f32
    %jit3A_2435 = arith.constant 0.000000e+00 : f32
    %broadcast_in_dim3A_2436 = vector.broadcast %jit3A_2434 : f32 to vector<64x128xf32>
    %broadcast_in_dim3A_2437 = vector.broadcast %jit3A_2435 : f32 to vector<64x128xf32>
    %select_n3A_2438 = arith.select %gt3A_2433, %broadcast_in_dim3A_2436, %broadcast_in_dim3A_2437 : vector<64x128xi1>, vector<64x128xf32>
    %and3A_2439 = vector.broadcast %gt3A_2405 : i1 to vector<64x128xi1>
    %and3A_2440 = arith.andi %and3A_2439, %gt3A_2433 : vector<64x128xi1>
    %jit3A_2441 = arith.constant 0.000000e+00 : f32
    %broadcast_in_dim3A_2442 = vector.broadcast %jit3A_2441 : f32 to vector<64x128xf32>
    %select_n3A_2443 = arith.select %and3A_2440, %broadcast_in_dim3A_2442, %add3A_2431 : vector<64x128xi1>, vector<64x128xf32>
    %swap3A_2444 = arith.index_cast %add3A_2420 : i32 to index
    %swap3A_2445 = arith.constant 0 : index
    %swap3A_2446 = vector.load %arg12[%swap3A_2444, %swap3A_2445] : memref<8192x128xf32, #tpu.memory_space<vmem>>, vector<64x128xf32>
    tpu.vector_store %arg12[%swap3A_2444, %swap3A_2445], %select_n3A_2443 {strides = array<i32>} : memref<8192x128xf32, #tpu.memory_space<vmem>>, vector<64x128xf32>,
    %dot_general3A_2447 = arith.constant dense<0.000000e+00> : vector<8x128xf32>
    %dot_general3A_2448 = tpu.matmul %get3A_71, %select_n3A_2438, %dot_general3A_2447 {dimension_numbers = #tpu.dot_dimension_numbers<[1], [0], [0], [1], [0, 0, 1, 1], [], []>, transpose_lhs_hint = false} : vector<8x64xf32>, vector<64x128xf32>, vector<8x128xf32> -> vector<8x128xf32>
    %mul3A_2449 = arith.constant 64 : i32
    %mul3A_2450 = arith.muli %arg1, %mul3A_2449 : i32
    %add3A_2451 = arith.constant 31 : i32
    %add3A_2452 = arith.addi %mul3A_2450, %add3A_2451 : i32
    %mul3A_2453 = arith.constant 8 : i32
    %mul3A_2454 = arith.muli %add3A_2452, %mul3A_2453 : i32
    %eq3A_2455 = arith.constant 0 : i32
    %eq3A_2456 = arith.cmpi eq, %arg0, %eq3A_2455 : i32
    %add3A_2457 = arith.addi %mul3A_14, %mul3A_2454 : i32
    %get3A_2458 = arith.index_cast %add3A_2457 : i32 to index
    %get3A_2459 = arith.constant 0 : index
    %get3A_2460 = vector.load %arg11[%get3A_2458, %get3A_2459] : memref<2048x128xf32, #tpu.memory_space<vmem>>, vector<8x128xf32>
    %jit3A_2461 = arith.constant 0.000000e+00 : f32
    %broadcast_in_dim3A_2462 = vector.broadcast %jit3A_2461 : f32 to vector<8x128xf32>
    %select_n3A_2463 = arith.select %eq3A_2456, %broadcast_in_dim3A_2462, %get3A_2460 : vector<8x128xf32>
    %select_n3A_2464 = arith.select %gt3A_2405, %dot_general3A_2448, %select_n3A_2463 : vector<8x128xf32>
    %add3A_2465 = arith.addi %mul3A_34, %mul3A_2454 : i32
    %swap3A_2466 = arith.index_cast %add3A_2465 : i32 to index
    %swap3A_2467 = arith.constant 0 : index
    %swap3A_2468 = vector.load %arg11[%swap3A_2466, %swap3A_2467] : memref<2048x128xf32, #tpu.memory_space<vmem>>, vector<8x128xf32>
    tpu.vector_store %arg11[%swap3A_2466, %swap3A_2467], %select_n3A_2464 {strides = array<i32>} : memref<2048x128xf32, #tpu.memory_space<vmem>>, vector<8x128xf32>,
    %get3A_2469 = arith.constant 0 : index
    %get3A_2470 = arith.constant 32 : index
    %get3A_2471 = arith.constant 0 : index
    %get3A_2472 = arith.constant 0 : index
    %get3A_2473 = memref.load %arg9[%get3A_2469, %get3A_2470, %get3A_2471, %get3A_2472] : memref<1x64x1x2xf32, #tpu.memory_space<smem>>
    %get3A_2474 = arith.constant 0 : index
    %get3A_2475 = arith.constant 32 : index
    %get3A_2476 = arith.constant 0 : index
    %get3A_2477 = arith.constant 1 : index
    %get3A_2478 = memref.load %arg9[%get3A_2474, %get3A_2475, %get3A_2476, %get3A_2477] : memref<1x64x1x2xf32, #tpu.memory_space<smem>>
    %gt3A_2479 = arith.constant 5.000000e-01 : f32
    %gt3A_2480 = arith.cmpf ogt, %get3A_2473, %gt3A_2479 : f32
    %slice3A_2481 = vector.extract_strided_slice %add3A_68 {offsets = [2048, 0], sizes = [64, 128], strides = [1, 1]} : vector<4096x128xf32> to vector<64x128xf32>
    %get3A_2482 = arith.constant 0 : index
    %get3A_2483 = arith.constant 32 : index
    %get3A_2484 = arith.constant 0 : index
    %get3A_2485 = arith.constant 0 : index
    %get3A_2486 = vector.load %arg3[%get3A_2482, %get3A_2483, %get3A_2484, %get3A_2485] : memref<1x64x64x64xf32, #tpu.memory_space<vmem>>, vector<1x1x64x64xf32>
    %get3A_2487 = vector.shape_cast %get3A_2486 : vector<1x1x64x64xf32> to vector<64x64xf32>
    %dot_general3A_2488 = arith.constant dense<0.000000e+00> : vector<64x128xf32>
    %dot_general3A_2489 = tpu.matmul %get3A_2487, %slice3A_2481, %dot_general3A_2488 {dimension_numbers = #tpu.dot_dimension_numbers<[1], [0], [0], [1], [0, 0, 1, 1], [], []>, transpose_lhs_hint = false} : vector<64x64xf32>, vector<64x128xf32>, vector<64x128xf32> -> vector<64x128xf32>
    %mul3A_2490 = arith.constant 64 : i32
    %mul3A_2491 = arith.muli %arg1, %mul3A_2490 : i32
    %mul3A_2492 = arith.constant 64 : i32
    %mul3A_2493 = arith.muli %mul3A_2491, %mul3A_2492 : i32
    %add3A_2494 = arith.constant 2048 : i32
    %add3A_2495 = arith.addi %add3A_2494, %mul3A_2493 : i32
    %eq3A_2496 = arith.constant 0 : i32
    %eq3A_2497 = arith.cmpi eq, %arg0, %eq3A_2496 : i32
    %get3A_2498 = arith.index_cast %add3A_2495 : i32 to index
    %get3A_2499 = arith.constant 0 : index
    %get3A_2500 = vector.load %arg12[%get3A_2498, %get3A_2499] : memref<8192x128xf32, #tpu.memory_space<vmem>>, vector<64x128xf32>
    %jit3A_2501 = arith.constant 0.000000e+00 : f32
    %broadcast_in_dim3A_2502 = vector.broadcast %jit3A_2501 : f32 to vector<64x128xf32>
    %select_n3A_2503 = arith.select %eq3A_2497, %broadcast_in_dim3A_2502, %get3A_2500 : vector<64x128xf32>
    %mul3A_2504 = vector.broadcast %get3A_2473 : f32 to vector<64x128xf32>
    %mul3A_2505 = arith.mulf %mul3A_2504, %dot_general3A_2489 : vector<64x128xf32>
    %add3A_2506 = arith.addf %select_n3A_2503, %mul3A_2505 : vector<64x128xf32>
    %gt3A_2507 = vector.broadcast %get3A_2478 : f32 to vector<64x128xf32>
    %gt3A_2508 = arith.cmpf ogt, %add3A_2506, %gt3A_2507 : vector<64x128xf32>
    %jit3A_2509 = arith.constant 1.000000e+00 : f32
    %jit3A_2510 = arith.constant 0.000000e+00 : f32
    %broadcast_in_dim3A_2511 = vector.broadcast %jit3A_2509 : f32 to vector<64x128xf32>
    %broadcast_in_dim3A_2512 = vector.broadcast %jit3A_2510 : f32 to vector<64x128xf32>
    %select_n3A_2513 = arith.select %gt3A_2508, %broadcast_in_dim3A_2511, %broadcast_in_dim3A_2512 : vector<64x128xi1>, vector<64x128xf32>
    %and3A_2514 = vector.broadcast %gt3A_2480 : i1 to vector<64x128xi1>
    %and3A_2515 = arith.andi %and3A_2514, %gt3A_2508 : vector<64x128xi1>
    %jit3A_2516 = arith.constant 0.000000e+00 : f32
    %broadcast_in_dim3A_2517 = vector.broadcast %jit3A_2516 : f32 to vector<64x128xf32>
    %select_n3A_2518 = arith.select %and3A_2515, %broadcast_in_dim3A_2517, %add3A_2506 : vector<64x128xi1>, vector<64x128xf32>
    %swap3A_2519 = arith.index_cast %add3A_2495 : i32 to index
    %swap3A_2520 = arith.constant 0 : index
    %swap3A_2521 = vector.load %arg12[%swap3A_2519, %swap3A_2520] : memref<8192x128xf32, #tpu.memory_space<vmem>>, vector<64x128xf32>
    tpu.vector_store %arg12[%swap3A_2519, %swap3A_2520], %select_n3A_2518 {strides = array<i32>} : memref<8192x128xf32, #tpu.memory_space<vmem>>, vector<64x128xf32>,
    %dot_general3A_2522 = arith.constant dense<0.000000e+00> : vector<8x128xf32>
    %dot_general3A_2523 = tpu.matmul %get3A_71, %select_n3A_2513, %dot_general3A_2522 {dimension_numbers = #tpu.dot_dimension_numbers<[1], [0], [0], [1], [0, 0, 1, 1], [], []>, transpose_lhs_hint = false} : vector<8x64xf32>, vector<64x128xf32>, vector<8x128xf32> -> vector<8x128xf32>
    %mul3A_2524 = arith.constant 64 : i32
    %mul3A_2525 = arith.muli %arg1, %mul3A_2524 : i32
    %add3A_2526 = arith.constant 32 : i32
    %add3A_2527 = arith.addi %mul3A_2525, %add3A_2526 : i32
    %mul3A_2528 = arith.constant 8 : i32
    %mul3A_2529 = arith.muli %add3A_2527, %mul3A_2528 : i32
    %eq3A_2530 = arith.constant 0 : i32
    %eq3A_2531 = arith.cmpi eq, %arg0, %eq3A_2530 : i32
    %add3A_2532 = arith.addi %mul3A_14, %mul3A_2529 : i32
    %get3A_2533 = arith.index_cast %add3A_2532 : i32 to index
    %get3A_2534 = arith.constant 0 : index
    %get3A_2535 = vector.load %arg11[%get3A_2533, %get3A_2534] : memref<2048x128xf32, #tpu.memory_space<vmem>>, vector<8x128xf32>
    %jit3A_2536 = arith.constant 0.000000e+00 : f32
    %broadcast_in_dim3A_2537 = vector.broadcast %jit3A_2536 : f32 to vector<8x128xf32>
    %select_n3A_2538 = arith.select %eq3A_2531, %broadcast_in_dim3A_2537, %get3A_2535 : vector<8x128xf32>
    %select_n3A_2539 = arith.select %gt3A_2480, %dot_general3A_2523, %select_n3A_2538 : vector<8x128xf32>
    %add3A_2540 = arith.addi %mul3A_34, %mul3A_2529 : i32
    %swap3A_2541 = arith.index_cast %add3A_2540 : i32 to index
    %swap3A_2542 = arith.constant 0 : index
    %swap3A_2543 = vector.load %arg11[%swap3A_2541, %swap3A_2542] : memref<2048x128xf32, #tpu.memory_space<vmem>>, vector<8x128xf32>
    tpu.vector_store %arg11[%swap3A_2541, %swap3A_2542], %select_n3A_2539 {strides = array<i32>} : memref<2048x128xf32, #tpu.memory_space<vmem>>, vector<8x128xf32>,
    %get3A_2544 = arith.constant 0 : index
    %get3A_2545 = arith.constant 33 : index
    %get3A_2546 = arith.constant 0 : index
    %get3A_2547 = arith.constant 0 : index
    %get3A_2548 = memref.load %arg9[%get3A_2544, %get3A_2545, %get3A_2546, %get3A_2547] : memref<1x64x1x2xf32, #tpu.memory_space<smem>>
    %get3A_2549 = arith.constant 0 : index
    %get3A_2550 = arith.constant 33 : index
    %get3A_2551 = arith.constant 0 : index
    %get3A_2552 = arith.constant 1 : index
    %get3A_2553 = memref.load %arg9[%get3A_2549, %get3A_2550, %get3A_2551, %get3A_2552] : memref<1x64x1x2xf32, #tpu.memory_space<smem>>
    %gt3A_2554 = arith.constant 5.000000e-01 : f32
    %gt3A_2555 = arith.cmpf ogt, %get3A_2548, %gt3A_2554 : f32
    %slice3A_2556 = vector.extract_strided_slice %add3A_68 {offsets = [2112, 0], sizes = [64, 128], strides = [1, 1]} : vector<4096x128xf32> to vector<64x128xf32>
    %get3A_2557 = arith.constant 0 : index
    %get3A_2558 = arith.constant 33 : index
    %get3A_2559 = arith.constant 0 : index
    %get3A_2560 = arith.constant 0 : index
    %get3A_2561 = vector.load %arg3[%get3A_2557, %get3A_2558, %get3A_2559, %get3A_2560] : memref<1x64x64x64xf32, #tpu.memory_space<vmem>>, vector<1x1x64x64xf32>
    %get3A_2562 = vector.shape_cast %get3A_2561 : vector<1x1x64x64xf32> to vector<64x64xf32>
    %dot_general3A_2563 = arith.constant dense<0.000000e+00> : vector<64x128xf32>
    %dot_general3A_2564 = tpu.matmul %get3A_2562, %slice3A_2556, %dot_general3A_2563 {dimension_numbers = #tpu.dot_dimension_numbers<[1], [0], [0], [1], [0, 0, 1, 1], [], []>, transpose_lhs_hint = false} : vector<64x64xf32>, vector<64x128xf32>, vector<64x128xf32> -> vector<64x128xf32>
    %mul3A_2565 = arith.constant 64 : i32
    %mul3A_2566 = arith.muli %arg1, %mul3A_2565 : i32
    %mul3A_2567 = arith.constant 64 : i32
    %mul3A_2568 = arith.muli %mul3A_2566, %mul3A_2567 : i32
    %add3A_2569 = arith.constant 2112 : i32
    %add3A_2570 = arith.addi %add3A_2569, %mul3A_2568 : i32
    %eq3A_2571 = arith.constant 0 : i32
    %eq3A_2572 = arith.cmpi eq, %arg0, %eq3A_2571 : i32
    %get3A_2573 = arith.index_cast %add3A_2570 : i32 to index
    %get3A_2574 = arith.constant 0 : index
    %get3A_2575 = vector.load %arg12[%get3A_2573, %get3A_2574] : memref<8192x128xf32, #tpu.memory_space<vmem>>, vector<64x128xf32>
    %jit3A_2576 = arith.constant 0.000000e+00 : f32
    %broadcast_in_dim3A_2577 = vector.broadcast %jit3A_2576 : f32 to vector<64x128xf32>
    %select_n3A_2578 = arith.select %eq3A_2572, %broadcast_in_dim3A_2577, %get3A_2575 : vector<64x128xf32>
    %mul3A_2579 = vector.broadcast %get3A_2548 : f32 to vector<64x128xf32>
    %mul3A_2580 = arith.mulf %mul3A_2579, %dot_general3A_2564 : vector<64x128xf32>
    %add3A_2581 = arith.addf %select_n3A_2578, %mul3A_2580 : vector<64x128xf32>
    %gt3A_2582 = vector.broadcast %get3A_2553 : f32 to vector<64x128xf32>
    %gt3A_2583 = arith.cmpf ogt, %add3A_2581, %gt3A_2582 : vector<64x128xf32>
    %jit3A_2584 = arith.constant 1.000000e+00 : f32
    %jit3A_2585 = arith.constant 0.000000e+00 : f32
    %broadcast_in_dim3A_2586 = vector.broadcast %jit3A_2584 : f32 to vector<64x128xf32>
    %broadcast_in_dim3A_2587 = vector.broadcast %jit3A_2585 : f32 to vector<64x128xf32>
    %select_n3A_2588 = arith.select %gt3A_2583, %broadcast_in_dim3A_2586, %broadcast_in_dim3A_2587 : vector<64x128xi1>, vector<64x128xf32>
    %and3A_2589 = vector.broadcast %gt3A_2555 : i1 to vector<64x128xi1>
    %and3A_2590 = arith.andi %and3A_2589, %gt3A_2583 : vector<64x128xi1>
    %jit3A_2591 = arith.constant 0.000000e+00 : f32
    %broadcast_in_dim3A_2592 = vector.broadcast %jit3A_2591 : f32 to vector<64x128xf32>
    %select_n3A_2593 = arith.select %and3A_2590, %broadcast_in_dim3A_2592, %add3A_2581 : vector<64x128xi1>, vector<64x128xf32>
    %swap3A_2594 = arith.index_cast %add3A_2570 : i32 to index
    %swap3A_2595 = arith.constant 0 : index
    %swap3A_2596 = vector.load %arg12[%swap3A_2594, %swap3A_2595] : memref<8192x128xf32, #tpu.memory_space<vmem>>, vector<64x128xf32>
    tpu.vector_store %arg12[%swap3A_2594, %swap3A_2595], %select_n3A_2593 {strides = array<i32>} : memref<8192x128xf32, #tpu.memory_space<vmem>>, vector<64x128xf32>,
    %dot_general3A_2597 = arith.constant dense<0.000000e+00> : vector<8x128xf32>
    %dot_general3A_2598 = tpu.matmul %get3A_71, %select_n3A_2588, %dot_general3A_2597 {dimension_numbers = #tpu.dot_dimension_numbers<[1], [0], [0], [1], [0, 0, 1, 1], [], []>, transpose_lhs_hint = false} : vector<8x64xf32>, vector<64x128xf32>, vector<8x128xf32> -> vector<8x128xf32>
    %mul3A_2599 = arith.constant 64 : i32
    %mul3A_2600 = arith.muli %arg1, %mul3A_2599 : i32
    %add3A_2601 = arith.constant 33 : i32
    %add3A_2602 = arith.addi %mul3A_2600, %add3A_2601 : i32
    %mul3A_2603 = arith.constant 8 : i32
    %mul3A_2604 = arith.muli %add3A_2602, %mul3A_2603 : i32
    %eq3A_2605 = arith.constant 0 : i32
    %eq3A_2606 = arith.cmpi eq, %arg0, %eq3A_2605 : i32
    %add3A_2607 = arith.addi %mul3A_14, %mul3A_2604 : i32
    %get3A_2608 = arith.index_cast %add3A_2607 : i32 to index
    %get3A_2609 = arith.constant 0 : index
    %get3A_2610 = vector.load %arg11[%get3A_2608, %get3A_2609] : memref<2048x128xf32, #tpu.memory_space<vmem>>, vector<8x128xf32>
    %jit3A_2611 = arith.constant 0.000000e+00 : f32
    %broadcast_in_dim3A_2612 = vector.broadcast %jit3A_2611 : f32 to vector<8x128xf32>
    %select_n3A_2613 = arith.select %eq3A_2606, %broadcast_in_dim3A_2612, %get3A_2610 : vector<8x128xf32>
    %select_n3A_2614 = arith.select %gt3A_2555, %dot_general3A_2598, %select_n3A_2613 : vector<8x128xf32>
    %add3A_2615 = arith.addi %mul3A_34, %mul3A_2604 : i32
    %swap3A_2616 = arith.index_cast %add3A_2615 : i32 to index
    %swap3A_2617 = arith.constant 0 : index
    %swap3A_2618 = vector.load %arg11[%swap3A_2616, %swap3A_2617] : memref<2048x128xf32, #tpu.memory_space<vmem>>, vector<8x128xf32>
    tpu.vector_store %arg11[%swap3A_2616, %swap3A_2617], %select_n3A_2614 {strides = array<i32>} : memref<2048x128xf32, #tpu.memory_space<vmem>>, vector<8x128xf32>,
    %get3A_2619 = arith.constant 0 : index
    %get3A_2620 = arith.constant 34 : index
    %get3A_2621 = arith.constant 0 : index
    %get3A_2622 = arith.constant 0 : index
    %get3A_2623 = memref.load %arg9[%get3A_2619, %get3A_2620, %get3A_2621, %get3A_2622] : memref<1x64x1x2xf32, #tpu.memory_space<smem>>
    %get3A_2624 = arith.constant 0 : index
    %get3A_2625 = arith.constant 34 : index
    %get3A_2626 = arith.constant 0 : index
    %get3A_2627 = arith.constant 1 : index
    %get3A_2628 = memref.load %arg9[%get3A_2624, %get3A_2625, %get3A_2626, %get3A_2627] : memref<1x64x1x2xf32, #tpu.memory_space<smem>>
    %gt3A_2629 = arith.constant 5.000000e-01 : f32
    %gt3A_2630 = arith.cmpf ogt, %get3A_2623, %gt3A_2629 : f32
    %slice3A_2631 = vector.extract_strided_slice %add3A_68 {offsets = [2176, 0], sizes = [64, 128], strides = [1, 1]} : vector<4096x128xf32> to vector<64x128xf32>
    %get3A_2632 = arith.constant 0 : index
    %get3A_2633 = arith.constant 34 : index
    %get3A_2634 = arith.constant 0 : index
    %get3A_2635 = arith.constant 0 : index
    %get3A_2636 = vector.load %arg3[%get3A_2632, %get3A_2633, %get3A_2634, %get3A_2635] : memref<1x64x64x64xf32, #tpu.memory_space<vmem>>, vector<1x1x64x64xf32>
    %get3A_2637 = vector.shape_cast %get3A_2636 : vector<1x1x64x64xf32> to vector<64x64xf32>
    %dot_general3A_2638 = arith.constant dense<0.000000e+00> : vector<64x128xf32>
    %dot_general3A_2639 = tpu.matmul %get3A_2637, %slice3A_2631, %dot_general3A_2638 {dimension_numbers = #tpu.dot_dimension_numbers<[1], [0], [0], [1], [0, 0, 1, 1], [], []>, transpose_lhs_hint = false} : vector<64x64xf32>, vector<64x128xf32>, vector<64x128xf32> -> vector<64x128xf32>
    %mul3A_2640 = arith.constant 64 : i32
    %mul3A_2641 = arith.muli %arg1, %mul3A_2640 : i32
    %mul3A_2642 = arith.constant 64 : i32
    %mul3A_2643 = arith.muli %mul3A_2641, %mul3A_2642 : i32
    %add3A_2644 = arith.constant 2176 : i32
    %add3A_2645 = arith.addi %add3A_2644, %mul3A_2643 : i32
    %eq3A_2646 = arith.constant 0 : i32
    %eq3A_2647 = arith.cmpi eq, %arg0, %eq3A_2646 : i32
    %get3A_2648 = arith.index_cast %add3A_2645 : i32 to index
    %get3A_2649 = arith.constant 0 : index
    %get3A_2650 = vector.load %arg12[%get3A_2648, %get3A_2649] : memref<8192x128xf32, #tpu.memory_space<vmem>>, vector<64x128xf32>
    %jit3A_2651 = arith.constant 0.000000e+00 : f32
    %broadcast_in_dim3A_2652 = vector.broadcast %jit3A_2651 : f32 to vector<64x128xf32>
    %select_n3A_2653 = arith.select %eq3A_2647, %broadcast_in_dim3A_2652, %get3A_2650 : vector<64x128xf32>
    %mul3A_2654 = vector.broadcast %get3A_2623 : f32 to vector<64x128xf32>
    %mul3A_2655 = arith.mulf %mul3A_2654, %dot_general3A_2639 : vector<64x128xf32>
    %add3A_2656 = arith.addf %select_n3A_2653, %mul3A_2655 : vector<64x128xf32>
    %gt3A_2657 = vector.broadcast %get3A_2628 : f32 to vector<64x128xf32>
    %gt3A_2658 = arith.cmpf ogt, %add3A_2656, %gt3A_2657 : vector<64x128xf32>
    %jit3A_2659 = arith.constant 1.000000e+00 : f32
    %jit3A_2660 = arith.constant 0.000000e+00 : f32
    %broadcast_in_dim3A_2661 = vector.broadcast %jit3A_2659 : f32 to vector<64x128xf32>
    %broadcast_in_dim3A_2662 = vector.broadcast %jit3A_2660 : f32 to vector<64x128xf32>
    %select_n3A_2663 = arith.select %gt3A_2658, %broadcast_in_dim3A_2661, %broadcast_in_dim3A_2662 : vector<64x128xi1>, vector<64x128xf32>
    %and3A_2664 = vector.broadcast %gt3A_2630 : i1 to vector<64x128xi1>
    %and3A_2665 = arith.andi %and3A_2664, %gt3A_2658 : vector<64x128xi1>
    %jit3A_2666 = arith.constant 0.000000e+00 : f32
    %broadcast_in_dim3A_2667 = vector.broadcast %jit3A_2666 : f32 to vector<64x128xf32>
    %select_n3A_2668 = arith.select %and3A_2665, %broadcast_in_dim3A_2667, %add3A_2656 : vector<64x128xi1>, vector<64x128xf32>
    %swap3A_2669 = arith.index_cast %add3A_2645 : i32 to index
    %swap3A_2670 = arith.constant 0 : index
    %swap3A_2671 = vector.load %arg12[%swap3A_2669, %swap3A_2670] : memref<8192x128xf32, #tpu.memory_space<vmem>>, vector<64x128xf32>
    tpu.vector_store %arg12[%swap3A_2669, %swap3A_2670], %select_n3A_2668 {strides = array<i32>} : memref<8192x128xf32, #tpu.memory_space<vmem>>, vector<64x128xf32>,
    %dot_general3A_2672 = arith.constant dense<0.000000e+00> : vector<8x128xf32>
    %dot_general3A_2673 = tpu.matmul %get3A_71, %select_n3A_2663, %dot_general3A_2672 {dimension_numbers = #tpu.dot_dimension_numbers<[1], [0], [0], [1], [0, 0, 1, 1], [], []>, transpose_lhs_hint = false} : vector<8x64xf32>, vector<64x128xf32>, vector<8x128xf32> -> vector<8x128xf32>
    %mul3A_2674 = arith.constant 64 : i32
    %mul3A_2675 = arith.muli %arg1, %mul3A_2674 : i32
    %add3A_2676 = arith.constant 34 : i32
    %add3A_2677 = arith.addi %mul3A_2675, %add3A_2676 : i32
    %mul3A_2678 = arith.constant 8 : i32
    %mul3A_2679 = arith.muli %add3A_2677, %mul3A_2678 : i32
    %eq3A_2680 = arith.constant 0 : i32
    %eq3A_2681 = arith.cmpi eq, %arg0, %eq3A_2680 : i32
    %add3A_2682 = arith.addi %mul3A_14, %mul3A_2679 : i32
    %get3A_2683 = arith.index_cast %add3A_2682 : i32 to index
    %get3A_2684 = arith.constant 0 : index
    %get3A_2685 = vector.load %arg11[%get3A_2683, %get3A_2684] : memref<2048x128xf32, #tpu.memory_space<vmem>>, vector<8x128xf32>
    %jit3A_2686 = arith.constant 0.000000e+00 : f32
    %broadcast_in_dim3A_2687 = vector.broadcast %jit3A_2686 : f32 to vector<8x128xf32>
    %select_n3A_2688 = arith.select %eq3A_2681, %broadcast_in_dim3A_2687, %get3A_2685 : vector<8x128xf32>
    %select_n3A_2689 = arith.select %gt3A_2630, %dot_general3A_2673, %select_n3A_2688 : vector<8x128xf32>
    %add3A_2690 = arith.addi %mul3A_34, %mul3A_2679 : i32
    %swap3A_2691 = arith.index_cast %add3A_2690 : i32 to index
    %swap3A_2692 = arith.constant 0 : index
    %swap3A_2693 = vector.load %arg11[%swap3A_2691, %swap3A_2692] : memref<2048x128xf32, #tpu.memory_space<vmem>>, vector<8x128xf32>
    tpu.vector_store %arg11[%swap3A_2691, %swap3A_2692], %select_n3A_2689 {strides = array<i32>} : memref<2048x128xf32, #tpu.memory_space<vmem>>, vector<8x128xf32>,
    %get3A_2694 = arith.constant 0 : index
    %get3A_2695 = arith.constant 35 : index
    %get3A_2696 = arith.constant 0 : index
    %get3A_2697 = arith.constant 0 : index
    %get3A_2698 = memref.load %arg9[%get3A_2694, %get3A_2695, %get3A_2696, %get3A_2697] : memref<1x64x1x2xf32, #tpu.memory_space<smem>>
    %get3A_2699 = arith.constant 0 : index
    %get3A_2700 = arith.constant 35 : index
    %get3A_2701 = arith.constant 0 : index
    %get3A_2702 = arith.constant 1 : index
    %get3A_2703 = memref.load %arg9[%get3A_2699, %get3A_2700, %get3A_2701, %get3A_2702] : memref<1x64x1x2xf32, #tpu.memory_space<smem>>
    %gt3A_2704 = arith.constant 5.000000e-01 : f32
    %gt3A_2705 = arith.cmpf ogt, %get3A_2698, %gt3A_2704 : f32
    %slice3A_2706 = vector.extract_strided_slice %add3A_68 {offsets = [2240, 0], sizes = [64, 128], strides = [1, 1]} : vector<4096x128xf32> to vector<64x128xf32>
    %get3A_2707 = arith.constant 0 : index
    %get3A_2708 = arith.constant 35 : index
    %get3A_2709 = arith.constant 0 : index
    %get3A_2710 = arith.constant 0 : index
    %get3A_2711 = vector.load %arg3[%get3A_2707, %get3A_2708, %get3A_2709, %get3A_2710] : memref<1x64x64x64xf32, #tpu.memory_space<vmem>>, vector<1x1x64x64xf32>
    %get3A_2712 = vector.shape_cast %get3A_2711 : vector<1x1x64x64xf32> to vector<64x64xf32>
    %dot_general3A_2713 = arith.constant dense<0.000000e+00> : vector<64x128xf32>
    %dot_general3A_2714 = tpu.matmul %get3A_2712, %slice3A_2706, %dot_general3A_2713 {dimension_numbers = #tpu.dot_dimension_numbers<[1], [0], [0], [1], [0, 0, 1, 1], [], []>, transpose_lhs_hint = false} : vector<64x64xf32>, vector<64x128xf32>, vector<64x128xf32> -> vector<64x128xf32>
    %mul3A_2715 = arith.constant 64 : i32
    %mul3A_2716 = arith.muli %arg1, %mul3A_2715 : i32
    %mul3A_2717 = arith.constant 64 : i32
    %mul3A_2718 = arith.muli %mul3A_2716, %mul3A_2717 : i32
    %add3A_2719 = arith.constant 2240 : i32
    %add3A_2720 = arith.addi %add3A_2719, %mul3A_2718 : i32
    %eq3A_2721 = arith.constant 0 : i32
    %eq3A_2722 = arith.cmpi eq, %arg0, %eq3A_2721 : i32
    %get3A_2723 = arith.index_cast %add3A_2720 : i32 to index
    %get3A_2724 = arith.constant 0 : index
    %get3A_2725 = vector.load %arg12[%get3A_2723, %get3A_2724] : memref<8192x128xf32, #tpu.memory_space<vmem>>, vector<64x128xf32>
    %jit3A_2726 = arith.constant 0.000000e+00 : f32
    %broadcast_in_dim3A_2727 = vector.broadcast %jit3A_2726 : f32 to vector<64x128xf32>
    %select_n3A_2728 = arith.select %eq3A_2722, %broadcast_in_dim3A_2727, %get3A_2725 : vector<64x128xf32>
    %mul3A_2729 = vector.broadcast %get3A_2698 : f32 to vector<64x128xf32>
    %mul3A_2730 = arith.mulf %mul3A_2729, %dot_general3A_2714 : vector<64x128xf32>
    %add3A_2731 = arith.addf %select_n3A_2728, %mul3A_2730 : vector<64x128xf32>
    %gt3A_2732 = vector.broadcast %get3A_2703 : f32 to vector<64x128xf32>
    %gt3A_2733 = arith.cmpf ogt, %add3A_2731, %gt3A_2732 : vector<64x128xf32>
    %jit3A_2734 = arith.constant 1.000000e+00 : f32
    %jit3A_2735 = arith.constant 0.000000e+00 : f32
    %broadcast_in_dim3A_2736 = vector.broadcast %jit3A_2734 : f32 to vector<64x128xf32>
    %broadcast_in_dim3A_2737 = vector.broadcast %jit3A_2735 : f32 to vector<64x128xf32>
    %select_n3A_2738 = arith.select %gt3A_2733, %broadcast_in_dim3A_2736, %broadcast_in_dim3A_2737 : vector<64x128xi1>, vector<64x128xf32>
    %and3A_2739 = vector.broadcast %gt3A_2705 : i1 to vector<64x128xi1>
    %and3A_2740 = arith.andi %and3A_2739, %gt3A_2733 : vector<64x128xi1>
    %jit3A_2741 = arith.constant 0.000000e+00 : f32
    %broadcast_in_dim3A_2742 = vector.broadcast %jit3A_2741 : f32 to vector<64x128xf32>
    %select_n3A_2743 = arith.select %and3A_2740, %broadcast_in_dim3A_2742, %add3A_2731 : vector<64x128xi1>, vector<64x128xf32>
    %swap3A_2744 = arith.index_cast %add3A_2720 : i32 to index
    %swap3A_2745 = arith.constant 0 : index
    %swap3A_2746 = vector.load %arg12[%swap3A_2744, %swap3A_2745] : memref<8192x128xf32, #tpu.memory_space<vmem>>, vector<64x128xf32>
    tpu.vector_store %arg12[%swap3A_2744, %swap3A_2745], %select_n3A_2743 {strides = array<i32>} : memref<8192x128xf32, #tpu.memory_space<vmem>>, vector<64x128xf32>,
    %dot_general3A_2747 = arith.constant dense<0.000000e+00> : vector<8x128xf32>
    %dot_general3A_2748 = tpu.matmul %get3A_71, %select_n3A_2738, %dot_general3A_2747 {dimension_numbers = #tpu.dot_dimension_numbers<[1], [0], [0], [1], [0, 0, 1, 1], [], []>, transpose_lhs_hint = false} : vector<8x64xf32>, vector<64x128xf32>, vector<8x128xf32> -> vector<8x128xf32>
    %mul3A_2749 = arith.constant 64 : i32
    %mul3A_2750 = arith.muli %arg1, %mul3A_2749 : i32
    %add3A_2751 = arith.constant 35 : i32
    %add3A_2752 = arith.addi %mul3A_2750, %add3A_2751 : i32
    %mul3A_2753 = arith.constant 8 : i32
    %mul3A_2754 = arith.muli %add3A_2752, %mul3A_2753 : i32
    %eq3A_2755 = arith.constant 0 : i32
    %eq3A_2756 = arith.cmpi eq, %arg0, %eq3A_2755 : i32
    %add3A_2757 = arith.addi %mul3A_14, %mul3A_2754 : i32
    %get3A_2758 = arith.index_cast %add3A_2757 : i32 to index
    %get3A_2759 = arith.constant 0 : index
    %get3A_2760 = vector.load %arg11[%get3A_2758, %get3A_2759] : memref<2048x128xf32, #tpu.memory_space<vmem>>, vector<8x128xf32>
    %jit3A_2761 = arith.constant 0.000000e+00 : f32
    %broadcast_in_dim3A_2762 = vector.broadcast %jit3A_2761 : f32 to vector<8x128xf32>
    %select_n3A_2763 = arith.select %eq3A_2756, %broadcast_in_dim3A_2762, %get3A_2760 : vector<8x128xf32>
    %select_n3A_2764 = arith.select %gt3A_2705, %dot_general3A_2748, %select_n3A_2763 : vector<8x128xf32>
    %add3A_2765 = arith.addi %mul3A_34, %mul3A_2754 : i32
    %swap3A_2766 = arith.index_cast %add3A_2765 : i32 to index
    %swap3A_2767 = arith.constant 0 : index
    %swap3A_2768 = vector.load %arg11[%swap3A_2766, %swap3A_2767] : memref<2048x128xf32, #tpu.memory_space<vmem>>, vector<8x128xf32>
    tpu.vector_store %arg11[%swap3A_2766, %swap3A_2767], %select_n3A_2764 {strides = array<i32>} : memref<2048x128xf32, #tpu.memory_space<vmem>>, vector<8x128xf32>,
    %get3A_2769 = arith.constant 0 : index
    %get3A_2770 = arith.constant 36 : index
    %get3A_2771 = arith.constant 0 : index
    %get3A_2772 = arith.constant 0 : index
    %get3A_2773 = memref.load %arg9[%get3A_2769, %get3A_2770, %get3A_2771, %get3A_2772] : memref<1x64x1x2xf32, #tpu.memory_space<smem>>
    %get3A_2774 = arith.constant 0 : index
    %get3A_2775 = arith.constant 36 : index
    %get3A_2776 = arith.constant 0 : index
    %get3A_2777 = arith.constant 1 : index
    %get3A_2778 = memref.load %arg9[%get3A_2774, %get3A_2775, %get3A_2776, %get3A_2777] : memref<1x64x1x2xf32, #tpu.memory_space<smem>>
    %gt3A_2779 = arith.constant 5.000000e-01 : f32
    %gt3A_2780 = arith.cmpf ogt, %get3A_2773, %gt3A_2779 : f32
    %slice3A_2781 = vector.extract_strided_slice %add3A_68 {offsets = [2304, 0], sizes = [64, 128], strides = [1, 1]} : vector<4096x128xf32> to vector<64x128xf32>
    %get3A_2782 = arith.constant 0 : index
    %get3A_2783 = arith.constant 36 : index
    %get3A_2784 = arith.constant 0 : index
    %get3A_2785 = arith.constant 0 : index
    %get3A_2786 = vector.load %arg3[%get3A_2782, %get3A_2783, %get3A_2784, %get3A_2785] : memref<1x64x64x64xf32, #tpu.memory_space<vmem>>, vector<1x1x64x64xf32>
    %get3A_2787 = vector.shape_cast %get3A_2786 : vector<1x1x64x64xf32> to vector<64x64xf32>
    %dot_general3A_2788 = arith.constant dense<0.000000e+00> : vector<64x128xf32>
    %dot_general3A_2789 = tpu.matmul %get3A_2787, %slice3A_2781, %dot_general3A_2788 {dimension_numbers = #tpu.dot_dimension_numbers<[1], [0], [0], [1], [0, 0, 1, 1], [], []>, transpose_lhs_hint = false} : vector<64x64xf32>, vector<64x128xf32>, vector<64x128xf32> -> vector<64x128xf32>
    %mul3A_2790 = arith.constant 64 : i32
    %mul3A_2791 = arith.muli %arg1, %mul3A_2790 : i32
    %mul3A_2792 = arith.constant 64 : i32
    %mul3A_2793 = arith.muli %mul3A_2791, %mul3A_2792 : i32
    %add3A_2794 = arith.constant 2304 : i32
    %add3A_2795 = arith.addi %add3A_2794, %mul3A_2793 : i32
    %eq3A_2796 = arith.constant 0 : i32
    %eq3A_2797 = arith.cmpi eq, %arg0, %eq3A_2796 : i32
    %get3A_2798 = arith.index_cast %add3A_2795 : i32 to index
    %get3A_2799 = arith.constant 0 : index
    %get3A_2800 = vector.load %arg12[%get3A_2798, %get3A_2799] : memref<8192x128xf32, #tpu.memory_space<vmem>>, vector<64x128xf32>
    %jit3A_2801 = arith.constant 0.000000e+00 : f32
    %broadcast_in_dim3A_2802 = vector.broadcast %jit3A_2801 : f32 to vector<64x128xf32>
    %select_n3A_2803 = arith.select %eq3A_2797, %broadcast_in_dim3A_2802, %get3A_2800 : vector<64x128xf32>
    %mul3A_2804 = vector.broadcast %get3A_2773 : f32 to vector<64x128xf32>
    %mul3A_2805 = arith.mulf %mul3A_2804, %dot_general3A_2789 : vector<64x128xf32>
    %add3A_2806 = arith.addf %select_n3A_2803, %mul3A_2805 : vector<64x128xf32>
    %gt3A_2807 = vector.broadcast %get3A_2778 : f32 to vector<64x128xf32>
    %gt3A_2808 = arith.cmpf ogt, %add3A_2806, %gt3A_2807 : vector<64x128xf32>
    %jit3A_2809 = arith.constant 1.000000e+00 : f32
    %jit3A_2810 = arith.constant 0.000000e+00 : f32
    %broadcast_in_dim3A_2811 = vector.broadcast %jit3A_2809 : f32 to vector<64x128xf32>
    %broadcast_in_dim3A_2812 = vector.broadcast %jit3A_2810 : f32 to vector<64x128xf32>
    %select_n3A_2813 = arith.select %gt3A_2808, %broadcast_in_dim3A_2811, %broadcast_in_dim3A_2812 : vector<64x128xi1>, vector<64x128xf32>
    %and3A_2814 = vector.broadcast %gt3A_2780 : i1 to vector<64x128xi1>
    %and3A_2815 = arith.andi %and3A_2814, %gt3A_2808 : vector<64x128xi1>
    %jit3A_2816 = arith.constant 0.000000e+00 : f32
    %broadcast_in_dim3A_2817 = vector.broadcast %jit3A_2816 : f32 to vector<64x128xf32>
    %select_n3A_2818 = arith.select %and3A_2815, %broadcast_in_dim3A_2817, %add3A_2806 : vector<64x128xi1>, vector<64x128xf32>
    %swap3A_2819 = arith.index_cast %add3A_2795 : i32 to index
    %swap3A_2820 = arith.constant 0 : index
    %swap3A_2821 = vector.load %arg12[%swap3A_2819, %swap3A_2820] : memref<8192x128xf32, #tpu.memory_space<vmem>>, vector<64x128xf32>
    tpu.vector_store %arg12[%swap3A_2819, %swap3A_2820], %select_n3A_2818 {strides = array<i32>} : memref<8192x128xf32, #tpu.memory_space<vmem>>, vector<64x128xf32>,
    %dot_general3A_2822 = arith.constant dense<0.000000e+00> : vector<8x128xf32>
    %dot_general3A_2823 = tpu.matmul %get3A_71, %select_n3A_2813, %dot_general3A_2822 {dimension_numbers = #tpu.dot_dimension_numbers<[1], [0], [0], [1], [0, 0, 1, 1], [], []>, transpose_lhs_hint = false} : vector<8x64xf32>, vector<64x128xf32>, vector<8x128xf32> -> vector<8x128xf32>
    %mul3A_2824 = arith.constant 64 : i32
    %mul3A_2825 = arith.muli %arg1, %mul3A_2824 : i32
    %add3A_2826 = arith.constant 36 : i32
    %add3A_2827 = arith.addi %mul3A_2825, %add3A_2826 : i32
    %mul3A_2828 = arith.constant 8 : i32
    %mul3A_2829 = arith.muli %add3A_2827, %mul3A_2828 : i32
    %eq3A_2830 = arith.constant 0 : i32
    %eq3A_2831 = arith.cmpi eq, %arg0, %eq3A_2830 : i32
    %add3A_2832 = arith.addi %mul3A_14, %mul3A_2829 : i32
    %get3A_2833 = arith.index_cast %add3A_2832 : i32 to index
    %get3A_2834 = arith.constant 0 : index
    %get3A_2835 = vector.load %arg11[%get3A_2833, %get3A_2834] : memref<2048x128xf32, #tpu.memory_space<vmem>>, vector<8x128xf32>
    %jit3A_2836 = arith.constant 0.000000e+00 : f32
    %broadcast_in_dim3A_2837 = vector.broadcast %jit3A_2836 : f32 to vector<8x128xf32>
    %select_n3A_2838 = arith.select %eq3A_2831, %broadcast_in_dim3A_2837, %get3A_2835 : vector<8x128xf32>
    %select_n3A_2839 = arith.select %gt3A_2780, %dot_general3A_2823, %select_n3A_2838 : vector<8x128xf32>
    %add3A_2840 = arith.addi %mul3A_34, %mul3A_2829 : i32
    %swap3A_2841 = arith.index_cast %add3A_2840 : i32 to index
    %swap3A_2842 = arith.constant 0 : index
    %swap3A_2843 = vector.load %arg11[%swap3A_2841, %swap3A_2842] : memref<2048x128xf32, #tpu.memory_space<vmem>>, vector<8x128xf32>
    tpu.vector_store %arg11[%swap3A_2841, %swap3A_2842], %select_n3A_2839 {strides = array<i32>} : memref<2048x128xf32, #tpu.memory_space<vmem>>, vector<8x128xf32>,
    %get3A_2844 = arith.constant 0 : index
    %get3A_2845 = arith.constant 37 : index
    %get3A_2846 = arith.constant 0 : index
    %get3A_2847 = arith.constant 0 : index
    %get3A_2848 = memref.load %arg9[%get3A_2844, %get3A_2845, %get3A_2846, %get3A_2847] : memref<1x64x1x2xf32, #tpu.memory_space<smem>>
    %get3A_2849 = arith.constant 0 : index
    %get3A_2850 = arith.constant 37 : index
    %get3A_2851 = arith.constant 0 : index
    %get3A_2852 = arith.constant 1 : index
    %get3A_2853 = memref.load %arg9[%get3A_2849, %get3A_2850, %get3A_2851, %get3A_2852] : memref<1x64x1x2xf32, #tpu.memory_space<smem>>
    %gt3A_2854 = arith.constant 5.000000e-01 : f32
    %gt3A_2855 = arith.cmpf ogt, %get3A_2848, %gt3A_2854 : f32
    %slice3A_2856 = vector.extract_strided_slice %add3A_68 {offsets = [2368, 0], sizes = [64, 128], strides = [1, 1]} : vector<4096x128xf32> to vector<64x128xf32>
    %get3A_2857 = arith.constant 0 : index
    %get3A_2858 = arith.constant 37 : index
    %get3A_2859 = arith.constant 0 : index
    %get3A_2860 = arith.constant 0 : index
    %get3A_2861 = vector.load %arg3[%get3A_2857, %get3A_2858, %get3A_2859, %get3A_2860] : memref<1x64x64x64xf32, #tpu.memory_space<vmem>>, vector<1x1x64x64xf32>
    %get3A_2862 = vector.shape_cast %get3A_2861 : vector<1x1x64x64xf32> to vector<64x64xf32>
    %dot_general3A_2863 = arith.constant dense<0.000000e+00> : vector<64x128xf32>
    %dot_general3A_2864 = tpu.matmul %get3A_2862, %slice3A_2856, %dot_general3A_2863 {dimension_numbers = #tpu.dot_dimension_numbers<[1], [0], [0], [1], [0, 0, 1, 1], [], []>, transpose_lhs_hint = false} : vector<64x64xf32>, vector<64x128xf32>, vector<64x128xf32> -> vector<64x128xf32>
    %mul3A_2865 = arith.constant 64 : i32
    %mul3A_2866 = arith.muli %arg1, %mul3A_2865 : i32
    %mul3A_2867 = arith.constant 64 : i32
    %mul3A_2868 = arith.muli %mul3A_2866, %mul3A_2867 : i32
    %add3A_2869 = arith.constant 2368 : i32
    %add3A_2870 = arith.addi %add3A_2869, %mul3A_2868 : i32
    %eq3A_2871 = arith.constant 0 : i32
    %eq3A_2872 = arith.cmpi eq, %arg0, %eq3A_2871 : i32
    %get3A_2873 = arith.index_cast %add3A_2870 : i32 to index
    %get3A_2874 = arith.constant 0 : index
    %get3A_2875 = vector.load %arg12[%get3A_2873, %get3A_2874] : memref<8192x128xf32, #tpu.memory_space<vmem>>, vector<64x128xf32>
    %jit3A_2876 = arith.constant 0.000000e+00 : f32
    %broadcast_in_dim3A_2877 = vector.broadcast %jit3A_2876 : f32 to vector<64x128xf32>
    %select_n3A_2878 = arith.select %eq3A_2872, %broadcast_in_dim3A_2877, %get3A_2875 : vector<64x128xf32>
    %mul3A_2879 = vector.broadcast %get3A_2848 : f32 to vector<64x128xf32>
    %mul3A_2880 = arith.mulf %mul3A_2879, %dot_general3A_2864 : vector<64x128xf32>
    %add3A_2881 = arith.addf %select_n3A_2878, %mul3A_2880 : vector<64x128xf32>
    %gt3A_2882 = vector.broadcast %get3A_2853 : f32 to vector<64x128xf32>
    %gt3A_2883 = arith.cmpf ogt, %add3A_2881, %gt3A_2882 : vector<64x128xf32>
    %jit3A_2884 = arith.constant 1.000000e+00 : f32
    %jit3A_2885 = arith.constant 0.000000e+00 : f32
    %broadcast_in_dim3A_2886 = vector.broadcast %jit3A_2884 : f32 to vector<64x128xf32>
    %broadcast_in_dim3A_2887 = vector.broadcast %jit3A_2885 : f32 to vector<64x128xf32>
    %select_n3A_2888 = arith.select %gt3A_2883, %broadcast_in_dim3A_2886, %broadcast_in_dim3A_2887 : vector<64x128xi1>, vector<64x128xf32>
    %and3A_2889 = vector.broadcast %gt3A_2855 : i1 to vector<64x128xi1>
    %and3A_2890 = arith.andi %and3A_2889, %gt3A_2883 : vector<64x128xi1>
    %jit3A_2891 = arith.constant 0.000000e+00 : f32
    %broadcast_in_dim3A_2892 = vector.broadcast %jit3A_2891 : f32 to vector<64x128xf32>
    %select_n3A_2893 = arith.select %and3A_2890, %broadcast_in_dim3A_2892, %add3A_2881 : vector<64x128xi1>, vector<64x128xf32>
    %swap3A_2894 = arith.index_cast %add3A_2870 : i32 to index
    %swap3A_2895 = arith.constant 0 : index
    %swap3A_2896 = vector.load %arg12[%swap3A_2894, %swap3A_2895] : memref<8192x128xf32, #tpu.memory_space<vmem>>, vector<64x128xf32>
    tpu.vector_store %arg12[%swap3A_2894, %swap3A_2895], %select_n3A_2893 {strides = array<i32>} : memref<8192x128xf32, #tpu.memory_space<vmem>>, vector<64x128xf32>,
    %dot_general3A_2897 = arith.constant dense<0.000000e+00> : vector<8x128xf32>
    %dot_general3A_2898 = tpu.matmul %get3A_71, %select_n3A_2888, %dot_general3A_2897 {dimension_numbers = #tpu.dot_dimension_numbers<[1], [0], [0], [1], [0, 0, 1, 1], [], []>, transpose_lhs_hint = false} : vector<8x64xf32>, vector<64x128xf32>, vector<8x128xf32> -> vector<8x128xf32>
    %mul3A_2899 = arith.constant 64 : i32
    %mul3A_2900 = arith.muli %arg1, %mul3A_2899 : i32
    %add3A_2901 = arith.constant 37 : i32
    %add3A_2902 = arith.addi %mul3A_2900, %add3A_2901 : i32
    %mul3A_2903 = arith.constant 8 : i32
    %mul3A_2904 = arith.muli %add3A_2902, %mul3A_2903 : i32
    %eq3A_2905 = arith.constant 0 : i32
    %eq3A_2906 = arith.cmpi eq, %arg0, %eq3A_2905 : i32
    %add3A_2907 = arith.addi %mul3A_14, %mul3A_2904 : i32
    %get3A_2908 = arith.index_cast %add3A_2907 : i32 to index
    %get3A_2909 = arith.constant 0 : index
    %get3A_2910 = vector.load %arg11[%get3A_2908, %get3A_2909] : memref<2048x128xf32, #tpu.memory_space<vmem>>, vector<8x128xf32>
    %jit3A_2911 = arith.constant 0.000000e+00 : f32
    %broadcast_in_dim3A_2912 = vector.broadcast %jit3A_2911 : f32 to vector<8x128xf32>
    %select_n3A_2913 = arith.select %eq3A_2906, %broadcast_in_dim3A_2912, %get3A_2910 : vector<8x128xf32>
    %select_n3A_2914 = arith.select %gt3A_2855, %dot_general3A_2898, %select_n3A_2913 : vector<8x128xf32>
    %add3A_2915 = arith.addi %mul3A_34, %mul3A_2904 : i32
    %swap3A_2916 = arith.index_cast %add3A_2915 : i32 to index
    %swap3A_2917 = arith.constant 0 : index
    %swap3A_2918 = vector.load %arg11[%swap3A_2916, %swap3A_2917] : memref<2048x128xf32, #tpu.memory_space<vmem>>, vector<8x128xf32>
    tpu.vector_store %arg11[%swap3A_2916, %swap3A_2917], %select_n3A_2914 {strides = array<i32>} : memref<2048x128xf32, #tpu.memory_space<vmem>>, vector<8x128xf32>,
    %get3A_2919 = arith.constant 0 : index
    %get3A_2920 = arith.constant 38 : index
    %get3A_2921 = arith.constant 0 : index
    %get3A_2922 = arith.constant 0 : index
    %get3A_2923 = memref.load %arg9[%get3A_2919, %get3A_2920, %get3A_2921, %get3A_2922] : memref<1x64x1x2xf32, #tpu.memory_space<smem>>
    %get3A_2924 = arith.constant 0 : index
    %get3A_2925 = arith.constant 38 : index
    %get3A_2926 = arith.constant 0 : index
    %get3A_2927 = arith.constant 1 : index
    %get3A_2928 = memref.load %arg9[%get3A_2924, %get3A_2925, %get3A_2926, %get3A_2927] : memref<1x64x1x2xf32, #tpu.memory_space<smem>>
    %gt3A_2929 = arith.constant 5.000000e-01 : f32
    %gt3A_2930 = arith.cmpf ogt, %get3A_2923, %gt3A_2929 : f32
    %slice3A_2931 = vector.extract_strided_slice %add3A_68 {offsets = [2432, 0], sizes = [64, 128], strides = [1, 1]} : vector<4096x128xf32> to vector<64x128xf32>
    %get3A_2932 = arith.constant 0 : index
    %get3A_2933 = arith.constant 38 : index
    %get3A_2934 = arith.constant 0 : index
    %get3A_2935 = arith.constant 0 : index
    %get3A_2936 = vector.load %arg3[%get3A_2932, %get3A_2933, %get3A_2934, %get3A_2935] : memref<1x64x64x64xf32, #tpu.memory_space<vmem>>, vector<1x1x64x64xf32>
    %get3A_2937 = vector.shape_cast %get3A_2936 : vector<1x1x64x64xf32> to vector<64x64xf32>
    %dot_general3A_2938 = arith.constant dense<0.000000e+00> : vector<64x128xf32>
    %dot_general3A_2939 = tpu.matmul %get3A_2937, %slice3A_2931, %dot_general3A_2938 {dimension_numbers = #tpu.dot_dimension_numbers<[1], [0], [0], [1], [0, 0, 1, 1], [], []>, transpose_lhs_hint = false} : vector<64x64xf32>, vector<64x128xf32>, vector<64x128xf32> -> vector<64x128xf32>
    %mul3A_2940 = arith.constant 64 : i32
    %mul3A_2941 = arith.muli %arg1, %mul3A_2940 : i32
    %mul3A_2942 = arith.constant 64 : i32
    %mul3A_2943 = arith.muli %mul3A_2941, %mul3A_2942 : i32
    %add3A_2944 = arith.constant 2432 : i32
    %add3A_2945 = arith.addi %add3A_2944, %mul3A_2943 : i32
    %eq3A_2946 = arith.constant 0 : i32
    %eq3A_2947 = arith.cmpi eq, %arg0, %eq3A_2946 : i32
    %get3A_2948 = arith.index_cast %add3A_2945 : i32 to index
    %get3A_2949 = arith.constant 0 : index
    %get3A_2950 = vector.load %arg12[%get3A_2948, %get3A_2949] : memref<8192x128xf32, #tpu.memory_space<vmem>>, vector<64x128xf32>
    %jit3A_2951 = arith.constant 0.000000e+00 : f32
    %broadcast_in_dim3A_2952 = vector.broadcast %jit3A_2951 : f32 to vector<64x128xf32>
    %select_n3A_2953 = arith.select %eq3A_2947, %broadcast_in_dim3A_2952, %get3A_2950 : vector<64x128xf32>
    %mul3A_2954 = vector.broadcast %get3A_2923 : f32 to vector<64x128xf32>
    %mul3A_2955 = arith.mulf %mul3A_2954, %dot_general3A_2939 : vector<64x128xf32>
    %add3A_2956 = arith.addf %select_n3A_2953, %mul3A_2955 : vector<64x128xf32>
    %gt3A_2957 = vector.broadcast %get3A_2928 : f32 to vector<64x128xf32>
    %gt3A_2958 = arith.cmpf ogt, %add3A_2956, %gt3A_2957 : vector<64x128xf32>
    %jit3A_2959 = arith.constant 1.000000e+00 : f32
    %jit3A_2960 = arith.constant 0.000000e+00 : f32
    %broadcast_in_dim3A_2961 = vector.broadcast %jit3A_2959 : f32 to vector<64x128xf32>
    %broadcast_in_dim3A_2962 = vector.broadcast %jit3A_2960 : f32 to vector<64x128xf32>
    %select_n3A_2963 = arith.select %gt3A_2958, %broadcast_in_dim3A_2961, %broadcast_in_dim3A_2962 : vector<64x128xi1>, vector<64x128xf32>
    %and3A_2964 = vector.broadcast %gt3A_2930 : i1 to vector<64x128xi1>
    %and3A_2965 = arith.andi %and3A_2964, %gt3A_2958 : vector<64x128xi1>
    %jit3A_2966 = arith.constant 0.000000e+00 : f32
    %broadcast_in_dim3A_2967 = vector.broadcast %jit3A_2966 : f32 to vector<64x128xf32>
    %select_n3A_2968 = arith.select %and3A_2965, %broadcast_in_dim3A_2967, %add3A_2956 : vector<64x128xi1>, vector<64x128xf32>
    %swap3A_2969 = arith.index_cast %add3A_2945 : i32 to index
    %swap3A_2970 = arith.constant 0 : index
    %swap3A_2971 = vector.load %arg12[%swap3A_2969, %swap3A_2970] : memref<8192x128xf32, #tpu.memory_space<vmem>>, vector<64x128xf32>
    tpu.vector_store %arg12[%swap3A_2969, %swap3A_2970], %select_n3A_2968 {strides = array<i32>} : memref<8192x128xf32, #tpu.memory_space<vmem>>, vector<64x128xf32>,
    %dot_general3A_2972 = arith.constant dense<0.000000e+00> : vector<8x128xf32>
    %dot_general3A_2973 = tpu.matmul %get3A_71, %select_n3A_2963, %dot_general3A_2972 {dimension_numbers = #tpu.dot_dimension_numbers<[1], [0], [0], [1], [0, 0, 1, 1], [], []>, transpose_lhs_hint = false} : vector<8x64xf32>, vector<64x128xf32>, vector<8x128xf32> -> vector<8x128xf32>
    %mul3A_2974 = arith.constant 64 : i32
    %mul3A_2975 = arith.muli %arg1, %mul3A_2974 : i32
    %add3A_2976 = arith.constant 38 : i32
    %add3A_2977 = arith.addi %mul3A_2975, %add3A_2976 : i32
    %mul3A_2978 = arith.constant 8 : i32
    %mul3A_2979 = arith.muli %add3A_2977, %mul3A_2978 : i32
    %eq3A_2980 = arith.constant 0 : i32
    %eq3A_2981 = arith.cmpi eq, %arg0, %eq3A_2980 : i32
    %add3A_2982 = arith.addi %mul3A_14, %mul3A_2979 : i32
    %get3A_2983 = arith.index_cast %add3A_2982 : i32 to index
    %get3A_2984 = arith.constant 0 : index
    %get3A_2985 = vector.load %arg11[%get3A_2983, %get3A_2984] : memref<2048x128xf32, #tpu.memory_space<vmem>>, vector<8x128xf32>
    %jit3A_2986 = arith.constant 0.000000e+00 : f32
    %broadcast_in_dim3A_2987 = vector.broadcast %jit3A_2986 : f32 to vector<8x128xf32>
    %select_n3A_2988 = arith.select %eq3A_2981, %broadcast_in_dim3A_2987, %get3A_2985 : vector<8x128xf32>
    %select_n3A_2989 = arith.select %gt3A_2930, %dot_general3A_2973, %select_n3A_2988 : vector<8x128xf32>
    %add3A_2990 = arith.addi %mul3A_34, %mul3A_2979 : i32
    %swap3A_2991 = arith.index_cast %add3A_2990 : i32 to index
    %swap3A_2992 = arith.constant 0 : index
    %swap3A_2993 = vector.load %arg11[%swap3A_2991, %swap3A_2992] : memref<2048x128xf32, #tpu.memory_space<vmem>>, vector<8x128xf32>
    tpu.vector_store %arg11[%swap3A_2991, %swap3A_2992], %select_n3A_2989 {strides = array<i32>} : memref<2048x128xf32, #tpu.memory_space<vmem>>, vector<8x128xf32>,
    %get3A_2994 = arith.constant 0 : index
    %get3A_2995 = arith.constant 39 : index
    %get3A_2996 = arith.constant 0 : index
    %get3A_2997 = arith.constant 0 : index
    %get3A_2998 = memref.load %arg9[%get3A_2994, %get3A_2995, %get3A_2996, %get3A_2997] : memref<1x64x1x2xf32, #tpu.memory_space<smem>>
    %get3A_2999 = arith.constant 0 : index
    %get3A_3000 = arith.constant 39 : index
    %get3A_3001 = arith.constant 0 : index
    %get3A_3002 = arith.constant 1 : index
    %get3A_3003 = memref.load %arg9[%get3A_2999, %get3A_3000, %get3A_3001, %get3A_3002] : memref<1x64x1x2xf32, #tpu.memory_space<smem>>
    %gt3A_3004 = arith.constant 5.000000e-01 : f32
    %gt3A_3005 = arith.cmpf ogt, %get3A_2998, %gt3A_3004 : f32
    %slice3A_3006 = vector.extract_strided_slice %add3A_68 {offsets = [2496, 0], sizes = [64, 128], strides = [1, 1]} : vector<4096x128xf32> to vector<64x128xf32>
    %get3A_3007 = arith.constant 0 : index
    %get3A_3008 = arith.constant 39 : index
    %get3A_3009 = arith.constant 0 : index
    %get3A_3010 = arith.constant 0 : index
    %get3A_3011 = vector.load %arg3[%get3A_3007, %get3A_3008, %get3A_3009, %get3A_3010] : memref<1x64x64x64xf32, #tpu.memory_space<vmem>>, vector<1x1x64x64xf32>
    %get3A_3012 = vector.shape_cast %get3A_3011 : vector<1x1x64x64xf32> to vector<64x64xf32>
    %dot_general3A_3013 = arith.constant dense<0.000000e+00> : vector<64x128xf32>
    %dot_general3A_3014 = tpu.matmul %get3A_3012, %slice3A_3006, %dot_general3A_3013 {dimension_numbers = #tpu.dot_dimension_numbers<[1], [0], [0], [1], [0, 0, 1, 1], [], []>, transpose_lhs_hint = false} : vector<64x64xf32>, vector<64x128xf32>, vector<64x128xf32> -> vector<64x128xf32>
    %mul3A_3015 = arith.constant 64 : i32
    %mul3A_3016 = arith.muli %arg1, %mul3A_3015 : i32
    %mul3A_3017 = arith.constant 64 : i32
    %mul3A_3018 = arith.muli %mul3A_3016, %mul3A_3017 : i32
    %add3A_3019 = arith.constant 2496 : i32
    %add3A_3020 = arith.addi %add3A_3019, %mul3A_3018 : i32
    %eq3A_3021 = arith.constant 0 : i32
    %eq3A_3022 = arith.cmpi eq, %arg0, %eq3A_3021 : i32
    %get3A_3023 = arith.index_cast %add3A_3020 : i32 to index
    %get3A_3024 = arith.constant 0 : index
    %get3A_3025 = vector.load %arg12[%get3A_3023, %get3A_3024] : memref<8192x128xf32, #tpu.memory_space<vmem>>, vector<64x128xf32>
    %jit3A_3026 = arith.constant 0.000000e+00 : f32
    %broadcast_in_dim3A_3027 = vector.broadcast %jit3A_3026 : f32 to vector<64x128xf32>
    %select_n3A_3028 = arith.select %eq3A_3022, %broadcast_in_dim3A_3027, %get3A_3025 : vector<64x128xf32>
    %mul3A_3029 = vector.broadcast %get3A_2998 : f32 to vector<64x128xf32>
    %mul3A_3030 = arith.mulf %mul3A_3029, %dot_general3A_3014 : vector<64x128xf32>
    %add3A_3031 = arith.addf %select_n3A_3028, %mul3A_3030 : vector<64x128xf32>
    %gt3A_3032 = vector.broadcast %get3A_3003 : f32 to vector<64x128xf32>
    %gt3A_3033 = arith.cmpf ogt, %add3A_3031, %gt3A_3032 : vector<64x128xf32>
    %jit3A_3034 = arith.constant 1.000000e+00 : f32
    %jit3A_3035 = arith.constant 0.000000e+00 : f32
    %broadcast_in_dim3A_3036 = vector.broadcast %jit3A_3034 : f32 to vector<64x128xf32>
    %broadcast_in_dim3A_3037 = vector.broadcast %jit3A_3035 : f32 to vector<64x128xf32>
    %select_n3A_3038 = arith.select %gt3A_3033, %broadcast_in_dim3A_3036, %broadcast_in_dim3A_3037 : vector<64x128xi1>, vector<64x128xf32>
    %and3A_3039 = vector.broadcast %gt3A_3005 : i1 to vector<64x128xi1>
    %and3A_3040 = arith.andi %and3A_3039, %gt3A_3033 : vector<64x128xi1>
    %jit3A_3041 = arith.constant 0.000000e+00 : f32
    %broadcast_in_dim3A_3042 = vector.broadcast %jit3A_3041 : f32 to vector<64x128xf32>
    %select_n3A_3043 = arith.select %and3A_3040, %broadcast_in_dim3A_3042, %add3A_3031 : vector<64x128xi1>, vector<64x128xf32>
    %swap3A_3044 = arith.index_cast %add3A_3020 : i32 to index
    %swap3A_3045 = arith.constant 0 : index
    %swap3A_3046 = vector.load %arg12[%swap3A_3044, %swap3A_3045] : memref<8192x128xf32, #tpu.memory_space<vmem>>, vector<64x128xf32>
    tpu.vector_store %arg12[%swap3A_3044, %swap3A_3045], %select_n3A_3043 {strides = array<i32>} : memref<8192x128xf32, #tpu.memory_space<vmem>>, vector<64x128xf32>,
    %dot_general3A_3047 = arith.constant dense<0.000000e+00> : vector<8x128xf32>
    %dot_general3A_3048 = tpu.matmul %get3A_71, %select_n3A_3038, %dot_general3A_3047 {dimension_numbers = #tpu.dot_dimension_numbers<[1], [0], [0], [1], [0, 0, 1, 1], [], []>, transpose_lhs_hint = false} : vector<8x64xf32>, vector<64x128xf32>, vector<8x128xf32> -> vector<8x128xf32>
    %mul3A_3049 = arith.constant 64 : i32
    %mul3A_3050 = arith.muli %arg1, %mul3A_3049 : i32
    %add3A_3051 = arith.constant 39 : i32
    %add3A_3052 = arith.addi %mul3A_3050, %add3A_3051 : i32
    %mul3A_3053 = arith.constant 8 : i32
    %mul3A_3054 = arith.muli %add3A_3052, %mul3A_3053 : i32
    %eq3A_3055 = arith.constant 0 : i32
    %eq3A_3056 = arith.cmpi eq, %arg0, %eq3A_3055 : i32
    %add3A_3057 = arith.addi %mul3A_14, %mul3A_3054 : i32
    %get3A_3058 = arith.index_cast %add3A_3057 : i32 to index
    %get3A_3059 = arith.constant 0 : index
    %get3A_3060 = vector.load %arg11[%get3A_3058, %get3A_3059] : memref<2048x128xf32, #tpu.memory_space<vmem>>, vector<8x128xf32>
    %jit3A_3061 = arith.constant 0.000000e+00 : f32
    %broadcast_in_dim3A_3062 = vector.broadcast %jit3A_3061 : f32 to vector<8x128xf32>
    %select_n3A_3063 = arith.select %eq3A_3056, %broadcast_in_dim3A_3062, %get3A_3060 : vector<8x128xf32>
    %select_n3A_3064 = arith.select %gt3A_3005, %dot_general3A_3048, %select_n3A_3063 : vector<8x128xf32>
    %add3A_3065 = arith.addi %mul3A_34, %mul3A_3054 : i32
    %swap3A_3066 = arith.index_cast %add3A_3065 : i32 to index
    %swap3A_3067 = arith.constant 0 : index
    %swap3A_3068 = vector.load %arg11[%swap3A_3066, %swap3A_3067] : memref<2048x128xf32, #tpu.memory_space<vmem>>, vector<8x128xf32>
    tpu.vector_store %arg11[%swap3A_3066, %swap3A_3067], %select_n3A_3064 {strides = array<i32>} : memref<2048x128xf32, #tpu.memory_space<vmem>>, vector<8x128xf32>,
    %get3A_3069 = arith.constant 0 : index
    %get3A_3070 = arith.constant 40 : index
    %get3A_3071 = arith.constant 0 : index
    %get3A_3072 = arith.constant 0 : index
    %get3A_3073 = memref.load %arg9[%get3A_3069, %get3A_3070, %get3A_3071, %get3A_3072] : memref<1x64x1x2xf32, #tpu.memory_space<smem>>
    %get3A_3074 = arith.constant 0 : index
    %get3A_3075 = arith.constant 40 : index
    %get3A_3076 = arith.constant 0 : index
    %get3A_3077 = arith.constant 1 : index
    %get3A_3078 = memref.load %arg9[%get3A_3074, %get3A_3075, %get3A_3076, %get3A_3077] : memref<1x64x1x2xf32, #tpu.memory_space<smem>>
    %gt3A_3079 = arith.constant 5.000000e-01 : f32
    %gt3A_3080 = arith.cmpf ogt, %get3A_3073, %gt3A_3079 : f32
    %slice3A_3081 = vector.extract_strided_slice %add3A_68 {offsets = [2560, 0], sizes = [64, 128], strides = [1, 1]} : vector<4096x128xf32> to vector<64x128xf32>
    %get3A_3082 = arith.constant 0 : index
    %get3A_3083 = arith.constant 40 : index
    %get3A_3084 = arith.constant 0 : index
    %get3A_3085 = arith.constant 0 : index
    %get3A_3086 = vector.load %arg3[%get3A_3082, %get3A_3083, %get3A_3084, %get3A_3085] : memref<1x64x64x64xf32, #tpu.memory_space<vmem>>, vector<1x1x64x64xf32>
    %get3A_3087 = vector.shape_cast %get3A_3086 : vector<1x1x64x64xf32> to vector<64x64xf32>
    %dot_general3A_3088 = arith.constant dense<0.000000e+00> : vector<64x128xf32>
    %dot_general3A_3089 = tpu.matmul %get3A_3087, %slice3A_3081, %dot_general3A_3088 {dimension_numbers = #tpu.dot_dimension_numbers<[1], [0], [0], [1], [0, 0, 1, 1], [], []>, transpose_lhs_hint = false} : vector<64x64xf32>, vector<64x128xf32>, vector<64x128xf32> -> vector<64x128xf32>
    %mul3A_3090 = arith.constant 64 : i32
    %mul3A_3091 = arith.muli %arg1, %mul3A_3090 : i32
    %mul3A_3092 = arith.constant 64 : i32
    %mul3A_3093 = arith.muli %mul3A_3091, %mul3A_3092 : i32
    %add3A_3094 = arith.constant 2560 : i32
    %add3A_3095 = arith.addi %add3A_3094, %mul3A_3093 : i32
    %eq3A_3096 = arith.constant 0 : i32
    %eq3A_3097 = arith.cmpi eq, %arg0, %eq3A_3096 : i32
    %get3A_3098 = arith.index_cast %add3A_3095 : i32 to index
    %get3A_3099 = arith.constant 0 : index
    %get3A_3100 = vector.load %arg12[%get3A_3098, %get3A_3099] : memref<8192x128xf32, #tpu.memory_space<vmem>>, vector<64x128xf32>
    %jit3A_3101 = arith.constant 0.000000e+00 : f32
    %broadcast_in_dim3A_3102 = vector.broadcast %jit3A_3101 : f32 to vector<64x128xf32>
    %select_n3A_3103 = arith.select %eq3A_3097, %broadcast_in_dim3A_3102, %get3A_3100 : vector<64x128xf32>
    %mul3A_3104 = vector.broadcast %get3A_3073 : f32 to vector<64x128xf32>
    %mul3A_3105 = arith.mulf %mul3A_3104, %dot_general3A_3089 : vector<64x128xf32>
    %add3A_3106 = arith.addf %select_n3A_3103, %mul3A_3105 : vector<64x128xf32>
    %gt3A_3107 = vector.broadcast %get3A_3078 : f32 to vector<64x128xf32>
    %gt3A_3108 = arith.cmpf ogt, %add3A_3106, %gt3A_3107 : vector<64x128xf32>
    %jit3A_3109 = arith.constant 1.000000e+00 : f32
    %jit3A_3110 = arith.constant 0.000000e+00 : f32
    %broadcast_in_dim3A_3111 = vector.broadcast %jit3A_3109 : f32 to vector<64x128xf32>
    %broadcast_in_dim3A_3112 = vector.broadcast %jit3A_3110 : f32 to vector<64x128xf32>
    %select_n3A_3113 = arith.select %gt3A_3108, %broadcast_in_dim3A_3111, %broadcast_in_dim3A_3112 : vector<64x128xi1>, vector<64x128xf32>
    %and3A_3114 = vector.broadcast %gt3A_3080 : i1 to vector<64x128xi1>
    %and3A_3115 = arith.andi %and3A_3114, %gt3A_3108 : vector<64x128xi1>
    %jit3A_3116 = arith.constant 0.000000e+00 : f32
    %broadcast_in_dim3A_3117 = vector.broadcast %jit3A_3116 : f32 to vector<64x128xf32>
    %select_n3A_3118 = arith.select %and3A_3115, %broadcast_in_dim3A_3117, %add3A_3106 : vector<64x128xi1>, vector<64x128xf32>
    %swap3A_3119 = arith.index_cast %add3A_3095 : i32 to index
    %swap3A_3120 = arith.constant 0 : index
    %swap3A_3121 = vector.load %arg12[%swap3A_3119, %swap3A_3120] : memref<8192x128xf32, #tpu.memory_space<vmem>>, vector<64x128xf32>
    tpu.vector_store %arg12[%swap3A_3119, %swap3A_3120], %select_n3A_3118 {strides = array<i32>} : memref<8192x128xf32, #tpu.memory_space<vmem>>, vector<64x128xf32>,
    %dot_general3A_3122 = arith.constant dense<0.000000e+00> : vector<8x128xf32>
    %dot_general3A_3123 = tpu.matmul %get3A_71, %select_n3A_3113, %dot_general3A_3122 {dimension_numbers = #tpu.dot_dimension_numbers<[1], [0], [0], [1], [0, 0, 1, 1], [], []>, transpose_lhs_hint = false} : vector<8x64xf32>, vector<64x128xf32>, vector<8x128xf32> -> vector<8x128xf32>
    %mul3A_3124 = arith.constant 64 : i32
    %mul3A_3125 = arith.muli %arg1, %mul3A_3124 : i32
    %add3A_3126 = arith.constant 40 : i32
    %add3A_3127 = arith.addi %mul3A_3125, %add3A_3126 : i32
    %mul3A_3128 = arith.constant 8 : i32
    %mul3A_3129 = arith.muli %add3A_3127, %mul3A_3128 : i32
    %eq3A_3130 = arith.constant 0 : i32
    %eq3A_3131 = arith.cmpi eq, %arg0, %eq3A_3130 : i32
    %add3A_3132 = arith.addi %mul3A_14, %mul3A_3129 : i32
    %get3A_3133 = arith.index_cast %add3A_3132 : i32 to index
    %get3A_3134 = arith.constant 0 : index
    %get3A_3135 = vector.load %arg11[%get3A_3133, %get3A_3134] : memref<2048x128xf32, #tpu.memory_space<vmem>>, vector<8x128xf32>
    %jit3A_3136 = arith.constant 0.000000e+00 : f32
    %broadcast_in_dim3A_3137 = vector.broadcast %jit3A_3136 : f32 to vector<8x128xf32>
    %select_n3A_3138 = arith.select %eq3A_3131, %broadcast_in_dim3A_3137, %get3A_3135 : vector<8x128xf32>
    %select_n3A_3139 = arith.select %gt3A_3080, %dot_general3A_3123, %select_n3A_3138 : vector<8x128xf32>
    %add3A_3140 = arith.addi %mul3A_34, %mul3A_3129 : i32
    %swap3A_3141 = arith.index_cast %add3A_3140 : i32 to index
    %swap3A_3142 = arith.constant 0 : index
    %swap3A_3143 = vector.load %arg11[%swap3A_3141, %swap3A_3142] : memref<2048x128xf32, #tpu.memory_space<vmem>>, vector<8x128xf32>
    tpu.vector_store %arg11[%swap3A_3141, %swap3A_3142], %select_n3A_3139 {strides = array<i32>} : memref<2048x128xf32, #tpu.memory_space<vmem>>, vector<8x128xf32>,
    %get3A_3144 = arith.constant 0 : index
    %get3A_3145 = arith.constant 41 : index
    %get3A_3146 = arith.constant 0 : index
    %get3A_3147 = arith.constant 0 : index
    %get3A_3148 = memref.load %arg9[%get3A_3144, %get3A_3145, %get3A_3146, %get3A_3147] : memref<1x64x1x2xf32, #tpu.memory_space<smem>>
    %get3A_3149 = arith.constant 0 : index
    %get3A_3150 = arith.constant 41 : index
    %get3A_3151 = arith.constant 0 : index
    %get3A_3152 = arith.constant 1 : index
    %get3A_3153 = memref.load %arg9[%get3A_3149, %get3A_3150, %get3A_3151, %get3A_3152] : memref<1x64x1x2xf32, #tpu.memory_space<smem>>
    %gt3A_3154 = arith.constant 5.000000e-01 : f32
    %gt3A_3155 = arith.cmpf ogt, %get3A_3148, %gt3A_3154 : f32
    %slice3A_3156 = vector.extract_strided_slice %add3A_68 {offsets = [2624, 0], sizes = [64, 128], strides = [1, 1]} : vector<4096x128xf32> to vector<64x128xf32>
    %get3A_3157 = arith.constant 0 : index
    %get3A_3158 = arith.constant 41 : index
    %get3A_3159 = arith.constant 0 : index
    %get3A_3160 = arith.constant 0 : index
    %get3A_3161 = vector.load %arg3[%get3A_3157, %get3A_3158, %get3A_3159, %get3A_3160] : memref<1x64x64x64xf32, #tpu.memory_space<vmem>>, vector<1x1x64x64xf32>
    %get3A_3162 = vector.shape_cast %get3A_3161 : vector<1x1x64x64xf32> to vector<64x64xf32>
    %dot_general3A_3163 = arith.constant dense<0.000000e+00> : vector<64x128xf32>
    %dot_general3A_3164 = tpu.matmul %get3A_3162, %slice3A_3156, %dot_general3A_3163 {dimension_numbers = #tpu.dot_dimension_numbers<[1], [0], [0], [1], [0, 0, 1, 1], [], []>, transpose_lhs_hint = false} : vector<64x64xf32>, vector<64x128xf32>, vector<64x128xf32> -> vector<64x128xf32>
    %mul3A_3165 = arith.constant 64 : i32
    %mul3A_3166 = arith.muli %arg1, %mul3A_3165 : i32
    %mul3A_3167 = arith.constant 64 : i32
    %mul3A_3168 = arith.muli %mul3A_3166, %mul3A_3167 : i32
    %add3A_3169 = arith.constant 2624 : i32
    %add3A_3170 = arith.addi %add3A_3169, %mul3A_3168 : i32
    %eq3A_3171 = arith.constant 0 : i32
    %eq3A_3172 = arith.cmpi eq, %arg0, %eq3A_3171 : i32
    %get3A_3173 = arith.index_cast %add3A_3170 : i32 to index
    %get3A_3174 = arith.constant 0 : index
    %get3A_3175 = vector.load %arg12[%get3A_3173, %get3A_3174] : memref<8192x128xf32, #tpu.memory_space<vmem>>, vector<64x128xf32>
    %jit3A_3176 = arith.constant 0.000000e+00 : f32
    %broadcast_in_dim3A_3177 = vector.broadcast %jit3A_3176 : f32 to vector<64x128xf32>
    %select_n3A_3178 = arith.select %eq3A_3172, %broadcast_in_dim3A_3177, %get3A_3175 : vector<64x128xf32>
    %mul3A_3179 = vector.broadcast %get3A_3148 : f32 to vector<64x128xf32>
    %mul3A_3180 = arith.mulf %mul3A_3179, %dot_general3A_3164 : vector<64x128xf32>
    %add3A_3181 = arith.addf %select_n3A_3178, %mul3A_3180 : vector<64x128xf32>
    %gt3A_3182 = vector.broadcast %get3A_3153 : f32 to vector<64x128xf32>
    %gt3A_3183 = arith.cmpf ogt, %add3A_3181, %gt3A_3182 : vector<64x128xf32>
    %jit3A_3184 = arith.constant 1.000000e+00 : f32
    %jit3A_3185 = arith.constant 0.000000e+00 : f32
    %broadcast_in_dim3A_3186 = vector.broadcast %jit3A_3184 : f32 to vector<64x128xf32>
    %broadcast_in_dim3A_3187 = vector.broadcast %jit3A_3185 : f32 to vector<64x128xf32>
    %select_n3A_3188 = arith.select %gt3A_3183, %broadcast_in_dim3A_3186, %broadcast_in_dim3A_3187 : vector<64x128xi1>, vector<64x128xf32>
    %and3A_3189 = vector.broadcast %gt3A_3155 : i1 to vector<64x128xi1>
    %and3A_3190 = arith.andi %and3A_3189, %gt3A_3183 : vector<64x128xi1>
    %jit3A_3191 = arith.constant 0.000000e+00 : f32
    %broadcast_in_dim3A_3192 = vector.broadcast %jit3A_3191 : f32 to vector<64x128xf32>
    %select_n3A_3193 = arith.select %and3A_3190, %broadcast_in_dim3A_3192, %add3A_3181 : vector<64x128xi1>, vector<64x128xf32>
    %swap3A_3194 = arith.index_cast %add3A_3170 : i32 to index
    %swap3A_3195 = arith.constant 0 : index
    %swap3A_3196 = vector.load %arg12[%swap3A_3194, %swap3A_3195] : memref<8192x128xf32, #tpu.memory_space<vmem>>, vector<64x128xf32>
    tpu.vector_store %arg12[%swap3A_3194, %swap3A_3195], %select_n3A_3193 {strides = array<i32>} : memref<8192x128xf32, #tpu.memory_space<vmem>>, vector<64x128xf32>,
    %dot_general3A_3197 = arith.constant dense<0.000000e+00> : vector<8x128xf32>
    %dot_general3A_3198 = tpu.matmul %get3A_71, %select_n3A_3188, %dot_general3A_3197 {dimension_numbers = #tpu.dot_dimension_numbers<[1], [0], [0], [1], [0, 0, 1, 1], [], []>, transpose_lhs_hint = false} : vector<8x64xf32>, vector<64x128xf32>, vector<8x128xf32> -> vector<8x128xf32>
    %mul3A_3199 = arith.constant 64 : i32
    %mul3A_3200 = arith.muli %arg1, %mul3A_3199 : i32
    %add3A_3201 = arith.constant 41 : i32
    %add3A_3202 = arith.addi %mul3A_3200, %add3A_3201 : i32
    %mul3A_3203 = arith.constant 8 : i32
    %mul3A_3204 = arith.muli %add3A_3202, %mul3A_3203 : i32
    %eq3A_3205 = arith.constant 0 : i32
    %eq3A_3206 = arith.cmpi eq, %arg0, %eq3A_3205 : i32
    %add3A_3207 = arith.addi %mul3A_14, %mul3A_3204 : i32
    %get3A_3208 = arith.index_cast %add3A_3207 : i32 to index
    %get3A_3209 = arith.constant 0 : index
    %get3A_3210 = vector.load %arg11[%get3A_3208, %get3A_3209] : memref<2048x128xf32, #tpu.memory_space<vmem>>, vector<8x128xf32>
    %jit3A_3211 = arith.constant 0.000000e+00 : f32
    %broadcast_in_dim3A_3212 = vector.broadcast %jit3A_3211 : f32 to vector<8x128xf32>
    %select_n3A_3213 = arith.select %eq3A_3206, %broadcast_in_dim3A_3212, %get3A_3210 : vector<8x128xf32>
    %select_n3A_3214 = arith.select %gt3A_3155, %dot_general3A_3198, %select_n3A_3213 : vector<8x128xf32>
    %add3A_3215 = arith.addi %mul3A_34, %mul3A_3204 : i32
    %swap3A_3216 = arith.index_cast %add3A_3215 : i32 to index
    %swap3A_3217 = arith.constant 0 : index
    %swap3A_3218 = vector.load %arg11[%swap3A_3216, %swap3A_3217] : memref<2048x128xf32, #tpu.memory_space<vmem>>, vector<8x128xf32>
    tpu.vector_store %arg11[%swap3A_3216, %swap3A_3217], %select_n3A_3214 {strides = array<i32>} : memref<2048x128xf32, #tpu.memory_space<vmem>>, vector<8x128xf32>,
    %get3A_3219 = arith.constant 0 : index
    %get3A_3220 = arith.constant 42 : index
    %get3A_3221 = arith.constant 0 : index
    %get3A_3222 = arith.constant 0 : index
    %get3A_3223 = memref.load %arg9[%get3A_3219, %get3A_3220, %get3A_3221, %get3A_3222] : memref<1x64x1x2xf32, #tpu.memory_space<smem>>
    %get3A_3224 = arith.constant 0 : index
    %get3A_3225 = arith.constant 42 : index
    %get3A_3226 = arith.constant 0 : index
    %get3A_3227 = arith.constant 1 : index
    %get3A_3228 = memref.load %arg9[%get3A_3224, %get3A_3225, %get3A_3226, %get3A_3227] : memref<1x64x1x2xf32, #tpu.memory_space<smem>>
    %gt3A_3229 = arith.constant 5.000000e-01 : f32
    %gt3A_3230 = arith.cmpf ogt, %get3A_3223, %gt3A_3229 : f32
    %slice3A_3231 = vector.extract_strided_slice %add3A_68 {offsets = [2688, 0], sizes = [64, 128], strides = [1, 1]} : vector<4096x128xf32> to vector<64x128xf32>
    %get3A_3232 = arith.constant 0 : index
    %get3A_3233 = arith.constant 42 : index
    %get3A_3234 = arith.constant 0 : index
    %get3A_3235 = arith.constant 0 : index
    %get3A_3236 = vector.load %arg3[%get3A_3232, %get3A_3233, %get3A_3234, %get3A_3235] : memref<1x64x64x64xf32, #tpu.memory_space<vmem>>, vector<1x1x64x64xf32>
    %get3A_3237 = vector.shape_cast %get3A_3236 : vector<1x1x64x64xf32> to vector<64x64xf32>
    %dot_general3A_3238 = arith.constant dense<0.000000e+00> : vector<64x128xf32>
    %dot_general3A_3239 = tpu.matmul %get3A_3237, %slice3A_3231, %dot_general3A_3238 {dimension_numbers = #tpu.dot_dimension_numbers<[1], [0], [0], [1], [0, 0, 1, 1], [], []>, transpose_lhs_hint = false} : vector<64x64xf32>, vector<64x128xf32>, vector<64x128xf32> -> vector<64x128xf32>
    %mul3A_3240 = arith.constant 64 : i32
    %mul3A_3241 = arith.muli %arg1, %mul3A_3240 : i32
    %mul3A_3242 = arith.constant 64 : i32
    %mul3A_3243 = arith.muli %mul3A_3241, %mul3A_3242 : i32
    %add3A_3244 = arith.constant 2688 : i32
    %add3A_3245 = arith.addi %add3A_3244, %mul3A_3243 : i32
    %eq3A_3246 = arith.constant 0 : i32
    %eq3A_3247 = arith.cmpi eq, %arg0, %eq3A_3246 : i32
    %get3A_3248 = arith.index_cast %add3A_3245 : i32 to index
    %get3A_3249 = arith.constant 0 : index
    %get3A_3250 = vector.load %arg12[%get3A_3248, %get3A_3249] : memref<8192x128xf32, #tpu.memory_space<vmem>>, vector<64x128xf32>
    %jit3A_3251 = arith.constant 0.000000e+00 : f32
    %broadcast_in_dim3A_3252 = vector.broadcast %jit3A_3251 : f32 to vector<64x128xf32>
    %select_n3A_3253 = arith.select %eq3A_3247, %broadcast_in_dim3A_3252, %get3A_3250 : vector<64x128xf32>
    %mul3A_3254 = vector.broadcast %get3A_3223 : f32 to vector<64x128xf32>
    %mul3A_3255 = arith.mulf %mul3A_3254, %dot_general3A_3239 : vector<64x128xf32>
    %add3A_3256 = arith.addf %select_n3A_3253, %mul3A_3255 : vector<64x128xf32>
    %gt3A_3257 = vector.broadcast %get3A_3228 : f32 to vector<64x128xf32>
    %gt3A_3258 = arith.cmpf ogt, %add3A_3256, %gt3A_3257 : vector<64x128xf32>
    %jit3A_3259 = arith.constant 1.000000e+00 : f32
    %jit3A_3260 = arith.constant 0.000000e+00 : f32
    %broadcast_in_dim3A_3261 = vector.broadcast %jit3A_3259 : f32 to vector<64x128xf32>
    %broadcast_in_dim3A_3262 = vector.broadcast %jit3A_3260 : f32 to vector<64x128xf32>
    %select_n3A_3263 = arith.select %gt3A_3258, %broadcast_in_dim3A_3261, %broadcast_in_dim3A_3262 : vector<64x128xi1>, vector<64x128xf32>
    %and3A_3264 = vector.broadcast %gt3A_3230 : i1 to vector<64x128xi1>
    %and3A_3265 = arith.andi %and3A_3264, %gt3A_3258 : vector<64x128xi1>
    %jit3A_3266 = arith.constant 0.000000e+00 : f32
    %broadcast_in_dim3A_3267 = vector.broadcast %jit3A_3266 : f32 to vector<64x128xf32>
    %select_n3A_3268 = arith.select %and3A_3265, %broadcast_in_dim3A_3267, %add3A_3256 : vector<64x128xi1>, vector<64x128xf32>
    %swap3A_3269 = arith.index_cast %add3A_3245 : i32 to index
    %swap3A_3270 = arith.constant 0 : index
    %swap3A_3271 = vector.load %arg12[%swap3A_3269, %swap3A_3270] : memref<8192x128xf32, #tpu.memory_space<vmem>>, vector<64x128xf32>
    tpu.vector_store %arg12[%swap3A_3269, %swap3A_3270], %select_n3A_3268 {strides = array<i32>} : memref<8192x128xf32, #tpu.memory_space<vmem>>, vector<64x128xf32>,
    %dot_general3A_3272 = arith.constant dense<0.000000e+00> : vector<8x128xf32>
    %dot_general3A_3273 = tpu.matmul %get3A_71, %select_n3A_3263, %dot_general3A_3272 {dimension_numbers = #tpu.dot_dimension_numbers<[1], [0], [0], [1], [0, 0, 1, 1], [], []>, transpose_lhs_hint = false} : vector<8x64xf32>, vector<64x128xf32>, vector<8x128xf32> -> vector<8x128xf32>
    %mul3A_3274 = arith.constant 64 : i32
    %mul3A_3275 = arith.muli %arg1, %mul3A_3274 : i32
    %add3A_3276 = arith.constant 42 : i32
    %add3A_3277 = arith.addi %mul3A_3275, %add3A_3276 : i32
    %mul3A_3278 = arith.constant 8 : i32
    %mul3A_3279 = arith.muli %add3A_3277, %mul3A_3278 : i32
    %eq3A_3280 = arith.constant 0 : i32
    %eq3A_3281 = arith.cmpi eq, %arg0, %eq3A_3280 : i32
    %add3A_3282 = arith.addi %mul3A_14, %mul3A_3279 : i32
    %get3A_3283 = arith.index_cast %add3A_3282 : i32 to index
    %get3A_3284 = arith.constant 0 : index
    %get3A_3285 = vector.load %arg11[%get3A_3283, %get3A_3284] : memref<2048x128xf32, #tpu.memory_space<vmem>>, vector<8x128xf32>
    %jit3A_3286 = arith.constant 0.000000e+00 : f32
    %broadcast_in_dim3A_3287 = vector.broadcast %jit3A_3286 : f32 to vector<8x128xf32>
    %select_n3A_3288 = arith.select %eq3A_3281, %broadcast_in_dim3A_3287, %get3A_3285 : vector<8x128xf32>
    %select_n3A_3289 = arith.select %gt3A_3230, %dot_general3A_3273, %select_n3A_3288 : vector<8x128xf32>
    %add3A_3290 = arith.addi %mul3A_34, %mul3A_3279 : i32
    %swap3A_3291 = arith.index_cast %add3A_3290 : i32 to index
    %swap3A_3292 = arith.constant 0 : index
    %swap3A_3293 = vector.load %arg11[%swap3A_3291, %swap3A_3292] : memref<2048x128xf32, #tpu.memory_space<vmem>>, vector<8x128xf32>
    tpu.vector_store %arg11[%swap3A_3291, %swap3A_3292], %select_n3A_3289 {strides = array<i32>} : memref<2048x128xf32, #tpu.memory_space<vmem>>, vector<8x128xf32>,
    %get3A_3294 = arith.constant 0 : index
    %get3A_3295 = arith.constant 43 : index
    %get3A_3296 = arith.constant 0 : index
    %get3A_3297 = arith.constant 0 : index
    %get3A_3298 = memref.load %arg9[%get3A_3294, %get3A_3295, %get3A_3296, %get3A_3297] : memref<1x64x1x2xf32, #tpu.memory_space<smem>>
    %get3A_3299 = arith.constant 0 : index
    %get3A_3300 = arith.constant 43 : index
    %get3A_3301 = arith.constant 0 : index
    %get3A_3302 = arith.constant 1 : index
    %get3A_3303 = memref.load %arg9[%get3A_3299, %get3A_3300, %get3A_3301, %get3A_3302] : memref<1x64x1x2xf32, #tpu.memory_space<smem>>
    %gt3A_3304 = arith.constant 5.000000e-01 : f32
    %gt3A_3305 = arith.cmpf ogt, %get3A_3298, %gt3A_3304 : f32
    %slice3A_3306 = vector.extract_strided_slice %add3A_68 {offsets = [2752, 0], sizes = [64, 128], strides = [1, 1]} : vector<4096x128xf32> to vector<64x128xf32>
    %get3A_3307 = arith.constant 0 : index
    %get3A_3308 = arith.constant 43 : index
    %get3A_3309 = arith.constant 0 : index
    %get3A_3310 = arith.constant 0 : index
    %get3A_3311 = vector.load %arg3[%get3A_3307, %get3A_3308, %get3A_3309, %get3A_3310] : memref<1x64x64x64xf32, #tpu.memory_space<vmem>>, vector<1x1x64x64xf32>
    %get3A_3312 = vector.shape_cast %get3A_3311 : vector<1x1x64x64xf32> to vector<64x64xf32>
    %dot_general3A_3313 = arith.constant dense<0.000000e+00> : vector<64x128xf32>
    %dot_general3A_3314 = tpu.matmul %get3A_3312, %slice3A_3306, %dot_general3A_3313 {dimension_numbers = #tpu.dot_dimension_numbers<[1], [0], [0], [1], [0, 0, 1, 1], [], []>, transpose_lhs_hint = false} : vector<64x64xf32>, vector<64x128xf32>, vector<64x128xf32> -> vector<64x128xf32>
    %mul3A_3315 = arith.constant 64 : i32
    %mul3A_3316 = arith.muli %arg1, %mul3A_3315 : i32
    %mul3A_3317 = arith.constant 64 : i32
    %mul3A_3318 = arith.muli %mul3A_3316, %mul3A_3317 : i32
    %add3A_3319 = arith.constant 2752 : i32
    %add3A_3320 = arith.addi %add3A_3319, %mul3A_3318 : i32
    %eq3A_3321 = arith.constant 0 : i32
    %eq3A_3322 = arith.cmpi eq, %arg0, %eq3A_3321 : i32
    %get3A_3323 = arith.index_cast %add3A_3320 : i32 to index
    %get3A_3324 = arith.constant 0 : index
    %get3A_3325 = vector.load %arg12[%get3A_3323, %get3A_3324] : memref<8192x128xf32, #tpu.memory_space<vmem>>, vector<64x128xf32>
    %jit3A_3326 = arith.constant 0.000000e+00 : f32
    %broadcast_in_dim3A_3327 = vector.broadcast %jit3A_3326 : f32 to vector<64x128xf32>
    %select_n3A_3328 = arith.select %eq3A_3322, %broadcast_in_dim3A_3327, %get3A_3325 : vector<64x128xf32>
    %mul3A_3329 = vector.broadcast %get3A_3298 : f32 to vector<64x128xf32>
    %mul3A_3330 = arith.mulf %mul3A_3329, %dot_general3A_3314 : vector<64x128xf32>
    %add3A_3331 = arith.addf %select_n3A_3328, %mul3A_3330 : vector<64x128xf32>
    %gt3A_3332 = vector.broadcast %get3A_3303 : f32 to vector<64x128xf32>
    %gt3A_3333 = arith.cmpf ogt, %add3A_3331, %gt3A_3332 : vector<64x128xf32>
    %jit3A_3334 = arith.constant 1.000000e+00 : f32
    %jit3A_3335 = arith.constant 0.000000e+00 : f32
    %broadcast_in_dim3A_3336 = vector.broadcast %jit3A_3334 : f32 to vector<64x128xf32>
    %broadcast_in_dim3A_3337 = vector.broadcast %jit3A_3335 : f32 to vector<64x128xf32>
    %select_n3A_3338 = arith.select %gt3A_3333, %broadcast_in_dim3A_3336, %broadcast_in_dim3A_3337 : vector<64x128xi1>, vector<64x128xf32>
    %and3A_3339 = vector.broadcast %gt3A_3305 : i1 to vector<64x128xi1>
    %and3A_3340 = arith.andi %and3A_3339, %gt3A_3333 : vector<64x128xi1>
    %jit3A_3341 = arith.constant 0.000000e+00 : f32
    %broadcast_in_dim3A_3342 = vector.broadcast %jit3A_3341 : f32 to vector<64x128xf32>
    %select_n3A_3343 = arith.select %and3A_3340, %broadcast_in_dim3A_3342, %add3A_3331 : vector<64x128xi1>, vector<64x128xf32>
    %swap3A_3344 = arith.index_cast %add3A_3320 : i32 to index
    %swap3A_3345 = arith.constant 0 : index
    %swap3A_3346 = vector.load %arg12[%swap3A_3344, %swap3A_3345] : memref<8192x128xf32, #tpu.memory_space<vmem>>, vector<64x128xf32>
    tpu.vector_store %arg12[%swap3A_3344, %swap3A_3345], %select_n3A_3343 {strides = array<i32>} : memref<8192x128xf32, #tpu.memory_space<vmem>>, vector<64x128xf32>,
    %dot_general3A_3347 = arith.constant dense<0.000000e+00> : vector<8x128xf32>
    %dot_general3A_3348 = tpu.matmul %get3A_71, %select_n3A_3338, %dot_general3A_3347 {dimension_numbers = #tpu.dot_dimension_numbers<[1], [0], [0], [1], [0, 0, 1, 1], [], []>, transpose_lhs_hint = false} : vector<8x64xf32>, vector<64x128xf32>, vector<8x128xf32> -> vector<8x128xf32>
    %mul3A_3349 = arith.constant 64 : i32
    %mul3A_3350 = arith.muli %arg1, %mul3A_3349 : i32
    %add3A_3351 = arith.constant 43 : i32
    %add3A_3352 = arith.addi %mul3A_3350, %add3A_3351 : i32
    %mul3A_3353 = arith.constant 8 : i32
    %mul3A_3354 = arith.muli %add3A_3352, %mul3A_3353 : i32
    %eq3A_3355 = arith.constant 0 : i32
    %eq3A_3356 = arith.cmpi eq, %arg0, %eq3A_3355 : i32
    %add3A_3357 = arith.addi %mul3A_14, %mul3A_3354 : i32
    %get3A_3358 = arith.index_cast %add3A_3357 : i32 to index
    %get3A_3359 = arith.constant 0 : index
    %get3A_3360 = vector.load %arg11[%get3A_3358, %get3A_3359] : memref<2048x128xf32, #tpu.memory_space<vmem>>, vector<8x128xf32>
    %jit3A_3361 = arith.constant 0.000000e+00 : f32
    %broadcast_in_dim3A_3362 = vector.broadcast %jit3A_3361 : f32 to vector<8x128xf32>
    %select_n3A_3363 = arith.select %eq3A_3356, %broadcast_in_dim3A_3362, %get3A_3360 : vector<8x128xf32>
    %select_n3A_3364 = arith.select %gt3A_3305, %dot_general3A_3348, %select_n3A_3363 : vector<8x128xf32>
    %add3A_3365 = arith.addi %mul3A_34, %mul3A_3354 : i32
    %swap3A_3366 = arith.index_cast %add3A_3365 : i32 to index
    %swap3A_3367 = arith.constant 0 : index
    %swap3A_3368 = vector.load %arg11[%swap3A_3366, %swap3A_3367] : memref<2048x128xf32, #tpu.memory_space<vmem>>, vector<8x128xf32>
    tpu.vector_store %arg11[%swap3A_3366, %swap3A_3367], %select_n3A_3364 {strides = array<i32>} : memref<2048x128xf32, #tpu.memory_space<vmem>>, vector<8x128xf32>,
    %get3A_3369 = arith.constant 0 : index
    %get3A_3370 = arith.constant 44 : index
    %get3A_3371 = arith.constant 0 : index
    %get3A_3372 = arith.constant 0 : index
    %get3A_3373 = memref.load %arg9[%get3A_3369, %get3A_3370, %get3A_3371, %get3A_3372] : memref<1x64x1x2xf32, #tpu.memory_space<smem>>
    %get3A_3374 = arith.constant 0 : index
    %get3A_3375 = arith.constant 44 : index
    %get3A_3376 = arith.constant 0 : index
    %get3A_3377 = arith.constant 1 : index
    %get3A_3378 = memref.load %arg9[%get3A_3374, %get3A_3375, %get3A_3376, %get3A_3377] : memref<1x64x1x2xf32, #tpu.memory_space<smem>>
    %gt3A_3379 = arith.constant 5.000000e-01 : f32
    %gt3A_3380 = arith.cmpf ogt, %get3A_3373, %gt3A_3379 : f32
    %slice3A_3381 = vector.extract_strided_slice %add3A_68 {offsets = [2816, 0], sizes = [64, 128], strides = [1, 1]} : vector<4096x128xf32> to vector<64x128xf32>
    %get3A_3382 = arith.constant 0 : index
    %get3A_3383 = arith.constant 44 : index
    %get3A_3384 = arith.constant 0 : index
    %get3A_3385 = arith.constant 0 : index
    %get3A_3386 = vector.load %arg3[%get3A_3382, %get3A_3383, %get3A_3384, %get3A_3385] : memref<1x64x64x64xf32, #tpu.memory_space<vmem>>, vector<1x1x64x64xf32>
    %get3A_3387 = vector.shape_cast %get3A_3386 : vector<1x1x64x64xf32> to vector<64x64xf32>
    %dot_general3A_3388 = arith.constant dense<0.000000e+00> : vector<64x128xf32>
    %dot_general3A_3389 = tpu.matmul %get3A_3387, %slice3A_3381, %dot_general3A_3388 {dimension_numbers = #tpu.dot_dimension_numbers<[1], [0], [0], [1], [0, 0, 1, 1], [], []>, transpose_lhs_hint = false} : vector<64x64xf32>, vector<64x128xf32>, vector<64x128xf32> -> vector<64x128xf32>
    %mul3A_3390 = arith.constant 64 : i32
    %mul3A_3391 = arith.muli %arg1, %mul3A_3390 : i32
    %mul3A_3392 = arith.constant 64 : i32
    %mul3A_3393 = arith.muli %mul3A_3391, %mul3A_3392 : i32
    %add3A_3394 = arith.constant 2816 : i32
    %add3A_3395 = arith.addi %add3A_3394, %mul3A_3393 : i32
    %eq3A_3396 = arith.constant 0 : i32
    %eq3A_3397 = arith.cmpi eq, %arg0, %eq3A_3396 : i32
    %get3A_3398 = arith.index_cast %add3A_3395 : i32 to index
    %get3A_3399 = arith.constant 0 : index
    %get3A_3400 = vector.load %arg12[%get3A_3398, %get3A_3399] : memref<8192x128xf32, #tpu.memory_space<vmem>>, vector<64x128xf32>
    %jit3A_3401 = arith.constant 0.000000e+00 : f32
    %broadcast_in_dim3A_3402 = vector.broadcast %jit3A_3401 : f32 to vector<64x128xf32>
    %select_n3A_3403 = arith.select %eq3A_3397, %broadcast_in_dim3A_3402, %get3A_3400 : vector<64x128xf32>
    %mul3A_3404 = vector.broadcast %get3A_3373 : f32 to vector<64x128xf32>
    %mul3A_3405 = arith.mulf %mul3A_3404, %dot_general3A_3389 : vector<64x128xf32>
    %add3A_3406 = arith.addf %select_n3A_3403, %mul3A_3405 : vector<64x128xf32>
    %gt3A_3407 = vector.broadcast %get3A_3378 : f32 to vector<64x128xf32>
    %gt3A_3408 = arith.cmpf ogt, %add3A_3406, %gt3A_3407 : vector<64x128xf32>
    %jit3A_3409 = arith.constant 1.000000e+00 : f32
    %jit3A_3410 = arith.constant 0.000000e+00 : f32
    %broadcast_in_dim3A_3411 = vector.broadcast %jit3A_3409 : f32 to vector<64x128xf32>
    %broadcast_in_dim3A_3412 = vector.broadcast %jit3A_3410 : f32 to vector<64x128xf32>
    %select_n3A_3413 = arith.select %gt3A_3408, %broadcast_in_dim3A_3411, %broadcast_in_dim3A_3412 : vector<64x128xi1>, vector<64x128xf32>
    %and3A_3414 = vector.broadcast %gt3A_3380 : i1 to vector<64x128xi1>
    %and3A_3415 = arith.andi %and3A_3414, %gt3A_3408 : vector<64x128xi1>
    %jit3A_3416 = arith.constant 0.000000e+00 : f32
    %broadcast_in_dim3A_3417 = vector.broadcast %jit3A_3416 : f32 to vector<64x128xf32>
    %select_n3A_3418 = arith.select %and3A_3415, %broadcast_in_dim3A_3417, %add3A_3406 : vector<64x128xi1>, vector<64x128xf32>
    %swap3A_3419 = arith.index_cast %add3A_3395 : i32 to index
    %swap3A_3420 = arith.constant 0 : index
    %swap3A_3421 = vector.load %arg12[%swap3A_3419, %swap3A_3420] : memref<8192x128xf32, #tpu.memory_space<vmem>>, vector<64x128xf32>
    tpu.vector_store %arg12[%swap3A_3419, %swap3A_3420], %select_n3A_3418 {strides = array<i32>} : memref<8192x128xf32, #tpu.memory_space<vmem>>, vector<64x128xf32>,
    %dot_general3A_3422 = arith.constant dense<0.000000e+00> : vector<8x128xf32>
    %dot_general3A_3423 = tpu.matmul %get3A_71, %select_n3A_3413, %dot_general3A_3422 {dimension_numbers = #tpu.dot_dimension_numbers<[1], [0], [0], [1], [0, 0, 1, 1], [], []>, transpose_lhs_hint = false} : vector<8x64xf32>, vector<64x128xf32>, vector<8x128xf32> -> vector<8x128xf32>
    %mul3A_3424 = arith.constant 64 : i32
    %mul3A_3425 = arith.muli %arg1, %mul3A_3424 : i32
    %add3A_3426 = arith.constant 44 : i32
    %add3A_3427 = arith.addi %mul3A_3425, %add3A_3426 : i32
    %mul3A_3428 = arith.constant 8 : i32
    %mul3A_3429 = arith.muli %add3A_3427, %mul3A_3428 : i32
    %eq3A_3430 = arith.constant 0 : i32
    %eq3A_3431 = arith.cmpi eq, %arg0, %eq3A_3430 : i32
    %add3A_3432 = arith.addi %mul3A_14, %mul3A_3429 : i32
    %get3A_3433 = arith.index_cast %add3A_3432 : i32 to index
    %get3A_3434 = arith.constant 0 : index
    %get3A_3435 = vector.load %arg11[%get3A_3433, %get3A_3434] : memref<2048x128xf32, #tpu.memory_space<vmem>>, vector<8x128xf32>
    %jit3A_3436 = arith.constant 0.000000e+00 : f32
    %broadcast_in_dim3A_3437 = vector.broadcast %jit3A_3436 : f32 to vector<8x128xf32>
    %select_n3A_3438 = arith.select %eq3A_3431, %broadcast_in_dim3A_3437, %get3A_3435 : vector<8x128xf32>
    %select_n3A_3439 = arith.select %gt3A_3380, %dot_general3A_3423, %select_n3A_3438 : vector<8x128xf32>
    %add3A_3440 = arith.addi %mul3A_34, %mul3A_3429 : i32
    %swap3A_3441 = arith.index_cast %add3A_3440 : i32 to index
    %swap3A_3442 = arith.constant 0 : index
    %swap3A_3443 = vector.load %arg11[%swap3A_3441, %swap3A_3442] : memref<2048x128xf32, #tpu.memory_space<vmem>>, vector<8x128xf32>
    tpu.vector_store %arg11[%swap3A_3441, %swap3A_3442], %select_n3A_3439 {strides = array<i32>} : memref<2048x128xf32, #tpu.memory_space<vmem>>, vector<8x128xf32>,
    %get3A_3444 = arith.constant 0 : index
    %get3A_3445 = arith.constant 45 : index
    %get3A_3446 = arith.constant 0 : index
    %get3A_3447 = arith.constant 0 : index
    %get3A_3448 = memref.load %arg9[%get3A_3444, %get3A_3445, %get3A_3446, %get3A_3447] : memref<1x64x1x2xf32, #tpu.memory_space<smem>>
    %get3A_3449 = arith.constant 0 : index
    %get3A_3450 = arith.constant 45 : index
    %get3A_3451 = arith.constant 0 : index
    %get3A_3452 = arith.constant 1 : index
    %get3A_3453 = memref.load %arg9[%get3A_3449, %get3A_3450, %get3A_3451, %get3A_3452] : memref<1x64x1x2xf32, #tpu.memory_space<smem>>
    %gt3A_3454 = arith.constant 5.000000e-01 : f32
    %gt3A_3455 = arith.cmpf ogt, %get3A_3448, %gt3A_3454 : f32
    %slice3A_3456 = vector.extract_strided_slice %add3A_68 {offsets = [2880, 0], sizes = [64, 128], strides = [1, 1]} : vector<4096x128xf32> to vector<64x128xf32>
    %get3A_3457 = arith.constant 0 : index
    %get3A_3458 = arith.constant 45 : index
    %get3A_3459 = arith.constant 0 : index
    %get3A_3460 = arith.constant 0 : index
    %get3A_3461 = vector.load %arg3[%get3A_3457, %get3A_3458, %get3A_3459, %get3A_3460] : memref<1x64x64x64xf32, #tpu.memory_space<vmem>>, vector<1x1x64x64xf32>
    %get3A_3462 = vector.shape_cast %get3A_3461 : vector<1x1x64x64xf32> to vector<64x64xf32>
    %dot_general3A_3463 = arith.constant dense<0.000000e+00> : vector<64x128xf32>
    %dot_general3A_3464 = tpu.matmul %get3A_3462, %slice3A_3456, %dot_general3A_3463 {dimension_numbers = #tpu.dot_dimension_numbers<[1], [0], [0], [1], [0, 0, 1, 1], [], []>, transpose_lhs_hint = false} : vector<64x64xf32>, vector<64x128xf32>, vector<64x128xf32> -> vector<64x128xf32>
    %mul3A_3465 = arith.constant 64 : i32
    %mul3A_3466 = arith.muli %arg1, %mul3A_3465 : i32
    %mul3A_3467 = arith.constant 64 : i32
    %mul3A_3468 = arith.muli %mul3A_3466, %mul3A_3467 : i32
    %add3A_3469 = arith.constant 2880 : i32
    %add3A_3470 = arith.addi %add3A_3469, %mul3A_3468 : i32
    %eq3A_3471 = arith.constant 0 : i32
    %eq3A_3472 = arith.cmpi eq, %arg0, %eq3A_3471 : i32
    %get3A_3473 = arith.index_cast %add3A_3470 : i32 to index
    %get3A_3474 = arith.constant 0 : index
    %get3A_3475 = vector.load %arg12[%get3A_3473, %get3A_3474] : memref<8192x128xf32, #tpu.memory_space<vmem>>, vector<64x128xf32>
    %jit3A_3476 = arith.constant 0.000000e+00 : f32
    %broadcast_in_dim3A_3477 = vector.broadcast %jit3A_3476 : f32 to vector<64x128xf32>
    %select_n3A_3478 = arith.select %eq3A_3472, %broadcast_in_dim3A_3477, %get3A_3475 : vector<64x128xf32>
    %mul3A_3479 = vector.broadcast %get3A_3448 : f32 to vector<64x128xf32>
    %mul3A_3480 = arith.mulf %mul3A_3479, %dot_general3A_3464 : vector<64x128xf32>
    %add3A_3481 = arith.addf %select_n3A_3478, %mul3A_3480 : vector<64x128xf32>
    %gt3A_3482 = vector.broadcast %get3A_3453 : f32 to vector<64x128xf32>
    %gt3A_3483 = arith.cmpf ogt, %add3A_3481, %gt3A_3482 : vector<64x128xf32>
    %jit3A_3484 = arith.constant 1.000000e+00 : f32
    %jit3A_3485 = arith.constant 0.000000e+00 : f32
    %broadcast_in_dim3A_3486 = vector.broadcast %jit3A_3484 : f32 to vector<64x128xf32>
    %broadcast_in_dim3A_3487 = vector.broadcast %jit3A_3485 : f32 to vector<64x128xf32>
    %select_n3A_3488 = arith.select %gt3A_3483, %broadcast_in_dim3A_3486, %broadcast_in_dim3A_3487 : vector<64x128xi1>, vector<64x128xf32>
    %and3A_3489 = vector.broadcast %gt3A_3455 : i1 to vector<64x128xi1>
    %and3A_3490 = arith.andi %and3A_3489, %gt3A_3483 : vector<64x128xi1>
    %jit3A_3491 = arith.constant 0.000000e+00 : f32
    %broadcast_in_dim3A_3492 = vector.broadcast %jit3A_3491 : f32 to vector<64x128xf32>
    %select_n3A_3493 = arith.select %and3A_3490, %broadcast_in_dim3A_3492, %add3A_3481 : vector<64x128xi1>, vector<64x128xf32>
    %swap3A_3494 = arith.index_cast %add3A_3470 : i32 to index
    %swap3A_3495 = arith.constant 0 : index
    %swap3A_3496 = vector.load %arg12[%swap3A_3494, %swap3A_3495] : memref<8192x128xf32, #tpu.memory_space<vmem>>, vector<64x128xf32>
    tpu.vector_store %arg12[%swap3A_3494, %swap3A_3495], %select_n3A_3493 {strides = array<i32>} : memref<8192x128xf32, #tpu.memory_space<vmem>>, vector<64x128xf32>,
    %dot_general3A_3497 = arith.constant dense<0.000000e+00> : vector<8x128xf32>
    %dot_general3A_3498 = tpu.matmul %get3A_71, %select_n3A_3488, %dot_general3A_3497 {dimension_numbers = #tpu.dot_dimension_numbers<[1], [0], [0], [1], [0, 0, 1, 1], [], []>, transpose_lhs_hint = false} : vector<8x64xf32>, vector<64x128xf32>, vector<8x128xf32> -> vector<8x128xf32>
    %mul3A_3499 = arith.constant 64 : i32
    %mul3A_3500 = arith.muli %arg1, %mul3A_3499 : i32
    %add3A_3501 = arith.constant 45 : i32
    %add3A_3502 = arith.addi %mul3A_3500, %add3A_3501 : i32
    %mul3A_3503 = arith.constant 8 : i32
    %mul3A_3504 = arith.muli %add3A_3502, %mul3A_3503 : i32
    %eq3A_3505 = arith.constant 0 : i32
    %eq3A_3506 = arith.cmpi eq, %arg0, %eq3A_3505 : i32
    %add3A_3507 = arith.addi %mul3A_14, %mul3A_3504 : i32
    %get3A_3508 = arith.index_cast %add3A_3507 : i32 to index
    %get3A_3509 = arith.constant 0 : index
    %get3A_3510 = vector.load %arg11[%get3A_3508, %get3A_3509] : memref<2048x128xf32, #tpu.memory_space<vmem>>, vector<8x128xf32>
    %jit3A_3511 = arith.constant 0.000000e+00 : f32
    %broadcast_in_dim3A_3512 = vector.broadcast %jit3A_3511 : f32 to vector<8x128xf32>
    %select_n3A_3513 = arith.select %eq3A_3506, %broadcast_in_dim3A_3512, %get3A_3510 : vector<8x128xf32>
    %select_n3A_3514 = arith.select %gt3A_3455, %dot_general3A_3498, %select_n3A_3513 : vector<8x128xf32>
    %add3A_3515 = arith.addi %mul3A_34, %mul3A_3504 : i32
    %swap3A_3516 = arith.index_cast %add3A_3515 : i32 to index
    %swap3A_3517 = arith.constant 0 : index
    %swap3A_3518 = vector.load %arg11[%swap3A_3516, %swap3A_3517] : memref<2048x128xf32, #tpu.memory_space<vmem>>, vector<8x128xf32>
    tpu.vector_store %arg11[%swap3A_3516, %swap3A_3517], %select_n3A_3514 {strides = array<i32>} : memref<2048x128xf32, #tpu.memory_space<vmem>>, vector<8x128xf32>,
    %get3A_3519 = arith.constant 0 : index
    %get3A_3520 = arith.constant 46 : index
    %get3A_3521 = arith.constant 0 : index
    %get3A_3522 = arith.constant 0 : index
    %get3A_3523 = memref.load %arg9[%get3A_3519, %get3A_3520, %get3A_3521, %get3A_3522] : memref<1x64x1x2xf32, #tpu.memory_space<smem>>
    %get3A_3524 = arith.constant 0 : index
    %get3A_3525 = arith.constant 46 : index
    %get3A_3526 = arith.constant 0 : index
    %get3A_3527 = arith.constant 1 : index
    %get3A_3528 = memref.load %arg9[%get3A_3524, %get3A_3525, %get3A_3526, %get3A_3527] : memref<1x64x1x2xf32, #tpu.memory_space<smem>>
    %gt3A_3529 = arith.constant 5.000000e-01 : f32
    %gt3A_3530 = arith.cmpf ogt, %get3A_3523, %gt3A_3529 : f32
    %slice3A_3531 = vector.extract_strided_slice %add3A_68 {offsets = [2944, 0], sizes = [64, 128], strides = [1, 1]} : vector<4096x128xf32> to vector<64x128xf32>
    %get3A_3532 = arith.constant 0 : index
    %get3A_3533 = arith.constant 46 : index
    %get3A_3534 = arith.constant 0 : index
    %get3A_3535 = arith.constant 0 : index
    %get3A_3536 = vector.load %arg3[%get3A_3532, %get3A_3533, %get3A_3534, %get3A_3535] : memref<1x64x64x64xf32, #tpu.memory_space<vmem>>, vector<1x1x64x64xf32>
    %get3A_3537 = vector.shape_cast %get3A_3536 : vector<1x1x64x64xf32> to vector<64x64xf32>
    %dot_general3A_3538 = arith.constant dense<0.000000e+00> : vector<64x128xf32>
    %dot_general3A_3539 = tpu.matmul %get3A_3537, %slice3A_3531, %dot_general3A_3538 {dimension_numbers = #tpu.dot_dimension_numbers<[1], [0], [0], [1], [0, 0, 1, 1], [], []>, transpose_lhs_hint = false} : vector<64x64xf32>, vector<64x128xf32>, vector<64x128xf32> -> vector<64x128xf32>
    %mul3A_3540 = arith.constant 64 : i32
    %mul3A_3541 = arith.muli %arg1, %mul3A_3540 : i32
    %mul3A_3542 = arith.constant 64 : i32
    %mul3A_3543 = arith.muli %mul3A_3541, %mul3A_3542 : i32
    %add3A_3544 = arith.constant 2944 : i32
    %add3A_3545 = arith.addi %add3A_3544, %mul3A_3543 : i32
    %eq3A_3546 = arith.constant 0 : i32
    %eq3A_3547 = arith.cmpi eq, %arg0, %eq3A_3546 : i32
    %get3A_3548 = arith.index_cast %add3A_3545 : i32 to index
    %get3A_3549 = arith.constant 0 : index
    %get3A_3550 = vector.load %arg12[%get3A_3548, %get3A_3549] : memref<8192x128xf32, #tpu.memory_space<vmem>>, vector<64x128xf32>
    %jit3A_3551 = arith.constant 0.000000e+00 : f32
    %broadcast_in_dim3A_3552 = vector.broadcast %jit3A_3551 : f32 to vector<64x128xf32>
    %select_n3A_3553 = arith.select %eq3A_3547, %broadcast_in_dim3A_3552, %get3A_3550 : vector<64x128xf32>
    %mul3A_3554 = vector.broadcast %get3A_3523 : f32 to vector<64x128xf32>
    %mul3A_3555 = arith.mulf %mul3A_3554, %dot_general3A_3539 : vector<64x128xf32>
    %add3A_3556 = arith.addf %select_n3A_3553, %mul3A_3555 : vector<64x128xf32>
    %gt3A_3557 = vector.broadcast %get3A_3528 : f32 to vector<64x128xf32>
    %gt3A_3558 = arith.cmpf ogt, %add3A_3556, %gt3A_3557 : vector<64x128xf32>
    %jit3A_3559 = arith.constant 1.000000e+00 : f32
    %jit3A_3560 = arith.constant 0.000000e+00 : f32
    %broadcast_in_dim3A_3561 = vector.broadcast %jit3A_3559 : f32 to vector<64x128xf32>
    %broadcast_in_dim3A_3562 = vector.broadcast %jit3A_3560 : f32 to vector<64x128xf32>
    %select_n3A_3563 = arith.select %gt3A_3558, %broadcast_in_dim3A_3561, %broadcast_in_dim3A_3562 : vector<64x128xi1>, vector<64x128xf32>
    %and3A_3564 = vector.broadcast %gt3A_3530 : i1 to vector<64x128xi1>
    %and3A_3565 = arith.andi %and3A_3564, %gt3A_3558 : vector<64x128xi1>
    %jit3A_3566 = arith.constant 0.000000e+00 : f32
    %broadcast_in_dim3A_3567 = vector.broadcast %jit3A_3566 : f32 to vector<64x128xf32>
    %select_n3A_3568 = arith.select %and3A_3565, %broadcast_in_dim3A_3567, %add3A_3556 : vector<64x128xi1>, vector<64x128xf32>
    %swap3A_3569 = arith.index_cast %add3A_3545 : i32 to index
    %swap3A_3570 = arith.constant 0 : index
    %swap3A_3571 = vector.load %arg12[%swap3A_3569, %swap3A_3570] : memref<8192x128xf32, #tpu.memory_space<vmem>>, vector<64x128xf32>
    tpu.vector_store %arg12[%swap3A_3569, %swap3A_3570], %select_n3A_3568 {strides = array<i32>} : memref<8192x128xf32, #tpu.memory_space<vmem>>, vector<64x128xf32>,
    %dot_general3A_3572 = arith.constant dense<0.000000e+00> : vector<8x128xf32>
    %dot_general3A_3573 = tpu.matmul %get3A_71, %select_n3A_3563, %dot_general3A_3572 {dimension_numbers = #tpu.dot_dimension_numbers<[1], [0], [0], [1], [0, 0, 1, 1], [], []>, transpose_lhs_hint = false} : vector<8x64xf32>, vector<64x128xf32>, vector<8x128xf32> -> vector<8x128xf32>
    %mul3A_3574 = arith.constant 64 : i32
    %mul3A_3575 = arith.muli %arg1, %mul3A_3574 : i32
    %add3A_3576 = arith.constant 46 : i32
    %add3A_3577 = arith.addi %mul3A_3575, %add3A_3576 : i32
    %mul3A_3578 = arith.constant 8 : i32
    %mul3A_3579 = arith.muli %add3A_3577, %mul3A_3578 : i32
    %eq3A_3580 = arith.constant 0 : i32
    %eq3A_3581 = arith.cmpi eq, %arg0, %eq3A_3580 : i32
    %add3A_3582 = arith.addi %mul3A_14, %mul3A_3579 : i32
    %get3A_3583 = arith.index_cast %add3A_3582 : i32 to index
    %get3A_3584 = arith.constant 0 : index
    %get3A_3585 = vector.load %arg11[%get3A_3583, %get3A_3584] : memref<2048x128xf32, #tpu.memory_space<vmem>>, vector<8x128xf32>
    %jit3A_3586 = arith.constant 0.000000e+00 : f32
    %broadcast_in_dim3A_3587 = vector.broadcast %jit3A_3586 : f32 to vector<8x128xf32>
    %select_n3A_3588 = arith.select %eq3A_3581, %broadcast_in_dim3A_3587, %get3A_3585 : vector<8x128xf32>
    %select_n3A_3589 = arith.select %gt3A_3530, %dot_general3A_3573, %select_n3A_3588 : vector<8x128xf32>
    %add3A_3590 = arith.addi %mul3A_34, %mul3A_3579 : i32
    %swap3A_3591 = arith.index_cast %add3A_3590 : i32 to index
    %swap3A_3592 = arith.constant 0 : index
    %swap3A_3593 = vector.load %arg11[%swap3A_3591, %swap3A_3592] : memref<2048x128xf32, #tpu.memory_space<vmem>>, vector<8x128xf32>
    tpu.vector_store %arg11[%swap3A_3591, %swap3A_3592], %select_n3A_3589 {strides = array<i32>} : memref<2048x128xf32, #tpu.memory_space<vmem>>, vector<8x128xf32>,
    %get3A_3594 = arith.constant 0 : index
    %get3A_3595 = arith.constant 47 : index
    %get3A_3596 = arith.constant 0 : index
    %get3A_3597 = arith.constant 0 : index
    %get3A_3598 = memref.load %arg9[%get3A_3594, %get3A_3595, %get3A_3596, %get3A_3597] : memref<1x64x1x2xf32, #tpu.memory_space<smem>>
    %get3A_3599 = arith.constant 0 : index
    %get3A_3600 = arith.constant 47 : index
    %get3A_3601 = arith.constant 0 : index
    %get3A_3602 = arith.constant 1 : index
    %get3A_3603 = memref.load %arg9[%get3A_3599, %get3A_3600, %get3A_3601, %get3A_3602] : memref<1x64x1x2xf32, #tpu.memory_space<smem>>
    %gt3A_3604 = arith.constant 5.000000e-01 : f32
    %gt3A_3605 = arith.cmpf ogt, %get3A_3598, %gt3A_3604 : f32
    %slice3A_3606 = vector.extract_strided_slice %add3A_68 {offsets = [3008, 0], sizes = [64, 128], strides = [1, 1]} : vector<4096x128xf32> to vector<64x128xf32>
    %get3A_3607 = arith.constant 0 : index
    %get3A_3608 = arith.constant 47 : index
    %get3A_3609 = arith.constant 0 : index
    %get3A_3610 = arith.constant 0 : index
    %get3A_3611 = vector.load %arg3[%get3A_3607, %get3A_3608, %get3A_3609, %get3A_3610] : memref<1x64x64x64xf32, #tpu.memory_space<vmem>>, vector<1x1x64x64xf32>
    %get3A_3612 = vector.shape_cast %get3A_3611 : vector<1x1x64x64xf32> to vector<64x64xf32>
    %dot_general3A_3613 = arith.constant dense<0.000000e+00> : vector<64x128xf32>
    %dot_general3A_3614 = tpu.matmul %get3A_3612, %slice3A_3606, %dot_general3A_3613 {dimension_numbers = #tpu.dot_dimension_numbers<[1], [0], [0], [1], [0, 0, 1, 1], [], []>, transpose_lhs_hint = false} : vector<64x64xf32>, vector<64x128xf32>, vector<64x128xf32> -> vector<64x128xf32>
    %mul3A_3615 = arith.constant 64 : i32
    %mul3A_3616 = arith.muli %arg1, %mul3A_3615 : i32
    %mul3A_3617 = arith.constant 64 : i32
    %mul3A_3618 = arith.muli %mul3A_3616, %mul3A_3617 : i32
    %add3A_3619 = arith.constant 3008 : i32
    %add3A_3620 = arith.addi %add3A_3619, %mul3A_3618 : i32
    %eq3A_3621 = arith.constant 0 : i32
    %eq3A_3622 = arith.cmpi eq, %arg0, %eq3A_3621 : i32
    %get3A_3623 = arith.index_cast %add3A_3620 : i32 to index
    %get3A_3624 = arith.constant 0 : index
    %get3A_3625 = vector.load %arg12[%get3A_3623, %get3A_3624] : memref<8192x128xf32, #tpu.memory_space<vmem>>, vector<64x128xf32>
    %jit3A_3626 = arith.constant 0.000000e+00 : f32
    %broadcast_in_dim3A_3627 = vector.broadcast %jit3A_3626 : f32 to vector<64x128xf32>
    %select_n3A_3628 = arith.select %eq3A_3622, %broadcast_in_dim3A_3627, %get3A_3625 : vector<64x128xf32>
    %mul3A_3629 = vector.broadcast %get3A_3598 : f32 to vector<64x128xf32>
    %mul3A_3630 = arith.mulf %mul3A_3629, %dot_general3A_3614 : vector<64x128xf32>
    %add3A_3631 = arith.addf %select_n3A_3628, %mul3A_3630 : vector<64x128xf32>
    %gt3A_3632 = vector.broadcast %get3A_3603 : f32 to vector<64x128xf32>
    %gt3A_3633 = arith.cmpf ogt, %add3A_3631, %gt3A_3632 : vector<64x128xf32>
    %jit3A_3634 = arith.constant 1.000000e+00 : f32
    %jit3A_3635 = arith.constant 0.000000e+00 : f32
    %broadcast_in_dim3A_3636 = vector.broadcast %jit3A_3634 : f32 to vector<64x128xf32>
    %broadcast_in_dim3A_3637 = vector.broadcast %jit3A_3635 : f32 to vector<64x128xf32>
    %select_n3A_3638 = arith.select %gt3A_3633, %broadcast_in_dim3A_3636, %broadcast_in_dim3A_3637 : vector<64x128xi1>, vector<64x128xf32>
    %and3A_3639 = vector.broadcast %gt3A_3605 : i1 to vector<64x128xi1>
    %and3A_3640 = arith.andi %and3A_3639, %gt3A_3633 : vector<64x128xi1>
    %jit3A_3641 = arith.constant 0.000000e+00 : f32
    %broadcast_in_dim3A_3642 = vector.broadcast %jit3A_3641 : f32 to vector<64x128xf32>
    %select_n3A_3643 = arith.select %and3A_3640, %broadcast_in_dim3A_3642, %add3A_3631 : vector<64x128xi1>, vector<64x128xf32>
    %swap3A_3644 = arith.index_cast %add3A_3620 : i32 to index
    %swap3A_3645 = arith.constant 0 : index
    %swap3A_3646 = vector.load %arg12[%swap3A_3644, %swap3A_3645] : memref<8192x128xf32, #tpu.memory_space<vmem>>, vector<64x128xf32>
    tpu.vector_store %arg12[%swap3A_3644, %swap3A_3645], %select_n3A_3643 {strides = array<i32>} : memref<8192x128xf32, #tpu.memory_space<vmem>>, vector<64x128xf32>,
    %dot_general3A_3647 = arith.constant dense<0.000000e+00> : vector<8x128xf32>
    %dot_general3A_3648 = tpu.matmul %get3A_71, %select_n3A_3638, %dot_general3A_3647 {dimension_numbers = #tpu.dot_dimension_numbers<[1], [0], [0], [1], [0, 0, 1, 1], [], []>, transpose_lhs_hint = false} : vector<8x64xf32>, vector<64x128xf32>, vector<8x128xf32> -> vector<8x128xf32>
    %mul3A_3649 = arith.constant 64 : i32
    %mul3A_3650 = arith.muli %arg1, %mul3A_3649 : i32
    %add3A_3651 = arith.constant 47 : i32
    %add3A_3652 = arith.addi %mul3A_3650, %add3A_3651 : i32
    %mul3A_3653 = arith.constant 8 : i32
    %mul3A_3654 = arith.muli %add3A_3652, %mul3A_3653 : i32
    %eq3A_3655 = arith.constant 0 : i32
    %eq3A_3656 = arith.cmpi eq, %arg0, %eq3A_3655 : i32
    %add3A_3657 = arith.addi %mul3A_14, %mul3A_3654 : i32
    %get3A_3658 = arith.index_cast %add3A_3657 : i32 to index
    %get3A_3659 = arith.constant 0 : index
    %get3A_3660 = vector.load %arg11[%get3A_3658, %get3A_3659] : memref<2048x128xf32, #tpu.memory_space<vmem>>, vector<8x128xf32>
    %jit3A_3661 = arith.constant 0.000000e+00 : f32
    %broadcast_in_dim3A_3662 = vector.broadcast %jit3A_3661 : f32 to vector<8x128xf32>
    %select_n3A_3663 = arith.select %eq3A_3656, %broadcast_in_dim3A_3662, %get3A_3660 : vector<8x128xf32>
    %select_n3A_3664 = arith.select %gt3A_3605, %dot_general3A_3648, %select_n3A_3663 : vector<8x128xf32>
    %add3A_3665 = arith.addi %mul3A_34, %mul3A_3654 : i32
    %swap3A_3666 = arith.index_cast %add3A_3665 : i32 to index
    %swap3A_3667 = arith.constant 0 : index
    %swap3A_3668 = vector.load %arg11[%swap3A_3666, %swap3A_3667] : memref<2048x128xf32, #tpu.memory_space<vmem>>, vector<8x128xf32>
    tpu.vector_store %arg11[%swap3A_3666, %swap3A_3667], %select_n3A_3664 {strides = array<i32>} : memref<2048x128xf32, #tpu.memory_space<vmem>>, vector<8x128xf32>,
    %get3A_3669 = arith.constant 0 : index
    %get3A_3670 = arith.constant 48 : index
    %get3A_3671 = arith.constant 0 : index
    %get3A_3672 = arith.constant 0 : index
    %get3A_3673 = memref.load %arg9[%get3A_3669, %get3A_3670, %get3A_3671, %get3A_3672] : memref<1x64x1x2xf32, #tpu.memory_space<smem>>
    %get3A_3674 = arith.constant 0 : index
    %get3A_3675 = arith.constant 48 : index
    %get3A_3676 = arith.constant 0 : index
    %get3A_3677 = arith.constant 1 : index
    %get3A_3678 = memref.load %arg9[%get3A_3674, %get3A_3675, %get3A_3676, %get3A_3677] : memref<1x64x1x2xf32, #tpu.memory_space<smem>>
    %gt3A_3679 = arith.constant 5.000000e-01 : f32
    %gt3A_3680 = arith.cmpf ogt, %get3A_3673, %gt3A_3679 : f32
    %slice3A_3681 = vector.extract_strided_slice %add3A_68 {offsets = [3072, 0], sizes = [64, 128], strides = [1, 1]} : vector<4096x128xf32> to vector<64x128xf32>
    %get3A_3682 = arith.constant 0 : index
    %get3A_3683 = arith.constant 48 : index
    %get3A_3684 = arith.constant 0 : index
    %get3A_3685 = arith.constant 0 : index
    %get3A_3686 = vector.load %arg3[%get3A_3682, %get3A_3683, %get3A_3684, %get3A_3685] : memref<1x64x64x64xf32, #tpu.memory_space<vmem>>, vector<1x1x64x64xf32>
    %get3A_3687 = vector.shape_cast %get3A_3686 : vector<1x1x64x64xf32> to vector<64x64xf32>
    %dot_general3A_3688 = arith.constant dense<0.000000e+00> : vector<64x128xf32>
    %dot_general3A_3689 = tpu.matmul %get3A_3687, %slice3A_3681, %dot_general3A_3688 {dimension_numbers = #tpu.dot_dimension_numbers<[1], [0], [0], [1], [0, 0, 1, 1], [], []>, transpose_lhs_hint = false} : vector<64x64xf32>, vector<64x128xf32>, vector<64x128xf32> -> vector<64x128xf32>
    %mul3A_3690 = arith.constant 64 : i32
    %mul3A_3691 = arith.muli %arg1, %mul3A_3690 : i32
    %mul3A_3692 = arith.constant 64 : i32
    %mul3A_3693 = arith.muli %mul3A_3691, %mul3A_3692 : i32
    %add3A_3694 = arith.constant 3072 : i32
    %add3A_3695 = arith.addi %add3A_3694, %mul3A_3693 : i32
    %eq3A_3696 = arith.constant 0 : i32
    %eq3A_3697 = arith.cmpi eq, %arg0, %eq3A_3696 : i32
    %get3A_3698 = arith.index_cast %add3A_3695 : i32 to index
    %get3A_3699 = arith.constant 0 : index
    %get3A_3700 = vector.load %arg12[%get3A_3698, %get3A_3699] : memref<8192x128xf32, #tpu.memory_space<vmem>>, vector<64x128xf32>
    %jit3A_3701 = arith.constant 0.000000e+00 : f32
    %broadcast_in_dim3A_3702 = vector.broadcast %jit3A_3701 : f32 to vector<64x128xf32>
    %select_n3A_3703 = arith.select %eq3A_3697, %broadcast_in_dim3A_3702, %get3A_3700 : vector<64x128xf32>
    %mul3A_3704 = vector.broadcast %get3A_3673 : f32 to vector<64x128xf32>
    %mul3A_3705 = arith.mulf %mul3A_3704, %dot_general3A_3689 : vector<64x128xf32>
    %add3A_3706 = arith.addf %select_n3A_3703, %mul3A_3705 : vector<64x128xf32>
    %gt3A_3707 = vector.broadcast %get3A_3678 : f32 to vector<64x128xf32>
    %gt3A_3708 = arith.cmpf ogt, %add3A_3706, %gt3A_3707 : vector<64x128xf32>
    %jit3A_3709 = arith.constant 1.000000e+00 : f32
    %jit3A_3710 = arith.constant 0.000000e+00 : f32
    %broadcast_in_dim3A_3711 = vector.broadcast %jit3A_3709 : f32 to vector<64x128xf32>
    %broadcast_in_dim3A_3712 = vector.broadcast %jit3A_3710 : f32 to vector<64x128xf32>
    %select_n3A_3713 = arith.select %gt3A_3708, %broadcast_in_dim3A_3711, %broadcast_in_dim3A_3712 : vector<64x128xi1>, vector<64x128xf32>
    %and3A_3714 = vector.broadcast %gt3A_3680 : i1 to vector<64x128xi1>
    %and3A_3715 = arith.andi %and3A_3714, %gt3A_3708 : vector<64x128xi1>
    %jit3A_3716 = arith.constant 0.000000e+00 : f32
    %broadcast_in_dim3A_3717 = vector.broadcast %jit3A_3716 : f32 to vector<64x128xf32>
    %select_n3A_3718 = arith.select %and3A_3715, %broadcast_in_dim3A_3717, %add3A_3706 : vector<64x128xi1>, vector<64x128xf32>
    %swap3A_3719 = arith.index_cast %add3A_3695 : i32 to index
    %swap3A_3720 = arith.constant 0 : index
    %swap3A_3721 = vector.load %arg12[%swap3A_3719, %swap3A_3720] : memref<8192x128xf32, #tpu.memory_space<vmem>>, vector<64x128xf32>
    tpu.vector_store %arg12[%swap3A_3719, %swap3A_3720], %select_n3A_3718 {strides = array<i32>} : memref<8192x128xf32, #tpu.memory_space<vmem>>, vector<64x128xf32>,
    %dot_general3A_3722 = arith.constant dense<0.000000e+00> : vector<8x128xf32>
    %dot_general3A_3723 = tpu.matmul %get3A_71, %select_n3A_3713, %dot_general3A_3722 {dimension_numbers = #tpu.dot_dimension_numbers<[1], [0], [0], [1], [0, 0, 1, 1], [], []>, transpose_lhs_hint = false} : vector<8x64xf32>, vector<64x128xf32>, vector<8x128xf32> -> vector<8x128xf32>
    %mul3A_3724 = arith.constant 64 : i32
    %mul3A_3725 = arith.muli %arg1, %mul3A_3724 : i32
    %add3A_3726 = arith.constant 48 : i32
    %add3A_3727 = arith.addi %mul3A_3725, %add3A_3726 : i32
    %mul3A_3728 = arith.constant 8 : i32
    %mul3A_3729 = arith.muli %add3A_3727, %mul3A_3728 : i32
    %eq3A_3730 = arith.constant 0 : i32
    %eq3A_3731 = arith.cmpi eq, %arg0, %eq3A_3730 : i32
    %add3A_3732 = arith.addi %mul3A_14, %mul3A_3729 : i32
    %get3A_3733 = arith.index_cast %add3A_3732 : i32 to index
    %get3A_3734 = arith.constant 0 : index
    %get3A_3735 = vector.load %arg11[%get3A_3733, %get3A_3734] : memref<2048x128xf32, #tpu.memory_space<vmem>>, vector<8x128xf32>
    %jit3A_3736 = arith.constant 0.000000e+00 : f32
    %broadcast_in_dim3A_3737 = vector.broadcast %jit3A_3736 : f32 to vector<8x128xf32>
    %select_n3A_3738 = arith.select %eq3A_3731, %broadcast_in_dim3A_3737, %get3A_3735 : vector<8x128xf32>
    %select_n3A_3739 = arith.select %gt3A_3680, %dot_general3A_3723, %select_n3A_3738 : vector<8x128xf32>
    %add3A_3740 = arith.addi %mul3A_34, %mul3A_3729 : i32
    %swap3A_3741 = arith.index_cast %add3A_3740 : i32 to index
    %swap3A_3742 = arith.constant 0 : index
    %swap3A_3743 = vector.load %arg11[%swap3A_3741, %swap3A_3742] : memref<2048x128xf32, #tpu.memory_space<vmem>>, vector<8x128xf32>
    tpu.vector_store %arg11[%swap3A_3741, %swap3A_3742], %select_n3A_3739 {strides = array<i32>} : memref<2048x128xf32, #tpu.memory_space<vmem>>, vector<8x128xf32>,
    %get3A_3744 = arith.constant 0 : index
    %get3A_3745 = arith.constant 49 : index
    %get3A_3746 = arith.constant 0 : index
    %get3A_3747 = arith.constant 0 : index
    %get3A_3748 = memref.load %arg9[%get3A_3744, %get3A_3745, %get3A_3746, %get3A_3747] : memref<1x64x1x2xf32, #tpu.memory_space<smem>>
    %get3A_3749 = arith.constant 0 : index
    %get3A_3750 = arith.constant 49 : index
    %get3A_3751 = arith.constant 0 : index
    %get3A_3752 = arith.constant 1 : index
    %get3A_3753 = memref.load %arg9[%get3A_3749, %get3A_3750, %get3A_3751, %get3A_3752] : memref<1x64x1x2xf32, #tpu.memory_space<smem>>
    %gt3A_3754 = arith.constant 5.000000e-01 : f32
    %gt3A_3755 = arith.cmpf ogt, %get3A_3748, %gt3A_3754 : f32
    %slice3A_3756 = vector.extract_strided_slice %add3A_68 {offsets = [3136, 0], sizes = [64, 128], strides = [1, 1]} : vector<4096x128xf32> to vector<64x128xf32>
    %get3A_3757 = arith.constant 0 : index
    %get3A_3758 = arith.constant 49 : index
    %get3A_3759 = arith.constant 0 : index
    %get3A_3760 = arith.constant 0 : index
    %get3A_3761 = vector.load %arg3[%get3A_3757, %get3A_3758, %get3A_3759, %get3A_3760] : memref<1x64x64x64xf32, #tpu.memory_space<vmem>>, vector<1x1x64x64xf32>
    %get3A_3762 = vector.shape_cast %get3A_3761 : vector<1x1x64x64xf32> to vector<64x64xf32>
    %dot_general3A_3763 = arith.constant dense<0.000000e+00> : vector<64x128xf32>
    %dot_general3A_3764 = tpu.matmul %get3A_3762, %slice3A_3756, %dot_general3A_3763 {dimension_numbers = #tpu.dot_dimension_numbers<[1], [0], [0], [1], [0, 0, 1, 1], [], []>, transpose_lhs_hint = false} : vector<64x64xf32>, vector<64x128xf32>, vector<64x128xf32> -> vector<64x128xf32>
    %mul3A_3765 = arith.constant 64 : i32
    %mul3A_3766 = arith.muli %arg1, %mul3A_3765 : i32
    %mul3A_3767 = arith.constant 64 : i32
    %mul3A_3768 = arith.muli %mul3A_3766, %mul3A_3767 : i32
    %add3A_3769 = arith.constant 3136 : i32
    %add3A_3770 = arith.addi %add3A_3769, %mul3A_3768 : i32
    %eq3A_3771 = arith.constant 0 : i32
    %eq3A_3772 = arith.cmpi eq, %arg0, %eq3A_3771 : i32
    %get3A_3773 = arith.index_cast %add3A_3770 : i32 to index
    %get3A_3774 = arith.constant 0 : index
    %get3A_3775 = vector.load %arg12[%get3A_3773, %get3A_3774] : memref<8192x128xf32, #tpu.memory_space<vmem>>, vector<64x128xf32>
    %jit3A_3776 = arith.constant 0.000000e+00 : f32
    %broadcast_in_dim3A_3777 = vector.broadcast %jit3A_3776 : f32 to vector<64x128xf32>
    %select_n3A_3778 = arith.select %eq3A_3772, %broadcast_in_dim3A_3777, %get3A_3775 : vector<64x128xf32>
    %mul3A_3779 = vector.broadcast %get3A_3748 : f32 to vector<64x128xf32>
    %mul3A_3780 = arith.mulf %mul3A_3779, %dot_general3A_3764 : vector<64x128xf32>
    %add3A_3781 = arith.addf %select_n3A_3778, %mul3A_3780 : vector<64x128xf32>
    %gt3A_3782 = vector.broadcast %get3A_3753 : f32 to vector<64x128xf32>
    %gt3A_3783 = arith.cmpf ogt, %add3A_3781, %gt3A_3782 : vector<64x128xf32>
    %jit3A_3784 = arith.constant 1.000000e+00 : f32
    %jit3A_3785 = arith.constant 0.000000e+00 : f32
    %broadcast_in_dim3A_3786 = vector.broadcast %jit3A_3784 : f32 to vector<64x128xf32>
    %broadcast_in_dim3A_3787 = vector.broadcast %jit3A_3785 : f32 to vector<64x128xf32>
    %select_n3A_3788 = arith.select %gt3A_3783, %broadcast_in_dim3A_3786, %broadcast_in_dim3A_3787 : vector<64x128xi1>, vector<64x128xf32>
    %and3A_3789 = vector.broadcast %gt3A_3755 : i1 to vector<64x128xi1>
    %and3A_3790 = arith.andi %and3A_3789, %gt3A_3783 : vector<64x128xi1>
    %jit3A_3791 = arith.constant 0.000000e+00 : f32
    %broadcast_in_dim3A_3792 = vector.broadcast %jit3A_3791 : f32 to vector<64x128xf32>
    %select_n3A_3793 = arith.select %and3A_3790, %broadcast_in_dim3A_3792, %add3A_3781 : vector<64x128xi1>, vector<64x128xf32>
    %swap3A_3794 = arith.index_cast %add3A_3770 : i32 to index
    %swap3A_3795 = arith.constant 0 : index
    %swap3A_3796 = vector.load %arg12[%swap3A_3794, %swap3A_3795] : memref<8192x128xf32, #tpu.memory_space<vmem>>, vector<64x128xf32>
    tpu.vector_store %arg12[%swap3A_3794, %swap3A_3795], %select_n3A_3793 {strides = array<i32>} : memref<8192x128xf32, #tpu.memory_space<vmem>>, vector<64x128xf32>,
    %dot_general3A_3797 = arith.constant dense<0.000000e+00> : vector<8x128xf32>
    %dot_general3A_3798 = tpu.matmul %get3A_71, %select_n3A_3788, %dot_general3A_3797 {dimension_numbers = #tpu.dot_dimension_numbers<[1], [0], [0], [1], [0, 0, 1, 1], [], []>, transpose_lhs_hint = false} : vector<8x64xf32>, vector<64x128xf32>, vector<8x128xf32> -> vector<8x128xf32>
    %mul3A_3799 = arith.constant 64 : i32
    %mul3A_3800 = arith.muli %arg1, %mul3A_3799 : i32
    %add3A_3801 = arith.constant 49 : i32
    %add3A_3802 = arith.addi %mul3A_3800, %add3A_3801 : i32
    %mul3A_3803 = arith.constant 8 : i32
    %mul3A_3804 = arith.muli %add3A_3802, %mul3A_3803 : i32
    %eq3A_3805 = arith.constant 0 : i32
    %eq3A_3806 = arith.cmpi eq, %arg0, %eq3A_3805 : i32
    %add3A_3807 = arith.addi %mul3A_14, %mul3A_3804 : i32
    %get3A_3808 = arith.index_cast %add3A_3807 : i32 to index
    %get3A_3809 = arith.constant 0 : index
    %get3A_3810 = vector.load %arg11[%get3A_3808, %get3A_3809] : memref<2048x128xf32, #tpu.memory_space<vmem>>, vector<8x128xf32>
    %jit3A_3811 = arith.constant 0.000000e+00 : f32
    %broadcast_in_dim3A_3812 = vector.broadcast %jit3A_3811 : f32 to vector<8x128xf32>
    %select_n3A_3813 = arith.select %eq3A_3806, %broadcast_in_dim3A_3812, %get3A_3810 : vector<8x128xf32>
    %select_n3A_3814 = arith.select %gt3A_3755, %dot_general3A_3798, %select_n3A_3813 : vector<8x128xf32>
    %add3A_3815 = arith.addi %mul3A_34, %mul3A_3804 : i32
    %swap3A_3816 = arith.index_cast %add3A_3815 : i32 to index
    %swap3A_3817 = arith.constant 0 : index
    %swap3A_3818 = vector.load %arg11[%swap3A_3816, %swap3A_3817] : memref<2048x128xf32, #tpu.memory_space<vmem>>, vector<8x128xf32>
    tpu.vector_store %arg11[%swap3A_3816, %swap3A_3817], %select_n3A_3814 {strides = array<i32>} : memref<2048x128xf32, #tpu.memory_space<vmem>>, vector<8x128xf32>,
    %get3A_3819 = arith.constant 0 : index
    %get3A_3820 = arith.constant 50 : index
    %get3A_3821 = arith.constant 0 : index
    %get3A_3822 = arith.constant 0 : index
    %get3A_3823 = memref.load %arg9[%get3A_3819, %get3A_3820, %get3A_3821, %get3A_3822] : memref<1x64x1x2xf32, #tpu.memory_space<smem>>
    %get3A_3824 = arith.constant 0 : index
    %get3A_3825 = arith.constant 50 : index
    %get3A_3826 = arith.constant 0 : index
    %get3A_3827 = arith.constant 1 : index
    %get3A_3828 = memref.load %arg9[%get3A_3824, %get3A_3825, %get3A_3826, %get3A_3827] : memref<1x64x1x2xf32, #tpu.memory_space<smem>>
    %gt3A_3829 = arith.constant 5.000000e-01 : f32
    %gt3A_3830 = arith.cmpf ogt, %get3A_3823, %gt3A_3829 : f32
    %slice3A_3831 = vector.extract_strided_slice %add3A_68 {offsets = [3200, 0], sizes = [64, 128], strides = [1, 1]} : vector<4096x128xf32> to vector<64x128xf32>
    %get3A_3832 = arith.constant 0 : index
    %get3A_3833 = arith.constant 50 : index
    %get3A_3834 = arith.constant 0 : index
    %get3A_3835 = arith.constant 0 : index
    %get3A_3836 = vector.load %arg3[%get3A_3832, %get3A_3833, %get3A_3834, %get3A_3835] : memref<1x64x64x64xf32, #tpu.memory_space<vmem>>, vector<1x1x64x64xf32>
    %get3A_3837 = vector.shape_cast %get3A_3836 : vector<1x1x64x64xf32> to vector<64x64xf32>
    %dot_general3A_3838 = arith.constant dense<0.000000e+00> : vector<64x128xf32>
    %dot_general3A_3839 = tpu.matmul %get3A_3837, %slice3A_3831, %dot_general3A_3838 {dimension_numbers = #tpu.dot_dimension_numbers<[1], [0], [0], [1], [0, 0, 1, 1], [], []>, transpose_lhs_hint = false} : vector<64x64xf32>, vector<64x128xf32>, vector<64x128xf32> -> vector<64x128xf32>
    %mul3A_3840 = arith.constant 64 : i32
    %mul3A_3841 = arith.muli %arg1, %mul3A_3840 : i32
    %mul3A_3842 = arith.constant 64 : i32
    %mul3A_3843 = arith.muli %mul3A_3841, %mul3A_3842 : i32
    %add3A_3844 = arith.constant 3200 : i32
    %add3A_3845 = arith.addi %add3A_3844, %mul3A_3843 : i32
    %eq3A_3846 = arith.constant 0 : i32
    %eq3A_3847 = arith.cmpi eq, %arg0, %eq3A_3846 : i32
    %get3A_3848 = arith.index_cast %add3A_3845 : i32 to index
    %get3A_3849 = arith.constant 0 : index
    %get3A_3850 = vector.load %arg12[%get3A_3848, %get3A_3849] : memref<8192x128xf32, #tpu.memory_space<vmem>>, vector<64x128xf32>
    %jit3A_3851 = arith.constant 0.000000e+00 : f32
    %broadcast_in_dim3A_3852 = vector.broadcast %jit3A_3851 : f32 to vector<64x128xf32>
    %select_n3A_3853 = arith.select %eq3A_3847, %broadcast_in_dim3A_3852, %get3A_3850 : vector<64x128xf32>
    %mul3A_3854 = vector.broadcast %get3A_3823 : f32 to vector<64x128xf32>
    %mul3A_3855 = arith.mulf %mul3A_3854, %dot_general3A_3839 : vector<64x128xf32>
    %add3A_3856 = arith.addf %select_n3A_3853, %mul3A_3855 : vector<64x128xf32>
    %gt3A_3857 = vector.broadcast %get3A_3828 : f32 to vector<64x128xf32>
    %gt3A_3858 = arith.cmpf ogt, %add3A_3856, %gt3A_3857 : vector<64x128xf32>
    %jit3A_3859 = arith.constant 1.000000e+00 : f32
    %jit3A_3860 = arith.constant 0.000000e+00 : f32
    %broadcast_in_dim3A_3861 = vector.broadcast %jit3A_3859 : f32 to vector<64x128xf32>
    %broadcast_in_dim3A_3862 = vector.broadcast %jit3A_3860 : f32 to vector<64x128xf32>
    %select_n3A_3863 = arith.select %gt3A_3858, %broadcast_in_dim3A_3861, %broadcast_in_dim3A_3862 : vector<64x128xi1>, vector<64x128xf32>
    %and3A_3864 = vector.broadcast %gt3A_3830 : i1 to vector<64x128xi1>
    %and3A_3865 = arith.andi %and3A_3864, %gt3A_3858 : vector<64x128xi1>
    %jit3A_3866 = arith.constant 0.000000e+00 : f32
    %broadcast_in_dim3A_3867 = vector.broadcast %jit3A_3866 : f32 to vector<64x128xf32>
    %select_n3A_3868 = arith.select %and3A_3865, %broadcast_in_dim3A_3867, %add3A_3856 : vector<64x128xi1>, vector<64x128xf32>
    %swap3A_3869 = arith.index_cast %add3A_3845 : i32 to index
    %swap3A_3870 = arith.constant 0 : index
    %swap3A_3871 = vector.load %arg12[%swap3A_3869, %swap3A_3870] : memref<8192x128xf32, #tpu.memory_space<vmem>>, vector<64x128xf32>
    tpu.vector_store %arg12[%swap3A_3869, %swap3A_3870], %select_n3A_3868 {strides = array<i32>} : memref<8192x128xf32, #tpu.memory_space<vmem>>, vector<64x128xf32>,
    %dot_general3A_3872 = arith.constant dense<0.000000e+00> : vector<8x128xf32>
    %dot_general3A_3873 = tpu.matmul %get3A_71, %select_n3A_3863, %dot_general3A_3872 {dimension_numbers = #tpu.dot_dimension_numbers<[1], [0], [0], [1], [0, 0, 1, 1], [], []>, transpose_lhs_hint = false} : vector<8x64xf32>, vector<64x128xf32>, vector<8x128xf32> -> vector<8x128xf32>
    %mul3A_3874 = arith.constant 64 : i32
    %mul3A_3875 = arith.muli %arg1, %mul3A_3874 : i32
    %add3A_3876 = arith.constant 50 : i32
    %add3A_3877 = arith.addi %mul3A_3875, %add3A_3876 : i32
    %mul3A_3878 = arith.constant 8 : i32
    %mul3A_3879 = arith.muli %add3A_3877, %mul3A_3878 : i32
    %eq3A_3880 = arith.constant 0 : i32
    %eq3A_3881 = arith.cmpi eq, %arg0, %eq3A_3880 : i32
    %add3A_3882 = arith.addi %mul3A_14, %mul3A_3879 : i32
    %get3A_3883 = arith.index_cast %add3A_3882 : i32 to index
    %get3A_3884 = arith.constant 0 : index
    %get3A_3885 = vector.load %arg11[%get3A_3883, %get3A_3884] : memref<2048x128xf32, #tpu.memory_space<vmem>>, vector<8x128xf32>
    %jit3A_3886 = arith.constant 0.000000e+00 : f32
    %broadcast_in_dim3A_3887 = vector.broadcast %jit3A_3886 : f32 to vector<8x128xf32>
    %select_n3A_3888 = arith.select %eq3A_3881, %broadcast_in_dim3A_3887, %get3A_3885 : vector<8x128xf32>
    %select_n3A_3889 = arith.select %gt3A_3830, %dot_general3A_3873, %select_n3A_3888 : vector<8x128xf32>
    %add3A_3890 = arith.addi %mul3A_34, %mul3A_3879 : i32
    %swap3A_3891 = arith.index_cast %add3A_3890 : i32 to index
    %swap3A_3892 = arith.constant 0 : index
    %swap3A_3893 = vector.load %arg11[%swap3A_3891, %swap3A_3892] : memref<2048x128xf32, #tpu.memory_space<vmem>>, vector<8x128xf32>
    tpu.vector_store %arg11[%swap3A_3891, %swap3A_3892], %select_n3A_3889 {strides = array<i32>} : memref<2048x128xf32, #tpu.memory_space<vmem>>, vector<8x128xf32>,
    %get3A_3894 = arith.constant 0 : index
    %get3A_3895 = arith.constant 51 : index
    %get3A_3896 = arith.constant 0 : index
    %get3A_3897 = arith.constant 0 : index
    %get3A_3898 = memref.load %arg9[%get3A_3894, %get3A_3895, %get3A_3896, %get3A_3897] : memref<1x64x1x2xf32, #tpu.memory_space<smem>>
    %get3A_3899 = arith.constant 0 : index
    %get3A_3900 = arith.constant 51 : index
    %get3A_3901 = arith.constant 0 : index
    %get3A_3902 = arith.constant 1 : index
    %get3A_3903 = memref.load %arg9[%get3A_3899, %get3A_3900, %get3A_3901, %get3A_3902] : memref<1x64x1x2xf32, #tpu.memory_space<smem>>
    %gt3A_3904 = arith.constant 5.000000e-01 : f32
    %gt3A_3905 = arith.cmpf ogt, %get3A_3898, %gt3A_3904 : f32
    %slice3A_3906 = vector.extract_strided_slice %add3A_68 {offsets = [3264, 0], sizes = [64, 128], strides = [1, 1]} : vector<4096x128xf32> to vector<64x128xf32>
    %get3A_3907 = arith.constant 0 : index
    %get3A_3908 = arith.constant 51 : index
    %get3A_3909 = arith.constant 0 : index
    %get3A_3910 = arith.constant 0 : index
    %get3A_3911 = vector.load %arg3[%get3A_3907, %get3A_3908, %get3A_3909, %get3A_3910] : memref<1x64x64x64xf32, #tpu.memory_space<vmem>>, vector<1x1x64x64xf32>
    %get3A_3912 = vector.shape_cast %get3A_3911 : vector<1x1x64x64xf32> to vector<64x64xf32>
    %dot_general3A_3913 = arith.constant dense<0.000000e+00> : vector<64x128xf32>
    %dot_general3A_3914 = tpu.matmul %get3A_3912, %slice3A_3906, %dot_general3A_3913 {dimension_numbers = #tpu.dot_dimension_numbers<[1], [0], [0], [1], [0, 0, 1, 1], [], []>, transpose_lhs_hint = false} : vector<64x64xf32>, vector<64x128xf32>, vector<64x128xf32> -> vector<64x128xf32>
    %mul3A_3915 = arith.constant 64 : i32
    %mul3A_3916 = arith.muli %arg1, %mul3A_3915 : i32
    %mul3A_3917 = arith.constant 64 : i32
    %mul3A_3918 = arith.muli %mul3A_3916, %mul3A_3917 : i32
    %add3A_3919 = arith.constant 3264 : i32
    %add3A_3920 = arith.addi %add3A_3919, %mul3A_3918 : i32
    %eq3A_3921 = arith.constant 0 : i32
    %eq3A_3922 = arith.cmpi eq, %arg0, %eq3A_3921 : i32
    %get3A_3923 = arith.index_cast %add3A_3920 : i32 to index
    %get3A_3924 = arith.constant 0 : index
    %get3A_3925 = vector.load %arg12[%get3A_3923, %get3A_3924] : memref<8192x128xf32, #tpu.memory_space<vmem>>, vector<64x128xf32>
    %jit3A_3926 = arith.constant 0.000000e+00 : f32
    %broadcast_in_dim3A_3927 = vector.broadcast %jit3A_3926 : f32 to vector<64x128xf32>
    %select_n3A_3928 = arith.select %eq3A_3922, %broadcast_in_dim3A_3927, %get3A_3925 : vector<64x128xf32>
    %mul3A_3929 = vector.broadcast %get3A_3898 : f32 to vector<64x128xf32>
    %mul3A_3930 = arith.mulf %mul3A_3929, %dot_general3A_3914 : vector<64x128xf32>
    %add3A_3931 = arith.addf %select_n3A_3928, %mul3A_3930 : vector<64x128xf32>
    %gt3A_3932 = vector.broadcast %get3A_3903 : f32 to vector<64x128xf32>
    %gt3A_3933 = arith.cmpf ogt, %add3A_3931, %gt3A_3932 : vector<64x128xf32>
    %jit3A_3934 = arith.constant 1.000000e+00 : f32
    %jit3A_3935 = arith.constant 0.000000e+00 : f32
    %broadcast_in_dim3A_3936 = vector.broadcast %jit3A_3934 : f32 to vector<64x128xf32>
    %broadcast_in_dim3A_3937 = vector.broadcast %jit3A_3935 : f32 to vector<64x128xf32>
    %select_n3A_3938 = arith.select %gt3A_3933, %broadcast_in_dim3A_3936, %broadcast_in_dim3A_3937 : vector<64x128xi1>, vector<64x128xf32>
    %and3A_3939 = vector.broadcast %gt3A_3905 : i1 to vector<64x128xi1>
    %and3A_3940 = arith.andi %and3A_3939, %gt3A_3933 : vector<64x128xi1>
    %jit3A_3941 = arith.constant 0.000000e+00 : f32
    %broadcast_in_dim3A_3942 = vector.broadcast %jit3A_3941 : f32 to vector<64x128xf32>
    %select_n3A_3943 = arith.select %and3A_3940, %broadcast_in_dim3A_3942, %add3A_3931 : vector<64x128xi1>, vector<64x128xf32>
    %swap3A_3944 = arith.index_cast %add3A_3920 : i32 to index
    %swap3A_3945 = arith.constant 0 : index
    %swap3A_3946 = vector.load %arg12[%swap3A_3944, %swap3A_3945] : memref<8192x128xf32, #tpu.memory_space<vmem>>, vector<64x128xf32>
    tpu.vector_store %arg12[%swap3A_3944, %swap3A_3945], %select_n3A_3943 {strides = array<i32>} : memref<8192x128xf32, #tpu.memory_space<vmem>>, vector<64x128xf32>,
    %dot_general3A_3947 = arith.constant dense<0.000000e+00> : vector<8x128xf32>
    %dot_general3A_3948 = tpu.matmul %get3A_71, %select_n3A_3938, %dot_general3A_3947 {dimension_numbers = #tpu.dot_dimension_numbers<[1], [0], [0], [1], [0, 0, 1, 1], [], []>, transpose_lhs_hint = false} : vector<8x64xf32>, vector<64x128xf32>, vector<8x128xf32> -> vector<8x128xf32>
    %mul3A_3949 = arith.constant 64 : i32
    %mul3A_3950 = arith.muli %arg1, %mul3A_3949 : i32
    %add3A_3951 = arith.constant 51 : i32
    %add3A_3952 = arith.addi %mul3A_3950, %add3A_3951 : i32
    %mul3A_3953 = arith.constant 8 : i32
    %mul3A_3954 = arith.muli %add3A_3952, %mul3A_3953 : i32
    %eq3A_3955 = arith.constant 0 : i32
    %eq3A_3956 = arith.cmpi eq, %arg0, %eq3A_3955 : i32
    %add3A_3957 = arith.addi %mul3A_14, %mul3A_3954 : i32
    %get3A_3958 = arith.index_cast %add3A_3957 : i32 to index
    %get3A_3959 = arith.constant 0 : index
    %get3A_3960 = vector.load %arg11[%get3A_3958, %get3A_3959] : memref<2048x128xf32, #tpu.memory_space<vmem>>, vector<8x128xf32>
    %jit3A_3961 = arith.constant 0.000000e+00 : f32
    %broadcast_in_dim3A_3962 = vector.broadcast %jit3A_3961 : f32 to vector<8x128xf32>
    %select_n3A_3963 = arith.select %eq3A_3956, %broadcast_in_dim3A_3962, %get3A_3960 : vector<8x128xf32>
    %select_n3A_3964 = arith.select %gt3A_3905, %dot_general3A_3948, %select_n3A_3963 : vector<8x128xf32>
    %add3A_3965 = arith.addi %mul3A_34, %mul3A_3954 : i32
    %swap3A_3966 = arith.index_cast %add3A_3965 : i32 to index
    %swap3A_3967 = arith.constant 0 : index
    %swap3A_3968 = vector.load %arg11[%swap3A_3966, %swap3A_3967] : memref<2048x128xf32, #tpu.memory_space<vmem>>, vector<8x128xf32>
    tpu.vector_store %arg11[%swap3A_3966, %swap3A_3967], %select_n3A_3964 {strides = array<i32>} : memref<2048x128xf32, #tpu.memory_space<vmem>>, vector<8x128xf32>,
    %get3A_3969 = arith.constant 0 : index
    %get3A_3970 = arith.constant 52 : index
    %get3A_3971 = arith.constant 0 : index
    %get3A_3972 = arith.constant 0 : index
    %get3A_3973 = memref.load %arg9[%get3A_3969, %get3A_3970, %get3A_3971, %get3A_3972] : memref<1x64x1x2xf32, #tpu.memory_space<smem>>
    %get3A_3974 = arith.constant 0 : index
    %get3A_3975 = arith.constant 52 : index
    %get3A_3976 = arith.constant 0 : index
    %get3A_3977 = arith.constant 1 : index
    %get3A_3978 = memref.load %arg9[%get3A_3974, %get3A_3975, %get3A_3976, %get3A_3977] : memref<1x64x1x2xf32, #tpu.memory_space<smem>>
    %gt3A_3979 = arith.constant 5.000000e-01 : f32
    %gt3A_3980 = arith.cmpf ogt, %get3A_3973, %gt3A_3979 : f32
    %slice3A_3981 = vector.extract_strided_slice %add3A_68 {offsets = [3328, 0], sizes = [64, 128], strides = [1, 1]} : vector<4096x128xf32> to vector<64x128xf32>
    %get3A_3982 = arith.constant 0 : index
    %get3A_3983 = arith.constant 52 : index
    %get3A_3984 = arith.constant 0 : index
    %get3A_3985 = arith.constant 0 : index
    %get3A_3986 = vector.load %arg3[%get3A_3982, %get3A_3983, %get3A_3984, %get3A_3985] : memref<1x64x64x64xf32, #tpu.memory_space<vmem>>, vector<1x1x64x64xf32>
    %get3A_3987 = vector.shape_cast %get3A_3986 : vector<1x1x64x64xf32> to vector<64x64xf32>
    %dot_general3A_3988 = arith.constant dense<0.000000e+00> : vector<64x128xf32>
    %dot_general3A_3989 = tpu.matmul %get3A_3987, %slice3A_3981, %dot_general3A_3988 {dimension_numbers = #tpu.dot_dimension_numbers<[1], [0], [0], [1], [0, 0, 1, 1], [], []>, transpose_lhs_hint = false} : vector<64x64xf32>, vector<64x128xf32>, vector<64x128xf32> -> vector<64x128xf32>
    %mul3A_3990 = arith.constant 64 : i32
    %mul3A_3991 = arith.muli %arg1, %mul3A_3990 : i32
    %mul3A_3992 = arith.constant 64 : i32
    %mul3A_3993 = arith.muli %mul3A_3991, %mul3A_3992 : i32
    %add3A_3994 = arith.constant 3328 : i32
    %add3A_3995 = arith.addi %add3A_3994, %mul3A_3993 : i32
    %eq3A_3996 = arith.constant 0 : i32
    %eq3A_3997 = arith.cmpi eq, %arg0, %eq3A_3996 : i32
    %get3A_3998 = arith.index_cast %add3A_3995 : i32 to index
    %get3A_3999 = arith.constant 0 : index
    %get3A_4000 = vector.load %arg12[%get3A_3998, %get3A_3999] : memref<8192x128xf32, #tpu.memory_space<vmem>>, vector<64x128xf32>
    %jit3A_4001 = arith.constant 0.000000e+00 : f32
    %broadcast_in_dim3A_4002 = vector.broadcast %jit3A_4001 : f32 to vector<64x128xf32>
    %select_n3A_4003 = arith.select %eq3A_3997, %broadcast_in_dim3A_4002, %get3A_4000 : vector<64x128xf32>
    %mul3A_4004 = vector.broadcast %get3A_3973 : f32 to vector<64x128xf32>
    %mul3A_4005 = arith.mulf %mul3A_4004, %dot_general3A_3989 : vector<64x128xf32>
    %add3A_4006 = arith.addf %select_n3A_4003, %mul3A_4005 : vector<64x128xf32>
    %gt3A_4007 = vector.broadcast %get3A_3978 : f32 to vector<64x128xf32>
    %gt3A_4008 = arith.cmpf ogt, %add3A_4006, %gt3A_4007 : vector<64x128xf32>
    %jit3A_4009 = arith.constant 1.000000e+00 : f32
    %jit3A_4010 = arith.constant 0.000000e+00 : f32
    %broadcast_in_dim3A_4011 = vector.broadcast %jit3A_4009 : f32 to vector<64x128xf32>
    %broadcast_in_dim3A_4012 = vector.broadcast %jit3A_4010 : f32 to vector<64x128xf32>
    %select_n3A_4013 = arith.select %gt3A_4008, %broadcast_in_dim3A_4011, %broadcast_in_dim3A_4012 : vector<64x128xi1>, vector<64x128xf32>
    %and3A_4014 = vector.broadcast %gt3A_3980 : i1 to vector<64x128xi1>
    %and3A_4015 = arith.andi %and3A_4014, %gt3A_4008 : vector<64x128xi1>
    %jit3A_4016 = arith.constant 0.000000e+00 : f32
    %broadcast_in_dim3A_4017 = vector.broadcast %jit3A_4016 : f32 to vector<64x128xf32>
    %select_n3A_4018 = arith.select %and3A_4015, %broadcast_in_dim3A_4017, %add3A_4006 : vector<64x128xi1>, vector<64x128xf32>
    %swap3A_4019 = arith.index_cast %add3A_3995 : i32 to index
    %swap3A_4020 = arith.constant 0 : index
    %swap3A_4021 = vector.load %arg12[%swap3A_4019, %swap3A_4020] : memref<8192x128xf32, #tpu.memory_space<vmem>>, vector<64x128xf32>
    tpu.vector_store %arg12[%swap3A_4019, %swap3A_4020], %select_n3A_4018 {strides = array<i32>} : memref<8192x128xf32, #tpu.memory_space<vmem>>, vector<64x128xf32>,
    %dot_general3A_4022 = arith.constant dense<0.000000e+00> : vector<8x128xf32>
    %dot_general3A_4023 = tpu.matmul %get3A_71, %select_n3A_4013, %dot_general3A_4022 {dimension_numbers = #tpu.dot_dimension_numbers<[1], [0], [0], [1], [0, 0, 1, 1], [], []>, transpose_lhs_hint = false} : vector<8x64xf32>, vector<64x128xf32>, vector<8x128xf32> -> vector<8x128xf32>
    %mul3A_4024 = arith.constant 64 : i32
    %mul3A_4025 = arith.muli %arg1, %mul3A_4024 : i32
    %add3A_4026 = arith.constant 52 : i32
    %add3A_4027 = arith.addi %mul3A_4025, %add3A_4026 : i32
    %mul3A_4028 = arith.constant 8 : i32
    %mul3A_4029 = arith.muli %add3A_4027, %mul3A_4028 : i32
    %eq3A_4030 = arith.constant 0 : i32
    %eq3A_4031 = arith.cmpi eq, %arg0, %eq3A_4030 : i32
    %add3A_4032 = arith.addi %mul3A_14, %mul3A_4029 : i32
    %get3A_4033 = arith.index_cast %add3A_4032 : i32 to index
    %get3A_4034 = arith.constant 0 : index
    %get3A_4035 = vector.load %arg11[%get3A_4033, %get3A_4034] : memref<2048x128xf32, #tpu.memory_space<vmem>>, vector<8x128xf32>
    %jit3A_4036 = arith.constant 0.000000e+00 : f32
    %broadcast_in_dim3A_4037 = vector.broadcast %jit3A_4036 : f32 to vector<8x128xf32>
    %select_n3A_4038 = arith.select %eq3A_4031, %broadcast_in_dim3A_4037, %get3A_4035 : vector<8x128xf32>
    %select_n3A_4039 = arith.select %gt3A_3980, %dot_general3A_4023, %select_n3A_4038 : vector<8x128xf32>
    %add3A_4040 = arith.addi %mul3A_34, %mul3A_4029 : i32
    %swap3A_4041 = arith.index_cast %add3A_4040 : i32 to index
    %swap3A_4042 = arith.constant 0 : index
    %swap3A_4043 = vector.load %arg11[%swap3A_4041, %swap3A_4042] : memref<2048x128xf32, #tpu.memory_space<vmem>>, vector<8x128xf32>
    tpu.vector_store %arg11[%swap3A_4041, %swap3A_4042], %select_n3A_4039 {strides = array<i32>} : memref<2048x128xf32, #tpu.memory_space<vmem>>, vector<8x128xf32>,
    %get3A_4044 = arith.constant 0 : index
    %get3A_4045 = arith.constant 53 : index
    %get3A_4046 = arith.constant 0 : index
    %get3A_4047 = arith.constant 0 : index
    %get3A_4048 = memref.load %arg9[%get3A_4044, %get3A_4045, %get3A_4046, %get3A_4047] : memref<1x64x1x2xf32, #tpu.memory_space<smem>>
    %get3A_4049 = arith.constant 0 : index
    %get3A_4050 = arith.constant 53 : index
    %get3A_4051 = arith.constant 0 : index
    %get3A_4052 = arith.constant 1 : index
    %get3A_4053 = memref.load %arg9[%get3A_4049, %get3A_4050, %get3A_4051, %get3A_4052] : memref<1x64x1x2xf32, #tpu.memory_space<smem>>
    %gt3A_4054 = arith.constant 5.000000e-01 : f32
    %gt3A_4055 = arith.cmpf ogt, %get3A_4048, %gt3A_4054 : f32
    %slice3A_4056 = vector.extract_strided_slice %add3A_68 {offsets = [3392, 0], sizes = [64, 128], strides = [1, 1]} : vector<4096x128xf32> to vector<64x128xf32>
    %get3A_4057 = arith.constant 0 : index
    %get3A_4058 = arith.constant 53 : index
    %get3A_4059 = arith.constant 0 : index
    %get3A_4060 = arith.constant 0 : index
    %get3A_4061 = vector.load %arg3[%get3A_4057, %get3A_4058, %get3A_4059, %get3A_4060] : memref<1x64x64x64xf32, #tpu.memory_space<vmem>>, vector<1x1x64x64xf32>
    %get3A_4062 = vector.shape_cast %get3A_4061 : vector<1x1x64x64xf32> to vector<64x64xf32>
    %dot_general3A_4063 = arith.constant dense<0.000000e+00> : vector<64x128xf32>
    %dot_general3A_4064 = tpu.matmul %get3A_4062, %slice3A_4056, %dot_general3A_4063 {dimension_numbers = #tpu.dot_dimension_numbers<[1], [0], [0], [1], [0, 0, 1, 1], [], []>, transpose_lhs_hint = false} : vector<64x64xf32>, vector<64x128xf32>, vector<64x128xf32> -> vector<64x128xf32>
    %mul3A_4065 = arith.constant 64 : i32
    %mul3A_4066 = arith.muli %arg1, %mul3A_4065 : i32
    %mul3A_4067 = arith.constant 64 : i32
    %mul3A_4068 = arith.muli %mul3A_4066, %mul3A_4067 : i32
    %add3A_4069 = arith.constant 3392 : i32
    %add3A_4070 = arith.addi %add3A_4069, %mul3A_4068 : i32
    %eq3A_4071 = arith.constant 0 : i32
    %eq3A_4072 = arith.cmpi eq, %arg0, %eq3A_4071 : i32
    %get3A_4073 = arith.index_cast %add3A_4070 : i32 to index
    %get3A_4074 = arith.constant 0 : index
    %get3A_4075 = vector.load %arg12[%get3A_4073, %get3A_4074] : memref<8192x128xf32, #tpu.memory_space<vmem>>, vector<64x128xf32>
    %jit3A_4076 = arith.constant 0.000000e+00 : f32
    %broadcast_in_dim3A_4077 = vector.broadcast %jit3A_4076 : f32 to vector<64x128xf32>
    %select_n3A_4078 = arith.select %eq3A_4072, %broadcast_in_dim3A_4077, %get3A_4075 : vector<64x128xf32>
    %mul3A_4079 = vector.broadcast %get3A_4048 : f32 to vector<64x128xf32>
    %mul3A_4080 = arith.mulf %mul3A_4079, %dot_general3A_4064 : vector<64x128xf32>
    %add3A_4081 = arith.addf %select_n3A_4078, %mul3A_4080 : vector<64x128xf32>
    %gt3A_4082 = vector.broadcast %get3A_4053 : f32 to vector<64x128xf32>
    %gt3A_4083 = arith.cmpf ogt, %add3A_4081, %gt3A_4082 : vector<64x128xf32>
    %jit3A_4084 = arith.constant 1.000000e+00 : f32
    %jit3A_4085 = arith.constant 0.000000e+00 : f32
    %broadcast_in_dim3A_4086 = vector.broadcast %jit3A_4084 : f32 to vector<64x128xf32>
    %broadcast_in_dim3A_4087 = vector.broadcast %jit3A_4085 : f32 to vector<64x128xf32>
    %select_n3A_4088 = arith.select %gt3A_4083, %broadcast_in_dim3A_4086, %broadcast_in_dim3A_4087 : vector<64x128xi1>, vector<64x128xf32>
    %and3A_4089 = vector.broadcast %gt3A_4055 : i1 to vector<64x128xi1>
    %and3A_4090 = arith.andi %and3A_4089, %gt3A_4083 : vector<64x128xi1>
    %jit3A_4091 = arith.constant 0.000000e+00 : f32
    %broadcast_in_dim3A_4092 = vector.broadcast %jit3A_4091 : f32 to vector<64x128xf32>
    %select_n3A_4093 = arith.select %and3A_4090, %broadcast_in_dim3A_4092, %add3A_4081 : vector<64x128xi1>, vector<64x128xf32>
    %swap3A_4094 = arith.index_cast %add3A_4070 : i32 to index
    %swap3A_4095 = arith.constant 0 : index
    %swap3A_4096 = vector.load %arg12[%swap3A_4094, %swap3A_4095] : memref<8192x128xf32, #tpu.memory_space<vmem>>, vector<64x128xf32>
    tpu.vector_store %arg12[%swap3A_4094, %swap3A_4095], %select_n3A_4093 {strides = array<i32>} : memref<8192x128xf32, #tpu.memory_space<vmem>>, vector<64x128xf32>,
    %dot_general3A_4097 = arith.constant dense<0.000000e+00> : vector<8x128xf32>
    %dot_general3A_4098 = tpu.matmul %get3A_71, %select_n3A_4088, %dot_general3A_4097 {dimension_numbers = #tpu.dot_dimension_numbers<[1], [0], [0], [1], [0, 0, 1, 1], [], []>, transpose_lhs_hint = false} : vector<8x64xf32>, vector<64x128xf32>, vector<8x128xf32> -> vector<8x128xf32>
    %mul3A_4099 = arith.constant 64 : i32
    %mul3A_4100 = arith.muli %arg1, %mul3A_4099 : i32
    %add3A_4101 = arith.constant 53 : i32
    %add3A_4102 = arith.addi %mul3A_4100, %add3A_4101 : i32
    %mul3A_4103 = arith.constant 8 : i32
    %mul3A_4104 = arith.muli %add3A_4102, %mul3A_4103 : i32
    %eq3A_4105 = arith.constant 0 : i32
    %eq3A_4106 = arith.cmpi eq, %arg0, %eq3A_4105 : i32
    %add3A_4107 = arith.addi %mul3A_14, %mul3A_4104 : i32
    %get3A_4108 = arith.index_cast %add3A_4107 : i32 to index
    %get3A_4109 = arith.constant 0 : index
    %get3A_4110 = vector.load %arg11[%get3A_4108, %get3A_4109] : memref<2048x128xf32, #tpu.memory_space<vmem>>, vector<8x128xf32>
    %jit3A_4111 = arith.constant 0.000000e+00 : f32
    %broadcast_in_dim3A_4112 = vector.broadcast %jit3A_4111 : f32 to vector<8x128xf32>
    %select_n3A_4113 = arith.select %eq3A_4106, %broadcast_in_dim3A_4112, %get3A_4110 : vector<8x128xf32>
    %select_n3A_4114 = arith.select %gt3A_4055, %dot_general3A_4098, %select_n3A_4113 : vector<8x128xf32>
    %add3A_4115 = arith.addi %mul3A_34, %mul3A_4104 : i32
    %swap3A_4116 = arith.index_cast %add3A_4115 : i32 to index
    %swap3A_4117 = arith.constant 0 : index
    %swap3A_4118 = vector.load %arg11[%swap3A_4116, %swap3A_4117] : memref<2048x128xf32, #tpu.memory_space<vmem>>, vector<8x128xf32>
    tpu.vector_store %arg11[%swap3A_4116, %swap3A_4117], %select_n3A_4114 {strides = array<i32>} : memref<2048x128xf32, #tpu.memory_space<vmem>>, vector<8x128xf32>,
    %get3A_4119 = arith.constant 0 : index
    %get3A_4120 = arith.constant 54 : index
    %get3A_4121 = arith.constant 0 : index
    %get3A_4122 = arith.constant 0 : index
    %get3A_4123 = memref.load %arg9[%get3A_4119, %get3A_4120, %get3A_4121, %get3A_4122] : memref<1x64x1x2xf32, #tpu.memory_space<smem>>
    %get3A_4124 = arith.constant 0 : index
    %get3A_4125 = arith.constant 54 : index
    %get3A_4126 = arith.constant 0 : index
    %get3A_4127 = arith.constant 1 : index
    %get3A_4128 = memref.load %arg9[%get3A_4124, %get3A_4125, %get3A_4126, %get3A_4127] : memref<1x64x1x2xf32, #tpu.memory_space<smem>>
    %gt3A_4129 = arith.constant 5.000000e-01 : f32
    %gt3A_4130 = arith.cmpf ogt, %get3A_4123, %gt3A_4129 : f32
    %slice3A_4131 = vector.extract_strided_slice %add3A_68 {offsets = [3456, 0], sizes = [64, 128], strides = [1, 1]} : vector<4096x128xf32> to vector<64x128xf32>
    %get3A_4132 = arith.constant 0 : index
    %get3A_4133 = arith.constant 54 : index
    %get3A_4134 = arith.constant 0 : index
    %get3A_4135 = arith.constant 0 : index
    %get3A_4136 = vector.load %arg3[%get3A_4132, %get3A_4133, %get3A_4134, %get3A_4135] : memref<1x64x64x64xf32, #tpu.memory_space<vmem>>, vector<1x1x64x64xf32>
    %get3A_4137 = vector.shape_cast %get3A_4136 : vector<1x1x64x64xf32> to vector<64x64xf32>
    %dot_general3A_4138 = arith.constant dense<0.000000e+00> : vector<64x128xf32>
    %dot_general3A_4139 = tpu.matmul %get3A_4137, %slice3A_4131, %dot_general3A_4138 {dimension_numbers = #tpu.dot_dimension_numbers<[1], [0], [0], [1], [0, 0, 1, 1], [], []>, transpose_lhs_hint = false} : vector<64x64xf32>, vector<64x128xf32>, vector<64x128xf32> -> vector<64x128xf32>
    %mul3A_4140 = arith.constant 64 : i32
    %mul3A_4141 = arith.muli %arg1, %mul3A_4140 : i32
    %mul3A_4142 = arith.constant 64 : i32
    %mul3A_4143 = arith.muli %mul3A_4141, %mul3A_4142 : i32
    %add3A_4144 = arith.constant 3456 : i32
    %add3A_4145 = arith.addi %add3A_4144, %mul3A_4143 : i32
    %eq3A_4146 = arith.constant 0 : i32
    %eq3A_4147 = arith.cmpi eq, %arg0, %eq3A_4146 : i32
    %get3A_4148 = arith.index_cast %add3A_4145 : i32 to index
    %get3A_4149 = arith.constant 0 : index
    %get3A_4150 = vector.load %arg12[%get3A_4148, %get3A_4149] : memref<8192x128xf32, #tpu.memory_space<vmem>>, vector<64x128xf32>
    %jit3A_4151 = arith.constant 0.000000e+00 : f32
    %broadcast_in_dim3A_4152 = vector.broadcast %jit3A_4151 : f32 to vector<64x128xf32>
    %select_n3A_4153 = arith.select %eq3A_4147, %broadcast_in_dim3A_4152, %get3A_4150 : vector<64x128xf32>
    %mul3A_4154 = vector.broadcast %get3A_4123 : f32 to vector<64x128xf32>
    %mul3A_4155 = arith.mulf %mul3A_4154, %dot_general3A_4139 : vector<64x128xf32>
    %add3A_4156 = arith.addf %select_n3A_4153, %mul3A_4155 : vector<64x128xf32>
    %gt3A_4157 = vector.broadcast %get3A_4128 : f32 to vector<64x128xf32>
    %gt3A_4158 = arith.cmpf ogt, %add3A_4156, %gt3A_4157 : vector<64x128xf32>
    %jit3A_4159 = arith.constant 1.000000e+00 : f32
    %jit3A_4160 = arith.constant 0.000000e+00 : f32
    %broadcast_in_dim3A_4161 = vector.broadcast %jit3A_4159 : f32 to vector<64x128xf32>
    %broadcast_in_dim3A_4162 = vector.broadcast %jit3A_4160 : f32 to vector<64x128xf32>
    %select_n3A_4163 = arith.select %gt3A_4158, %broadcast_in_dim3A_4161, %broadcast_in_dim3A_4162 : vector<64x128xi1>, vector<64x128xf32>
    %and3A_4164 = vector.broadcast %gt3A_4130 : i1 to vector<64x128xi1>
    %and3A_4165 = arith.andi %and3A_4164, %gt3A_4158 : vector<64x128xi1>
    %jit3A_4166 = arith.constant 0.000000e+00 : f32
    %broadcast_in_dim3A_4167 = vector.broadcast %jit3A_4166 : f32 to vector<64x128xf32>
    %select_n3A_4168 = arith.select %and3A_4165, %broadcast_in_dim3A_4167, %add3A_4156 : vector<64x128xi1>, vector<64x128xf32>
    %swap3A_4169 = arith.index_cast %add3A_4145 : i32 to index
    %swap3A_4170 = arith.constant 0 : index
    %swap3A_4171 = vector.load %arg12[%swap3A_4169, %swap3A_4170] : memref<8192x128xf32, #tpu.memory_space<vmem>>, vector<64x128xf32>
    tpu.vector_store %arg12[%swap3A_4169, %swap3A_4170], %select_n3A_4168 {strides = array<i32>} : memref<8192x128xf32, #tpu.memory_space<vmem>>, vector<64x128xf32>,
    %dot_general3A_4172 = arith.constant dense<0.000000e+00> : vector<8x128xf32>
    %dot_general3A_4173 = tpu.matmul %get3A_71, %select_n3A_4163, %dot_general3A_4172 {dimension_numbers = #tpu.dot_dimension_numbers<[1], [0], [0], [1], [0, 0, 1, 1], [], []>, transpose_lhs_hint = false} : vector<8x64xf32>, vector<64x128xf32>, vector<8x128xf32> -> vector<8x128xf32>
    %mul3A_4174 = arith.constant 64 : i32
    %mul3A_4175 = arith.muli %arg1, %mul3A_4174 : i32
    %add3A_4176 = arith.constant 54 : i32
    %add3A_4177 = arith.addi %mul3A_4175, %add3A_4176 : i32
    %mul3A_4178 = arith.constant 8 : i32
    %mul3A_4179 = arith.muli %add3A_4177, %mul3A_4178 : i32
    %eq3A_4180 = arith.constant 0 : i32
    %eq3A_4181 = arith.cmpi eq, %arg0, %eq3A_4180 : i32
    %add3A_4182 = arith.addi %mul3A_14, %mul3A_4179 : i32
    %get3A_4183 = arith.index_cast %add3A_4182 : i32 to index
    %get3A_4184 = arith.constant 0 : index
    %get3A_4185 = vector.load %arg11[%get3A_4183, %get3A_4184] : memref<2048x128xf32, #tpu.memory_space<vmem>>, vector<8x128xf32>
    %jit3A_4186 = arith.constant 0.000000e+00 : f32
    %broadcast_in_dim3A_4187 = vector.broadcast %jit3A_4186 : f32 to vector<8x128xf32>
    %select_n3A_4188 = arith.select %eq3A_4181, %broadcast_in_dim3A_4187, %get3A_4185 : vector<8x128xf32>
    %select_n3A_4189 = arith.select %gt3A_4130, %dot_general3A_4173, %select_n3A_4188 : vector<8x128xf32>
    %add3A_4190 = arith.addi %mul3A_34, %mul3A_4179 : i32
    %swap3A_4191 = arith.index_cast %add3A_4190 : i32 to index
    %swap3A_4192 = arith.constant 0 : index
    %swap3A_4193 = vector.load %arg11[%swap3A_4191, %swap3A_4192] : memref<2048x128xf32, #tpu.memory_space<vmem>>, vector<8x128xf32>
    tpu.vector_store %arg11[%swap3A_4191, %swap3A_4192], %select_n3A_4189 {strides = array<i32>} : memref<2048x128xf32, #tpu.memory_space<vmem>>, vector<8x128xf32>,
    %get3A_4194 = arith.constant 0 : index
    %get3A_4195 = arith.constant 55 : index
    %get3A_4196 = arith.constant 0 : index
    %get3A_4197 = arith.constant 0 : index
    %get3A_4198 = memref.load %arg9[%get3A_4194, %get3A_4195, %get3A_4196, %get3A_4197] : memref<1x64x1x2xf32, #tpu.memory_space<smem>>
    %get3A_4199 = arith.constant 0 : index
    %get3A_4200 = arith.constant 55 : index
    %get3A_4201 = arith.constant 0 : index
    %get3A_4202 = arith.constant 1 : index
    %get3A_4203 = memref.load %arg9[%get3A_4199, %get3A_4200, %get3A_4201, %get3A_4202] : memref<1x64x1x2xf32, #tpu.memory_space<smem>>
    %gt3A_4204 = arith.constant 5.000000e-01 : f32
    %gt3A_4205 = arith.cmpf ogt, %get3A_4198, %gt3A_4204 : f32
    %slice3A_4206 = vector.extract_strided_slice %add3A_68 {offsets = [3520, 0], sizes = [64, 128], strides = [1, 1]} : vector<4096x128xf32> to vector<64x128xf32>
    %get3A_4207 = arith.constant 0 : index
    %get3A_4208 = arith.constant 55 : index
    %get3A_4209 = arith.constant 0 : index
    %get3A_4210 = arith.constant 0 : index
    %get3A_4211 = vector.load %arg3[%get3A_4207, %get3A_4208, %get3A_4209, %get3A_4210] : memref<1x64x64x64xf32, #tpu.memory_space<vmem>>, vector<1x1x64x64xf32>
    %get3A_4212 = vector.shape_cast %get3A_4211 : vector<1x1x64x64xf32> to vector<64x64xf32>
    %dot_general3A_4213 = arith.constant dense<0.000000e+00> : vector<64x128xf32>
    %dot_general3A_4214 = tpu.matmul %get3A_4212, %slice3A_4206, %dot_general3A_4213 {dimension_numbers = #tpu.dot_dimension_numbers<[1], [0], [0], [1], [0, 0, 1, 1], [], []>, transpose_lhs_hint = false} : vector<64x64xf32>, vector<64x128xf32>, vector<64x128xf32> -> vector<64x128xf32>
    %mul3A_4215 = arith.constant 64 : i32
    %mul3A_4216 = arith.muli %arg1, %mul3A_4215 : i32
    %mul3A_4217 = arith.constant 64 : i32
    %mul3A_4218 = arith.muli %mul3A_4216, %mul3A_4217 : i32
    %add3A_4219 = arith.constant 3520 : i32
    %add3A_4220 = arith.addi %add3A_4219, %mul3A_4218 : i32
    %eq3A_4221 = arith.constant 0 : i32
    %eq3A_4222 = arith.cmpi eq, %arg0, %eq3A_4221 : i32
    %get3A_4223 = arith.index_cast %add3A_4220 : i32 to index
    %get3A_4224 = arith.constant 0 : index
    %get3A_4225 = vector.load %arg12[%get3A_4223, %get3A_4224] : memref<8192x128xf32, #tpu.memory_space<vmem>>, vector<64x128xf32>
    %jit3A_4226 = arith.constant 0.000000e+00 : f32
    %broadcast_in_dim3A_4227 = vector.broadcast %jit3A_4226 : f32 to vector<64x128xf32>
    %select_n3A_4228 = arith.select %eq3A_4222, %broadcast_in_dim3A_4227, %get3A_4225 : vector<64x128xf32>
    %mul3A_4229 = vector.broadcast %get3A_4198 : f32 to vector<64x128xf32>
    %mul3A_4230 = arith.mulf %mul3A_4229, %dot_general3A_4214 : vector<64x128xf32>
    %add3A_4231 = arith.addf %select_n3A_4228, %mul3A_4230 : vector<64x128xf32>
    %gt3A_4232 = vector.broadcast %get3A_4203 : f32 to vector<64x128xf32>
    %gt3A_4233 = arith.cmpf ogt, %add3A_4231, %gt3A_4232 : vector<64x128xf32>
    %jit3A_4234 = arith.constant 1.000000e+00 : f32
    %jit3A_4235 = arith.constant 0.000000e+00 : f32
    %broadcast_in_dim3A_4236 = vector.broadcast %jit3A_4234 : f32 to vector<64x128xf32>
    %broadcast_in_dim3A_4237 = vector.broadcast %jit3A_4235 : f32 to vector<64x128xf32>
    %select_n3A_4238 = arith.select %gt3A_4233, %broadcast_in_dim3A_4236, %broadcast_in_dim3A_4237 : vector<64x128xi1>, vector<64x128xf32>
    %and3A_4239 = vector.broadcast %gt3A_4205 : i1 to vector<64x128xi1>
    %and3A_4240 = arith.andi %and3A_4239, %gt3A_4233 : vector<64x128xi1>
    %jit3A_4241 = arith.constant 0.000000e+00 : f32
    %broadcast_in_dim3A_4242 = vector.broadcast %jit3A_4241 : f32 to vector<64x128xf32>
    %select_n3A_4243 = arith.select %and3A_4240, %broadcast_in_dim3A_4242, %add3A_4231 : vector<64x128xi1>, vector<64x128xf32>
    %swap3A_4244 = arith.index_cast %add3A_4220 : i32 to index
    %swap3A_4245 = arith.constant 0 : index
    %swap3A_4246 = vector.load %arg12[%swap3A_4244, %swap3A_4245] : memref<8192x128xf32, #tpu.memory_space<vmem>>, vector<64x128xf32>
    tpu.vector_store %arg12[%swap3A_4244, %swap3A_4245], %select_n3A_4243 {strides = array<i32>} : memref<8192x128xf32, #tpu.memory_space<vmem>>, vector<64x128xf32>,
    %dot_general3A_4247 = arith.constant dense<0.000000e+00> : vector<8x128xf32>
    %dot_general3A_4248 = tpu.matmul %get3A_71, %select_n3A_4238, %dot_general3A_4247 {dimension_numbers = #tpu.dot_dimension_numbers<[1], [0], [0], [1], [0, 0, 1, 1], [], []>, transpose_lhs_hint = false} : vector<8x64xf32>, vector<64x128xf32>, vector<8x128xf32> -> vector<8x128xf32>
    %mul3A_4249 = arith.constant 64 : i32
    %mul3A_4250 = arith.muli %arg1, %mul3A_4249 : i32
    %add3A_4251 = arith.constant 55 : i32
    %add3A_4252 = arith.addi %mul3A_4250, %add3A_4251 : i32
    %mul3A_4253 = arith.constant 8 : i32
    %mul3A_4254 = arith.muli %add3A_4252, %mul3A_4253 : i32
    %eq3A_4255 = arith.constant 0 : i32
    %eq3A_4256 = arith.cmpi eq, %arg0, %eq3A_4255 : i32
    %add3A_4257 = arith.addi %mul3A_14, %mul3A_4254 : i32
    %get3A_4258 = arith.index_cast %add3A_4257 : i32 to index
    %get3A_4259 = arith.constant 0 : index
    %get3A_4260 = vector.load %arg11[%get3A_4258, %get3A_4259] : memref<2048x128xf32, #tpu.memory_space<vmem>>, vector<8x128xf32>
    %jit3A_4261 = arith.constant 0.000000e+00 : f32
    %broadcast_in_dim3A_4262 = vector.broadcast %jit3A_4261 : f32 to vector<8x128xf32>
    %select_n3A_4263 = arith.select %eq3A_4256, %broadcast_in_dim3A_4262, %get3A_4260 : vector<8x128xf32>
    %select_n3A_4264 = arith.select %gt3A_4205, %dot_general3A_4248, %select_n3A_4263 : vector<8x128xf32>
    %add3A_4265 = arith.addi %mul3A_34, %mul3A_4254 : i32
    %swap3A_4266 = arith.index_cast %add3A_4265 : i32 to index
    %swap3A_4267 = arith.constant 0 : index
    %swap3A_4268 = vector.load %arg11[%swap3A_4266, %swap3A_4267] : memref<2048x128xf32, #tpu.memory_space<vmem>>, vector<8x128xf32>
    tpu.vector_store %arg11[%swap3A_4266, %swap3A_4267], %select_n3A_4264 {strides = array<i32>} : memref<2048x128xf32, #tpu.memory_space<vmem>>, vector<8x128xf32>,
    %get3A_4269 = arith.constant 0 : index
    %get3A_4270 = arith.constant 56 : index
    %get3A_4271 = arith.constant 0 : index
    %get3A_4272 = arith.constant 0 : index
    %get3A_4273 = memref.load %arg9[%get3A_4269, %get3A_4270, %get3A_4271, %get3A_4272] : memref<1x64x1x2xf32, #tpu.memory_space<smem>>
    %get3A_4274 = arith.constant 0 : index
    %get3A_4275 = arith.constant 56 : index
    %get3A_4276 = arith.constant 0 : index
    %get3A_4277 = arith.constant 1 : index
    %get3A_4278 = memref.load %arg9[%get3A_4274, %get3A_4275, %get3A_4276, %get3A_4277] : memref<1x64x1x2xf32, #tpu.memory_space<smem>>
    %gt3A_4279 = arith.constant 5.000000e-01 : f32
    %gt3A_4280 = arith.cmpf ogt, %get3A_4273, %gt3A_4279 : f32
    %slice3A_4281 = vector.extract_strided_slice %add3A_68 {offsets = [3584, 0], sizes = [64, 128], strides = [1, 1]} : vector<4096x128xf32> to vector<64x128xf32>
    %get3A_4282 = arith.constant 0 : index
    %get3A_4283 = arith.constant 56 : index
    %get3A_4284 = arith.constant 0 : index
    %get3A_4285 = arith.constant 0 : index
    %get3A_4286 = vector.load %arg3[%get3A_4282, %get3A_4283, %get3A_4284, %get3A_4285] : memref<1x64x64x64xf32, #tpu.memory_space<vmem>>, vector<1x1x64x64xf32>
    %get3A_4287 = vector.shape_cast %get3A_4286 : vector<1x1x64x64xf32> to vector<64x64xf32>
    %dot_general3A_4288 = arith.constant dense<0.000000e+00> : vector<64x128xf32>
    %dot_general3A_4289 = tpu.matmul %get3A_4287, %slice3A_4281, %dot_general3A_4288 {dimension_numbers = #tpu.dot_dimension_numbers<[1], [0], [0], [1], [0, 0, 1, 1], [], []>, transpose_lhs_hint = false} : vector<64x64xf32>, vector<64x128xf32>, vector<64x128xf32> -> vector<64x128xf32>
    %mul3A_4290 = arith.constant 64 : i32
    %mul3A_4291 = arith.muli %arg1, %mul3A_4290 : i32
    %mul3A_4292 = arith.constant 64 : i32
    %mul3A_4293 = arith.muli %mul3A_4291, %mul3A_4292 : i32
    %add3A_4294 = arith.constant 3584 : i32
    %add3A_4295 = arith.addi %add3A_4294, %mul3A_4293 : i32
    %eq3A_4296 = arith.constant 0 : i32
    %eq3A_4297 = arith.cmpi eq, %arg0, %eq3A_4296 : i32
    %get3A_4298 = arith.index_cast %add3A_4295 : i32 to index
    %get3A_4299 = arith.constant 0 : index
    %get3A_4300 = vector.load %arg12[%get3A_4298, %get3A_4299] : memref<8192x128xf32, #tpu.memory_space<vmem>>, vector<64x128xf32>
    %jit3A_4301 = arith.constant 0.000000e+00 : f32
    %broadcast_in_dim3A_4302 = vector.broadcast %jit3A_4301 : f32 to vector<64x128xf32>
    %select_n3A_4303 = arith.select %eq3A_4297, %broadcast_in_dim3A_4302, %get3A_4300 : vector<64x128xf32>
    %mul3A_4304 = vector.broadcast %get3A_4273 : f32 to vector<64x128xf32>
    %mul3A_4305 = arith.mulf %mul3A_4304, %dot_general3A_4289 : vector<64x128xf32>
    %add3A_4306 = arith.addf %select_n3A_4303, %mul3A_4305 : vector<64x128xf32>
    %gt3A_4307 = vector.broadcast %get3A_4278 : f32 to vector<64x128xf32>
    %gt3A_4308 = arith.cmpf ogt, %add3A_4306, %gt3A_4307 : vector<64x128xf32>
    %jit3A_4309 = arith.constant 1.000000e+00 : f32
    %jit3A_4310 = arith.constant 0.000000e+00 : f32
    %broadcast_in_dim3A_4311 = vector.broadcast %jit3A_4309 : f32 to vector<64x128xf32>
    %broadcast_in_dim3A_4312 = vector.broadcast %jit3A_4310 : f32 to vector<64x128xf32>
    %select_n3A_4313 = arith.select %gt3A_4308, %broadcast_in_dim3A_4311, %broadcast_in_dim3A_4312 : vector<64x128xi1>, vector<64x128xf32>
    %and3A_4314 = vector.broadcast %gt3A_4280 : i1 to vector<64x128xi1>
    %and3A_4315 = arith.andi %and3A_4314, %gt3A_4308 : vector<64x128xi1>
    %jit3A_4316 = arith.constant 0.000000e+00 : f32
    %broadcast_in_dim3A_4317 = vector.broadcast %jit3A_4316 : f32 to vector<64x128xf32>
    %select_n3A_4318 = arith.select %and3A_4315, %broadcast_in_dim3A_4317, %add3A_4306 : vector<64x128xi1>, vector<64x128xf32>
    %swap3A_4319 = arith.index_cast %add3A_4295 : i32 to index
    %swap3A_4320 = arith.constant 0 : index
    %swap3A_4321 = vector.load %arg12[%swap3A_4319, %swap3A_4320] : memref<8192x128xf32, #tpu.memory_space<vmem>>, vector<64x128xf32>
    tpu.vector_store %arg12[%swap3A_4319, %swap3A_4320], %select_n3A_4318 {strides = array<i32>} : memref<8192x128xf32, #tpu.memory_space<vmem>>, vector<64x128xf32>,
    %dot_general3A_4322 = arith.constant dense<0.000000e+00> : vector<8x128xf32>
    %dot_general3A_4323 = tpu.matmul %get3A_71, %select_n3A_4313, %dot_general3A_4322 {dimension_numbers = #tpu.dot_dimension_numbers<[1], [0], [0], [1], [0, 0, 1, 1], [], []>, transpose_lhs_hint = false} : vector<8x64xf32>, vector<64x128xf32>, vector<8x128xf32> -> vector<8x128xf32>
    %mul3A_4324 = arith.constant 64 : i32
    %mul3A_4325 = arith.muli %arg1, %mul3A_4324 : i32
    %add3A_4326 = arith.constant 56 : i32
    %add3A_4327 = arith.addi %mul3A_4325, %add3A_4326 : i32
    %mul3A_4328 = arith.constant 8 : i32
    %mul3A_4329 = arith.muli %add3A_4327, %mul3A_4328 : i32
    %eq3A_4330 = arith.constant 0 : i32
    %eq3A_4331 = arith.cmpi eq, %arg0, %eq3A_4330 : i32
    %add3A_4332 = arith.addi %mul3A_14, %mul3A_4329 : i32
    %get3A_4333 = arith.index_cast %add3A_4332 : i32 to index
    %get3A_4334 = arith.constant 0 : index
    %get3A_4335 = vector.load %arg11[%get3A_4333, %get3A_4334] : memref<2048x128xf32, #tpu.memory_space<vmem>>, vector<8x128xf32>
    %jit3A_4336 = arith.constant 0.000000e+00 : f32
    %broadcast_in_dim3A_4337 = vector.broadcast %jit3A_4336 : f32 to vector<8x128xf32>
    %select_n3A_4338 = arith.select %eq3A_4331, %broadcast_in_dim3A_4337, %get3A_4335 : vector<8x128xf32>
    %select_n3A_4339 = arith.select %gt3A_4280, %dot_general3A_4323, %select_n3A_4338 : vector<8x128xf32>
    %add3A_4340 = arith.addi %mul3A_34, %mul3A_4329 : i32
    %swap3A_4341 = arith.index_cast %add3A_4340 : i32 to index
    %swap3A_4342 = arith.constant 0 : index
    %swap3A_4343 = vector.load %arg11[%swap3A_4341, %swap3A_4342] : memref<2048x128xf32, #tpu.memory_space<vmem>>, vector<8x128xf32>
    tpu.vector_store %arg11[%swap3A_4341, %swap3A_4342], %select_n3A_4339 {strides = array<i32>} : memref<2048x128xf32, #tpu.memory_space<vmem>>, vector<8x128xf32>,
    %get3A_4344 = arith.constant 0 : index
    %get3A_4345 = arith.constant 57 : index
    %get3A_4346 = arith.constant 0 : index
    %get3A_4347 = arith.constant 0 : index
    %get3A_4348 = memref.load %arg9[%get3A_4344, %get3A_4345, %get3A_4346, %get3A_4347] : memref<1x64x1x2xf32, #tpu.memory_space<smem>>
    %get3A_4349 = arith.constant 0 : index
    %get3A_4350 = arith.constant 57 : index
    %get3A_4351 = arith.constant 0 : index
    %get3A_4352 = arith.constant 1 : index
    %get3A_4353 = memref.load %arg9[%get3A_4349, %get3A_4350, %get3A_4351, %get3A_4352] : memref<1x64x1x2xf32, #tpu.memory_space<smem>>
    %gt3A_4354 = arith.constant 5.000000e-01 : f32
    %gt3A_4355 = arith.cmpf ogt, %get3A_4348, %gt3A_4354 : f32
    %slice3A_4356 = vector.extract_strided_slice %add3A_68 {offsets = [3648, 0], sizes = [64, 128], strides = [1, 1]} : vector<4096x128xf32> to vector<64x128xf32>
    %get3A_4357 = arith.constant 0 : index
    %get3A_4358 = arith.constant 57 : index
    %get3A_4359 = arith.constant 0 : index
    %get3A_4360 = arith.constant 0 : index
    %get3A_4361 = vector.load %arg3[%get3A_4357, %get3A_4358, %get3A_4359, %get3A_4360] : memref<1x64x64x64xf32, #tpu.memory_space<vmem>>, vector<1x1x64x64xf32>
    %get3A_4362 = vector.shape_cast %get3A_4361 : vector<1x1x64x64xf32> to vector<64x64xf32>
    %dot_general3A_4363 = arith.constant dense<0.000000e+00> : vector<64x128xf32>
    %dot_general3A_4364 = tpu.matmul %get3A_4362, %slice3A_4356, %dot_general3A_4363 {dimension_numbers = #tpu.dot_dimension_numbers<[1], [0], [0], [1], [0, 0, 1, 1], [], []>, transpose_lhs_hint = false} : vector<64x64xf32>, vector<64x128xf32>, vector<64x128xf32> -> vector<64x128xf32>
    %mul3A_4365 = arith.constant 64 : i32
    %mul3A_4366 = arith.muli %arg1, %mul3A_4365 : i32
    %mul3A_4367 = arith.constant 64 : i32
    %mul3A_4368 = arith.muli %mul3A_4366, %mul3A_4367 : i32
    %add3A_4369 = arith.constant 3648 : i32
    %add3A_4370 = arith.addi %add3A_4369, %mul3A_4368 : i32
    %eq3A_4371 = arith.constant 0 : i32
    %eq3A_4372 = arith.cmpi eq, %arg0, %eq3A_4371 : i32
    %get3A_4373 = arith.index_cast %add3A_4370 : i32 to index
    %get3A_4374 = arith.constant 0 : index
    %get3A_4375 = vector.load %arg12[%get3A_4373, %get3A_4374] : memref<8192x128xf32, #tpu.memory_space<vmem>>, vector<64x128xf32>
    %jit3A_4376 = arith.constant 0.000000e+00 : f32
    %broadcast_in_dim3A_4377 = vector.broadcast %jit3A_4376 : f32 to vector<64x128xf32>
    %select_n3A_4378 = arith.select %eq3A_4372, %broadcast_in_dim3A_4377, %get3A_4375 : vector<64x128xf32>
    %mul3A_4379 = vector.broadcast %get3A_4348 : f32 to vector<64x128xf32>
    %mul3A_4380 = arith.mulf %mul3A_4379, %dot_general3A_4364 : vector<64x128xf32>
    %add3A_4381 = arith.addf %select_n3A_4378, %mul3A_4380 : vector<64x128xf32>
    %gt3A_4382 = vector.broadcast %get3A_4353 : f32 to vector<64x128xf32>
    %gt3A_4383 = arith.cmpf ogt, %add3A_4381, %gt3A_4382 : vector<64x128xf32>
    %jit3A_4384 = arith.constant 1.000000e+00 : f32
    %jit3A_4385 = arith.constant 0.000000e+00 : f32
    %broadcast_in_dim3A_4386 = vector.broadcast %jit3A_4384 : f32 to vector<64x128xf32>
    %broadcast_in_dim3A_4387 = vector.broadcast %jit3A_4385 : f32 to vector<64x128xf32>
    %select_n3A_4388 = arith.select %gt3A_4383, %broadcast_in_dim3A_4386, %broadcast_in_dim3A_4387 : vector<64x128xi1>, vector<64x128xf32>
    %and3A_4389 = vector.broadcast %gt3A_4355 : i1 to vector<64x128xi1>
    %and3A_4390 = arith.andi %and3A_4389, %gt3A_4383 : vector<64x128xi1>
    %jit3A_4391 = arith.constant 0.000000e+00 : f32
    %broadcast_in_dim3A_4392 = vector.broadcast %jit3A_4391 : f32 to vector<64x128xf32>
    %select_n3A_4393 = arith.select %and3A_4390, %broadcast_in_dim3A_4392, %add3A_4381 : vector<64x128xi1>, vector<64x128xf32>
    %swap3A_4394 = arith.index_cast %add3A_4370 : i32 to index
    %swap3A_4395 = arith.constant 0 : index
    %swap3A_4396 = vector.load %arg12[%swap3A_4394, %swap3A_4395] : memref<8192x128xf32, #tpu.memory_space<vmem>>, vector<64x128xf32>
    tpu.vector_store %arg12[%swap3A_4394, %swap3A_4395], %select_n3A_4393 {strides = array<i32>} : memref<8192x128xf32, #tpu.memory_space<vmem>>, vector<64x128xf32>,
    %dot_general3A_4397 = arith.constant dense<0.000000e+00> : vector<8x128xf32>
    %dot_general3A_4398 = tpu.matmul %get3A_71, %select_n3A_4388, %dot_general3A_4397 {dimension_numbers = #tpu.dot_dimension_numbers<[1], [0], [0], [1], [0, 0, 1, 1], [], []>, transpose_lhs_hint = false} : vector<8x64xf32>, vector<64x128xf32>, vector<8x128xf32> -> vector<8x128xf32>
    %mul3A_4399 = arith.constant 64 : i32
    %mul3A_4400 = arith.muli %arg1, %mul3A_4399 : i32
    %add3A_4401 = arith.constant 57 : i32
    %add3A_4402 = arith.addi %mul3A_4400, %add3A_4401 : i32
    %mul3A_4403 = arith.constant 8 : i32
    %mul3A_4404 = arith.muli %add3A_4402, %mul3A_4403 : i32
    %eq3A_4405 = arith.constant 0 : i32
    %eq3A_4406 = arith.cmpi eq, %arg0, %eq3A_4405 : i32
    %add3A_4407 = arith.addi %mul3A_14, %mul3A_4404 : i32
    %get3A_4408 = arith.index_cast %add3A_4407 : i32 to index
    %get3A_4409 = arith.constant 0 : index
    %get3A_4410 = vector.load %arg11[%get3A_4408, %get3A_4409] : memref<2048x128xf32, #tpu.memory_space<vmem>>, vector<8x128xf32>
    %jit3A_4411 = arith.constant 0.000000e+00 : f32
    %broadcast_in_dim3A_4412 = vector.broadcast %jit3A_4411 : f32 to vector<8x128xf32>
    %select_n3A_4413 = arith.select %eq3A_4406, %broadcast_in_dim3A_4412, %get3A_4410 : vector<8x128xf32>
    %select_n3A_4414 = arith.select %gt3A_4355, %dot_general3A_4398, %select_n3A_4413 : vector<8x128xf32>
    %add3A_4415 = arith.addi %mul3A_34, %mul3A_4404 : i32
    %swap3A_4416 = arith.index_cast %add3A_4415 : i32 to index
    %swap3A_4417 = arith.constant 0 : index
    %swap3A_4418 = vector.load %arg11[%swap3A_4416, %swap3A_4417] : memref<2048x128xf32, #tpu.memory_space<vmem>>, vector<8x128xf32>
    tpu.vector_store %arg11[%swap3A_4416, %swap3A_4417], %select_n3A_4414 {strides = array<i32>} : memref<2048x128xf32, #tpu.memory_space<vmem>>, vector<8x128xf32>,
    %get3A_4419 = arith.constant 0 : index
    %get3A_4420 = arith.constant 58 : index
    %get3A_4421 = arith.constant 0 : index
    %get3A_4422 = arith.constant 0 : index
    %get3A_4423 = memref.load %arg9[%get3A_4419, %get3A_4420, %get3A_4421, %get3A_4422] : memref<1x64x1x2xf32, #tpu.memory_space<smem>>
    %get3A_4424 = arith.constant 0 : index
    %get3A_4425 = arith.constant 58 : index
    %get3A_4426 = arith.constant 0 : index
    %get3A_4427 = arith.constant 1 : index
    %get3A_4428 = memref.load %arg9[%get3A_4424, %get3A_4425, %get3A_4426, %get3A_4427] : memref<1x64x1x2xf32, #tpu.memory_space<smem>>
    %gt3A_4429 = arith.constant 5.000000e-01 : f32
    %gt3A_4430 = arith.cmpf ogt, %get3A_4423, %gt3A_4429 : f32
    %slice3A_4431 = vector.extract_strided_slice %add3A_68 {offsets = [3712, 0], sizes = [64, 128], strides = [1, 1]} : vector<4096x128xf32> to vector<64x128xf32>
    %get3A_4432 = arith.constant 0 : index
    %get3A_4433 = arith.constant 58 : index
    %get3A_4434 = arith.constant 0 : index
    %get3A_4435 = arith.constant 0 : index
    %get3A_4436 = vector.load %arg3[%get3A_4432, %get3A_4433, %get3A_4434, %get3A_4435] : memref<1x64x64x64xf32, #tpu.memory_space<vmem>>, vector<1x1x64x64xf32>
    %get3A_4437 = vector.shape_cast %get3A_4436 : vector<1x1x64x64xf32> to vector<64x64xf32>
    %dot_general3A_4438 = arith.constant dense<0.000000e+00> : vector<64x128xf32>
    %dot_general3A_4439 = tpu.matmul %get3A_4437, %slice3A_4431, %dot_general3A_4438 {dimension_numbers = #tpu.dot_dimension_numbers<[1], [0], [0], [1], [0, 0, 1, 1], [], []>, transpose_lhs_hint = false} : vector<64x64xf32>, vector<64x128xf32>, vector<64x128xf32> -> vector<64x128xf32>
    %mul3A_4440 = arith.constant 64 : i32
    %mul3A_4441 = arith.muli %arg1, %mul3A_4440 : i32
    %mul3A_4442 = arith.constant 64 : i32
    %mul3A_4443 = arith.muli %mul3A_4441, %mul3A_4442 : i32
    %add3A_4444 = arith.constant 3712 : i32
    %add3A_4445 = arith.addi %add3A_4444, %mul3A_4443 : i32
    %eq3A_4446 = arith.constant 0 : i32
    %eq3A_4447 = arith.cmpi eq, %arg0, %eq3A_4446 : i32
    %get3A_4448 = arith.index_cast %add3A_4445 : i32 to index
    %get3A_4449 = arith.constant 0 : index
    %get3A_4450 = vector.load %arg12[%get3A_4448, %get3A_4449] : memref<8192x128xf32, #tpu.memory_space<vmem>>, vector<64x128xf32>
    %jit3A_4451 = arith.constant 0.000000e+00 : f32
    %broadcast_in_dim3A_4452 = vector.broadcast %jit3A_4451 : f32 to vector<64x128xf32>
    %select_n3A_4453 = arith.select %eq3A_4447, %broadcast_in_dim3A_4452, %get3A_4450 : vector<64x128xf32>
    %mul3A_4454 = vector.broadcast %get3A_4423 : f32 to vector<64x128xf32>
    %mul3A_4455 = arith.mulf %mul3A_4454, %dot_general3A_4439 : vector<64x128xf32>
    %add3A_4456 = arith.addf %select_n3A_4453, %mul3A_4455 : vector<64x128xf32>
    %gt3A_4457 = vector.broadcast %get3A_4428 : f32 to vector<64x128xf32>
    %gt3A_4458 = arith.cmpf ogt, %add3A_4456, %gt3A_4457 : vector<64x128xf32>
    %jit3A_4459 = arith.constant 1.000000e+00 : f32
    %jit3A_4460 = arith.constant 0.000000e+00 : f32
    %broadcast_in_dim3A_4461 = vector.broadcast %jit3A_4459 : f32 to vector<64x128xf32>
    %broadcast_in_dim3A_4462 = vector.broadcast %jit3A_4460 : f32 to vector<64x128xf32>
    %select_n3A_4463 = arith.select %gt3A_4458, %broadcast_in_dim3A_4461, %broadcast_in_dim3A_4462 : vector<64x128xi1>, vector<64x128xf32>
    %and3A_4464 = vector.broadcast %gt3A_4430 : i1 to vector<64x128xi1>
    %and3A_4465 = arith.andi %and3A_4464, %gt3A_4458 : vector<64x128xi1>
    %jit3A_4466 = arith.constant 0.000000e+00 : f32
    %broadcast_in_dim3A_4467 = vector.broadcast %jit3A_4466 : f32 to vector<64x128xf32>
    %select_n3A_4468 = arith.select %and3A_4465, %broadcast_in_dim3A_4467, %add3A_4456 : vector<64x128xi1>, vector<64x128xf32>
    %swap3A_4469 = arith.index_cast %add3A_4445 : i32 to index
    %swap3A_4470 = arith.constant 0 : index
    %swap3A_4471 = vector.load %arg12[%swap3A_4469, %swap3A_4470] : memref<8192x128xf32, #tpu.memory_space<vmem>>, vector<64x128xf32>
    tpu.vector_store %arg12[%swap3A_4469, %swap3A_4470], %select_n3A_4468 {strides = array<i32>} : memref<8192x128xf32, #tpu.memory_space<vmem>>, vector<64x128xf32>,
    %dot_general3A_4472 = arith.constant dense<0.000000e+00> : vector<8x128xf32>
    %dot_general3A_4473 = tpu.matmul %get3A_71, %select_n3A_4463, %dot_general3A_4472 {dimension_numbers = #tpu.dot_dimension_numbers<[1], [0], [0], [1], [0, 0, 1, 1], [], []>, transpose_lhs_hint = false} : vector<8x64xf32>, vector<64x128xf32>, vector<8x128xf32> -> vector<8x128xf32>
    %mul3A_4474 = arith.constant 64 : i32
    %mul3A_4475 = arith.muli %arg1, %mul3A_4474 : i32
    %add3A_4476 = arith.constant 58 : i32
    %add3A_4477 = arith.addi %mul3A_4475, %add3A_4476 : i32
    %mul3A_4478 = arith.constant 8 : i32
    %mul3A_4479 = arith.muli %add3A_4477, %mul3A_4478 : i32
    %eq3A_4480 = arith.constant 0 : i32
    %eq3A_4481 = arith.cmpi eq, %arg0, %eq3A_4480 : i32
    %add3A_4482 = arith.addi %mul3A_14, %mul3A_4479 : i32
    %get3A_4483 = arith.index_cast %add3A_4482 : i32 to index
    %get3A_4484 = arith.constant 0 : index
    %get3A_4485 = vector.load %arg11[%get3A_4483, %get3A_4484] : memref<2048x128xf32, #tpu.memory_space<vmem>>, vector<8x128xf32>
    %jit3A_4486 = arith.constant 0.000000e+00 : f32
    %broadcast_in_dim3A_4487 = vector.broadcast %jit3A_4486 : f32 to vector<8x128xf32>
    %select_n3A_4488 = arith.select %eq3A_4481, %broadcast_in_dim3A_4487, %get3A_4485 : vector<8x128xf32>
    %select_n3A_4489 = arith.select %gt3A_4430, %dot_general3A_4473, %select_n3A_4488 : vector<8x128xf32>
    %add3A_4490 = arith.addi %mul3A_34, %mul3A_4479 : i32
    %swap3A_4491 = arith.index_cast %add3A_4490 : i32 to index
    %swap3A_4492 = arith.constant 0 : index
    %swap3A_4493 = vector.load %arg11[%swap3A_4491, %swap3A_4492] : memref<2048x128xf32, #tpu.memory_space<vmem>>, vector<8x128xf32>
    tpu.vector_store %arg11[%swap3A_4491, %swap3A_4492], %select_n3A_4489 {strides = array<i32>} : memref<2048x128xf32, #tpu.memory_space<vmem>>, vector<8x128xf32>,
    %get3A_4494 = arith.constant 0 : index
    %get3A_4495 = arith.constant 59 : index
    %get3A_4496 = arith.constant 0 : index
    %get3A_4497 = arith.constant 0 : index
    %get3A_4498 = memref.load %arg9[%get3A_4494, %get3A_4495, %get3A_4496, %get3A_4497] : memref<1x64x1x2xf32, #tpu.memory_space<smem>>
    %get3A_4499 = arith.constant 0 : index
    %get3A_4500 = arith.constant 59 : index
    %get3A_4501 = arith.constant 0 : index
    %get3A_4502 = arith.constant 1 : index
    %get3A_4503 = memref.load %arg9[%get3A_4499, %get3A_4500, %get3A_4501, %get3A_4502] : memref<1x64x1x2xf32, #tpu.memory_space<smem>>
    %gt3A_4504 = arith.constant 5.000000e-01 : f32
    %gt3A_4505 = arith.cmpf ogt, %get3A_4498, %gt3A_4504 : f32
    %slice3A_4506 = vector.extract_strided_slice %add3A_68 {offsets = [3776, 0], sizes = [64, 128], strides = [1, 1]} : vector<4096x128xf32> to vector<64x128xf32>
    %get3A_4507 = arith.constant 0 : index
    %get3A_4508 = arith.constant 59 : index
    %get3A_4509 = arith.constant 0 : index
    %get3A_4510 = arith.constant 0 : index
    %get3A_4511 = vector.load %arg3[%get3A_4507, %get3A_4508, %get3A_4509, %get3A_4510] : memref<1x64x64x64xf32, #tpu.memory_space<vmem>>, vector<1x1x64x64xf32>
    %get3A_4512 = vector.shape_cast %get3A_4511 : vector<1x1x64x64xf32> to vector<64x64xf32>
    %dot_general3A_4513 = arith.constant dense<0.000000e+00> : vector<64x128xf32>
    %dot_general3A_4514 = tpu.matmul %get3A_4512, %slice3A_4506, %dot_general3A_4513 {dimension_numbers = #tpu.dot_dimension_numbers<[1], [0], [0], [1], [0, 0, 1, 1], [], []>, transpose_lhs_hint = false} : vector<64x64xf32>, vector<64x128xf32>, vector<64x128xf32> -> vector<64x128xf32>
    %mul3A_4515 = arith.constant 64 : i32
    %mul3A_4516 = arith.muli %arg1, %mul3A_4515 : i32
    %mul3A_4517 = arith.constant 64 : i32
    %mul3A_4518 = arith.muli %mul3A_4516, %mul3A_4517 : i32
    %add3A_4519 = arith.constant 3776 : i32
    %add3A_4520 = arith.addi %add3A_4519, %mul3A_4518 : i32
    %eq3A_4521 = arith.constant 0 : i32
    %eq3A_4522 = arith.cmpi eq, %arg0, %eq3A_4521 : i32
    %get3A_4523 = arith.index_cast %add3A_4520 : i32 to index
    %get3A_4524 = arith.constant 0 : index
    %get3A_4525 = vector.load %arg12[%get3A_4523, %get3A_4524] : memref<8192x128xf32, #tpu.memory_space<vmem>>, vector<64x128xf32>
    %jit3A_4526 = arith.constant 0.000000e+00 : f32
    %broadcast_in_dim3A_4527 = vector.broadcast %jit3A_4526 : f32 to vector<64x128xf32>
    %select_n3A_4528 = arith.select %eq3A_4522, %broadcast_in_dim3A_4527, %get3A_4525 : vector<64x128xf32>
    %mul3A_4529 = vector.broadcast %get3A_4498 : f32 to vector<64x128xf32>
    %mul3A_4530 = arith.mulf %mul3A_4529, %dot_general3A_4514 : vector<64x128xf32>
    %add3A_4531 = arith.addf %select_n3A_4528, %mul3A_4530 : vector<64x128xf32>
    %gt3A_4532 = vector.broadcast %get3A_4503 : f32 to vector<64x128xf32>
    %gt3A_4533 = arith.cmpf ogt, %add3A_4531, %gt3A_4532 : vector<64x128xf32>
    %jit3A_4534 = arith.constant 1.000000e+00 : f32
    %jit3A_4535 = arith.constant 0.000000e+00 : f32
    %broadcast_in_dim3A_4536 = vector.broadcast %jit3A_4534 : f32 to vector<64x128xf32>
    %broadcast_in_dim3A_4537 = vector.broadcast %jit3A_4535 : f32 to vector<64x128xf32>
    %select_n3A_4538 = arith.select %gt3A_4533, %broadcast_in_dim3A_4536, %broadcast_in_dim3A_4537 : vector<64x128xi1>, vector<64x128xf32>
    %and3A_4539 = vector.broadcast %gt3A_4505 : i1 to vector<64x128xi1>
    %and3A_4540 = arith.andi %and3A_4539, %gt3A_4533 : vector<64x128xi1>
    %jit3A_4541 = arith.constant 0.000000e+00 : f32
    %broadcast_in_dim3A_4542 = vector.broadcast %jit3A_4541 : f32 to vector<64x128xf32>
    %select_n3A_4543 = arith.select %and3A_4540, %broadcast_in_dim3A_4542, %add3A_4531 : vector<64x128xi1>, vector<64x128xf32>
    %swap3A_4544 = arith.index_cast %add3A_4520 : i32 to index
    %swap3A_4545 = arith.constant 0 : index
    %swap3A_4546 = vector.load %arg12[%swap3A_4544, %swap3A_4545] : memref<8192x128xf32, #tpu.memory_space<vmem>>, vector<64x128xf32>
    tpu.vector_store %arg12[%swap3A_4544, %swap3A_4545], %select_n3A_4543 {strides = array<i32>} : memref<8192x128xf32, #tpu.memory_space<vmem>>, vector<64x128xf32>,
    %dot_general3A_4547 = arith.constant dense<0.000000e+00> : vector<8x128xf32>
    %dot_general3A_4548 = tpu.matmul %get3A_71, %select_n3A_4538, %dot_general3A_4547 {dimension_numbers = #tpu.dot_dimension_numbers<[1], [0], [0], [1], [0, 0, 1, 1], [], []>, transpose_lhs_hint = false} : vector<8x64xf32>, vector<64x128xf32>, vector<8x128xf32> -> vector<8x128xf32>
    %mul3A_4549 = arith.constant 64 : i32
    %mul3A_4550 = arith.muli %arg1, %mul3A_4549 : i32
    %add3A_4551 = arith.constant 59 : i32
    %add3A_4552 = arith.addi %mul3A_4550, %add3A_4551 : i32
    %mul3A_4553 = arith.constant 8 : i32
    %mul3A_4554 = arith.muli %add3A_4552, %mul3A_4553 : i32
    %eq3A_4555 = arith.constant 0 : i32
    %eq3A_4556 = arith.cmpi eq, %arg0, %eq3A_4555 : i32
    %add3A_4557 = arith.addi %mul3A_14, %mul3A_4554 : i32
    %get3A_4558 = arith.index_cast %add3A_4557 : i32 to index
    %get3A_4559 = arith.constant 0 : index
    %get3A_4560 = vector.load %arg11[%get3A_4558, %get3A_4559] : memref<2048x128xf32, #tpu.memory_space<vmem>>, vector<8x128xf32>
    %jit3A_4561 = arith.constant 0.000000e+00 : f32
    %broadcast_in_dim3A_4562 = vector.broadcast %jit3A_4561 : f32 to vector<8x128xf32>
    %select_n3A_4563 = arith.select %eq3A_4556, %broadcast_in_dim3A_4562, %get3A_4560 : vector<8x128xf32>
    %select_n3A_4564 = arith.select %gt3A_4505, %dot_general3A_4548, %select_n3A_4563 : vector<8x128xf32>
    %add3A_4565 = arith.addi %mul3A_34, %mul3A_4554 : i32
    %swap3A_4566 = arith.index_cast %add3A_4565 : i32 to index
    %swap3A_4567 = arith.constant 0 : index
    %swap3A_4568 = vector.load %arg11[%swap3A_4566, %swap3A_4567] : memref<2048x128xf32, #tpu.memory_space<vmem>>, vector<8x128xf32>
    tpu.vector_store %arg11[%swap3A_4566, %swap3A_4567], %select_n3A_4564 {strides = array<i32>} : memref<2048x128xf32, #tpu.memory_space<vmem>>, vector<8x128xf32>,
    %get3A_4569 = arith.constant 0 : index
    %get3A_4570 = arith.constant 60 : index
    %get3A_4571 = arith.constant 0 : index
    %get3A_4572 = arith.constant 0 : index
    %get3A_4573 = memref.load %arg9[%get3A_4569, %get3A_4570, %get3A_4571, %get3A_4572] : memref<1x64x1x2xf32, #tpu.memory_space<smem>>
    %get3A_4574 = arith.constant 0 : index
    %get3A_4575 = arith.constant 60 : index
    %get3A_4576 = arith.constant 0 : index
    %get3A_4577 = arith.constant 1 : index
    %get3A_4578 = memref.load %arg9[%get3A_4574, %get3A_4575, %get3A_4576, %get3A_4577] : memref<1x64x1x2xf32, #tpu.memory_space<smem>>
    %gt3A_4579 = arith.constant 5.000000e-01 : f32
    %gt3A_4580 = arith.cmpf ogt, %get3A_4573, %gt3A_4579 : f32
    %slice3A_4581 = vector.extract_strided_slice %add3A_68 {offsets = [3840, 0], sizes = [64, 128], strides = [1, 1]} : vector<4096x128xf32> to vector<64x128xf32>
    %get3A_4582 = arith.constant 0 : index
    %get3A_4583 = arith.constant 60 : index
    %get3A_4584 = arith.constant 0 : index
    %get3A_4585 = arith.constant 0 : index
    %get3A_4586 = vector.load %arg3[%get3A_4582, %get3A_4583, %get3A_4584, %get3A_4585] : memref<1x64x64x64xf32, #tpu.memory_space<vmem>>, vector<1x1x64x64xf32>
    %get3A_4587 = vector.shape_cast %get3A_4586 : vector<1x1x64x64xf32> to vector<64x64xf32>
    %dot_general3A_4588 = arith.constant dense<0.000000e+00> : vector<64x128xf32>
    %dot_general3A_4589 = tpu.matmul %get3A_4587, %slice3A_4581, %dot_general3A_4588 {dimension_numbers = #tpu.dot_dimension_numbers<[1], [0], [0], [1], [0, 0, 1, 1], [], []>, transpose_lhs_hint = false} : vector<64x64xf32>, vector<64x128xf32>, vector<64x128xf32> -> vector<64x128xf32>
    %mul3A_4590 = arith.constant 64 : i32
    %mul3A_4591 = arith.muli %arg1, %mul3A_4590 : i32
    %mul3A_4592 = arith.constant 64 : i32
    %mul3A_4593 = arith.muli %mul3A_4591, %mul3A_4592 : i32
    %add3A_4594 = arith.constant 3840 : i32
    %add3A_4595 = arith.addi %add3A_4594, %mul3A_4593 : i32
    %eq3A_4596 = arith.constant 0 : i32
    %eq3A_4597 = arith.cmpi eq, %arg0, %eq3A_4596 : i32
    %get3A_4598 = arith.index_cast %add3A_4595 : i32 to index
    %get3A_4599 = arith.constant 0 : index
    %get3A_4600 = vector.load %arg12[%get3A_4598, %get3A_4599] : memref<8192x128xf32, #tpu.memory_space<vmem>>, vector<64x128xf32>
    %jit3A_4601 = arith.constant 0.000000e+00 : f32
    %broadcast_in_dim3A_4602 = vector.broadcast %jit3A_4601 : f32 to vector<64x128xf32>
    %select_n3A_4603 = arith.select %eq3A_4597, %broadcast_in_dim3A_4602, %get3A_4600 : vector<64x128xf32>
    %mul3A_4604 = vector.broadcast %get3A_4573 : f32 to vector<64x128xf32>
    %mul3A_4605 = arith.mulf %mul3A_4604, %dot_general3A_4589 : vector<64x128xf32>
    %add3A_4606 = arith.addf %select_n3A_4603, %mul3A_4605 : vector<64x128xf32>
    %gt3A_4607 = vector.broadcast %get3A_4578 : f32 to vector<64x128xf32>
    %gt3A_4608 = arith.cmpf ogt, %add3A_4606, %gt3A_4607 : vector<64x128xf32>
    %jit3A_4609 = arith.constant 1.000000e+00 : f32
    %jit3A_4610 = arith.constant 0.000000e+00 : f32
    %broadcast_in_dim3A_4611 = vector.broadcast %jit3A_4609 : f32 to vector<64x128xf32>
    %broadcast_in_dim3A_4612 = vector.broadcast %jit3A_4610 : f32 to vector<64x128xf32>
    %select_n3A_4613 = arith.select %gt3A_4608, %broadcast_in_dim3A_4611, %broadcast_in_dim3A_4612 : vector<64x128xi1>, vector<64x128xf32>
    %and3A_4614 = vector.broadcast %gt3A_4580 : i1 to vector<64x128xi1>
    %and3A_4615 = arith.andi %and3A_4614, %gt3A_4608 : vector<64x128xi1>
    %jit3A_4616 = arith.constant 0.000000e+00 : f32
    %broadcast_in_dim3A_4617 = vector.broadcast %jit3A_4616 : f32 to vector<64x128xf32>
    %select_n3A_4618 = arith.select %and3A_4615, %broadcast_in_dim3A_4617, %add3A_4606 : vector<64x128xi1>, vector<64x128xf32>
    %swap3A_4619 = arith.index_cast %add3A_4595 : i32 to index
    %swap3A_4620 = arith.constant 0 : index
    %swap3A_4621 = vector.load %arg12[%swap3A_4619, %swap3A_4620] : memref<8192x128xf32, #tpu.memory_space<vmem>>, vector<64x128xf32>
    tpu.vector_store %arg12[%swap3A_4619, %swap3A_4620], %select_n3A_4618 {strides = array<i32>} : memref<8192x128xf32, #tpu.memory_space<vmem>>, vector<64x128xf32>,
    %dot_general3A_4622 = arith.constant dense<0.000000e+00> : vector<8x128xf32>
    %dot_general3A_4623 = tpu.matmul %get3A_71, %select_n3A_4613, %dot_general3A_4622 {dimension_numbers = #tpu.dot_dimension_numbers<[1], [0], [0], [1], [0, 0, 1, 1], [], []>, transpose_lhs_hint = false} : vector<8x64xf32>, vector<64x128xf32>, vector<8x128xf32> -> vector<8x128xf32>
    %mul3A_4624 = arith.constant 64 : i32
    %mul3A_4625 = arith.muli %arg1, %mul3A_4624 : i32
    %add3A_4626 = arith.constant 60 : i32
    %add3A_4627 = arith.addi %mul3A_4625, %add3A_4626 : i32
    %mul3A_4628 = arith.constant 8 : i32
    %mul3A_4629 = arith.muli %add3A_4627, %mul3A_4628 : i32
    %eq3A_4630 = arith.constant 0 : i32
    %eq3A_4631 = arith.cmpi eq, %arg0, %eq3A_4630 : i32
    %add3A_4632 = arith.addi %mul3A_14, %mul3A_4629 : i32
    %get3A_4633 = arith.index_cast %add3A_4632 : i32 to index
    %get3A_4634 = arith.constant 0 : index
    %get3A_4635 = vector.load %arg11[%get3A_4633, %get3A_4634] : memref<2048x128xf32, #tpu.memory_space<vmem>>, vector<8x128xf32>
    %jit3A_4636 = arith.constant 0.000000e+00 : f32
    %broadcast_in_dim3A_4637 = vector.broadcast %jit3A_4636 : f32 to vector<8x128xf32>
    %select_n3A_4638 = arith.select %eq3A_4631, %broadcast_in_dim3A_4637, %get3A_4635 : vector<8x128xf32>
    %select_n3A_4639 = arith.select %gt3A_4580, %dot_general3A_4623, %select_n3A_4638 : vector<8x128xf32>
    %add3A_4640 = arith.addi %mul3A_34, %mul3A_4629 : i32
    %swap3A_4641 = arith.index_cast %add3A_4640 : i32 to index
    %swap3A_4642 = arith.constant 0 : index
    %swap3A_4643 = vector.load %arg11[%swap3A_4641, %swap3A_4642] : memref<2048x128xf32, #tpu.memory_space<vmem>>, vector<8x128xf32>
    tpu.vector_store %arg11[%swap3A_4641, %swap3A_4642], %select_n3A_4639 {strides = array<i32>} : memref<2048x128xf32, #tpu.memory_space<vmem>>, vector<8x128xf32>,
    %get3A_4644 = arith.constant 0 : index
    %get3A_4645 = arith.constant 61 : index
    %get3A_4646 = arith.constant 0 : index
    %get3A_4647 = arith.constant 0 : index
    %get3A_4648 = memref.load %arg9[%get3A_4644, %get3A_4645, %get3A_4646, %get3A_4647] : memref<1x64x1x2xf32, #tpu.memory_space<smem>>
    %get3A_4649 = arith.constant 0 : index
    %get3A_4650 = arith.constant 61 : index
    %get3A_4651 = arith.constant 0 : index
    %get3A_4652 = arith.constant 1 : index
    %get3A_4653 = memref.load %arg9[%get3A_4649, %get3A_4650, %get3A_4651, %get3A_4652] : memref<1x64x1x2xf32, #tpu.memory_space<smem>>
    %gt3A_4654 = arith.constant 5.000000e-01 : f32
    %gt3A_4655 = arith.cmpf ogt, %get3A_4648, %gt3A_4654 : f32
    %slice3A_4656 = vector.extract_strided_slice %add3A_68 {offsets = [3904, 0], sizes = [64, 128], strides = [1, 1]} : vector<4096x128xf32> to vector<64x128xf32>
    %get3A_4657 = arith.constant 0 : index
    %get3A_4658 = arith.constant 61 : index
    %get3A_4659 = arith.constant 0 : index
    %get3A_4660 = arith.constant 0 : index
    %get3A_4661 = vector.load %arg3[%get3A_4657, %get3A_4658, %get3A_4659, %get3A_4660] : memref<1x64x64x64xf32, #tpu.memory_space<vmem>>, vector<1x1x64x64xf32>
    %get3A_4662 = vector.shape_cast %get3A_4661 : vector<1x1x64x64xf32> to vector<64x64xf32>
    %dot_general3A_4663 = arith.constant dense<0.000000e+00> : vector<64x128xf32>
    %dot_general3A_4664 = tpu.matmul %get3A_4662, %slice3A_4656, %dot_general3A_4663 {dimension_numbers = #tpu.dot_dimension_numbers<[1], [0], [0], [1], [0, 0, 1, 1], [], []>, transpose_lhs_hint = false} : vector<64x64xf32>, vector<64x128xf32>, vector<64x128xf32> -> vector<64x128xf32>
    %mul3A_4665 = arith.constant 64 : i32
    %mul3A_4666 = arith.muli %arg1, %mul3A_4665 : i32
    %mul3A_4667 = arith.constant 64 : i32
    %mul3A_4668 = arith.muli %mul3A_4666, %mul3A_4667 : i32
    %add3A_4669 = arith.constant 3904 : i32
    %add3A_4670 = arith.addi %add3A_4669, %mul3A_4668 : i32
    %eq3A_4671 = arith.constant 0 : i32
    %eq3A_4672 = arith.cmpi eq, %arg0, %eq3A_4671 : i32
    %get3A_4673 = arith.index_cast %add3A_4670 : i32 to index
    %get3A_4674 = arith.constant 0 : index
    %get3A_4675 = vector.load %arg12[%get3A_4673, %get3A_4674] : memref<8192x128xf32, #tpu.memory_space<vmem>>, vector<64x128xf32>
    %jit3A_4676 = arith.constant 0.000000e+00 : f32
    %broadcast_in_dim3A_4677 = vector.broadcast %jit3A_4676 : f32 to vector<64x128xf32>
    %select_n3A_4678 = arith.select %eq3A_4672, %broadcast_in_dim3A_4677, %get3A_4675 : vector<64x128xf32>
    %mul3A_4679 = vector.broadcast %get3A_4648 : f32 to vector<64x128xf32>
    %mul3A_4680 = arith.mulf %mul3A_4679, %dot_general3A_4664 : vector<64x128xf32>
    %add3A_4681 = arith.addf %select_n3A_4678, %mul3A_4680 : vector<64x128xf32>
    %gt3A_4682 = vector.broadcast %get3A_4653 : f32 to vector<64x128xf32>
    %gt3A_4683 = arith.cmpf ogt, %add3A_4681, %gt3A_4682 : vector<64x128xf32>
    %jit3A_4684 = arith.constant 1.000000e+00 : f32
    %jit3A_4685 = arith.constant 0.000000e+00 : f32
    %broadcast_in_dim3A_4686 = vector.broadcast %jit3A_4684 : f32 to vector<64x128xf32>
    %broadcast_in_dim3A_4687 = vector.broadcast %jit3A_4685 : f32 to vector<64x128xf32>
    %select_n3A_4688 = arith.select %gt3A_4683, %broadcast_in_dim3A_4686, %broadcast_in_dim3A_4687 : vector<64x128xi1>, vector<64x128xf32>
    %and3A_4689 = vector.broadcast %gt3A_4655 : i1 to vector<64x128xi1>
    %and3A_4690 = arith.andi %and3A_4689, %gt3A_4683 : vector<64x128xi1>
    %jit3A_4691 = arith.constant 0.000000e+00 : f32
    %broadcast_in_dim3A_4692 = vector.broadcast %jit3A_4691 : f32 to vector<64x128xf32>
    %select_n3A_4693 = arith.select %and3A_4690, %broadcast_in_dim3A_4692, %add3A_4681 : vector<64x128xi1>, vector<64x128xf32>
    %swap3A_4694 = arith.index_cast %add3A_4670 : i32 to index
    %swap3A_4695 = arith.constant 0 : index
    %swap3A_4696 = vector.load %arg12[%swap3A_4694, %swap3A_4695] : memref<8192x128xf32, #tpu.memory_space<vmem>>, vector<64x128xf32>
    tpu.vector_store %arg12[%swap3A_4694, %swap3A_4695], %select_n3A_4693 {strides = array<i32>} : memref<8192x128xf32, #tpu.memory_space<vmem>>, vector<64x128xf32>,
    %dot_general3A_4697 = arith.constant dense<0.000000e+00> : vector<8x128xf32>
    %dot_general3A_4698 = tpu.matmul %get3A_71, %select_n3A_4688, %dot_general3A_4697 {dimension_numbers = #tpu.dot_dimension_numbers<[1], [0], [0], [1], [0, 0, 1, 1], [], []>, transpose_lhs_hint = false} : vector<8x64xf32>, vector<64x128xf32>, vector<8x128xf32> -> vector<8x128xf32>
    %mul3A_4699 = arith.constant 64 : i32
    %mul3A_4700 = arith.muli %arg1, %mul3A_4699 : i32
    %add3A_4701 = arith.constant 61 : i32
    %add3A_4702 = arith.addi %mul3A_4700, %add3A_4701 : i32
    %mul3A_4703 = arith.constant 8 : i32
    %mul3A_4704 = arith.muli %add3A_4702, %mul3A_4703 : i32
    %eq3A_4705 = arith.constant 0 : i32
    %eq3A_4706 = arith.cmpi eq, %arg0, %eq3A_4705 : i32
    %add3A_4707 = arith.addi %mul3A_14, %mul3A_4704 : i32
    %get3A_4708 = arith.index_cast %add3A_4707 : i32 to index
    %get3A_4709 = arith.constant 0 : index
    %get3A_4710 = vector.load %arg11[%get3A_4708, %get3A_4709] : memref<2048x128xf32, #tpu.memory_space<vmem>>, vector<8x128xf32>
    %jit3A_4711 = arith.constant 0.000000e+00 : f32
    %broadcast_in_dim3A_4712 = vector.broadcast %jit3A_4711 : f32 to vector<8x128xf32>
    %select_n3A_4713 = arith.select %eq3A_4706, %broadcast_in_dim3A_4712, %get3A_4710 : vector<8x128xf32>
    %select_n3A_4714 = arith.select %gt3A_4655, %dot_general3A_4698, %select_n3A_4713 : vector<8x128xf32>
    %add3A_4715 = arith.addi %mul3A_34, %mul3A_4704 : i32
    %swap3A_4716 = arith.index_cast %add3A_4715 : i32 to index
    %swap3A_4717 = arith.constant 0 : index
    %swap3A_4718 = vector.load %arg11[%swap3A_4716, %swap3A_4717] : memref<2048x128xf32, #tpu.memory_space<vmem>>, vector<8x128xf32>
    tpu.vector_store %arg11[%swap3A_4716, %swap3A_4717], %select_n3A_4714 {strides = array<i32>} : memref<2048x128xf32, #tpu.memory_space<vmem>>, vector<8x128xf32>,
    %get3A_4719 = arith.constant 0 : index
    %get3A_4720 = arith.constant 62 : index
    %get3A_4721 = arith.constant 0 : index
    %get3A_4722 = arith.constant 0 : index
    %get3A_4723 = memref.load %arg9[%get3A_4719, %get3A_4720, %get3A_4721, %get3A_4722] : memref<1x64x1x2xf32, #tpu.memory_space<smem>>
    %get3A_4724 = arith.constant 0 : index
    %get3A_4725 = arith.constant 62 : index
    %get3A_4726 = arith.constant 0 : index
    %get3A_4727 = arith.constant 1 : index
    %get3A_4728 = memref.load %arg9[%get3A_4724, %get3A_4725, %get3A_4726, %get3A_4727] : memref<1x64x1x2xf32, #tpu.memory_space<smem>>
    %gt3A_4729 = arith.constant 5.000000e-01 : f32
    %gt3A_4730 = arith.cmpf ogt, %get3A_4723, %gt3A_4729 : f32
    %slice3A_4731 = vector.extract_strided_slice %add3A_68 {offsets = [3968, 0], sizes = [64, 128], strides = [1, 1]} : vector<4096x128xf32> to vector<64x128xf32>
    %get3A_4732 = arith.constant 0 : index
    %get3A_4733 = arith.constant 62 : index
    %get3A_4734 = arith.constant 0 : index
    %get3A_4735 = arith.constant 0 : index
    %get3A_4736 = vector.load %arg3[%get3A_4732, %get3A_4733, %get3A_4734, %get3A_4735] : memref<1x64x64x64xf32, #tpu.memory_space<vmem>>, vector<1x1x64x64xf32>
    %get3A_4737 = vector.shape_cast %get3A_4736 : vector<1x1x64x64xf32> to vector<64x64xf32>
    %dot_general3A_4738 = arith.constant dense<0.000000e+00> : vector<64x128xf32>
    %dot_general3A_4739 = tpu.matmul %get3A_4737, %slice3A_4731, %dot_general3A_4738 {dimension_numbers = #tpu.dot_dimension_numbers<[1], [0], [0], [1], [0, 0, 1, 1], [], []>, transpose_lhs_hint = false} : vector<64x64xf32>, vector<64x128xf32>, vector<64x128xf32> -> vector<64x128xf32>
    %mul3A_4740 = arith.constant 64 : i32
    %mul3A_4741 = arith.muli %arg1, %mul3A_4740 : i32
    %mul3A_4742 = arith.constant 64 : i32
    %mul3A_4743 = arith.muli %mul3A_4741, %mul3A_4742 : i32
    %add3A_4744 = arith.constant 3968 : i32
    %add3A_4745 = arith.addi %add3A_4744, %mul3A_4743 : i32
    %eq3A_4746 = arith.constant 0 : i32
    %eq3A_4747 = arith.cmpi eq, %arg0, %eq3A_4746 : i32
    %get3A_4748 = arith.index_cast %add3A_4745 : i32 to index
    %get3A_4749 = arith.constant 0 : index
    %get3A_4750 = vector.load %arg12[%get3A_4748, %get3A_4749] : memref<8192x128xf32, #tpu.memory_space<vmem>>, vector<64x128xf32>
    %jit3A_4751 = arith.constant 0.000000e+00 : f32
    %broadcast_in_dim3A_4752 = vector.broadcast %jit3A_4751 : f32 to vector<64x128xf32>
    %select_n3A_4753 = arith.select %eq3A_4747, %broadcast_in_dim3A_4752, %get3A_4750 : vector<64x128xf32>
    %mul3A_4754 = vector.broadcast %get3A_4723 : f32 to vector<64x128xf32>
    %mul3A_4755 = arith.mulf %mul3A_4754, %dot_general3A_4739 : vector<64x128xf32>
    %add3A_4756 = arith.addf %select_n3A_4753, %mul3A_4755 : vector<64x128xf32>
    %gt3A_4757 = vector.broadcast %get3A_4728 : f32 to vector<64x128xf32>
    %gt3A_4758 = arith.cmpf ogt, %add3A_4756, %gt3A_4757 : vector<64x128xf32>
    %jit3A_4759 = arith.constant 1.000000e+00 : f32
    %jit3A_4760 = arith.constant 0.000000e+00 : f32
    %broadcast_in_dim3A_4761 = vector.broadcast %jit3A_4759 : f32 to vector<64x128xf32>
    %broadcast_in_dim3A_4762 = vector.broadcast %jit3A_4760 : f32 to vector<64x128xf32>
    %select_n3A_4763 = arith.select %gt3A_4758, %broadcast_in_dim3A_4761, %broadcast_in_dim3A_4762 : vector<64x128xi1>, vector<64x128xf32>
    %and3A_4764 = vector.broadcast %gt3A_4730 : i1 to vector<64x128xi1>
    %and3A_4765 = arith.andi %and3A_4764, %gt3A_4758 : vector<64x128xi1>
    %jit3A_4766 = arith.constant 0.000000e+00 : f32
    %broadcast_in_dim3A_4767 = vector.broadcast %jit3A_4766 : f32 to vector<64x128xf32>
    %select_n3A_4768 = arith.select %and3A_4765, %broadcast_in_dim3A_4767, %add3A_4756 : vector<64x128xi1>, vector<64x128xf32>
    %swap3A_4769 = arith.index_cast %add3A_4745 : i32 to index
    %swap3A_4770 = arith.constant 0 : index
    %swap3A_4771 = vector.load %arg12[%swap3A_4769, %swap3A_4770] : memref<8192x128xf32, #tpu.memory_space<vmem>>, vector<64x128xf32>
    tpu.vector_store %arg12[%swap3A_4769, %swap3A_4770], %select_n3A_4768 {strides = array<i32>} : memref<8192x128xf32, #tpu.memory_space<vmem>>, vector<64x128xf32>,
    %dot_general3A_4772 = arith.constant dense<0.000000e+00> : vector<8x128xf32>
    %dot_general3A_4773 = tpu.matmul %get3A_71, %select_n3A_4763, %dot_general3A_4772 {dimension_numbers = #tpu.dot_dimension_numbers<[1], [0], [0], [1], [0, 0, 1, 1], [], []>, transpose_lhs_hint = false} : vector<8x64xf32>, vector<64x128xf32>, vector<8x128xf32> -> vector<8x128xf32>
    %mul3A_4774 = arith.constant 64 : i32
    %mul3A_4775 = arith.muli %arg1, %mul3A_4774 : i32
    %add3A_4776 = arith.constant 62 : i32
    %add3A_4777 = arith.addi %mul3A_4775, %add3A_4776 : i32
    %mul3A_4778 = arith.constant 8 : i32
    %mul3A_4779 = arith.muli %add3A_4777, %mul3A_4778 : i32
    %eq3A_4780 = arith.constant 0 : i32
    %eq3A_4781 = arith.cmpi eq, %arg0, %eq3A_4780 : i32
    %add3A_4782 = arith.addi %mul3A_14, %mul3A_4779 : i32
    %get3A_4783 = arith.index_cast %add3A_4782 : i32 to index
    %get3A_4784 = arith.constant 0 : index
    %get3A_4785 = vector.load %arg11[%get3A_4783, %get3A_4784] : memref<2048x128xf32, #tpu.memory_space<vmem>>, vector<8x128xf32>
    %jit3A_4786 = arith.constant 0.000000e+00 : f32
    %broadcast_in_dim3A_4787 = vector.broadcast %jit3A_4786 : f32 to vector<8x128xf32>
    %select_n3A_4788 = arith.select %eq3A_4781, %broadcast_in_dim3A_4787, %get3A_4785 : vector<8x128xf32>
    %select_n3A_4789 = arith.select %gt3A_4730, %dot_general3A_4773, %select_n3A_4788 : vector<8x128xf32>
    %add3A_4790 = arith.addi %mul3A_34, %mul3A_4779 : i32
    %swap3A_4791 = arith.index_cast %add3A_4790 : i32 to index
    %swap3A_4792 = arith.constant 0 : index
    %swap3A_4793 = vector.load %arg11[%swap3A_4791, %swap3A_4792] : memref<2048x128xf32, #tpu.memory_space<vmem>>, vector<8x128xf32>
    tpu.vector_store %arg11[%swap3A_4791, %swap3A_4792], %select_n3A_4789 {strides = array<i32>} : memref<2048x128xf32, #tpu.memory_space<vmem>>, vector<8x128xf32>,
    %get3A_4794 = arith.constant 0 : index
    %get3A_4795 = arith.constant 63 : index
    %get3A_4796 = arith.constant 0 : index
    %get3A_4797 = arith.constant 0 : index
    %get3A_4798 = memref.load %arg9[%get3A_4794, %get3A_4795, %get3A_4796, %get3A_4797] : memref<1x64x1x2xf32, #tpu.memory_space<smem>>
    %get3A_4799 = arith.constant 0 : index
    %get3A_4800 = arith.constant 63 : index
    %get3A_4801 = arith.constant 0 : index
    %get3A_4802 = arith.constant 1 : index
    %get3A_4803 = memref.load %arg9[%get3A_4799, %get3A_4800, %get3A_4801, %get3A_4802] : memref<1x64x1x2xf32, #tpu.memory_space<smem>>
    %gt3A_4804 = arith.constant 5.000000e-01 : f32
    %gt3A_4805 = arith.cmpf ogt, %get3A_4798, %gt3A_4804 : f32
    %slice3A_4806 = vector.extract_strided_slice %add3A_68 {offsets = [4032, 0], sizes = [64, 128], strides = [1, 1]} : vector<4096x128xf32> to vector<64x128xf32>
    %get3A_4807 = arith.constant 0 : index
    %get3A_4808 = arith.constant 63 : index
    %get3A_4809 = arith.constant 0 : index
    %get3A_4810 = arith.constant 0 : index
    %get3A_4811 = vector.load %arg3[%get3A_4807, %get3A_4808, %get3A_4809, %get3A_4810] : memref<1x64x64x64xf32, #tpu.memory_space<vmem>>, vector<1x1x64x64xf32>
    %get3A_4812 = vector.shape_cast %get3A_4811 : vector<1x1x64x64xf32> to vector<64x64xf32>
    %dot_general3A_4813 = arith.constant dense<0.000000e+00> : vector<64x128xf32>
    %dot_general3A_4814 = tpu.matmul %get3A_4812, %slice3A_4806, %dot_general3A_4813 {dimension_numbers = #tpu.dot_dimension_numbers<[1], [0], [0], [1], [0, 0, 1, 1], [], []>, transpose_lhs_hint = false} : vector<64x64xf32>, vector<64x128xf32>, vector<64x128xf32> -> vector<64x128xf32>
    %mul3A_4815 = arith.constant 64 : i32
    %mul3A_4816 = arith.muli %arg1, %mul3A_4815 : i32
    %mul3A_4817 = arith.constant 64 : i32
    %mul3A_4818 = arith.muli %mul3A_4816, %mul3A_4817 : i32
    %add3A_4819 = arith.constant 4032 : i32
    %add3A_4820 = arith.addi %add3A_4819, %mul3A_4818 : i32
    %eq3A_4821 = arith.constant 0 : i32
    %eq3A_4822 = arith.cmpi eq, %arg0, %eq3A_4821 : i32
    %get3A_4823 = arith.index_cast %add3A_4820 : i32 to index
    %get3A_4824 = arith.constant 0 : index
    %get3A_4825 = vector.load %arg12[%get3A_4823, %get3A_4824] : memref<8192x128xf32, #tpu.memory_space<vmem>>, vector<64x128xf32>
    %jit3A_4826 = arith.constant 0.000000e+00 : f32
    %broadcast_in_dim3A_4827 = vector.broadcast %jit3A_4826 : f32 to vector<64x128xf32>
    %select_n3A_4828 = arith.select %eq3A_4822, %broadcast_in_dim3A_4827, %get3A_4825 : vector<64x128xf32>
    %mul3A_4829 = vector.broadcast %get3A_4798 : f32 to vector<64x128xf32>
    %mul3A_4830 = arith.mulf %mul3A_4829, %dot_general3A_4814 : vector<64x128xf32>
    %add3A_4831 = arith.addf %select_n3A_4828, %mul3A_4830 : vector<64x128xf32>
    %gt3A_4832 = vector.broadcast %get3A_4803 : f32 to vector<64x128xf32>
    %gt3A_4833 = arith.cmpf ogt, %add3A_4831, %gt3A_4832 : vector<64x128xf32>
    %jit3A_4834 = arith.constant 1.000000e+00 : f32
    %jit3A_4835 = arith.constant 0.000000e+00 : f32
    %broadcast_in_dim3A_4836 = vector.broadcast %jit3A_4834 : f32 to vector<64x128xf32>
    %broadcast_in_dim3A_4837 = vector.broadcast %jit3A_4835 : f32 to vector<64x128xf32>
    %select_n3A_4838 = arith.select %gt3A_4833, %broadcast_in_dim3A_4836, %broadcast_in_dim3A_4837 : vector<64x128xi1>, vector<64x128xf32>
    %and3A_4839 = vector.broadcast %gt3A_4805 : i1 to vector<64x128xi1>
    %and3A_4840 = arith.andi %and3A_4839, %gt3A_4833 : vector<64x128xi1>
    %jit3A_4841 = arith.constant 0.000000e+00 : f32
    %broadcast_in_dim3A_4842 = vector.broadcast %jit3A_4841 : f32 to vector<64x128xf32>
    %select_n3A_4843 = arith.select %and3A_4840, %broadcast_in_dim3A_4842, %add3A_4831 : vector<64x128xi1>, vector<64x128xf32>
    %swap3A_4844 = arith.index_cast %add3A_4820 : i32 to index
    %swap3A_4845 = arith.constant 0 : index
    %swap3A_4846 = vector.load %arg12[%swap3A_4844, %swap3A_4845] : memref<8192x128xf32, #tpu.memory_space<vmem>>, vector<64x128xf32>
    tpu.vector_store %arg12[%swap3A_4844, %swap3A_4845], %select_n3A_4843 {strides = array<i32>} : memref<8192x128xf32, #tpu.memory_space<vmem>>, vector<64x128xf32>,
    %dot_general3A_4847 = arith.constant dense<0.000000e+00> : vector<8x128xf32>
    %dot_general3A_4848 = tpu.matmul %get3A_71, %select_n3A_4838, %dot_general3A_4847 {dimension_numbers = #tpu.dot_dimension_numbers<[1], [0], [0], [1], [0, 0, 1, 1], [], []>, transpose_lhs_hint = false} : vector<8x64xf32>, vector<64x128xf32>, vector<8x128xf32> -> vector<8x128xf32>
    %mul3A_4849 = arith.constant 64 : i32
    %mul3A_4850 = arith.muli %arg1, %mul3A_4849 : i32
    %add3A_4851 = arith.constant 63 : i32
    %add3A_4852 = arith.addi %mul3A_4850, %add3A_4851 : i32
    %mul3A_4853 = arith.constant 8 : i32
    %mul3A_4854 = arith.muli %add3A_4852, %mul3A_4853 : i32
    %eq3A_4855 = arith.constant 0 : i32
    %eq3A_4856 = arith.cmpi eq, %arg0, %eq3A_4855 : i32
    %add3A_4857 = arith.addi %mul3A_14, %mul3A_4854 : i32
    %get3A_4858 = arith.index_cast %add3A_4857 : i32 to index
    %get3A_4859 = arith.constant 0 : index
    %get3A_4860 = vector.load %arg11[%get3A_4858, %get3A_4859] : memref<2048x128xf32, #tpu.memory_space<vmem>>, vector<8x128xf32>
    %jit3A_4861 = arith.constant 0.000000e+00 : f32
    %broadcast_in_dim3A_4862 = vector.broadcast %jit3A_4861 : f32 to vector<8x128xf32>
    %select_n3A_4863 = arith.select %eq3A_4856, %broadcast_in_dim3A_4862, %get3A_4860 : vector<8x128xf32>
    %select_n3A_4864 = arith.select %gt3A_4805, %dot_general3A_4848, %select_n3A_4863 : vector<8x128xf32>
    %add3A_4865 = arith.addi %mul3A_34, %mul3A_4854 : i32
    %swap3A_4866 = arith.index_cast %add3A_4865 : i32 to index
    %swap3A_4867 = arith.constant 0 : index
    %swap3A_4868 = vector.load %arg11[%swap3A_4866, %swap3A_4867] : memref<2048x128xf32, #tpu.memory_space<vmem>>, vector<8x128xf32>
    tpu.vector_store %arg11[%swap3A_4866, %swap3A_4867], %select_n3A_4864 {strides = array<i32>} : memref<2048x128xf32, #tpu.memory_space<vmem>>, vector<8x128xf32>,
    %eq3A_4869 = arith.constant 1 : i32
    %eq3A_4870 = arith.cmpi eq, %arg1, %eq3A_4869 : i32
    %convert_element_type3A_4871 = arith.extui %eq3A_4870 : i1 to i32
    %cond3A_4872 = arith.constant 0 : i32
    %cond3A_4873 = arith.cmpi ne, %convert_element_type3A_4871, %cond3A_4872 : i32
    scf.if %cond3A_4873 {
      %get3A_4874 = arith.constant 0 : index
      %get3A_4875 = arith.constant 0 : index
      %get3A_4876 = vector.load %arg6[%get3A_4874, %get3A_4875] : memref<1024x1024xbf16, #tpu.memory_space<vmem>>, vector<1024x1024xbf16>
      %get3A_4877 = arith.index_cast %mul3A_34 : i32 to index
      %get3A_4878 = arith.constant 0 : index
      %get3A_4879 = vector.load %arg11[%get3A_4877, %get3A_4878] : memref<2048x128xf32, #tpu.memory_space<vmem>>, vector<1024x128xf32>
      %convert_element_type3A_4880 = arith.truncf %get3A_4879 : vector<1024x128xf32> to vector<1024x128xbf16>
      %dot_general3A_4881 = arith.constant dense<0.000000e+00> : vector<1024x128xf32>
      %dot_general3A_4882 = tpu.matmul %get3A_4876, %convert_element_type3A_4880, %dot_general3A_4881 {dimension_numbers = #tpu.dot_dimension_numbers<[1], [0], [0], [1], [0, 0, 1, 1], [], []>, transpose_lhs_hint = false} : vector<1024x1024xbf16>, vector<1024x128xbf16>, vector<1024x128xf32> -> vector<1024x128xf32>
      %get3A_4883 = arith.constant 0 : index
      %get3A_4884 = arith.constant 0 : index
      %get3A_4885 = vector.load %arg7[%get3A_4883, %get3A_4884] : memref<1024x1xf32, #tpu.memory_space<vmem>>, vector<1024x1xf32>
      %mul3A_4886 = vector.broadcast %get3A_4885 : vector<1024x1xf32> to vector<1024x128xf32>
      %mul3A_4887 = arith.mulf %dot_general3A_4882, %mul3A_4886 : vector<1024x128xf32>
      %floor3A_4888 = math.floor %mul3A_4887 : vector<1024x128xf32>
      %get3A_4889 = arith.constant 0 : index
      %get3A_4890 = arith.constant 0 : index
      %get3A_4891 = vector.load %arg10[%get3A_4889, %get3A_4890] : memref<1024x128xf32, #tpu.memory_space<vmem>>, vector<1024x128xf32>
      %mul3A_4892 = arith.constant 5.000000e-01 : f32
      %mul3A_4893 = vector.broadcast %mul3A_4892 : f32 to vector<1024x128xf32>
      %mul3A_4894 = arith.mulf %floor3A_4888, %mul3A_4893 : vector<1024x128xf32>
      %floor3A_4895 = math.floor %mul3A_4894 : vector<1024x128xf32>
      %mul3A_4896 = arith.constant 2.000000e+00 : f32
      %mul3A_4897 = vector.broadcast %mul3A_4896 : f32 to vector<1024x128xf32>
      %mul3A_4898 = arith.mulf %mul3A_4897, %floor3A_4895 : vector<1024x128xf32>
      %sub3A_4899 = arith.subf %floor3A_4888, %mul3A_4898 : vector<1024x128xf32>
      %add3A_4900 = arith.addf %get3A_4891, %sub3A_4899 : vector<1024x128xf32>
      %swap3A_4901 = arith.constant 0 : index
      %swap3A_4902 = arith.constant 0 : index
      %swap3A_4903 = vector.load %arg10[%swap3A_4901, %swap3A_4902] : memref<1024x128xf32, #tpu.memory_space<vmem>>, vector<1024x128xf32>
      tpu.vector_store %arg10[%swap3A_4901, %swap3A_4902], %add3A_4900 {strides = array<i32>} : memref<1024x128xf32, #tpu.memory_space<vmem>>, vector<1024x128xf32>,
    } else {
    }
    return
  }
  func.func @transform_0(%arg0: i32, %arg1: i32) -> (i32, i32, i32, i32) {
    %c0_i32 = arith.constant 0 : i32
    %c0_i32_0 = arith.constant 0 : i32
    %c0_i32_1 = arith.constant 0 : i32
    return %arg0, %arg1, %c0_i32, %c0_i32_0 : i32, i32, i32, i32
  }
  func.func @transform_1(%arg0: i32, %arg1: i32) -> (i32, i32, i32, i32) {
    %c0_i32 = arith.constant 0 : i32
    %c0_i32_0 = arith.constant 0 : i32
    %c0_i32_1 = arith.constant 0 : i32
    %c0_i32_2 = arith.constant 0 : i32
    return %arg1, %c0_i32, %c0_i32_0, %c0_i32_1 : i32, i32, i32, i32
  }
  func.func @transform_2(%arg0: i32, %arg1: i32) -> (i32, i32, i32) {
    %c0_i32 = arith.constant 0 : i32
    %c0_i32_0 = arith.constant 0 : i32
    %c0_i32_1 = arith.constant 0 : i32
    %c0_i32_2 = arith.constant 0 : i32
    return %c0_i32, %c0_i32_0, %c0_i32_1 : i32, i32, i32
  }
  func.func @transform_3(%arg0: i32, %arg1: i32) -> (i32, i32, i32) {
    %c0_i32 = arith.constant 0 : i32
    %c0_i32_0 = arith.constant 0 : i32
    %c0_i32_1 = arith.constant 0 : i32
    return %arg1, %c0_i32, %c0_i32_0 : i32, i32, i32
  }
  func.func @transform_4(%arg0: i32, %arg1: i32) -> (i32, i32) {
    %c0_i32 = arith.constant 0 : i32
    %c0_i32_0 = arith.constant 0 : i32
    %c0_i32_1 = arith.constant 0 : i32
    return %c0_i32, %c0_i32_0 : i32, i32
  }
  func.func @transform_5(%arg0: i32, %arg1: i32) -> (i32, i32) {
    %c0_i32 = arith.constant 0 : i32
    %c0_i32_0 = arith.constant 0 : i32
    %c0_i32_1 = arith.constant 0 : i32
    return %c0_i32, %c0_i32_0 : i32, i32
  }
  func.func @transform_6(%arg0: i32, %arg1: i32) -> (i32, i32) {
    %c0_i32 = arith.constant 0 : i32
    %c0_i32_0 = arith.constant 0 : i32
    %c0_i32_1 = arith.constant 0 : i32
    return %c0_i32, %c0_i32_0 : i32, i32
  }
  func.func @transform_7(%arg0: i32, %arg1: i32) -> (i32, i32, i32, i32) {
    %mul3A = arith.constant 2 : i32
    %mul3A_0 = arith.muli %arg0, %mul3A : i32
    %add3A = arith.addi %mul3A_0, %arg1 : i32
    %c0_i32 = arith.constant 0 : i32
    %c0_i32_1 = arith.constant 0 : i32
    %c0_i32_2 = arith.constant 0 : i32
    %c0_i32_3 = arith.constant 0 : i32
    return %add3A, %c0_i32, %c0_i32_1, %c0_i32_2 : i32, i32, i32, i32
  }
  func.func @transform_8(%arg0: i32, %arg1: i32) -> (i32, i32) {
    %c0_i32 = arith.constant 0 : i32
    %c0_i32_0 = arith.constant 0 : i32
    %c0_i32_1 = arith.constant 0 : i32
    return %c0_i32, %c0_i32_0 : i32, i32
  }
}

</mosaic_0001>

<sc_bundles>
// kernel: kernel.4.cloned.1.call-start
scs
__scs_entry_jumppad:
0x0: {  	(pc) =	sbr.rel $0x88, $3  }
0x1: {  	(tag) =	ssettag $0x0;
	lr =	simm.s32 $0x1  }
0x2: {  	[smem:$0x3F9B] =	sst lr;
	_ =	strace $0xD0000000  }
0x3: {  	_ = 	snop  }
0x4: {  	_ = 	snop  }
0x5: {  	_ = 	snop  }
0x6: {  	_ = 	snop  }
0x7: {  	_ = 	snop  }
__scs_overlays_trampoline_lowered:
0x8: {  	[smem:$0x3FAA] =	sst s0  }
0x9: {  	[smem:$0x3FAB] =	sst s1  }
0xa: {  	[smem:$0x3FAC] =	sst s2  }
0xb: {  	[smem:$0x3FAD] =	sst s3  }
0xc: {  	[smem:$0x3FAE] =	sst s4  }
0xd: {  	[smem:$0x3FAF] =	sst s5  }
0xe: {  	[smem:$0x3FB0] =	sst s6  }
0xf: {  	[smem:$0x3FB1] =	sst s7  }
0x10: {  	[smem:$0x3FB2] =	sst s8  }
0x11: {  	[smem:$0x3FB3] =	sst s9;
	s0 =	simm.s32 @!p0 $0x0  }
0x12: {  	s1 =	sld [smem:$0x3F99];
	s0 =	simm.s32 @p0 $0x1  }
0x13: {  	[smem:$0x3FB4] =	sst s0;
	s0 =	simm.s32 @!p1 $0x0  }
0x14: {  	s2 =	sld [smem:$0x3F98];
	s0 =	simm.s32 @p1 $0x1  }
0x15: {  	[smem:$0x3FB5] =	sst s0;
	s0 =	simm.s32 @!p2 $0x0  }
0x16: {  	s3 =	sld [smem:$0x3FDB];
	s0 =	simm.s32 @p2 $0x1  }
0x17: {  	s4 =	simm.s32 $0x1BF5;
	[smem:$0x3FB7] =	sst s0  }
0x18: {  	s0 =	sld [smem:$0x3F9A];
	_ =	swait.ge [sflag:s4], $0x0  }
0x19: {  	s7 =	sld [smem:$0x3F9B]  }
0x1a: {  	s8 =	sadd.s32 $0xFFFFE003, lr  }
0x1b: {  	s9 =	sadd.s32 $0xFFFFFEF7, lr;
	s5 =	simm.s32 $0xFFFFFFFF;
	p2 =	slt.u32 s8, $0xFFFFF086  }
0x1c: {  	p1 =	slt.u32 s9, $0xF7A;
	s5 =	simm.s32 @!p2 $0x0  }
0x1d: {  	s5 =	simm.s32 @p1 $0x1;
	p0 =	seq.s32 s7, s2  }
0x1e: {  	s7 =	smul.u32 @!p0 $0xF7A, s2;
	p2 =	seq.s32 @!p0 s5, $0x0  }
0x1f: {  	s9 =	smul.u32 $0xF7A, s1;
	s8 =	simm.s32 @!p0 $0x1BF5;
	p2 =	por !p2, p0  }
0x20: {  	[sflag:s8] =	ssyncset.s32 @!p0 $0xFFFFF086;
	s6 =	sadd.s32 @!p0 s3, s7;
	s7 =	simm.s32 @!p0 $0x108  }
0x21: {  	s3 =	sadd.s32 s3, s9;
	s6 =	sadd.s32 @!p0 $0x88, s6;
	s7 =	simm.s32 @p2 $0x1082  }
0x22: {  	[simem:s7], [sflag:s8] =	dma.local @!p0 [hbm:s6], $0xF7A  }
0x23: {  	s9 =	sor.u32 $0xD0000000, s2;
	s6 =	simm.s32 $0x108;
	_ =	swait.ge @!p0 [sflag:s8], $0x0  }
0x24: {  	s3 =	sadd.s32 $0x88, s3;
	s6 =	simm.s32 @!p1 $0x1082;
	[sflag:s4] =	ssyncset.s32 $0xFFFFF086  }
0x25: {  	[simem:s6], [sflag:s4] =	dma.local [hbm:s3], $0xF7A  }
0x26: {  	[smem:$0x3F9B] =	sst s1;
	(tag) =	ssettag s2;
	_ =	strace s9  }
0x27: {  	s1 =	sld [smem:$0x3FAB]  }
0x28: {  	s2 =	sld [smem:$0x3FAC]  }
0x29: {  	s4 =	sld [smem:$0x3FAE]  }
0x2a: {  	p0 =	seq.s32 s5, $0x0;
	s5 =	sld [smem:$0x3FAF]  }
0x2b: {  	s6 =	sld [smem:$0x3FB0]  }
0x2c: {  	s7 =	sld [smem:$0x3FB1]  }
0x2d: {  	s3 =	simm.s32 $0x108;
	s8 =	sld [smem:$0x3FB2]  }
0x2e: {  	s3 =	simm.s32 @!p0 $0x1082;
	s9 =	sld [smem:$0x3FB3]  }
0x2f: {  	lr =	sadd.s32 s0, s3;
	s0 =	sld [smem:$0x3FAA]  }
0x30: {  	s3 =	sld [smem:$0x3FAD]  }
0x31: {  	[smem:$0x3FB6] =	sst s10  }
0x32: {  	s10 =	sld [smem:$0x3FB4];
	_ =	sdelay $0x3  }
0x33: {  	p0 =	seq.s32 s10, $0x1;
	s10 =	sld [smem:$0x3FB6];
	_ =	sdelay $0x3  }
0x34: {  	[smem:$0x3FB6] =	sst s10  }
0x35: {  	s10 =	sld [smem:$0x3FB5];
	_ =	sdelay $0x3  }
0x36: {  	p1 =	seq.s32 s10, $0x1;
	s10 =	sld [smem:$0x3FB6];
	_ =	sdelay $0x3  }
0x37: {  	[smem:$0x3FB6] =	sst s10  }
0x38: {  	s10 =	sld [smem:$0x3FB7]  }
0x39: {  	_ = 	snop;
	(pc) =	sbr.ind lr, $3  }
0x3a: {  	_ = 	snop  }
0x3b: {  	_ = 	snop  }
0x3c: {  	p2 =	seq.s32 s10, $0x1;
	s10 =	sld [smem:$0x3FB6]  }
0x3d: {  	_ =	shalt  }
0x3e: {  	_ =	shalt  }
0x3f: {  	_ =	shalt  }
0x40: {  	_ =	shalt  }
0x41: {  	_ =	shalt  }
0x42: {  	_ =	shalt  }
0x43: {  	_ =	shalt  }
0x44: {  	_ =	shalt  }
0x45: {  	_ =	shalt  }
0x46: {  	_ =	shalt  }
0x47: {  	_ =	shalt  }
0x48: {  	_ =	shalt  }
0x49: {  	_ =	shalt  }
0x4a: {  	_ =	shalt  }
0x4b: {  	_ =	shalt  }
0x4c: {  	_ =	shalt  }
0x4d: {  	_ =	shalt  }
0x4e: {  	_ =	shalt  }
0x4f: {  	_ =	shalt  }
0x50: {  	_ =	shalt  }
0x51: {  	_ =	shalt  }
0x52: {  	_ =	shalt  }
0x53: {  	_ =	shalt  }
0x54: {  	_ =	shalt  }
0x55: {  	_ =	shalt  }
0x56: {  	_ =	shalt  }
0x57: {  	_ =	shalt  }
0x58: {  	_ =	shalt  }
0x59: {  	_ =	shalt  }
0x5a: {  	_ =	shalt  }
0x5b: {  	_ =	shalt  }
0x5c: {  	_ =	shalt  }
0x5d: {  	_ =	shalt  }
0x5e: {  	_ =	shalt  }
0x5f: {  	_ =	shalt  }
0x60: {  	_ =	shalt  }
0x61: {  	_ =	shalt  }
0x62: {  	_ =	shalt  }
0x63: {  	_ =	shalt  }
0x64: {  	_ =	shalt  }
0x65: {  	_ =	shalt  }
0x66: {  	_ =	shalt  }
0x67: {  	_ =	shalt  }
0x68: {  	_ =	shalt  }
0x69: {  	_ =	shalt  }
0x6a: {  	_ =	shalt  }
0x6b: {  	_ =	shalt  }
0x6c: {  	_ =	shalt  }
0x6d: {  	_ =	shalt  }
0x6e: {  	_ =	shalt  }
0x6f: {  	_ =	shalt  }
0x70: {  	_ =	shalt  }
0x71: {  	_ =	shalt  }
0x72: {  	_ =	shalt  }
0x73: {  	_ =	shalt  }
0x74: {  	_ =	shalt  }
0x75: {  	_ =	shalt  }
0x76: {  	_ =	shalt  }
0x77: {  	_ =	shalt  }
0x78: {  	_ =	shalt  }
0x79: {  	_ =	shalt  }
0x7a: {  	_ =	shalt  }
0x7b: {  	_ =	shalt  }
0x7c: {  	_ =	shalt  }
0x7d: {  	_ =	shalt  }
0x7e: {  	_ =	shalt  }
0x7f: {  	_ =	shalt  }
0x80: {  	_ =	shalt  }
0x81: {  	_ =	shalt  }
0x82: {  	_ =	shalt  }
0x83: {  	_ =	shalt  }
0x84: {  	_ =	shalt  }
0x85: {  	_ =	shalt  }
0x86: {  	_ =	shalt  }
0x87: {  	_ =	shalt  }
.Lfunc_end0:
.L_simem_size_0:
called_computation_lowered:
.L_overlay_start_0:
0x88: {  	s2 =	sld [smem:$0x3FD9]  }
0x89: {  	s3 =	sld [smem:$0x3FFE];
	_ =	sdelay $0x1  }
0x8a: {  	s1 =	srdreg.scid  }
0x8b: {  	s0 =	sand.u32 $0x1, s1  }
0x8c: {  	s17 =	sshll.u32 s0, $0xA;
	s2 =	sadd.s32 s3, s2  }
0x8d: {  	s2 =	sadd.s32 s2, s17  }
0x8e: {  	[smem:$0x3FC2] =	sst s2  }
0x8f: {  	_ = 	snop  }
0x90: {  	s2 =	sld [smem:$0x3FD0];
	(tm) =	ssettm $0x1  }
0x91: {  	s18 =	sld [smem:$0x3FFB];
	_ =	sdelay $0x3  }
0x92: {  	_ =	strace s18  }
0x93: {  	s3 =	sld [smem:$0x3FFC];
	_ =	sdelay $0x3  }
0x94: {  	_ =	strace s3  }
0x95: {  	s3 =	sld [smem:$0x3FFD];
	_ =	sdelay $0x3  }
0x96: {  	_ =	strace s3  }
0x97: {  	_ =	strace $0x8FFFFFFF  }
0x98: {  	s19 =	sld [smem:$0x3FDB];
	_ =	sdelay $0x1  }
0x99: {  	s4 =	simm.s32 $_scs_section_size  }
0x9a: {  	s5 =	simm.s32 $_size__tile_overlayer_lowered;
	s6 =	simm.s32 $_tile_overlayer_lowered  }
0x9b: {  	s22 =	simm.s32 $0x1BFF;
	s21 =	sshll.u32 s6, $0x1;
	s3 =	sadd.s32 s4, s19  }
0x9c: {  	s7 =	simm.s32 $0x0;
	s20 =	sshll.u32 s5, $0x1;
	s5 =	sadd.s32 s21, s3  }
0x9d: {  	[timem:s7], [sflag:s22] =	dma.local [hbm:s5], s20  }
0x9e: {  	_ =	swait.ge [sflag:s22], s20  }
0x9f: {  	s4 =	ssub.s32 $0x0, s20;
	[sflag:s22] =	ssyncset.done $0x0  }
0xa0: {  	[sflag:s22] =	ssyncadd.s32 s4;
	_ =	sdelay $0x1  }
0xa1: {  	s23 =	simm.s32 $0x1B8B  }
0xa2: {  	_ =	swait.ge [sflag:s23], $0x1  }
0xa3: {  	[sflag:s23] =	ssyncset.done $0x0  }
0xa4: {  	s25 =	simm.s32 $0x1B8E;
	s24 =	sld [smem:$0x3FFE];
	[sflag:s23] =	ssyncadd.s32 $0xFFFFFFFF  }
0xa5: {  	s26 =	simm.s32 $execute0_lowered;
	[smem:$0x3FD2] =	sst s25  }
0xa6: {  	s5 =	sshll.u32 s26, $0x1;
	_ =	strace $0x80000046;
	[dreg:$0x1] =	wrdreg $0xFFFFFFFF  }
0xa7: {  	s28 =	simm.s32 $_size_execute0_lowered;
	s3 =	sadd.s32 s3, s5;
	[dreg:$0x0] =	wrdreg $0x0  }
0xa8: {  	s5 =	sshll.u32 s28, $0x1;
	[dreg:$0x2] =	wrdreg s3  }
0xa9: {  	[dreg:$0x3] =	wrdreg s5  }
0xaa: {  	[dreg:$0x4] =	wrdreg $0xC0  }
0xab: {  	_ =	task [dreg:s7], $0x5FFFF  }
0xac: {  	[dreg:$0x1] =	wrdreg $0xFFFFFFFF  }
0xad: {  	[dreg:$0x0] =	wrdreg $0x60  }
0xae: {  	[dreg:$0x2] =	wrdreg s24  }
0xaf: {  	[dreg:$0x3] =	wrdreg s2  }
0xb0: {  	[dreg:$0x4] =	wrdreg $0x81000  }
0xb1: {  	[dreg:$0x5] =	wrdreg $0x9  }
0xb2: {  	_ =	task.clear_ibuf [dreg:s7], $0x6FFFF;
	_ =	strace $0x90000046  }
0xb3: {  	s29 =	simm.s32 $0x9;
	_ =	strace $0x80000048  }
0xb4: {  	_ =	swait.ge [sflag:s29], $0x1  }
0xb5: {  	[sflag:s29] =	ssyncadd.s32 $0xFFFFFFFF  }
0xb6: {  	_ =	strace $0x90000048  }
0xb7: {  	_ =	sfence  }
0xb8: {  	s30 =	sld [smem:$0x0];
	_ =	sdelay $0x2  }
0xb9: {  	s31 =	sshll.u32 s1, $0xD;
	s1 =	sshrl.u32 s1, $0x2  }
0xba: {  	s3 =	sand.u32 $0x4000, s31;
	s1 =	sadd.s32 s1, s30  }
0xbb: {  	s0 =	sor.u32 s3, s0;
	s1 =	sshll.u32 s1, $0x11  }
0xbc: {  	s0 =	sor.u32 s1, s0  }
0xbd: {  	s0 =	sadd.s32 $0x8F2B, s0  }
0xbe: {  	[sflag:s0] =	ssyncadd.remote.s32 $0x1  }
0xbf: {  	_ =	sfence.sel $0xFFFF  }
0xc0: {  	[dreg:$0x0] =	wrdreg $0xFFFFFFFF;
	(pc) =	sbr.abs _section_cstart, $3  }
0xc1: {  	[dreg:$0x1] =	wrdreg $0xFFFFFFFF  }
0xc2: {  	_ =	task.clear_ibuf [dreg:s7], $0x2FFFF;
	_ =	strace $0x9FFFFFFF  }
0xc3: {  	(tm) =	ssettm $0x7FFFFFFF  }
tec
execute0_lowered:
.L_overlay_start_1:
0x0: {  	(tag) =	ssettag $0x1  }
0x1: {  	s4 =	rddreg [dreg:$0x0]  }
0x2: {  	s5 =	rddreg [dreg:$0x1]  }
0x3: {  	s1 =	rddreg [dreg:$0x2]  }
0x4: {  	s0 =	rddreg [dreg:$0x3];
	s2 =	simm.s32 $0x0;
	s11 =	stileid.u32  }
0x5: {  	s6 =	srdreg.scid;
	s14 =	simm.s32 $0x100;
	s15 =	simm.s32 $0x4100  }
0x6: {  	s16 =	simm.s32 $0x0;
	[smem:$0x7FF] =	sst s2;
	s3 =	sshll.u32 s11, $0xC  }
0x7: {  	s6 =	sand.u32 $0x1, s6;
	s7 =	sshll.u32 s11, $0x9;
	s10 =	sshll.u32 s11, $0xD  }
0x8: {  	s29 =	sshll.u32 s11, $0xF;
	s13 =	sadd.s32 $0x80000, s1;
	p0 =	sne.s32 s11, $0x0  }
0x9: {  	s11 =	sshll.u32 s11, $0x6;
	_ =	strace $0x80000047;
	s8 =	sadd.s32 s3, s4  }
0xa: {  	s3 =	sadd.s32 $0xB3E00, s4;
	s9 =	sshll.u32 s6, $0x8;
	s12 =	ssub.s32 $0x2, s6  }
0xb: {  	s25 =	sadd.s32 s10, s4;
	s30 =	sadd.s32 s29, s1;
	s31 =	sshll.u32 s6, $0xC  }
0xc: {  	s10 =	simm.s32 $0x80;
	s11 =	sor.u32 $0x1C01, s11;
	s13 =	sshrl.u32 @!p0 s13, $0x3  }
0xd: {  	s7 =	sor.u32 s9, s7;
	s26 =	sshrl.u32 s12, $0x1;
	s8 =	sadd.s32 $0x3E00, s8  }
0xe: {  	s9 =	simm.s32 $0x1;
	s7 =	sshrl.u32 s7, $0x3;
	s28 =	ssub.s32 s12, s26  }
0xf: {  	s12 =	sshrl.u32 s30, $0x3;
	s4 =	sadd.s32 s5, s7;
	s7 =	sadd.s32 s31, s25  }
0x10: {  	s6 =	smax.u32 s28, $0x1;
	s5 =	sadd.s32 $0x10, s4;
	s7 =	sadd.s32 $0xB4000, s7  }
.LBB2_1:
0x11: {  	[tilespmem:s2], [sflag:$0x1] =	stream.linear.gather [hbm4b:s4+s2], $0x80, $0x38;
	[tilespmem:$0x10140] =	vst v63  }
0x12: {  	_ =	swait.ge [sflag:s9], $0x80  }
0x13: {  	[sflag:s9] =	ssyncset.done $0x0  }
0x14: {  	[sflag:s9] =	ssyncadd.s32 $0xFFFFFF80  }
0x15: {  	[tilespmem:s10], [sflag:$0x1] =	stream.linear.gather [hbm4b:s5+s2], $0x80, $0x38;
	[tilespmem:$0x10140] =	vst v63  }
0x16: {  	_ =	swait.ge [sflag:s9], $0x80  }
0x17: {  	[sflag:s9] =	ssyncset.done $0x0  }
0x18: {  	s17 =	sadd.s32 $0x0, s8;
	[sflag:s9] =	ssyncadd.s32 $0xFFFFFF80  }
0x19: {  	[spmem:s12], [sflag:s11] =	dma.local [hbm:s17], $0x1000  }
0x1a: {  	_ =	swait.ge [sflag:s9], $0x1000  }
0x1b: {  	[sflag:s9] =	ssyncset.done $0x0  }
0x1c: {  	s18 =	simm.s32 @!p0 $0x1;
	[sflag:s9] =	ssyncadd.s32 $0xFFFFF000  }
0x1d: {  	[spmem:s13], [sflag:s11] =	dma.local @!p0 [hbm:s3], $0x80  }
0x1e: {  	_ =	swait.ge @!p0 [sflag:s18], $0x80  }
0x1f: {  	[sflag:s18] =	ssyncset.done @!p0 $0x0  }
0x20: {  	[sflag:s18] =	ssyncadd.s32 @!p0 $0xFFFFFF80  }
0x21: {  	[bflag:$0x0] =	sbarrier.arrive $0xFFFF  }
0x22: {  	[tilespmem:s14], [sflag:$0x1] =	stream.indirect.gather [spmem:s1], $0x80, s2, s10, $0xb8;
	[tilespmem:$0x10140] =	vst v63  }
0x23: {  	_ =	swait.ge [sflag:s9], $0x4000  }
0x24: {  	[sflag:s9] =	ssyncset.done $0x0  }
0x25: {  	[sflag:s9] =	ssyncadd.s32 $0xFFFFC000  }
0x26: {  	[tilespmem:s15], [sflag:$0x1] =	stream.indirect.gather [spmem:s1], $0x80, s10, s10, $0xb8;
	[tilespmem:$0x10140] =	vst v63  }
0x27: {  	_ =	swait.ge [sflag:s9], $0x4000  }
0x28: {  	[sflag:s9] =	ssyncset.done $0x0  }
0x29: {  	[sflag:s9] =	ssyncadd.s32 $0xFFFFC000  }
0x2a: {  	[hbm4b:s7+s2] =	stream.linear.scatter [tilespmem:s14], [sflag:$0x1], $0x8000, $0x38;
	[tilespmem:$0x10140] =	vst v63  }
0x2b: {  	_ =	swait.ge [sflag:s9], $0x8000  }
0x2c: {  	s19 =	simm.s32 $0x10000;
	[sflag:s9] =	ssyncset.done $0x0  }
0x2d: {  	s20 =	simm.s32 $0x20000;
	s17 =	sadd.s32 $0x20000, s7;
	[sflag:s9] =	ssyncadd.s32 $0xFFFF8000  }
.LBB2_2:
0x2e: {  	s21 =	sadd.s32 s19, s8  }
0x2f: {  	[bflag:$0x0] =	sbarrier.arrive $0xFFFF;
	s19 =	smov.u32 s20;
	s20 =	sadd.s32 $0x10000, s20  }
0x30: {  	[spmem:s12], [sflag:s11] =	dma.local [hbm:s21], $0x1000  }
0x31: {  	p1 =	sne.s32 s20, $0xB0000;
	_ =	swait.ge [sflag:s9], $0x1000  }
0x32: {  	[sflag:s9] =	ssyncset.done $0x0  }
0x33: {  	[sflag:s9] =	ssyncadd.s32 $0xFFFFF000  }
0x34: {  	[spmem:s13], [sflag:s11] =	dma.local @!p0 [hbm:s3], $0x80  }
0x35: {  	_ =	swait.ge @!p0 [sflag:s18], $0x80  }
0x36: {  	[sflag:s18] =	ssyncset.done @!p0 $0x0  }
0x37: {  	[sflag:s18] =	ssyncadd.s32 @!p0 $0xFFFFFF80  }
0x38: {  	[bflag:$0x0] =	sbarrier.arrive $0xFFFF  }
0x39: {  	[tilespmem:s14], [sflag:$0x1] =	stream.indirect.gather [spmem:s1], $0x80, s2, s10, $0xb8;
	[tilespmem:$0x10140] =	vst v63  }
0x3a: {  	_ =	swait.ge [sflag:s9], $0x4000  }
0x3b: {  	[sflag:s9] =	ssyncset.done $0x0  }
0x3c: {  	[sflag:s9] =	ssyncadd.s32 $0xFFFFC000  }
0x3d: {  	[tilespmem:s15], [sflag:$0x1] =	stream.indirect.gather [spmem:s1], $0x80, s10, s10, $0xb8;
	[tilespmem:$0x10140] =	vst v63  }
0x3e: {  	_ =	swait.ge [sflag:s9], $0x4000  }
0x3f: {  	[sflag:s9] =	ssyncset.done $0x0  }
.Ltmp0:
0x40: {  	[sflag:s9] =	ssyncadd.s32 $0xFFFFC000;
	(pc) =	sbr.rel @p1 .LBB2_2-.Ltmp0, $4  }
0x41: {  	[hbm4b:s17+s2] =	stream.linear.scatter [tilespmem:s14], [sflag:$0x1], $0x8000, $0x38;
	[tilespmem:$0x10140] =	vst v63  }
0x42: {  	_ =	swait.ge [sflag:s9], $0x8000  }
0x43: {  	[sflag:s9] =	ssyncset.done $0x0  }
0x44: {  	s17 =	sadd.s32 $0x20000, s17;
	[sflag:s9] =	ssyncadd.s32 $0xFFFF8000  }
0x45: {  	s18 =	sadd.s32 s19, s8;
	[bflag:$0x0] =	sbarrier.arrive $0xFFFF  }
0x46: {  	[spmem:s12], [sflag:s11] =	dma.local [hbm:s18], $0x1000  }
0x47: {  	_ =	swait.ge [sflag:s9], $0x1000  }
0x48: {  	[sflag:s9] =	ssyncset.done $0x0  }
0x49: {  	s18 =	simm.s32 @!p0 $0x1;
	[sflag:s9] =	ssyncadd.s32 $0xFFFFF000  }
0x4a: {  	[spmem:s13], [sflag:s11] =	dma.local @!p0 [hbm:s3], $0x80  }
0x4b: {  	_ =	swait.ge @!p0 [sflag:s18], $0x80  }
0x4c: {  	[sflag:s18] =	ssyncset.done @!p0 $0x0  }
0x4d: {  	[sflag:s18] =	ssyncadd.s32 @!p0 $0xFFFFFF80  }
0x4e: {  	[bflag:$0x0] =	sbarrier.arrive $0xFFFF  }
0x4f: {  	[tilespmem:s14], [sflag:$0x1] =	stream.indirect.gather [spmem:s1], $0x80, s2, s10, $0xb8;
	[tilespmem:$0x10140] =	vst v63  }
0x50: {  	_ =	swait.ge [sflag:s9], $0x4000  }
0x51: {  	[sflag:s9] =	ssyncset.done $0x0  }
0x52: {  	[sflag:s9] =	ssyncadd.s32 $0xFFFFC000  }
0x53: {  	[tilespmem:s15], [sflag:$0x1] =	stream.indirect.gather [spmem:s1], $0x80, s10, s10, $0xb8;
	[tilespmem:$0x10140] =	vst v63  }
0x54: {  	_ =	swait.ge [sflag:s9], $0x4000  }
0x55: {  	s16 =	sadd.s32 $0x1, s16;
	[sflag:s9] =	ssyncset.done $0x0  }
0x56: {  	p1 =	sne.s32 s16, s6;
	[sflag:s9] =	ssyncadd.s32 $0xFFFFC000  }
0x57: {  	[hbm4b:s17+s2] =	stream.linear.scatter [tilespmem:s14], [sflag:$0x1], $0x8000, $0x38;
	[tilespmem:$0x10140] =	vst v63  }
.Ltmp1:
0x58: {  	_ =	swait.ge [sflag:s9], $0x8000;
	(pc) =	sbr.rel @p1 .LBB2_1-.Ltmp1, $3  }
0x59: {  	[sflag:s9] =	ssyncset.done $0x0  }
0x5a: {  	[sflag:s9] =	ssyncadd.s32 $0xFFFF8000  }
0x5b: {  	[bflag:$0x0] =	sbarrier.arrive $0xFFFF;
	_ =	sdelay $0x1  }
0x5c: {  	_ =	sfence.sel $0x180000  }
0x5d: {  	[bflag:$0x0] =	sbarrier.arrive $0xFFFF  }
0x5e: {  	_ =	strace $0x90000047  }
0x5f: {  	s0 =	sadd.s32 @!p0 $0x100000, s0;
	[bflag:$0x2] =	sbarrier.arrive $0xFFFF  }
0x60: {  	[sflag:s0] =	ssyncadd.tile.s32 @!p0 $0x1;
	_ =	shalt  }
.Lfunc_end2:
_tile_overlayer_lowered:
.L_overlay_start_2:
0x61: {  	(tag) =	ssettag $0x2  }
0x62: {  	s0 =	rddreg [dreg:$0x0];
	s2 =	stileid.u32  }
0x63: {  	s1 =	rddreg [dreg:$0x1];
	p0 =	sne.s32 s2, $0x0  }
0x64: {  	s3 =	rddreg [dreg:$0x2];
	[bflag:$0x3] =	sbarrier.arrive $0xFFFF;
	s2 =	simm.s32 @!p0 $0x1C01  }
0x65: {  	[timem:s3], [sflag:s2] =	dma.local @!p0 [hbm:s0], s1  }
0x66: {  	s0 =	simm.s32 @!p0 $0x1  }
0x67: {  	_ =	swait.ge @!p0 [sflag:s0], s1  }
0x68: {  	s1 =	ssub.s32 @!p0 $0x0, s1;
	[sflag:s0] =	ssyncset.done @!p0 $0x0  }
0x69: {  	[sflag:s0] =	ssyncadd.s32 @!p0 s1  }
0x6a: {  	[bflag:$0x3] =	sbarrier.arrive $0xFFFF  }
0x6b: {  	_ =	shalt  }

</sc_bundles>
